<compile_context>
chip_gen: v7x
topology: tpu7x:2x2x1
jax: 0.10.2.dev20260603
libtpu: 0.0.44.dev20260713+nightly
codegen_flags: <defaults>
</compile_context>

<pallas_src>
import jax
import jax.numpy as jnp
from jax import lax
from jax.experimental import pallas as pl
from jax.experimental.pallas import tpu as pltpu
from jax.experimental.pallas import tpu_sc as plsc

PREF = 138.935456
THOLE = 0.39
CUTOFF2 = 1.0
BOX_L = 8.0
N = 49998
E = N * 32

NC = 2
NS = 16
NW = NC * NS
L = 16

B = 128
K = 392
EPW = K * B
EPAD = EPW * NW
NPAD = 50048
ROWS_PER_TILE = NPAD // NS

_f32 = jnp.float32
_i32 = jnp.int32


def _rsqrt(x):
    h = jnp.int32(0x5F3759DF) - lax.shift_right_logical(plsc.bitcast(x, _i32), 1)
    y = plsc.bitcast(h, _f32)
    for _ in range(3):
        y = y * (1.5 - 0.5 * x * y * y)
    return y


def _const(c):
    return jnp.full((L,), c, _i32)


def _bf16r(x):
    b = plsc.bitcast(x, _i32)
    r = b + jnp.int32(0x7FFF) + (lax.shift_right_logical(b, 16) & jnp.int32(1))
    return plsc.bitcast(r & jnp.int32(-65536), _f32)


def _sc_body(ii_hbm, jj_hbm, a_hbm, zero_hbm,
             out_field, out_ene,
             iiv, jjv, aiv, ajv, fiv, fjv,
             eacc, ecomp, eaccb, ecompb, zbuf, acc_sp,
             idx_sems, gat_sems, sca_sems):
    core = lax.axis_index("c")
    sub = lax.axis_index("s")
    wid = sub * NC + core

    iota = lax.iota(_i32, L)
    zero16 = jnp.zeros((L,), _f32)
    tstart = wid * EPW

    eacc[...] = zero16
    ecomp[...] = zero16
    eaccb[...] = zero16
    ecompb[...] = zero16
    for u in range(2):
        for g in range(B // L):
            rows = iota + g * L
            for c in range(3, 8):
                plsc.store_scatter(fiv[u], [rows, _const(c)], zero16)
                plsc.store_scatter(fjv[u], [rows, _const(c)], zero16)

    pltpu.sync_copy(zero_hbm, zbuf)
    pltpu.sync_copy(zbuf, acc_sp.at[pl.ds(sub * ROWS_PER_TILE, ROWS_PER_TILE)])
    plsc.subcore_barrier()

    def idx_copies(t, r4):
        base = tstart + t * B
        return (
            pltpu.make_async_copy(ii_hbm.at[pl.ds(base, B)], iiv[r4],
                                  idx_sems[r4]),
            pltpu.make_async_copy(jj_hbm.at[pl.ds(base, B)], jjv[r4],
                                  idx_sems[r4]),
        )

    def gather_copies(r4, r2):
        return (
            pltpu.make_async_copy(a_hbm.at[iiv[r4]], aiv[r2], gat_sems[r2]),
            pltpu.make_async_copy(a_hbm.at[jjv[r4]], ajv[r2], gat_sems[r2]),
        )

    def scatter_copies(r4, r2):
        return (
            pltpu.make_async_copy(fjv[r2], acc_sp.at[jjv[r4]], sca_sems[r2]),
            pltpu.make_async_copy(fiv[r2], acc_sp.at[iiv[r4]], sca_sems[r2]),
        )

    def min_image(d):
        f = _bf16r(d) * (1.0 / BOX_L)
        r = jnp.where(f > 0.5, 1.0, 0.0) - jnp.where(f < -0.5, 1.0, 0.0)
        return _bf16r(f - r) * BOX_L

    def compute_block(r4, r2):
        ai_v, aj_v, fi_v, fj_v = aiv[r2], ajv[r2], fiv[r2], fjv[r2]
        ii_v, jj_v = iiv[r4], jjv[r4]

        def one_group(g):
            rows = iota + g * L
            ii_g = ii_v[pl.ds(g * L, L)]
            jj_g = jj_v[pl.ds(g * L, L)]

            def col(ref, c):
                return plsc.load_gather(ref, [rows, _const(c)])

            xi = col(ai_v, 0); yi = col(ai_v, 1); zi = col(ai_v, 2)
            qi = col(ai_v, 3)
            pxi = col(ai_v, 4); pyi = col(ai_v, 5); pzi = col(ai_v, 6)
            poli = col(ai_v, 7)
            xj = col(aj_v, 0); yj = col(aj_v, 1); zj = col(aj_v, 2)
            qj = col(aj_v, 3)
            pxj = col(aj_v, 4); pyj = col(aj_v, 5); pzj = col(aj_v, 6)
            polj = col(aj_v, 7)

            dx = min_image(xj - xi)
            dy = min_image(yj - yi)
            dz = min_image(zj - zi)
            dr2 = dx * dx + dy * dy + dz * dz + 1e-12
            valid = ((dr2 <= CUTOFF2) & (dr2 > 1e-8)) & (ii_g != jj_g)
            mask = jnp.where(valid, 1.0, 0.0)

            drinv = _rsqrt(dr2)
            rinv2 = drinv * drinv
            rinv3 = rinv2 * drinv
            rinv5 = rinv3 * rinv2
            dr = dr2 * drinv

            dot_ri = dx * pxi + dy * pyi + dz * pzi
            dot_rj = dx * pxj + dy * pyj + dz * pzj
            dot_pp = pxi * pxj + pyi * pyj + pzi * pzj

            ene = (qj * qi * drinv
                   + (qj * dot_ri - qi * dot_rj) * rinv3
                   + 3.0 * dot_rj * dot_ri * rinv5
                   - dot_pp * rinv3)

            s = _rsqrt(poli * polj)
            x = THOLE * dr2 * dr * s
            ex = jnp.exp(-x)
            d3p = 1.0 - ex
            d5p = 1.0 - (1.0 + x) * ex

            cm = -PREF * mask
            b = cm * (d3p * rinv3)
            a_ij = cm * (3.0 * d5p * dot_ri * rinv5) - b * qi
            a_ji = cm * (3.0 * d5p * dot_rj * rinv5) + b * qj

            plsc.store_scatter(fj_v, [rows, _const(0)], a_ij * dx - b * pxi)
            plsc.store_scatter(fj_v, [rows, _const(1)], a_ij * dy - b * pyi)
            plsc.store_scatter(fj_v, [rows, _const(2)], a_ij * dz - b * pzi)
            plsc.store_scatter(fi_v, [rows, _const(0)], a_ji * dx - b * pxj)
            plsc.store_scatter(fi_v, [rows, _const(1)], a_ji * dy - b * pyj)
            plsc.store_scatter(fi_v, [rows, _const(2)], a_ji * dz - b * pzj)
            return ene * mask

        def kahan(acc, comp, v):
            yk = v - comp
            tk = acc + yk
            return tk, (tk - acc) - yk

        def group2(g, carry):
            acc_a, comp_a, acc_b, comp_b = carry
            va = one_group(2 * g)
            vb = one_group(2 * g + 1)
            acc_a, comp_a = kahan(acc_a, comp_a, va)
            acc_b, comp_b = kahan(acc_b, comp_b, vb)
            return acc_a, comp_a, acc_b, comp_b

        acc_a, comp_a, acc_b, comp_b = lax.fori_loop(
            0, B // (2 * L), group2,
            (eacc[...], ecomp[...], eaccb[...], ecompb[...]))
        eacc[...] = acc_a
        ecomp[...] = comp_a
        eaccb[...] = acc_b
        ecompb[...] = comp_b

    for c in idx_copies(0, 0):
        c.start()
    for c in idx_copies(1, 1):
        c.start()
    for c in idx_copies(0, 0):
        c.wait()
    for c in gather_copies(0, 0):
        c.start()

    def quad(i, carry):
        for u in range(4):
            t = 4 * i + u
            r4 = u
            r2 = u % 2
            for c in gather_copies(r4, r2):
                c.wait()
            @pl.when(t >= 2)
            def _():
                for c in scatter_copies((u + 2) % 4, r2):
                    c.wait()
            @pl.when(t + 2 < K)
            def _():
                for c in idx_copies(t + 2, (u + 2) % 4):
                    c.start()
            @pl.when(t + 1 < K)
            def _():
                for c in idx_copies(t + 1, (u + 1) % 4):
                    c.wait()
                for c in gather_copies((u + 1) % 4, (u + 1) % 2):
                    c.start()
            compute_block(r4, r2)
            for c in scatter_copies(r4, r2):
                c.start(add=True)
        return carry

    lax.fori_loop(0, K // 4, quad, 0)

    for c in scatter_copies((K - 2) % 4, 0):
        c.wait()
    for c in scatter_copies((K - 1) % 4, 1):
        c.wait()

    plsc.subcore_barrier()

    pltpu.sync_copy(acc_sp.at[pl.ds(sub * ROWS_PER_TILE, ROWS_PER_TILE)], zbuf)
    pltpu.sync_copy(
        zbuf, out_field.at[pl.ds(core * NPAD + sub * ROWS_PER_TILE, ROWS_PER_TILE)])

    ecomp[...] = (eacc[...] + eaccb[...]) * PREF
    pltpu.sync_copy(ecomp, out_ene.at[wid])


@jax.jit
def kernel(coords, box, pairs, q, p, polarity):
    a = jnp.concatenate(
        [coords, q[:, None], p, polarity[:, None]], axis=1).astype(_f32)
    a = jnp.concatenate([a, jnp.zeros((NPAD - N, 8), _f32)], axis=0)
    pad = jnp.zeros((EPAD - E,), _i32)
    ii_all = jnp.concatenate([pairs[:, 0], pad])
    jj_all = jnp.concatenate([pairs[:, 1], pad])
    zero_init = jnp.zeros((ROWS_PER_TILE, 8), _f32)

    mesh = plsc.VectorSubcoreMesh(core_axis_name="c", subcore_axis_name="s")
    run = pl.kernel(
        _sc_body,
        mesh=mesh,
        compiler_params=pltpu.CompilerParams(
            needs_layout_passes=False, use_tc_tiling_on_sc=False),
        out_type=[
            jax.ShapeDtypeStruct((2 * NPAD, 8), _f32),
            jax.ShapeDtypeStruct((NW, L), _f32),
        ],
        scratch_types=[
            [pltpu.VMEM((B,), _i32) for _ in range(4)],
            [pltpu.VMEM((B,), _i32) for _ in range(4)],
            [pltpu.VMEM((B, 8), _f32) for _ in range(2)],
            [pltpu.VMEM((B, 8), _f32) for _ in range(2)],
            [pltpu.VMEM((B, 8), _f32) for _ in range(2)],
            [pltpu.VMEM((B, 8), _f32) for _ in range(2)],
            pltpu.VMEM((L,), _f32),
            pltpu.VMEM((L,), _f32),
            pltpu.VMEM((L,), _f32),
            pltpu.VMEM((L,), _f32),
            pltpu.VMEM((ROWS_PER_TILE, 8), _f32),
            pltpu.VMEM_SHARED((NPAD, 8), _f32),
            [pltpu.SemaphoreType.DMA for _ in range(4)],
            [pltpu.SemaphoreType.DMA for _ in range(2)],
            [pltpu.SemaphoreType.DMA for _ in range(2)],
        ],
    )
    out_field, out_ene = run(ii_all, jj_all, a, zero_init)
    efield = (out_field[:NPAD] + out_field[NPAD:])[:N, :3]
    ene = jnp.sum(out_ene)
    return (ene, efield)

# --- scband reference (transcript-rebuilt; emitter-appended) ---
"""Pipeline reference for scband-torch-ffamoeba-7559142441138 (READ-ONLY COPY).

The authoritative reference and input builder live on the scoring server;
editing this copy changes nothing except your own understanding.
"""

import jax, jax.numpy as jnp
import numpy as np

PREF = 138.935456   # COULOMB_PREFACTOR_KJMOL
CUTOFF = 1.0        # nm
THOLE = 0.39
N = 49998
E = N * 32
BOX_L = 8.0


def setup_inputs(seed: int = 0) -> dict:
    key = jax.random.key(seed)
    ks = jax.random.split(key, 6)
    coords = jax.random.uniform(ks[0], (N, 3), dtype=jnp.float32) * BOX_L
    box = jnp.eye(3, dtype=jnp.float32) * BOX_L
    pairs = jax.random.randint(ks[1], (E, 2), 0, N, dtype=jnp.int32)
    q = jax.random.normal(ks[2], (N,), dtype=jnp.float32) * 0.5
    p = jax.random.normal(ks[3], (N, 3), dtype=jnp.float32) * 0.02
    polarity = 0.0005 + jax.random.uniform(ks[4], (N,), dtype=jnp.float32) * 0.0015
    return {"coords": coords, "box": box, "pairs": pairs, "q": q, "p": p, "polarity": polarity}


def reference(coords, box, pairs, q, p, polarity):
    # MultipolarAmoeba._forward_python path, rank=1 (charge + dipole), ewald_alpha < 0,
    # cuda_graph_compat=True (mask applied multiplicatively, no compaction).
    box_inv = jnp.linalg.inv(box)
    ii = pairs[:, 0]
    jj = pairs[:, 1]
    # pbc minimum image
    drv = coords[jj] - coords[ii]
    frac = drv @ box_inv
    frac = frac - jnp.round(frac)
    drv = frac @ box
    dr = jnp.sqrt(jnp.sum(drv * drv, axis=1) + 1e-12)
    mask = ((dr <= CUTOFF) & (dr > 1e-4) & (ii != jj)).astype(coords.dtype)
    drInv = 1.0 / dr
    rInv3 = drInv ** 3
    rInv5 = rInv3 * drInv * drInv
    # packed multipoles [q, px, py, pz]
    m = jnp.concatenate([q[:, None], p], axis=1)
    m_i = m[ii]
    m_j = m[jj]
    qi = m_i[:, 0]; pi = m_i[:, 1:4]
    qj = m_j[:, 0]; pj = m_j[:, 1:4]
    dot_ri = jnp.sum(drv * pi, axis=1)
    dot_rj = jnp.sum(drv * pj, axis=1)
    dot_pp = jnp.sum(pi * pj, axis=1)
    # permanent multipole energy  e = m_j^T T m_i  (undamped real space, no ewald)
    ene_pairs = (qj * qi * drInv
                 + qj * dot_ri * rInv3
                 - qi * dot_rj * rInv3
                 + 3.0 * dot_rj * dot_ri * rInv5
                 - dot_pp * rInv3)
    ene_perm = PREF * jnp.sum(ene_pairs * mask)
    # Thole damping for polarization: damps_pol = 1 + computeDampFactorsThole(...)
    factor = jnp.power(polarity[ii] * polarity[jj], -1.0 / 6.0)
    u = dr * factor
    x = THOLE * u ** 3
    exp_x = jnp.exp(-x)
    d3p = 1.0 - exp_x                      # 1 + p3
    d5p = 1.0 - (1.0 + x) * exp_x          # 1 + p5
    # dipole rows of damped interaction tensor applied to source multipoles
    # field contribution at atom j from multipole of atom i
    f_ij = (-d3p * qi * rInv3)[:, None] * drv \
           + (3.0 * d5p * dot_ri * rInv5)[:, None] * drv \
           - (d3p * rInv3)[:, None] * pi
    # field contribution at atom i from multipole of atom j (transposed tensor)
    f_ji = (d3p * qj * rInv3)[:, None] * drv \
           + (3.0 * d5p * dot_rj * rInv5)[:, None] * drv \
           - (d3p * rInv3)[:, None] * pj
    edata = jnp.zeros((coords.shape[0], 3), dtype=coords.dtype)
    edata = edata.at[jj].add(f_ij * mask[:, None])
    edata = edata.at[ii].add(f_ji * mask[:, None])
    edata = edata * PREF
    efield = -edata
    return (ene_perm, efield)

if __name__ == "__main__":
    import jax
    _d = setup_inputs()
    print(jax.jit(kernel)(*tuple(_d.values())))

</pallas_src>

<mosaic_0001>
#map = affine_map<(d0, d1) -> (0)>
#map1 = affine_map<(d0, d1) -> (0, 0)>
module attributes {stable_mosaic.version = 14 : i64} {
  func.func @_sc_body(%arg0: i32, %arg1: i32, %arg2: memref<1605632xi32, #tpu.memory_space<hbm>>, %arg3: memref<1605632xi32, #tpu.memory_space<hbm>>, %arg4: memref<50048x8xf32, #tpu.memory_space<hbm>>, %arg5: memref<3128x8xf32, #tpu.memory_space<hbm>>, %arg6: memref<100096x8xf32, #tpu.memory_space<hbm>>, %arg7: memref<32x16xf32, #tpu.memory_space<hbm>>, %arg8: memref<128xi32, #tpu.memory_space<vmem>>, %arg9: memref<128xi32, #tpu.memory_space<vmem>>, %arg10: memref<128xi32, #tpu.memory_space<vmem>>, %arg11: memref<128xi32, #tpu.memory_space<vmem>>, %arg12: memref<128xi32, #tpu.memory_space<vmem>>, %arg13: memref<128xi32, #tpu.memory_space<vmem>>, %arg14: memref<128xi32, #tpu.memory_space<vmem>>, %arg15: memref<128xi32, #tpu.memory_space<vmem>>, %arg16: memref<128x8xf32, #tpu.memory_space<vmem>>, %arg17: memref<128x8xf32, #tpu.memory_space<vmem>>, %arg18: memref<128x8xf32, #tpu.memory_space<vmem>>, %arg19: memref<128x8xf32, #tpu.memory_space<vmem>>, %arg20: memref<128x8xf32, #tpu.memory_space<vmem>>, %arg21: memref<128x8xf32, #tpu.memory_space<vmem>>, %arg22: memref<128x8xf32, #tpu.memory_space<vmem>>, %arg23: memref<128x8xf32, #tpu.memory_space<vmem>>, %arg24: memref<16xf32, #tpu.memory_space<vmem>>, %arg25: memref<16xf32, #tpu.memory_space<vmem>>, %arg26: memref<16xf32, #tpu.memory_space<vmem>>, %arg27: memref<16xf32, #tpu.memory_space<vmem>>, %arg28: memref<3128x8xf32, #tpu.memory_space<vmem>>, %arg29: memref<50048x8xf32, #tpu.memory_space<vmem_shared>>, %arg30: memref<!tpu.dma_semaphore, #tpu.memory_space<semaphore_mem>>, %arg31: memref<!tpu.dma_semaphore, #tpu.memory_space<semaphore_mem>>, %arg32: memref<!tpu.dma_semaphore, #tpu.memory_space<semaphore_mem>>, %arg33: memref<!tpu.dma_semaphore, #tpu.memory_space<semaphore_mem>>, %arg34: memref<!tpu.dma_semaphore, #tpu.memory_space<semaphore_mem>>, %arg35: memref<!tpu.dma_semaphore, #tpu.memory_space<semaphore_mem>>, %arg36: memref<!tpu.dma_semaphore, #tpu.memory_space<semaphore_mem>>, %arg37: memref<!tpu.dma_semaphore, #tpu.memory_space<semaphore_mem>>) attributes {dimension_semantics = [#tpu.dimension_semantics<core_parallel>, #tpu.dimension_semantics<subcore_parallel>], iteration_bounds = array<i64: 2, 16>, scalar_prefetch = 0 : i64, scratch_operands = 30 : i64, tpu.core_type = #tpu.core_type<sc_vector_subcore>, window_params = [{transform_indices = #map}, {transform_indices = #map}, {transform_indices = #map1}, {transform_indices = #map1}, {transform_indices = #map1}, {transform_indices = #map1}]} {
    %mul3A = arith.constant 2 : i32
    %mul3A_0 = arith.muli %arg1, %mul3A : i32
    %add3A = arith.addi %mul3A_0, %arg0 : i32
    %iota3A = tpu.iota {dimensions = array<i32: 0>} : vector<16xi32>
    %broadcast_in_dim3A = arith.constant 0.000000e+00 : f32
    %broadcast_in_dim3A_1 = vector.broadcast %broadcast_in_dim3A : f32 to vector<16xf32>
    %mul3A_2 = arith.constant 50176 : i32
    %mul3A_3 = arith.muli %add3A, %mul3A_2 : i32
    %swap3A = arith.constant 0 : index
    %swap3A_4 = tpu.vector_load %arg24[%swap3A] {strides = array<i32>} : memref<16xf32, #tpu.memory_space<vmem>>, vector<16xf32>,
    tpu.vector_store %arg24[%swap3A], %broadcast_in_dim3A_1 {strides = array<i32>} : memref<16xf32, #tpu.memory_space<vmem>>, vector<16xf32>,
    %swap3A_5 = arith.constant 0 : index
    %swap3A_6 = tpu.vector_load %arg25[%swap3A_5] {strides = array<i32>} : memref<16xf32, #tpu.memory_space<vmem>>, vector<16xf32>,
    tpu.vector_store %arg25[%swap3A_5], %broadcast_in_dim3A_1 {strides = array<i32>} : memref<16xf32, #tpu.memory_space<vmem>>, vector<16xf32>,
    %swap3A_7 = arith.constant 0 : index
    %swap3A_8 = tpu.vector_load %arg26[%swap3A_7] {strides = array<i32>} : memref<16xf32, #tpu.memory_space<vmem>>, vector<16xf32>,
    tpu.vector_store %arg26[%swap3A_7], %broadcast_in_dim3A_1 {strides = array<i32>} : memref<16xf32, #tpu.memory_space<vmem>>, vector<16xf32>,
    %swap3A_9 = arith.constant 0 : index
    %swap3A_10 = tpu.vector_load %arg27[%swap3A_9] {strides = array<i32>} : memref<16xf32, #tpu.memory_space<vmem>>, vector<16xf32>,
    tpu.vector_store %arg27[%swap3A_9], %broadcast_in_dim3A_1 {strides = array<i32>} : memref<16xf32, #tpu.memory_space<vmem>>, vector<16xf32>,
    %add3A_11 = arith.constant 0 : i32
    %add3A_12 = vector.broadcast %add3A_11 : i32 to vector<16xi32>
    %add3A_13 = arith.addi %iota3A, %add3A_12 : vector<16xi32>
    %broadcast_in_dim3A_14 = arith.constant 3 : i32
    %broadcast_in_dim3A_15 = vector.broadcast %broadcast_in_dim3A_14 : i32 to vector<16xi32>
    tpu.vector_store_idx %arg20[%add3A_13, %broadcast_in_dim3A_15], %broadcast_in_dim3A_1 : memref<128x8xf32, #tpu.memory_space<vmem>>[vector<16xi32>, vector<16xi32>], vector<16xf32>,
    %broadcast_in_dim3A_16 = arith.constant 3 : i32
    %broadcast_in_dim3A_17 = vector.broadcast %broadcast_in_dim3A_16 : i32 to vector<16xi32>
    tpu.vector_store_idx %arg22[%add3A_13, %broadcast_in_dim3A_17], %broadcast_in_dim3A_1 : memref<128x8xf32, #tpu.memory_space<vmem>>[vector<16xi32>, vector<16xi32>], vector<16xf32>,
    %broadcast_in_dim3A_18 = arith.constant 4 : i32
    %broadcast_in_dim3A_19 = vector.broadcast %broadcast_in_dim3A_18 : i32 to vector<16xi32>
    tpu.vector_store_idx %arg20[%add3A_13, %broadcast_in_dim3A_19], %broadcast_in_dim3A_1 : memref<128x8xf32, #tpu.memory_space<vmem>>[vector<16xi32>, vector<16xi32>], vector<16xf32>,
    %broadcast_in_dim3A_20 = arith.constant 4 : i32
    %broadcast_in_dim3A_21 = vector.broadcast %broadcast_in_dim3A_20 : i32 to vector<16xi32>
    tpu.vector_store_idx %arg22[%add3A_13, %broadcast_in_dim3A_21], %broadcast_in_dim3A_1 : memref<128x8xf32, #tpu.memory_space<vmem>>[vector<16xi32>, vector<16xi32>], vector<16xf32>,
    %broadcast_in_dim3A_22 = arith.constant 5 : i32
    %broadcast_in_dim3A_23 = vector.broadcast %broadcast_in_dim3A_22 : i32 to vector<16xi32>
    tpu.vector_store_idx %arg20[%add3A_13, %broadcast_in_dim3A_23], %broadcast_in_dim3A_1 : memref<128x8xf32, #tpu.memory_space<vmem>>[vector<16xi32>, vector<16xi32>], vector<16xf32>,
    %broadcast_in_dim3A_24 = arith.constant 5 : i32
    %broadcast_in_dim3A_25 = vector.broadcast %broadcast_in_dim3A_24 : i32 to vector<16xi32>
    tpu.vector_store_idx %arg22[%add3A_13, %broadcast_in_dim3A_25], %broadcast_in_dim3A_1 : memref<128x8xf32, #tpu.memory_space<vmem>>[vector<16xi32>, vector<16xi32>], vector<16xf32>,
    %broadcast_in_dim3A_26 = arith.constant 6 : i32
    %broadcast_in_dim3A_27 = vector.broadcast %broadcast_in_dim3A_26 : i32 to vector<16xi32>
    tpu.vector_store_idx %arg20[%add3A_13, %broadcast_in_dim3A_27], %broadcast_in_dim3A_1 : memref<128x8xf32, #tpu.memory_space<vmem>>[vector<16xi32>, vector<16xi32>], vector<16xf32>,
    %broadcast_in_dim3A_28 = arith.constant 6 : i32
    %broadcast_in_dim3A_29 = vector.broadcast %broadcast_in_dim3A_28 : i32 to vector<16xi32>
    tpu.vector_store_idx %arg22[%add3A_13, %broadcast_in_dim3A_29], %broadcast_in_dim3A_1 : memref<128x8xf32, #tpu.memory_space<vmem>>[vector<16xi32>, vector<16xi32>], vector<16xf32>,
    %broadcast_in_dim3A_30 = arith.constant 7 : i32
    %broadcast_in_dim3A_31 = vector.broadcast %broadcast_in_dim3A_30 : i32 to vector<16xi32>
    tpu.vector_store_idx %arg20[%add3A_13, %broadcast_in_dim3A_31], %broadcast_in_dim3A_1 : memref<128x8xf32, #tpu.memory_space<vmem>>[vector<16xi32>, vector<16xi32>], vector<16xf32>,
    %broadcast_in_dim3A_32 = arith.constant 7 : i32
    %broadcast_in_dim3A_33 = vector.broadcast %broadcast_in_dim3A_32 : i32 to vector<16xi32>
    tpu.vector_store_idx %arg22[%add3A_13, %broadcast_in_dim3A_33], %broadcast_in_dim3A_1 : memref<128x8xf32, #tpu.memory_space<vmem>>[vector<16xi32>, vector<16xi32>], vector<16xf32>,
    %add3A_34 = arith.constant 16 : i32
    %add3A_35 = vector.broadcast %add3A_34 : i32 to vector<16xi32>
    %add3A_36 = arith.addi %iota3A, %add3A_35 : vector<16xi32>
    %broadcast_in_dim3A_37 = arith.constant 3 : i32
    %broadcast_in_dim3A_38 = vector.broadcast %broadcast_in_dim3A_37 : i32 to vector<16xi32>
    tpu.vector_store_idx %arg20[%add3A_36, %broadcast_in_dim3A_38], %broadcast_in_dim3A_1 : memref<128x8xf32, #tpu.memory_space<vmem>>[vector<16xi32>, vector<16xi32>], vector<16xf32>,
    %broadcast_in_dim3A_39 = arith.constant 3 : i32
    %broadcast_in_dim3A_40 = vector.broadcast %broadcast_in_dim3A_39 : i32 to vector<16xi32>
    tpu.vector_store_idx %arg22[%add3A_36, %broadcast_in_dim3A_40], %broadcast_in_dim3A_1 : memref<128x8xf32, #tpu.memory_space<vmem>>[vector<16xi32>, vector<16xi32>], vector<16xf32>,
    %broadcast_in_dim3A_41 = arith.constant 4 : i32
    %broadcast_in_dim3A_42 = vector.broadcast %broadcast_in_dim3A_41 : i32 to vector<16xi32>
    tpu.vector_store_idx %arg20[%add3A_36, %broadcast_in_dim3A_42], %broadcast_in_dim3A_1 : memref<128x8xf32, #tpu.memory_space<vmem>>[vector<16xi32>, vector<16xi32>], vector<16xf32>,
    %broadcast_in_dim3A_43 = arith.constant 4 : i32
    %broadcast_in_dim3A_44 = vector.broadcast %broadcast_in_dim3A_43 : i32 to vector<16xi32>
    tpu.vector_store_idx %arg22[%add3A_36, %broadcast_in_dim3A_44], %broadcast_in_dim3A_1 : memref<128x8xf32, #tpu.memory_space<vmem>>[vector<16xi32>, vector<16xi32>], vector<16xf32>,
    %broadcast_in_dim3A_45 = arith.constant 5 : i32
    %broadcast_in_dim3A_46 = vector.broadcast %broadcast_in_dim3A_45 : i32 to vector<16xi32>
    tpu.vector_store_idx %arg20[%add3A_36, %broadcast_in_dim3A_46], %broadcast_in_dim3A_1 : memref<128x8xf32, #tpu.memory_space<vmem>>[vector<16xi32>, vector<16xi32>], vector<16xf32>,
    %broadcast_in_dim3A_47 = arith.constant 5 : i32
    %broadcast_in_dim3A_48 = vector.broadcast %broadcast_in_dim3A_47 : i32 to vector<16xi32>
    tpu.vector_store_idx %arg22[%add3A_36, %broadcast_in_dim3A_48], %broadcast_in_dim3A_1 : memref<128x8xf32, #tpu.memory_space<vmem>>[vector<16xi32>, vector<16xi32>], vector<16xf32>,
    %broadcast_in_dim3A_49 = arith.constant 6 : i32
    %broadcast_in_dim3A_50 = vector.broadcast %broadcast_in_dim3A_49 : i32 to vector<16xi32>
    tpu.vector_store_idx %arg20[%add3A_36, %broadcast_in_dim3A_50], %broadcast_in_dim3A_1 : memref<128x8xf32, #tpu.memory_space<vmem>>[vector<16xi32>, vector<16xi32>], vector<16xf32>,
    %broadcast_in_dim3A_51 = arith.constant 6 : i32
    %broadcast_in_dim3A_52 = vector.broadcast %broadcast_in_dim3A_51 : i32 to vector<16xi32>
    tpu.vector_store_idx %arg22[%add3A_36, %broadcast_in_dim3A_52], %broadcast_in_dim3A_1 : memref<128x8xf32, #tpu.memory_space<vmem>>[vector<16xi32>, vector<16xi32>], vector<16xf32>,
    %broadcast_in_dim3A_53 = arith.constant 7 : i32
    %broadcast_in_dim3A_54 = vector.broadcast %broadcast_in_dim3A_53 : i32 to vector<16xi32>
    tpu.vector_store_idx %arg20[%add3A_36, %broadcast_in_dim3A_54], %broadcast_in_dim3A_1 : memref<128x8xf32, #tpu.memory_space<vmem>>[vector<16xi32>, vector<16xi32>], vector<16xf32>,
    %broadcast_in_dim3A_55 = arith.constant 7 : i32
    %broadcast_in_dim3A_56 = vector.broadcast %broadcast_in_dim3A_55 : i32 to vector<16xi32>
    tpu.vector_store_idx %arg22[%add3A_36, %broadcast_in_dim3A_56], %broadcast_in_dim3A_1 : memref<128x8xf32, #tpu.memory_space<vmem>>[vector<16xi32>, vector<16xi32>], vector<16xf32>,
    %add3A_57 = arith.constant 32 : i32
    %add3A_58 = vector.broadcast %add3A_57 : i32 to vector<16xi32>
    %add3A_59 = arith.addi %iota3A, %add3A_58 : vector<16xi32>
    %broadcast_in_dim3A_60 = arith.constant 3 : i32
    %broadcast_in_dim3A_61 = vector.broadcast %broadcast_in_dim3A_60 : i32 to vector<16xi32>
    tpu.vector_store_idx %arg20[%add3A_59, %broadcast_in_dim3A_61], %broadcast_in_dim3A_1 : memref<128x8xf32, #tpu.memory_space<vmem>>[vector<16xi32>, vector<16xi32>], vector<16xf32>,
    %broadcast_in_dim3A_62 = arith.constant 3 : i32
    %broadcast_in_dim3A_63 = vector.broadcast %broadcast_in_dim3A_62 : i32 to vector<16xi32>
    tpu.vector_store_idx %arg22[%add3A_59, %broadcast_in_dim3A_63], %broadcast_in_dim3A_1 : memref<128x8xf32, #tpu.memory_space<vmem>>[vector<16xi32>, vector<16xi32>], vector<16xf32>,
    %broadcast_in_dim3A_64 = arith.constant 4 : i32
    %broadcast_in_dim3A_65 = vector.broadcast %broadcast_in_dim3A_64 : i32 to vector<16xi32>
    tpu.vector_store_idx %arg20[%add3A_59, %broadcast_in_dim3A_65], %broadcast_in_dim3A_1 : memref<128x8xf32, #tpu.memory_space<vmem>>[vector<16xi32>, vector<16xi32>], vector<16xf32>,
    %broadcast_in_dim3A_66 = arith.constant 4 : i32
    %broadcast_in_dim3A_67 = vector.broadcast %broadcast_in_dim3A_66 : i32 to vector<16xi32>
    tpu.vector_store_idx %arg22[%add3A_59, %broadcast_in_dim3A_67], %broadcast_in_dim3A_1 : memref<128x8xf32, #tpu.memory_space<vmem>>[vector<16xi32>, vector<16xi32>], vector<16xf32>,
    %broadcast_in_dim3A_68 = arith.constant 5 : i32
    %broadcast_in_dim3A_69 = vector.broadcast %broadcast_in_dim3A_68 : i32 to vector<16xi32>
    tpu.vector_store_idx %arg20[%add3A_59, %broadcast_in_dim3A_69], %broadcast_in_dim3A_1 : memref<128x8xf32, #tpu.memory_space<vmem>>[vector<16xi32>, vector<16xi32>], vector<16xf32>,
    %broadcast_in_dim3A_70 = arith.constant 5 : i32
    %broadcast_in_dim3A_71 = vector.broadcast %broadcast_in_dim3A_70 : i32 to vector<16xi32>
    tpu.vector_store_idx %arg22[%add3A_59, %broadcast_in_dim3A_71], %broadcast_in_dim3A_1 : memref<128x8xf32, #tpu.memory_space<vmem>>[vector<16xi32>, vector<16xi32>], vector<16xf32>,
    %broadcast_in_dim3A_72 = arith.constant 6 : i32
    %broadcast_in_dim3A_73 = vector.broadcast %broadcast_in_dim3A_72 : i32 to vector<16xi32>
    tpu.vector_store_idx %arg20[%add3A_59, %broadcast_in_dim3A_73], %broadcast_in_dim3A_1 : memref<128x8xf32, #tpu.memory_space<vmem>>[vector<16xi32>, vector<16xi32>], vector<16xf32>,
    %broadcast_in_dim3A_74 = arith.constant 6 : i32
    %broadcast_in_dim3A_75 = vector.broadcast %broadcast_in_dim3A_74 : i32 to vector<16xi32>
    tpu.vector_store_idx %arg22[%add3A_59, %broadcast_in_dim3A_75], %broadcast_in_dim3A_1 : memref<128x8xf32, #tpu.memory_space<vmem>>[vector<16xi32>, vector<16xi32>], vector<16xf32>,
    %broadcast_in_dim3A_76 = arith.constant 7 : i32
    %broadcast_in_dim3A_77 = vector.broadcast %broadcast_in_dim3A_76 : i32 to vector<16xi32>
    tpu.vector_store_idx %arg20[%add3A_59, %broadcast_in_dim3A_77], %broadcast_in_dim3A_1 : memref<128x8xf32, #tpu.memory_space<vmem>>[vector<16xi32>, vector<16xi32>], vector<16xf32>,
    %broadcast_in_dim3A_78 = arith.constant 7 : i32
    %broadcast_in_dim3A_79 = vector.broadcast %broadcast_in_dim3A_78 : i32 to vector<16xi32>
    tpu.vector_store_idx %arg22[%add3A_59, %broadcast_in_dim3A_79], %broadcast_in_dim3A_1 : memref<128x8xf32, #tpu.memory_space<vmem>>[vector<16xi32>, vector<16xi32>], vector<16xf32>,
    %add3A_80 = arith.constant 48 : i32
    %add3A_81 = vector.broadcast %add3A_80 : i32 to vector<16xi32>
    %add3A_82 = arith.addi %iota3A, %add3A_81 : vector<16xi32>
    %broadcast_in_dim3A_83 = arith.constant 3 : i32
    %broadcast_in_dim3A_84 = vector.broadcast %broadcast_in_dim3A_83 : i32 to vector<16xi32>
    tpu.vector_store_idx %arg20[%add3A_82, %broadcast_in_dim3A_84], %broadcast_in_dim3A_1 : memref<128x8xf32, #tpu.memory_space<vmem>>[vector<16xi32>, vector<16xi32>], vector<16xf32>,
    %broadcast_in_dim3A_85 = arith.constant 3 : i32
    %broadcast_in_dim3A_86 = vector.broadcast %broadcast_in_dim3A_85 : i32 to vector<16xi32>
    tpu.vector_store_idx %arg22[%add3A_82, %broadcast_in_dim3A_86], %broadcast_in_dim3A_1 : memref<128x8xf32, #tpu.memory_space<vmem>>[vector<16xi32>, vector<16xi32>], vector<16xf32>,
    %broadcast_in_dim3A_87 = arith.constant 4 : i32
    %broadcast_in_dim3A_88 = vector.broadcast %broadcast_in_dim3A_87 : i32 to vector<16xi32>
    tpu.vector_store_idx %arg20[%add3A_82, %broadcast_in_dim3A_88], %broadcast_in_dim3A_1 : memref<128x8xf32, #tpu.memory_space<vmem>>[vector<16xi32>, vector<16xi32>], vector<16xf32>,
    %broadcast_in_dim3A_89 = arith.constant 4 : i32
    %broadcast_in_dim3A_90 = vector.broadcast %broadcast_in_dim3A_89 : i32 to vector<16xi32>
    tpu.vector_store_idx %arg22[%add3A_82, %broadcast_in_dim3A_90], %broadcast_in_dim3A_1 : memref<128x8xf32, #tpu.memory_space<vmem>>[vector<16xi32>, vector<16xi32>], vector<16xf32>,
    %broadcast_in_dim3A_91 = arith.constant 5 : i32
    %broadcast_in_dim3A_92 = vector.broadcast %broadcast_in_dim3A_91 : i32 to vector<16xi32>
    tpu.vector_store_idx %arg20[%add3A_82, %broadcast_in_dim3A_92], %broadcast_in_dim3A_1 : memref<128x8xf32, #tpu.memory_space<vmem>>[vector<16xi32>, vector<16xi32>], vector<16xf32>,
    %broadcast_in_dim3A_93 = arith.constant 5 : i32
    %broadcast_in_dim3A_94 = vector.broadcast %broadcast_in_dim3A_93 : i32 to vector<16xi32>
    tpu.vector_store_idx %arg22[%add3A_82, %broadcast_in_dim3A_94], %broadcast_in_dim3A_1 : memref<128x8xf32, #tpu.memory_space<vmem>>[vector<16xi32>, vector<16xi32>], vector<16xf32>,
    %broadcast_in_dim3A_95 = arith.constant 6 : i32
    %broadcast_in_dim3A_96 = vector.broadcast %broadcast_in_dim3A_95 : i32 to vector<16xi32>
    tpu.vector_store_idx %arg20[%add3A_82, %broadcast_in_dim3A_96], %broadcast_in_dim3A_1 : memref<128x8xf32, #tpu.memory_space<vmem>>[vector<16xi32>, vector<16xi32>], vector<16xf32>,
    %broadcast_in_dim3A_97 = arith.constant 6 : i32
    %broadcast_in_dim3A_98 = vector.broadcast %broadcast_in_dim3A_97 : i32 to vector<16xi32>
    tpu.vector_store_idx %arg22[%add3A_82, %broadcast_in_dim3A_98], %broadcast_in_dim3A_1 : memref<128x8xf32, #tpu.memory_space<vmem>>[vector<16xi32>, vector<16xi32>], vector<16xf32>,
    %broadcast_in_dim3A_99 = arith.constant 7 : i32
    %broadcast_in_dim3A_100 = vector.broadcast %broadcast_in_dim3A_99 : i32 to vector<16xi32>
    tpu.vector_store_idx %arg20[%add3A_82, %broadcast_in_dim3A_100], %broadcast_in_dim3A_1 : memref<128x8xf32, #tpu.memory_space<vmem>>[vector<16xi32>, vector<16xi32>], vector<16xf32>,
    %broadcast_in_dim3A_101 = arith.constant 7 : i32
    %broadcast_in_dim3A_102 = vector.broadcast %broadcast_in_dim3A_101 : i32 to vector<16xi32>
    tpu.vector_store_idx %arg22[%add3A_82, %broadcast_in_dim3A_102], %broadcast_in_dim3A_1 : memref<128x8xf32, #tpu.memory_space<vmem>>[vector<16xi32>, vector<16xi32>], vector<16xf32>,
    %add3A_103 = arith.constant 64 : i32
    %add3A_104 = vector.broadcast %add3A_103 : i32 to vector<16xi32>
    %add3A_105 = arith.addi %iota3A, %add3A_104 : vector<16xi32>
    %broadcast_in_dim3A_106 = arith.constant 3 : i32
    %broadcast_in_dim3A_107 = vector.broadcast %broadcast_in_dim3A_106 : i32 to vector<16xi32>
    tpu.vector_store_idx %arg20[%add3A_105, %broadcast_in_dim3A_107], %broadcast_in_dim3A_1 : memref<128x8xf32, #tpu.memory_space<vmem>>[vector<16xi32>, vector<16xi32>], vector<16xf32>,
    %broadcast_in_dim3A_108 = arith.constant 3 : i32
    %broadcast_in_dim3A_109 = vector.broadcast %broadcast_in_dim3A_108 : i32 to vector<16xi32>
    tpu.vector_store_idx %arg22[%add3A_105, %broadcast_in_dim3A_109], %broadcast_in_dim3A_1 : memref<128x8xf32, #tpu.memory_space<vmem>>[vector<16xi32>, vector<16xi32>], vector<16xf32>,
    %broadcast_in_dim3A_110 = arith.constant 4 : i32
    %broadcast_in_dim3A_111 = vector.broadcast %broadcast_in_dim3A_110 : i32 to vector<16xi32>
    tpu.vector_store_idx %arg20[%add3A_105, %broadcast_in_dim3A_111], %broadcast_in_dim3A_1 : memref<128x8xf32, #tpu.memory_space<vmem>>[vector<16xi32>, vector<16xi32>], vector<16xf32>,
    %broadcast_in_dim3A_112 = arith.constant 4 : i32
    %broadcast_in_dim3A_113 = vector.broadcast %broadcast_in_dim3A_112 : i32 to vector<16xi32>
    tpu.vector_store_idx %arg22[%add3A_105, %broadcast_in_dim3A_113], %broadcast_in_dim3A_1 : memref<128x8xf32, #tpu.memory_space<vmem>>[vector<16xi32>, vector<16xi32>], vector<16xf32>,
    %broadcast_in_dim3A_114 = arith.constant 5 : i32
    %broadcast_in_dim3A_115 = vector.broadcast %broadcast_in_dim3A_114 : i32 to vector<16xi32>
    tpu.vector_store_idx %arg20[%add3A_105, %broadcast_in_dim3A_115], %broadcast_in_dim3A_1 : memref<128x8xf32, #tpu.memory_space<vmem>>[vector<16xi32>, vector<16xi32>], vector<16xf32>,
    %broadcast_in_dim3A_116 = arith.constant 5 : i32
    %broadcast_in_dim3A_117 = vector.broadcast %broadcast_in_dim3A_116 : i32 to vector<16xi32>
    tpu.vector_store_idx %arg22[%add3A_105, %broadcast_in_dim3A_117], %broadcast_in_dim3A_1 : memref<128x8xf32, #tpu.memory_space<vmem>>[vector<16xi32>, vector<16xi32>], vector<16xf32>,
    %broadcast_in_dim3A_118 = arith.constant 6 : i32
    %broadcast_in_dim3A_119 = vector.broadcast %broadcast_in_dim3A_118 : i32 to vector<16xi32>
    tpu.vector_store_idx %arg20[%add3A_105, %broadcast_in_dim3A_119], %broadcast_in_dim3A_1 : memref<128x8xf32, #tpu.memory_space<vmem>>[vector<16xi32>, vector<16xi32>], vector<16xf32>,
    %broadcast_in_dim3A_120 = arith.constant 6 : i32
    %broadcast_in_dim3A_121 = vector.broadcast %broadcast_in_dim3A_120 : i32 to vector<16xi32>
    tpu.vector_store_idx %arg22[%add3A_105, %broadcast_in_dim3A_121], %broadcast_in_dim3A_1 : memref<128x8xf32, #tpu.memory_space<vmem>>[vector<16xi32>, vector<16xi32>], vector<16xf32>,
    %broadcast_in_dim3A_122 = arith.constant 7 : i32
    %broadcast_in_dim3A_123 = vector.broadcast %broadcast_in_dim3A_122 : i32 to vector<16xi32>
    tpu.vector_store_idx %arg20[%add3A_105, %broadcast_in_dim3A_123], %broadcast_in_dim3A_1 : memref<128x8xf32, #tpu.memory_space<vmem>>[vector<16xi32>, vector<16xi32>], vector<16xf32>,
    %broadcast_in_dim3A_124 = arith.constant 7 : i32
    %broadcast_in_dim3A_125 = vector.broadcast %broadcast_in_dim3A_124 : i32 to vector<16xi32>
    tpu.vector_store_idx %arg22[%add3A_105, %broadcast_in_dim3A_125], %broadcast_in_dim3A_1 : memref<128x8xf32, #tpu.memory_space<vmem>>[vector<16xi32>, vector<16xi32>], vector<16xf32>,
    %add3A_126 = arith.constant 80 : i32
    %add3A_127 = vector.broadcast %add3A_126 : i32 to vector<16xi32>
    %add3A_128 = arith.addi %iota3A, %add3A_127 : vector<16xi32>
    %broadcast_in_dim3A_129 = arith.constant 3 : i32
    %broadcast_in_dim3A_130 = vector.broadcast %broadcast_in_dim3A_129 : i32 to vector<16xi32>
    tpu.vector_store_idx %arg20[%add3A_128, %broadcast_in_dim3A_130], %broadcast_in_dim3A_1 : memref<128x8xf32, #tpu.memory_space<vmem>>[vector<16xi32>, vector<16xi32>], vector<16xf32>,
    %broadcast_in_dim3A_131 = arith.constant 3 : i32
    %broadcast_in_dim3A_132 = vector.broadcast %broadcast_in_dim3A_131 : i32 to vector<16xi32>
    tpu.vector_store_idx %arg22[%add3A_128, %broadcast_in_dim3A_132], %broadcast_in_dim3A_1 : memref<128x8xf32, #tpu.memory_space<vmem>>[vector<16xi32>, vector<16xi32>], vector<16xf32>,
    %broadcast_in_dim3A_133 = arith.constant 4 : i32
    %broadcast_in_dim3A_134 = vector.broadcast %broadcast_in_dim3A_133 : i32 to vector<16xi32>
    tpu.vector_store_idx %arg20[%add3A_128, %broadcast_in_dim3A_134], %broadcast_in_dim3A_1 : memref<128x8xf32, #tpu.memory_space<vmem>>[vector<16xi32>, vector<16xi32>], vector<16xf32>,
    %broadcast_in_dim3A_135 = arith.constant 4 : i32
    %broadcast_in_dim3A_136 = vector.broadcast %broadcast_in_dim3A_135 : i32 to vector<16xi32>
    tpu.vector_store_idx %arg22[%add3A_128, %broadcast_in_dim3A_136], %broadcast_in_dim3A_1 : memref<128x8xf32, #tpu.memory_space<vmem>>[vector<16xi32>, vector<16xi32>], vector<16xf32>,
    %broadcast_in_dim3A_137 = arith.constant 5 : i32
    %broadcast_in_dim3A_138 = vector.broadcast %broadcast_in_dim3A_137 : i32 to vector<16xi32>
    tpu.vector_store_idx %arg20[%add3A_128, %broadcast_in_dim3A_138], %broadcast_in_dim3A_1 : memref<128x8xf32, #tpu.memory_space<vmem>>[vector<16xi32>, vector<16xi32>], vector<16xf32>,
    %broadcast_in_dim3A_139 = arith.constant 5 : i32
    %broadcast_in_dim3A_140 = vector.broadcast %broadcast_in_dim3A_139 : i32 to vector<16xi32>
    tpu.vector_store_idx %arg22[%add3A_128, %broadcast_in_dim3A_140], %broadcast_in_dim3A_1 : memref<128x8xf32, #tpu.memory_space<vmem>>[vector<16xi32>, vector<16xi32>], vector<16xf32>,
    %broadcast_in_dim3A_141 = arith.constant 6 : i32
    %broadcast_in_dim3A_142 = vector.broadcast %broadcast_in_dim3A_141 : i32 to vector<16xi32>
    tpu.vector_store_idx %arg20[%add3A_128, %broadcast_in_dim3A_142], %broadcast_in_dim3A_1 : memref<128x8xf32, #tpu.memory_space<vmem>>[vector<16xi32>, vector<16xi32>], vector<16xf32>,
    %broadcast_in_dim3A_143 = arith.constant 6 : i32
    %broadcast_in_dim3A_144 = vector.broadcast %broadcast_in_dim3A_143 : i32 to vector<16xi32>
    tpu.vector_store_idx %arg22[%add3A_128, %broadcast_in_dim3A_144], %broadcast_in_dim3A_1 : memref<128x8xf32, #tpu.memory_space<vmem>>[vector<16xi32>, vector<16xi32>], vector<16xf32>,
    %broadcast_in_dim3A_145 = arith.constant 7 : i32
    %broadcast_in_dim3A_146 = vector.broadcast %broadcast_in_dim3A_145 : i32 to vector<16xi32>
    tpu.vector_store_idx %arg20[%add3A_128, %broadcast_in_dim3A_146], %broadcast_in_dim3A_1 : memref<128x8xf32, #tpu.memory_space<vmem>>[vector<16xi32>, vector<16xi32>], vector<16xf32>,
    %broadcast_in_dim3A_147 = arith.constant 7 : i32
    %broadcast_in_dim3A_148 = vector.broadcast %broadcast_in_dim3A_147 : i32 to vector<16xi32>
    tpu.vector_store_idx %arg22[%add3A_128, %broadcast_in_dim3A_148], %broadcast_in_dim3A_1 : memref<128x8xf32, #tpu.memory_space<vmem>>[vector<16xi32>, vector<16xi32>], vector<16xf32>,
    %add3A_149 = arith.constant 96 : i32
    %add3A_150 = vector.broadcast %add3A_149 : i32 to vector<16xi32>
    %add3A_151 = arith.addi %iota3A, %add3A_150 : vector<16xi32>
    %broadcast_in_dim3A_152 = arith.constant 3 : i32
    %broadcast_in_dim3A_153 = vector.broadcast %broadcast_in_dim3A_152 : i32 to vector<16xi32>
    tpu.vector_store_idx %arg20[%add3A_151, %broadcast_in_dim3A_153], %broadcast_in_dim3A_1 : memref<128x8xf32, #tpu.memory_space<vmem>>[vector<16xi32>, vector<16xi32>], vector<16xf32>,
    %broadcast_in_dim3A_154 = arith.constant 3 : i32
    %broadcast_in_dim3A_155 = vector.broadcast %broadcast_in_dim3A_154 : i32 to vector<16xi32>
    tpu.vector_store_idx %arg22[%add3A_151, %broadcast_in_dim3A_155], %broadcast_in_dim3A_1 : memref<128x8xf32, #tpu.memory_space<vmem>>[vector<16xi32>, vector<16xi32>], vector<16xf32>,
    %broadcast_in_dim3A_156 = arith.constant 4 : i32
    %broadcast_in_dim3A_157 = vector.broadcast %broadcast_in_dim3A_156 : i32 to vector<16xi32>
    tpu.vector_store_idx %arg20[%add3A_151, %broadcast_in_dim3A_157], %broadcast_in_dim3A_1 : memref<128x8xf32, #tpu.memory_space<vmem>>[vector<16xi32>, vector<16xi32>], vector<16xf32>,
    %broadcast_in_dim3A_158 = arith.constant 4 : i32
    %broadcast_in_dim3A_159 = vector.broadcast %broadcast_in_dim3A_158 : i32 to vector<16xi32>
    tpu.vector_store_idx %arg22[%add3A_151, %broadcast_in_dim3A_159], %broadcast_in_dim3A_1 : memref<128x8xf32, #tpu.memory_space<vmem>>[vector<16xi32>, vector<16xi32>], vector<16xf32>,
    %broadcast_in_dim3A_160 = arith.constant 5 : i32
    %broadcast_in_dim3A_161 = vector.broadcast %broadcast_in_dim3A_160 : i32 to vector<16xi32>
    tpu.vector_store_idx %arg20[%add3A_151, %broadcast_in_dim3A_161], %broadcast_in_dim3A_1 : memref<128x8xf32, #tpu.memory_space<vmem>>[vector<16xi32>, vector<16xi32>], vector<16xf32>,
    %broadcast_in_dim3A_162 = arith.constant 5 : i32
    %broadcast_in_dim3A_163 = vector.broadcast %broadcast_in_dim3A_162 : i32 to vector<16xi32>
    tpu.vector_store_idx %arg22[%add3A_151, %broadcast_in_dim3A_163], %broadcast_in_dim3A_1 : memref<128x8xf32, #tpu.memory_space<vmem>>[vector<16xi32>, vector<16xi32>], vector<16xf32>,
    %broadcast_in_dim3A_164 = arith.constant 6 : i32
    %broadcast_in_dim3A_165 = vector.broadcast %broadcast_in_dim3A_164 : i32 to vector<16xi32>
    tpu.vector_store_idx %arg20[%add3A_151, %broadcast_in_dim3A_165], %broadcast_in_dim3A_1 : memref<128x8xf32, #tpu.memory_space<vmem>>[vector<16xi32>, vector<16xi32>], vector<16xf32>,
    %broadcast_in_dim3A_166 = arith.constant 6 : i32
    %broadcast_in_dim3A_167 = vector.broadcast %broadcast_in_dim3A_166 : i32 to vector<16xi32>
    tpu.vector_store_idx %arg22[%add3A_151, %broadcast_in_dim3A_167], %broadcast_in_dim3A_1 : memref<128x8xf32, #tpu.memory_space<vmem>>[vector<16xi32>, vector<16xi32>], vector<16xf32>,
    %broadcast_in_dim3A_168 = arith.constant 7 : i32
    %broadcast_in_dim3A_169 = vector.broadcast %broadcast_in_dim3A_168 : i32 to vector<16xi32>
    tpu.vector_store_idx %arg20[%add3A_151, %broadcast_in_dim3A_169], %broadcast_in_dim3A_1 : memref<128x8xf32, #tpu.memory_space<vmem>>[vector<16xi32>, vector<16xi32>], vector<16xf32>,
    %broadcast_in_dim3A_170 = arith.constant 7 : i32
    %broadcast_in_dim3A_171 = vector.broadcast %broadcast_in_dim3A_170 : i32 to vector<16xi32>
    tpu.vector_store_idx %arg22[%add3A_151, %broadcast_in_dim3A_171], %broadcast_in_dim3A_1 : memref<128x8xf32, #tpu.memory_space<vmem>>[vector<16xi32>, vector<16xi32>], vector<16xf32>,
    %add3A_172 = arith.constant 112 : i32
    %add3A_173 = vector.broadcast %add3A_172 : i32 to vector<16xi32>
    %add3A_174 = arith.addi %iota3A, %add3A_173 : vector<16xi32>
    %broadcast_in_dim3A_175 = arith.constant 3 : i32
    %broadcast_in_dim3A_176 = vector.broadcast %broadcast_in_dim3A_175 : i32 to vector<16xi32>
    tpu.vector_store_idx %arg20[%add3A_174, %broadcast_in_dim3A_176], %broadcast_in_dim3A_1 : memref<128x8xf32, #tpu.memory_space<vmem>>[vector<16xi32>, vector<16xi32>], vector<16xf32>,
    %broadcast_in_dim3A_177 = arith.constant 3 : i32
    %broadcast_in_dim3A_178 = vector.broadcast %broadcast_in_dim3A_177 : i32 to vector<16xi32>
    tpu.vector_store_idx %arg22[%add3A_174, %broadcast_in_dim3A_178], %broadcast_in_dim3A_1 : memref<128x8xf32, #tpu.memory_space<vmem>>[vector<16xi32>, vector<16xi32>], vector<16xf32>,
    %broadcast_in_dim3A_179 = arith.constant 4 : i32
    %broadcast_in_dim3A_180 = vector.broadcast %broadcast_in_dim3A_179 : i32 to vector<16xi32>
    tpu.vector_store_idx %arg20[%add3A_174, %broadcast_in_dim3A_180], %broadcast_in_dim3A_1 : memref<128x8xf32, #tpu.memory_space<vmem>>[vector<16xi32>, vector<16xi32>], vector<16xf32>,
    %broadcast_in_dim3A_181 = arith.constant 4 : i32
    %broadcast_in_dim3A_182 = vector.broadcast %broadcast_in_dim3A_181 : i32 to vector<16xi32>
    tpu.vector_store_idx %arg22[%add3A_174, %broadcast_in_dim3A_182], %broadcast_in_dim3A_1 : memref<128x8xf32, #tpu.memory_space<vmem>>[vector<16xi32>, vector<16xi32>], vector<16xf32>,
    %broadcast_in_dim3A_183 = arith.constant 5 : i32
    %broadcast_in_dim3A_184 = vector.broadcast %broadcast_in_dim3A_183 : i32 to vector<16xi32>
    tpu.vector_store_idx %arg20[%add3A_174, %broadcast_in_dim3A_184], %broadcast_in_dim3A_1 : memref<128x8xf32, #tpu.memory_space<vmem>>[vector<16xi32>, vector<16xi32>], vector<16xf32>,
    %broadcast_in_dim3A_185 = arith.constant 5 : i32
    %broadcast_in_dim3A_186 = vector.broadcast %broadcast_in_dim3A_185 : i32 to vector<16xi32>
    tpu.vector_store_idx %arg22[%add3A_174, %broadcast_in_dim3A_186], %broadcast_in_dim3A_1 : memref<128x8xf32, #tpu.memory_space<vmem>>[vector<16xi32>, vector<16xi32>], vector<16xf32>,
    %broadcast_in_dim3A_187 = arith.constant 6 : i32
    %broadcast_in_dim3A_188 = vector.broadcast %broadcast_in_dim3A_187 : i32 to vector<16xi32>
    tpu.vector_store_idx %arg20[%add3A_174, %broadcast_in_dim3A_188], %broadcast_in_dim3A_1 : memref<128x8xf32, #tpu.memory_space<vmem>>[vector<16xi32>, vector<16xi32>], vector<16xf32>,
    %broadcast_in_dim3A_189 = arith.constant 6 : i32
    %broadcast_in_dim3A_190 = vector.broadcast %broadcast_in_dim3A_189 : i32 to vector<16xi32>
    tpu.vector_store_idx %arg22[%add3A_174, %broadcast_in_dim3A_190], %broadcast_in_dim3A_1 : memref<128x8xf32, #tpu.memory_space<vmem>>[vector<16xi32>, vector<16xi32>], vector<16xf32>,
    %broadcast_in_dim3A_191 = arith.constant 7 : i32
    %broadcast_in_dim3A_192 = vector.broadcast %broadcast_in_dim3A_191 : i32 to vector<16xi32>
    tpu.vector_store_idx %arg20[%add3A_174, %broadcast_in_dim3A_192], %broadcast_in_dim3A_1 : memref<128x8xf32, #tpu.memory_space<vmem>>[vector<16xi32>, vector<16xi32>], vector<16xf32>,
    %broadcast_in_dim3A_193 = arith.constant 7 : i32
    %broadcast_in_dim3A_194 = vector.broadcast %broadcast_in_dim3A_193 : i32 to vector<16xi32>
    tpu.vector_store_idx %arg22[%add3A_174, %broadcast_in_dim3A_194], %broadcast_in_dim3A_1 : memref<128x8xf32, #tpu.memory_space<vmem>>[vector<16xi32>, vector<16xi32>], vector<16xf32>,
    %add3A_195 = arith.constant 0 : i32
    %add3A_196 = vector.broadcast %add3A_195 : i32 to vector<16xi32>
    %add3A_197 = arith.addi %iota3A, %add3A_196 : vector<16xi32>
    %broadcast_in_dim3A_198 = arith.constant 3 : i32
    %broadcast_in_dim3A_199 = vector.broadcast %broadcast_in_dim3A_198 : i32 to vector<16xi32>
    tpu.vector_store_idx %arg21[%add3A_197, %broadcast_in_dim3A_199], %broadcast_in_dim3A_1 : memref<128x8xf32, #tpu.memory_space<vmem>>[vector<16xi32>, vector<16xi32>], vector<16xf32>,
    %broadcast_in_dim3A_200 = arith.constant 3 : i32
    %broadcast_in_dim3A_201 = vector.broadcast %broadcast_in_dim3A_200 : i32 to vector<16xi32>
    tpu.vector_store_idx %arg23[%add3A_197, %broadcast_in_dim3A_201], %broadcast_in_dim3A_1 : memref<128x8xf32, #tpu.memory_space<vmem>>[vector<16xi32>, vector<16xi32>], vector<16xf32>,
    %broadcast_in_dim3A_202 = arith.constant 4 : i32
    %broadcast_in_dim3A_203 = vector.broadcast %broadcast_in_dim3A_202 : i32 to vector<16xi32>
    tpu.vector_store_idx %arg21[%add3A_197, %broadcast_in_dim3A_203], %broadcast_in_dim3A_1 : memref<128x8xf32, #tpu.memory_space<vmem>>[vector<16xi32>, vector<16xi32>], vector<16xf32>,
    %broadcast_in_dim3A_204 = arith.constant 4 : i32
    %broadcast_in_dim3A_205 = vector.broadcast %broadcast_in_dim3A_204 : i32 to vector<16xi32>
    tpu.vector_store_idx %arg23[%add3A_197, %broadcast_in_dim3A_205], %broadcast_in_dim3A_1 : memref<128x8xf32, #tpu.memory_space<vmem>>[vector<16xi32>, vector<16xi32>], vector<16xf32>,
    %broadcast_in_dim3A_206 = arith.constant 5 : i32
    %broadcast_in_dim3A_207 = vector.broadcast %broadcast_in_dim3A_206 : i32 to vector<16xi32>
    tpu.vector_store_idx %arg21[%add3A_197, %broadcast_in_dim3A_207], %broadcast_in_dim3A_1 : memref<128x8xf32, #tpu.memory_space<vmem>>[vector<16xi32>, vector<16xi32>], vector<16xf32>,
    %broadcast_in_dim3A_208 = arith.constant 5 : i32
    %broadcast_in_dim3A_209 = vector.broadcast %broadcast_in_dim3A_208 : i32 to vector<16xi32>
    tpu.vector_store_idx %arg23[%add3A_197, %broadcast_in_dim3A_209], %broadcast_in_dim3A_1 : memref<128x8xf32, #tpu.memory_space<vmem>>[vector<16xi32>, vector<16xi32>], vector<16xf32>,
    %broadcast_in_dim3A_210 = arith.constant 6 : i32
    %broadcast_in_dim3A_211 = vector.broadcast %broadcast_in_dim3A_210 : i32 to vector<16xi32>
    tpu.vector_store_idx %arg21[%add3A_197, %broadcast_in_dim3A_211], %broadcast_in_dim3A_1 : memref<128x8xf32, #tpu.memory_space<vmem>>[vector<16xi32>, vector<16xi32>], vector<16xf32>,
    %broadcast_in_dim3A_212 = arith.constant 6 : i32
    %broadcast_in_dim3A_213 = vector.broadcast %broadcast_in_dim3A_212 : i32 to vector<16xi32>
    tpu.vector_store_idx %arg23[%add3A_197, %broadcast_in_dim3A_213], %broadcast_in_dim3A_1 : memref<128x8xf32, #tpu.memory_space<vmem>>[vector<16xi32>, vector<16xi32>], vector<16xf32>,
    %broadcast_in_dim3A_214 = arith.constant 7 : i32
    %broadcast_in_dim3A_215 = vector.broadcast %broadcast_in_dim3A_214 : i32 to vector<16xi32>
    tpu.vector_store_idx %arg21[%add3A_197, %broadcast_in_dim3A_215], %broadcast_in_dim3A_1 : memref<128x8xf32, #tpu.memory_space<vmem>>[vector<16xi32>, vector<16xi32>], vector<16xf32>,
    %broadcast_in_dim3A_216 = arith.constant 7 : i32
    %broadcast_in_dim3A_217 = vector.broadcast %broadcast_in_dim3A_216 : i32 to vector<16xi32>
    tpu.vector_store_idx %arg23[%add3A_197, %broadcast_in_dim3A_217], %broadcast_in_dim3A_1 : memref<128x8xf32, #tpu.memory_space<vmem>>[vector<16xi32>, vector<16xi32>], vector<16xf32>,
    %add3A_218 = arith.constant 16 : i32
    %add3A_219 = vector.broadcast %add3A_218 : i32 to vector<16xi32>
    %add3A_220 = arith.addi %iota3A, %add3A_219 : vector<16xi32>
    %broadcast_in_dim3A_221 = arith.constant 3 : i32
    %broadcast_in_dim3A_222 = vector.broadcast %broadcast_in_dim3A_221 : i32 to vector<16xi32>
    tpu.vector_store_idx %arg21[%add3A_220, %broadcast_in_dim3A_222], %broadcast_in_dim3A_1 : memref<128x8xf32, #tpu.memory_space<vmem>>[vector<16xi32>, vector<16xi32>], vector<16xf32>,
    %broadcast_in_dim3A_223 = arith.constant 3 : i32
    %broadcast_in_dim3A_224 = vector.broadcast %broadcast_in_dim3A_223 : i32 to vector<16xi32>
    tpu.vector_store_idx %arg23[%add3A_220, %broadcast_in_dim3A_224], %broadcast_in_dim3A_1 : memref<128x8xf32, #tpu.memory_space<vmem>>[vector<16xi32>, vector<16xi32>], vector<16xf32>,
    %broadcast_in_dim3A_225 = arith.constant 4 : i32
    %broadcast_in_dim3A_226 = vector.broadcast %broadcast_in_dim3A_225 : i32 to vector<16xi32>
    tpu.vector_store_idx %arg21[%add3A_220, %broadcast_in_dim3A_226], %broadcast_in_dim3A_1 : memref<128x8xf32, #tpu.memory_space<vmem>>[vector<16xi32>, vector<16xi32>], vector<16xf32>,
    %broadcast_in_dim3A_227 = arith.constant 4 : i32
    %broadcast_in_dim3A_228 = vector.broadcast %broadcast_in_dim3A_227 : i32 to vector<16xi32>
    tpu.vector_store_idx %arg23[%add3A_220, %broadcast_in_dim3A_228], %broadcast_in_dim3A_1 : memref<128x8xf32, #tpu.memory_space<vmem>>[vector<16xi32>, vector<16xi32>], vector<16xf32>,
    %broadcast_in_dim3A_229 = arith.constant 5 : i32
    %broadcast_in_dim3A_230 = vector.broadcast %broadcast_in_dim3A_229 : i32 to vector<16xi32>
    tpu.vector_store_idx %arg21[%add3A_220, %broadcast_in_dim3A_230], %broadcast_in_dim3A_1 : memref<128x8xf32, #tpu.memory_space<vmem>>[vector<16xi32>, vector<16xi32>], vector<16xf32>,
    %broadcast_in_dim3A_231 = arith.constant 5 : i32
    %broadcast_in_dim3A_232 = vector.broadcast %broadcast_in_dim3A_231 : i32 to vector<16xi32>
    tpu.vector_store_idx %arg23[%add3A_220, %broadcast_in_dim3A_232], %broadcast_in_dim3A_1 : memref<128x8xf32, #tpu.memory_space<vmem>>[vector<16xi32>, vector<16xi32>], vector<16xf32>,
    %broadcast_in_dim3A_233 = arith.constant 6 : i32
    %broadcast_in_dim3A_234 = vector.broadcast %broadcast_in_dim3A_233 : i32 to vector<16xi32>
    tpu.vector_store_idx %arg21[%add3A_220, %broadcast_in_dim3A_234], %broadcast_in_dim3A_1 : memref<128x8xf32, #tpu.memory_space<vmem>>[vector<16xi32>, vector<16xi32>], vector<16xf32>,
    %broadcast_in_dim3A_235 = arith.constant 6 : i32
    %broadcast_in_dim3A_236 = vector.broadcast %broadcast_in_dim3A_235 : i32 to vector<16xi32>
    tpu.vector_store_idx %arg23[%add3A_220, %broadcast_in_dim3A_236], %broadcast_in_dim3A_1 : memref<128x8xf32, #tpu.memory_space<vmem>>[vector<16xi32>, vector<16xi32>], vector<16xf32>,
    %broadcast_in_dim3A_237 = arith.constant 7 : i32
    %broadcast_in_dim3A_238 = vector.broadcast %broadcast_in_dim3A_237 : i32 to vector<16xi32>
    tpu.vector_store_idx %arg21[%add3A_220, %broadcast_in_dim3A_238], %broadcast_in_dim3A_1 : memref<128x8xf32, #tpu.memory_space<vmem>>[vector<16xi32>, vector<16xi32>], vector<16xf32>,
    %broadcast_in_dim3A_239 = arith.constant 7 : i32
    %broadcast_in_dim3A_240 = vector.broadcast %broadcast_in_dim3A_239 : i32 to vector<16xi32>
    tpu.vector_store_idx %arg23[%add3A_220, %broadcast_in_dim3A_240], %broadcast_in_dim3A_1 : memref<128x8xf32, #tpu.memory_space<vmem>>[vector<16xi32>, vector<16xi32>], vector<16xf32>,
    %add3A_241 = arith.constant 32 : i32
    %add3A_242 = vector.broadcast %add3A_241 : i32 to vector<16xi32>
    %add3A_243 = arith.addi %iota3A, %add3A_242 : vector<16xi32>
    %broadcast_in_dim3A_244 = arith.constant 3 : i32
    %broadcast_in_dim3A_245 = vector.broadcast %broadcast_in_dim3A_244 : i32 to vector<16xi32>
    tpu.vector_store_idx %arg21[%add3A_243, %broadcast_in_dim3A_245], %broadcast_in_dim3A_1 : memref<128x8xf32, #tpu.memory_space<vmem>>[vector<16xi32>, vector<16xi32>], vector<16xf32>,
    %broadcast_in_dim3A_246 = arith.constant 3 : i32
    %broadcast_in_dim3A_247 = vector.broadcast %broadcast_in_dim3A_246 : i32 to vector<16xi32>
    tpu.vector_store_idx %arg23[%add3A_243, %broadcast_in_dim3A_247], %broadcast_in_dim3A_1 : memref<128x8xf32, #tpu.memory_space<vmem>>[vector<16xi32>, vector<16xi32>], vector<16xf32>,
    %broadcast_in_dim3A_248 = arith.constant 4 : i32
    %broadcast_in_dim3A_249 = vector.broadcast %broadcast_in_dim3A_248 : i32 to vector<16xi32>
    tpu.vector_store_idx %arg21[%add3A_243, %broadcast_in_dim3A_249], %broadcast_in_dim3A_1 : memref<128x8xf32, #tpu.memory_space<vmem>>[vector<16xi32>, vector<16xi32>], vector<16xf32>,
    %broadcast_in_dim3A_250 = arith.constant 4 : i32
    %broadcast_in_dim3A_251 = vector.broadcast %broadcast_in_dim3A_250 : i32 to vector<16xi32>
    tpu.vector_store_idx %arg23[%add3A_243, %broadcast_in_dim3A_251], %broadcast_in_dim3A_1 : memref<128x8xf32, #tpu.memory_space<vmem>>[vector<16xi32>, vector<16xi32>], vector<16xf32>,
    %broadcast_in_dim3A_252 = arith.constant 5 : i32
    %broadcast_in_dim3A_253 = vector.broadcast %broadcast_in_dim3A_252 : i32 to vector<16xi32>
    tpu.vector_store_idx %arg21[%add3A_243, %broadcast_in_dim3A_253], %broadcast_in_dim3A_1 : memref<128x8xf32, #tpu.memory_space<vmem>>[vector<16xi32>, vector<16xi32>], vector<16xf32>,
    %broadcast_in_dim3A_254 = arith.constant 5 : i32
    %broadcast_in_dim3A_255 = vector.broadcast %broadcast_in_dim3A_254 : i32 to vector<16xi32>
    tpu.vector_store_idx %arg23[%add3A_243, %broadcast_in_dim3A_255], %broadcast_in_dim3A_1 : memref<128x8xf32, #tpu.memory_space<vmem>>[vector<16xi32>, vector<16xi32>], vector<16xf32>,
    %broadcast_in_dim3A_256 = arith.constant 6 : i32
    %broadcast_in_dim3A_257 = vector.broadcast %broadcast_in_dim3A_256 : i32 to vector<16xi32>
    tpu.vector_store_idx %arg21[%add3A_243, %broadcast_in_dim3A_257], %broadcast_in_dim3A_1 : memref<128x8xf32, #tpu.memory_space<vmem>>[vector<16xi32>, vector<16xi32>], vector<16xf32>,
    %broadcast_in_dim3A_258 = arith.constant 6 : i32
    %broadcast_in_dim3A_259 = vector.broadcast %broadcast_in_dim3A_258 : i32 to vector<16xi32>
    tpu.vector_store_idx %arg23[%add3A_243, %broadcast_in_dim3A_259], %broadcast_in_dim3A_1 : memref<128x8xf32, #tpu.memory_space<vmem>>[vector<16xi32>, vector<16xi32>], vector<16xf32>,
    %broadcast_in_dim3A_260 = arith.constant 7 : i32
    %broadcast_in_dim3A_261 = vector.broadcast %broadcast_in_dim3A_260 : i32 to vector<16xi32>
    tpu.vector_store_idx %arg21[%add3A_243, %broadcast_in_dim3A_261], %broadcast_in_dim3A_1 : memref<128x8xf32, #tpu.memory_space<vmem>>[vector<16xi32>, vector<16xi32>], vector<16xf32>,
    %broadcast_in_dim3A_262 = arith.constant 7 : i32
    %broadcast_in_dim3A_263 = vector.broadcast %broadcast_in_dim3A_262 : i32 to vector<16xi32>
    tpu.vector_store_idx %arg23[%add3A_243, %broadcast_in_dim3A_263], %broadcast_in_dim3A_1 : memref<128x8xf32, #tpu.memory_space<vmem>>[vector<16xi32>, vector<16xi32>], vector<16xf32>,
    %add3A_264 = arith.constant 48 : i32
    %add3A_265 = vector.broadcast %add3A_264 : i32 to vector<16xi32>
    %add3A_266 = arith.addi %iota3A, %add3A_265 : vector<16xi32>
    %broadcast_in_dim3A_267 = arith.constant 3 : i32
    %broadcast_in_dim3A_268 = vector.broadcast %broadcast_in_dim3A_267 : i32 to vector<16xi32>
    tpu.vector_store_idx %arg21[%add3A_266, %broadcast_in_dim3A_268], %broadcast_in_dim3A_1 : memref<128x8xf32, #tpu.memory_space<vmem>>[vector<16xi32>, vector<16xi32>], vector<16xf32>,
    %broadcast_in_dim3A_269 = arith.constant 3 : i32
    %broadcast_in_dim3A_270 = vector.broadcast %broadcast_in_dim3A_269 : i32 to vector<16xi32>
    tpu.vector_store_idx %arg23[%add3A_266, %broadcast_in_dim3A_270], %broadcast_in_dim3A_1 : memref<128x8xf32, #tpu.memory_space<vmem>>[vector<16xi32>, vector<16xi32>], vector<16xf32>,
    %broadcast_in_dim3A_271 = arith.constant 4 : i32
    %broadcast_in_dim3A_272 = vector.broadcast %broadcast_in_dim3A_271 : i32 to vector<16xi32>
    tpu.vector_store_idx %arg21[%add3A_266, %broadcast_in_dim3A_272], %broadcast_in_dim3A_1 : memref<128x8xf32, #tpu.memory_space<vmem>>[vector<16xi32>, vector<16xi32>], vector<16xf32>,
    %broadcast_in_dim3A_273 = arith.constant 4 : i32
    %broadcast_in_dim3A_274 = vector.broadcast %broadcast_in_dim3A_273 : i32 to vector<16xi32>
    tpu.vector_store_idx %arg23[%add3A_266, %broadcast_in_dim3A_274], %broadcast_in_dim3A_1 : memref<128x8xf32, #tpu.memory_space<vmem>>[vector<16xi32>, vector<16xi32>], vector<16xf32>,
    %broadcast_in_dim3A_275 = arith.constant 5 : i32
    %broadcast_in_dim3A_276 = vector.broadcast %broadcast_in_dim3A_275 : i32 to vector<16xi32>
    tpu.vector_store_idx %arg21[%add3A_266, %broadcast_in_dim3A_276], %broadcast_in_dim3A_1 : memref<128x8xf32, #tpu.memory_space<vmem>>[vector<16xi32>, vector<16xi32>], vector<16xf32>,
    %broadcast_in_dim3A_277 = arith.constant 5 : i32
    %broadcast_in_dim3A_278 = vector.broadcast %broadcast_in_dim3A_277 : i32 to vector<16xi32>
    tpu.vector_store_idx %arg23[%add3A_266, %broadcast_in_dim3A_278], %broadcast_in_dim3A_1 : memref<128x8xf32, #tpu.memory_space<vmem>>[vector<16xi32>, vector<16xi32>], vector<16xf32>,
    %broadcast_in_dim3A_279 = arith.constant 6 : i32
    %broadcast_in_dim3A_280 = vector.broadcast %broadcast_in_dim3A_279 : i32 to vector<16xi32>
    tpu.vector_store_idx %arg21[%add3A_266, %broadcast_in_dim3A_280], %broadcast_in_dim3A_1 : memref<128x8xf32, #tpu.memory_space<vmem>>[vector<16xi32>, vector<16xi32>], vector<16xf32>,
    %broadcast_in_dim3A_281 = arith.constant 6 : i32
    %broadcast_in_dim3A_282 = vector.broadcast %broadcast_in_dim3A_281 : i32 to vector<16xi32>
    tpu.vector_store_idx %arg23[%add3A_266, %broadcast_in_dim3A_282], %broadcast_in_dim3A_1 : memref<128x8xf32, #tpu.memory_space<vmem>>[vector<16xi32>, vector<16xi32>], vector<16xf32>,
    %broadcast_in_dim3A_283 = arith.constant 7 : i32
    %broadcast_in_dim3A_284 = vector.broadcast %broadcast_in_dim3A_283 : i32 to vector<16xi32>
    tpu.vector_store_idx %arg21[%add3A_266, %broadcast_in_dim3A_284], %broadcast_in_dim3A_1 : memref<128x8xf32, #tpu.memory_space<vmem>>[vector<16xi32>, vector<16xi32>], vector<16xf32>,
    %broadcast_in_dim3A_285 = arith.constant 7 : i32
    %broadcast_in_dim3A_286 = vector.broadcast %broadcast_in_dim3A_285 : i32 to vector<16xi32>
    tpu.vector_store_idx %arg23[%add3A_266, %broadcast_in_dim3A_286], %broadcast_in_dim3A_1 : memref<128x8xf32, #tpu.memory_space<vmem>>[vector<16xi32>, vector<16xi32>], vector<16xf32>,
    %add3A_287 = arith.constant 64 : i32
    %add3A_288 = vector.broadcast %add3A_287 : i32 to vector<16xi32>
    %add3A_289 = arith.addi %iota3A, %add3A_288 : vector<16xi32>
    %broadcast_in_dim3A_290 = arith.constant 3 : i32
    %broadcast_in_dim3A_291 = vector.broadcast %broadcast_in_dim3A_290 : i32 to vector<16xi32>
    tpu.vector_store_idx %arg21[%add3A_289, %broadcast_in_dim3A_291], %broadcast_in_dim3A_1 : memref<128x8xf32, #tpu.memory_space<vmem>>[vector<16xi32>, vector<16xi32>], vector<16xf32>,
    %broadcast_in_dim3A_292 = arith.constant 3 : i32
    %broadcast_in_dim3A_293 = vector.broadcast %broadcast_in_dim3A_292 : i32 to vector<16xi32>
    tpu.vector_store_idx %arg23[%add3A_289, %broadcast_in_dim3A_293], %broadcast_in_dim3A_1 : memref<128x8xf32, #tpu.memory_space<vmem>>[vector<16xi32>, vector<16xi32>], vector<16xf32>,
    %broadcast_in_dim3A_294 = arith.constant 4 : i32
    %broadcast_in_dim3A_295 = vector.broadcast %broadcast_in_dim3A_294 : i32 to vector<16xi32>
    tpu.vector_store_idx %arg21[%add3A_289, %broadcast_in_dim3A_295], %broadcast_in_dim3A_1 : memref<128x8xf32, #tpu.memory_space<vmem>>[vector<16xi32>, vector<16xi32>], vector<16xf32>,
    %broadcast_in_dim3A_296 = arith.constant 4 : i32
    %broadcast_in_dim3A_297 = vector.broadcast %broadcast_in_dim3A_296 : i32 to vector<16xi32>
    tpu.vector_store_idx %arg23[%add3A_289, %broadcast_in_dim3A_297], %broadcast_in_dim3A_1 : memref<128x8xf32, #tpu.memory_space<vmem>>[vector<16xi32>, vector<16xi32>], vector<16xf32>,
    %broadcast_in_dim3A_298 = arith.constant 5 : i32
    %broadcast_in_dim3A_299 = vector.broadcast %broadcast_in_dim3A_298 : i32 to vector<16xi32>
    tpu.vector_store_idx %arg21[%add3A_289, %broadcast_in_dim3A_299], %broadcast_in_dim3A_1 : memref<128x8xf32, #tpu.memory_space<vmem>>[vector<16xi32>, vector<16xi32>], vector<16xf32>,
    %broadcast_in_dim3A_300 = arith.constant 5 : i32
    %broadcast_in_dim3A_301 = vector.broadcast %broadcast_in_dim3A_300 : i32 to vector<16xi32>
    tpu.vector_store_idx %arg23[%add3A_289, %broadcast_in_dim3A_301], %broadcast_in_dim3A_1 : memref<128x8xf32, #tpu.memory_space<vmem>>[vector<16xi32>, vector<16xi32>], vector<16xf32>,
    %broadcast_in_dim3A_302 = arith.constant 6 : i32
    %broadcast_in_dim3A_303 = vector.broadcast %broadcast_in_dim3A_302 : i32 to vector<16xi32>
    tpu.vector_store_idx %arg21[%add3A_289, %broadcast_in_dim3A_303], %broadcast_in_dim3A_1 : memref<128x8xf32, #tpu.memory_space<vmem>>[vector<16xi32>, vector<16xi32>], vector<16xf32>,
    %broadcast_in_dim3A_304 = arith.constant 6 : i32
    %broadcast_in_dim3A_305 = vector.broadcast %broadcast_in_dim3A_304 : i32 to vector<16xi32>
    tpu.vector_store_idx %arg23[%add3A_289, %broadcast_in_dim3A_305], %broadcast_in_dim3A_1 : memref<128x8xf32, #tpu.memory_space<vmem>>[vector<16xi32>, vector<16xi32>], vector<16xf32>,
    %broadcast_in_dim3A_306 = arith.constant 7 : i32
    %broadcast_in_dim3A_307 = vector.broadcast %broadcast_in_dim3A_306 : i32 to vector<16xi32>
    tpu.vector_store_idx %arg21[%add3A_289, %broadcast_in_dim3A_307], %broadcast_in_dim3A_1 : memref<128x8xf32, #tpu.memory_space<vmem>>[vector<16xi32>, vector<16xi32>], vector<16xf32>,
    %broadcast_in_dim3A_308 = arith.constant 7 : i32
    %broadcast_in_dim3A_309 = vector.broadcast %broadcast_in_dim3A_308 : i32 to vector<16xi32>
    tpu.vector_store_idx %arg23[%add3A_289, %broadcast_in_dim3A_309], %broadcast_in_dim3A_1 : memref<128x8xf32, #tpu.memory_space<vmem>>[vector<16xi32>, vector<16xi32>], vector<16xf32>,
    %add3A_310 = arith.constant 80 : i32
    %add3A_311 = vector.broadcast %add3A_310 : i32 to vector<16xi32>
    %add3A_312 = arith.addi %iota3A, %add3A_311 : vector<16xi32>
    %broadcast_in_dim3A_313 = arith.constant 3 : i32
    %broadcast_in_dim3A_314 = vector.broadcast %broadcast_in_dim3A_313 : i32 to vector<16xi32>
    tpu.vector_store_idx %arg21[%add3A_312, %broadcast_in_dim3A_314], %broadcast_in_dim3A_1 : memref<128x8xf32, #tpu.memory_space<vmem>>[vector<16xi32>, vector<16xi32>], vector<16xf32>,
    %broadcast_in_dim3A_315 = arith.constant 3 : i32
    %broadcast_in_dim3A_316 = vector.broadcast %broadcast_in_dim3A_315 : i32 to vector<16xi32>
    tpu.vector_store_idx %arg23[%add3A_312, %broadcast_in_dim3A_316], %broadcast_in_dim3A_1 : memref<128x8xf32, #tpu.memory_space<vmem>>[vector<16xi32>, vector<16xi32>], vector<16xf32>,
    %broadcast_in_dim3A_317 = arith.constant 4 : i32
    %broadcast_in_dim3A_318 = vector.broadcast %broadcast_in_dim3A_317 : i32 to vector<16xi32>
    tpu.vector_store_idx %arg21[%add3A_312, %broadcast_in_dim3A_318], %broadcast_in_dim3A_1 : memref<128x8xf32, #tpu.memory_space<vmem>>[vector<16xi32>, vector<16xi32>], vector<16xf32>,
    %broadcast_in_dim3A_319 = arith.constant 4 : i32
    %broadcast_in_dim3A_320 = vector.broadcast %broadcast_in_dim3A_319 : i32 to vector<16xi32>
    tpu.vector_store_idx %arg23[%add3A_312, %broadcast_in_dim3A_320], %broadcast_in_dim3A_1 : memref<128x8xf32, #tpu.memory_space<vmem>>[vector<16xi32>, vector<16xi32>], vector<16xf32>,
    %broadcast_in_dim3A_321 = arith.constant 5 : i32
    %broadcast_in_dim3A_322 = vector.broadcast %broadcast_in_dim3A_321 : i32 to vector<16xi32>
    tpu.vector_store_idx %arg21[%add3A_312, %broadcast_in_dim3A_322], %broadcast_in_dim3A_1 : memref<128x8xf32, #tpu.memory_space<vmem>>[vector<16xi32>, vector<16xi32>], vector<16xf32>,
    %broadcast_in_dim3A_323 = arith.constant 5 : i32
    %broadcast_in_dim3A_324 = vector.broadcast %broadcast_in_dim3A_323 : i32 to vector<16xi32>
    tpu.vector_store_idx %arg23[%add3A_312, %broadcast_in_dim3A_324], %broadcast_in_dim3A_1 : memref<128x8xf32, #tpu.memory_space<vmem>>[vector<16xi32>, vector<16xi32>], vector<16xf32>,
    %broadcast_in_dim3A_325 = arith.constant 6 : i32
    %broadcast_in_dim3A_326 = vector.broadcast %broadcast_in_dim3A_325 : i32 to vector<16xi32>
    tpu.vector_store_idx %arg21[%add3A_312, %broadcast_in_dim3A_326], %broadcast_in_dim3A_1 : memref<128x8xf32, #tpu.memory_space<vmem>>[vector<16xi32>, vector<16xi32>], vector<16xf32>,
    %broadcast_in_dim3A_327 = arith.constant 6 : i32
    %broadcast_in_dim3A_328 = vector.broadcast %broadcast_in_dim3A_327 : i32 to vector<16xi32>
    tpu.vector_store_idx %arg23[%add3A_312, %broadcast_in_dim3A_328], %broadcast_in_dim3A_1 : memref<128x8xf32, #tpu.memory_space<vmem>>[vector<16xi32>, vector<16xi32>], vector<16xf32>,
    %broadcast_in_dim3A_329 = arith.constant 7 : i32
    %broadcast_in_dim3A_330 = vector.broadcast %broadcast_in_dim3A_329 : i32 to vector<16xi32>
    tpu.vector_store_idx %arg21[%add3A_312, %broadcast_in_dim3A_330], %broadcast_in_dim3A_1 : memref<128x8xf32, #tpu.memory_space<vmem>>[vector<16xi32>, vector<16xi32>], vector<16xf32>,
    %broadcast_in_dim3A_331 = arith.constant 7 : i32
    %broadcast_in_dim3A_332 = vector.broadcast %broadcast_in_dim3A_331 : i32 to vector<16xi32>
    tpu.vector_store_idx %arg23[%add3A_312, %broadcast_in_dim3A_332], %broadcast_in_dim3A_1 : memref<128x8xf32, #tpu.memory_space<vmem>>[vector<16xi32>, vector<16xi32>], vector<16xf32>,
    %add3A_333 = arith.constant 96 : i32
    %add3A_334 = vector.broadcast %add3A_333 : i32 to vector<16xi32>
    %add3A_335 = arith.addi %iota3A, %add3A_334 : vector<16xi32>
    %broadcast_in_dim3A_336 = arith.constant 3 : i32
    %broadcast_in_dim3A_337 = vector.broadcast %broadcast_in_dim3A_336 : i32 to vector<16xi32>
    tpu.vector_store_idx %arg21[%add3A_335, %broadcast_in_dim3A_337], %broadcast_in_dim3A_1 : memref<128x8xf32, #tpu.memory_space<vmem>>[vector<16xi32>, vector<16xi32>], vector<16xf32>,
    %broadcast_in_dim3A_338 = arith.constant 3 : i32
    %broadcast_in_dim3A_339 = vector.broadcast %broadcast_in_dim3A_338 : i32 to vector<16xi32>
    tpu.vector_store_idx %arg23[%add3A_335, %broadcast_in_dim3A_339], %broadcast_in_dim3A_1 : memref<128x8xf32, #tpu.memory_space<vmem>>[vector<16xi32>, vector<16xi32>], vector<16xf32>,
    %broadcast_in_dim3A_340 = arith.constant 4 : i32
    %broadcast_in_dim3A_341 = vector.broadcast %broadcast_in_dim3A_340 : i32 to vector<16xi32>
    tpu.vector_store_idx %arg21[%add3A_335, %broadcast_in_dim3A_341], %broadcast_in_dim3A_1 : memref<128x8xf32, #tpu.memory_space<vmem>>[vector<16xi32>, vector<16xi32>], vector<16xf32>,
    %broadcast_in_dim3A_342 = arith.constant 4 : i32
    %broadcast_in_dim3A_343 = vector.broadcast %broadcast_in_dim3A_342 : i32 to vector<16xi32>
    tpu.vector_store_idx %arg23[%add3A_335, %broadcast_in_dim3A_343], %broadcast_in_dim3A_1 : memref<128x8xf32, #tpu.memory_space<vmem>>[vector<16xi32>, vector<16xi32>], vector<16xf32>,
    %broadcast_in_dim3A_344 = arith.constant 5 : i32
    %broadcast_in_dim3A_345 = vector.broadcast %broadcast_in_dim3A_344 : i32 to vector<16xi32>
    tpu.vector_store_idx %arg21[%add3A_335, %broadcast_in_dim3A_345], %broadcast_in_dim3A_1 : memref<128x8xf32, #tpu.memory_space<vmem>>[vector<16xi32>, vector<16xi32>], vector<16xf32>,
    %broadcast_in_dim3A_346 = arith.constant 5 : i32
    %broadcast_in_dim3A_347 = vector.broadcast %broadcast_in_dim3A_346 : i32 to vector<16xi32>
    tpu.vector_store_idx %arg23[%add3A_335, %broadcast_in_dim3A_347], %broadcast_in_dim3A_1 : memref<128x8xf32, #tpu.memory_space<vmem>>[vector<16xi32>, vector<16xi32>], vector<16xf32>,
    %broadcast_in_dim3A_348 = arith.constant 6 : i32
    %broadcast_in_dim3A_349 = vector.broadcast %broadcast_in_dim3A_348 : i32 to vector<16xi32>
    tpu.vector_store_idx %arg21[%add3A_335, %broadcast_in_dim3A_349], %broadcast_in_dim3A_1 : memref<128x8xf32, #tpu.memory_space<vmem>>[vector<16xi32>, vector<16xi32>], vector<16xf32>,
    %broadcast_in_dim3A_350 = arith.constant 6 : i32
    %broadcast_in_dim3A_351 = vector.broadcast %broadcast_in_dim3A_350 : i32 to vector<16xi32>
    tpu.vector_store_idx %arg23[%add3A_335, %broadcast_in_dim3A_351], %broadcast_in_dim3A_1 : memref<128x8xf32, #tpu.memory_space<vmem>>[vector<16xi32>, vector<16xi32>], vector<16xf32>,
    %broadcast_in_dim3A_352 = arith.constant 7 : i32
    %broadcast_in_dim3A_353 = vector.broadcast %broadcast_in_dim3A_352 : i32 to vector<16xi32>
    tpu.vector_store_idx %arg21[%add3A_335, %broadcast_in_dim3A_353], %broadcast_in_dim3A_1 : memref<128x8xf32, #tpu.memory_space<vmem>>[vector<16xi32>, vector<16xi32>], vector<16xf32>,
    %broadcast_in_dim3A_354 = arith.constant 7 : i32
    %broadcast_in_dim3A_355 = vector.broadcast %broadcast_in_dim3A_354 : i32 to vector<16xi32>
    tpu.vector_store_idx %arg23[%add3A_335, %broadcast_in_dim3A_355], %broadcast_in_dim3A_1 : memref<128x8xf32, #tpu.memory_space<vmem>>[vector<16xi32>, vector<16xi32>], vector<16xf32>,
    %add3A_356 = arith.constant 112 : i32
    %add3A_357 = vector.broadcast %add3A_356 : i32 to vector<16xi32>
    %add3A_358 = arith.addi %iota3A, %add3A_357 : vector<16xi32>
    %broadcast_in_dim3A_359 = arith.constant 3 : i32
    %broadcast_in_dim3A_360 = vector.broadcast %broadcast_in_dim3A_359 : i32 to vector<16xi32>
    tpu.vector_store_idx %arg21[%add3A_358, %broadcast_in_dim3A_360], %broadcast_in_dim3A_1 : memref<128x8xf32, #tpu.memory_space<vmem>>[vector<16xi32>, vector<16xi32>], vector<16xf32>,
    %broadcast_in_dim3A_361 = arith.constant 3 : i32
    %broadcast_in_dim3A_362 = vector.broadcast %broadcast_in_dim3A_361 : i32 to vector<16xi32>
    tpu.vector_store_idx %arg23[%add3A_358, %broadcast_in_dim3A_362], %broadcast_in_dim3A_1 : memref<128x8xf32, #tpu.memory_space<vmem>>[vector<16xi32>, vector<16xi32>], vector<16xf32>,
    %broadcast_in_dim3A_363 = arith.constant 4 : i32
    %broadcast_in_dim3A_364 = vector.broadcast %broadcast_in_dim3A_363 : i32 to vector<16xi32>
    tpu.vector_store_idx %arg21[%add3A_358, %broadcast_in_dim3A_364], %broadcast_in_dim3A_1 : memref<128x8xf32, #tpu.memory_space<vmem>>[vector<16xi32>, vector<16xi32>], vector<16xf32>,
    %broadcast_in_dim3A_365 = arith.constant 4 : i32
    %broadcast_in_dim3A_366 = vector.broadcast %broadcast_in_dim3A_365 : i32 to vector<16xi32>
    tpu.vector_store_idx %arg23[%add3A_358, %broadcast_in_dim3A_366], %broadcast_in_dim3A_1 : memref<128x8xf32, #tpu.memory_space<vmem>>[vector<16xi32>, vector<16xi32>], vector<16xf32>,
    %broadcast_in_dim3A_367 = arith.constant 5 : i32
    %broadcast_in_dim3A_368 = vector.broadcast %broadcast_in_dim3A_367 : i32 to vector<16xi32>
    tpu.vector_store_idx %arg21[%add3A_358, %broadcast_in_dim3A_368], %broadcast_in_dim3A_1 : memref<128x8xf32, #tpu.memory_space<vmem>>[vector<16xi32>, vector<16xi32>], vector<16xf32>,
    %broadcast_in_dim3A_369 = arith.constant 5 : i32
    %broadcast_in_dim3A_370 = vector.broadcast %broadcast_in_dim3A_369 : i32 to vector<16xi32>
    tpu.vector_store_idx %arg23[%add3A_358, %broadcast_in_dim3A_370], %broadcast_in_dim3A_1 : memref<128x8xf32, #tpu.memory_space<vmem>>[vector<16xi32>, vector<16xi32>], vector<16xf32>,
    %broadcast_in_dim3A_371 = arith.constant 6 : i32
    %broadcast_in_dim3A_372 = vector.broadcast %broadcast_in_dim3A_371 : i32 to vector<16xi32>
    tpu.vector_store_idx %arg21[%add3A_358, %broadcast_in_dim3A_372], %broadcast_in_dim3A_1 : memref<128x8xf32, #tpu.memory_space<vmem>>[vector<16xi32>, vector<16xi32>], vector<16xf32>,
    %broadcast_in_dim3A_373 = arith.constant 6 : i32
    %broadcast_in_dim3A_374 = vector.broadcast %broadcast_in_dim3A_373 : i32 to vector<16xi32>
    tpu.vector_store_idx %arg23[%add3A_358, %broadcast_in_dim3A_374], %broadcast_in_dim3A_1 : memref<128x8xf32, #tpu.memory_space<vmem>>[vector<16xi32>, vector<16xi32>], vector<16xf32>,
    %broadcast_in_dim3A_375 = arith.constant 7 : i32
    %broadcast_in_dim3A_376 = vector.broadcast %broadcast_in_dim3A_375 : i32 to vector<16xi32>
    tpu.vector_store_idx %arg21[%add3A_358, %broadcast_in_dim3A_376], %broadcast_in_dim3A_1 : memref<128x8xf32, #tpu.memory_space<vmem>>[vector<16xi32>, vector<16xi32>], vector<16xf32>,
    %broadcast_in_dim3A_377 = arith.constant 7 : i32
    %broadcast_in_dim3A_378 = vector.broadcast %broadcast_in_dim3A_377 : i32 to vector<16xi32>
    tpu.vector_store_idx %arg23[%add3A_358, %broadcast_in_dim3A_378], %broadcast_in_dim3A_1 : memref<128x8xf32, #tpu.memory_space<vmem>>[vector<16xi32>, vector<16xi32>], vector<16xf32>,
    "tpu.region"() ({
      %run_scoped3A = tpu.sem_alloc : memref<!tpu.dma_semaphore, #tpu.memory_space<semaphore_mem>>
      tpu.enqueue_dma source(%arg5 : memref<3128x8xf32, #tpu.memory_space<hbm>>) target(%arg28 : memref<3128x8xf32, #tpu.memory_space<vmem>>) target_semaphore(%run_scoped3A : memref<!tpu.dma_semaphore, #tpu.memory_space<semaphore_mem>>)
      tpu.wait_dma2 semaphore(%run_scoped3A : memref<!tpu.dma_semaphore, #tpu.memory_space<semaphore_mem>>) src(%arg5 : memref<3128x8xf32, #tpu.memory_space<hbm>>) dst(%arg28 : memref<3128x8xf32, #tpu.memory_space<vmem>>)
      tpu.yield
    }) : () -> ()
    %mul3A_379 = arith.constant 3128 : i32
    %mul3A_380 = arith.muli %arg1, %mul3A_379 : i32
    "tpu.region"() ({
      %run_scoped3A = tpu.sem_alloc : memref<!tpu.dma_semaphore, #tpu.memory_space<semaphore_mem>>
      %dma_start3A_437 = arith.constant 0 : i32
      %dma_start3A_438 = tpu.memref_slice %arg29[%mul3A_380, %dma_start3A_437] : memref<50048x8xf32, #tpu.memory_space<vmem_shared>> -> memref<3128x8xf32, #tpu.memory_space<vmem_shared>>
      %dma_start3A_439 = arith.constant 0 : i32
      %dma_start3A_440 = tpu.memref_slice %arg29[%mul3A_380, %dma_start3A_439] : memref<50048x8xf32, #tpu.memory_space<vmem_shared>> -> memref<3128x8xf32, #tpu.memory_space<vmem_shared>>
      tpu.enqueue_dma source(%arg28 : memref<3128x8xf32, #tpu.memory_space<vmem>>) target(%dma_start3A_440 : memref<3128x8xf32, #tpu.memory_space<vmem_shared>>) target_semaphore(%run_scoped3A : memref<!tpu.dma_semaphore, #tpu.memory_space<semaphore_mem>>)
      %dma_wait3A_441 = arith.constant 0 : i32
      %dma_wait3A_442 = tpu.memref_slice %arg29[%mul3A_380, %dma_wait3A_441] : memref<50048x8xf32, #tpu.memory_space<vmem_shared>> -> memref<3128x8xf32, #tpu.memory_space<vmem_shared>>
      %dma_wait3A_443 = arith.constant 0 : i32
      %dma_wait3A_444 = tpu.memref_slice %arg29[%mul3A_380, %dma_wait3A_443] : memref<50048x8xf32, #tpu.memory_space<vmem_shared>> -> memref<3128x8xf32, #tpu.memory_space<vmem_shared>>
      tpu.wait_dma2 semaphore(%run_scoped3A : memref<!tpu.dma_semaphore, #tpu.memory_space<semaphore_mem>>) src(%arg28 : memref<3128x8xf32, #tpu.memory_space<vmem>>) dst(%dma_wait3A_444 : memref<3128x8xf32, #tpu.memory_space<vmem_shared>>)
      tpu.yield
    }) : () -> ()
    %barrier3A = arith.constant 0 : index
    tpu.barrier barrier_id(%barrier3A)
    %add3A_381 = arith.constant 0 : i32
    %add3A_382 = arith.addi %mul3A_3, %add3A_381 : i32
    %dma_start3A = tpu.memref_slice %arg2[%add3A_382] : memref<1605632xi32, #tpu.memory_space<hbm>> -> memref<128xi32, #tpu.memory_space<hbm>>
    %dma_start3A_383 = tpu.memref_slice %arg2[%add3A_382] : memref<1605632xi32, #tpu.memory_space<hbm>> -> memref<128xi32, #tpu.memory_space<hbm>>
    tpu.enqueue_dma source(%dma_start3A_383 : memref<128xi32, #tpu.memory_space<hbm>>) target(%arg8 : memref<128xi32, #tpu.memory_space<vmem>>) target_semaphore(%arg30 : memref<!tpu.dma_semaphore, #tpu.memory_space<semaphore_mem>>)
    %dma_start3A_384 = tpu.memref_slice %arg3[%add3A_382] : memref<1605632xi32, #tpu.memory_space<hbm>> -> memref<128xi32, #tpu.memory_space<hbm>>
    %dma_start3A_385 = tpu.memref_slice %arg3[%add3A_382] : memref<1605632xi32, #tpu.memory_space<hbm>> -> memref<128xi32, #tpu.memory_space<hbm>>
    tpu.enqueue_dma source(%dma_start3A_385 : memref<128xi32, #tpu.memory_space<hbm>>) target(%arg12 : memref<128xi32, #tpu.memory_space<vmem>>) target_semaphore(%arg30 : memref<!tpu.dma_semaphore, #tpu.memory_space<semaphore_mem>>)
    %add3A_386 = arith.constant 128 : i32
    %add3A_387 = arith.addi %mul3A_3, %add3A_386 : i32
    %dma_start3A_388 = tpu.memref_slice %arg2[%add3A_387] : memref<1605632xi32, #tpu.memory_space<hbm>> -> memref<128xi32, #tpu.memory_space<hbm>>
    %dma_start3A_389 = tpu.memref_slice %arg2[%add3A_387] : memref<1605632xi32, #tpu.memory_space<hbm>> -> memref<128xi32, #tpu.memory_space<hbm>>
    tpu.enqueue_dma source(%dma_start3A_389 : memref<128xi32, #tpu.memory_space<hbm>>) target(%arg9 : memref<128xi32, #tpu.memory_space<vmem>>) target_semaphore(%arg31 : memref<!tpu.dma_semaphore, #tpu.memory_space<semaphore_mem>>)
    %dma_start3A_390 = tpu.memref_slice %arg3[%add3A_387] : memref<1605632xi32, #tpu.memory_space<hbm>> -> memref<128xi32, #tpu.memory_space<hbm>>
    %dma_start3A_391 = tpu.memref_slice %arg3[%add3A_387] : memref<1605632xi32, #tpu.memory_space<hbm>> -> memref<128xi32, #tpu.memory_space<hbm>>
    tpu.enqueue_dma source(%dma_start3A_391 : memref<128xi32, #tpu.memory_space<hbm>>) target(%arg13 : memref<128xi32, #tpu.memory_space<vmem>>) target_semaphore(%arg31 : memref<!tpu.dma_semaphore, #tpu.memory_space<semaphore_mem>>)
    %add3A_392 = arith.constant 0 : i32
    %add3A_393 = arith.addi %mul3A_3, %add3A_392 : i32
    %dma_wait3A = tpu.memref_slice %arg2[%add3A_393] : memref<1605632xi32, #tpu.memory_space<hbm>> -> memref<128xi32, #tpu.memory_space<hbm>>
    %dma_wait3A_394 = tpu.memref_slice %arg2[%add3A_393] : memref<1605632xi32, #tpu.memory_space<hbm>> -> memref<128xi32, #tpu.memory_space<hbm>>
    tpu.wait_dma2 semaphore(%arg30 : memref<!tpu.dma_semaphore, #tpu.memory_space<semaphore_mem>>) src(%dma_wait3A_394 : memref<128xi32, #tpu.memory_space<hbm>>) dst(%arg8 : memref<128xi32, #tpu.memory_space<vmem>>)
    %dma_wait3A_395 = tpu.memref_slice %arg3[%add3A_393] : memref<1605632xi32, #tpu.memory_space<hbm>> -> memref<128xi32, #tpu.memory_space<hbm>>
    %dma_wait3A_396 = tpu.memref_slice %arg3[%add3A_393] : memref<1605632xi32, #tpu.memory_space<hbm>> -> memref<128xi32, #tpu.memory_space<hbm>>
    tpu.wait_dma2 semaphore(%arg30 : memref<!tpu.dma_semaphore, #tpu.memory_space<semaphore_mem>>) src(%dma_wait3A_396 : memref<128xi32, #tpu.memory_space<hbm>>) dst(%arg12 : memref<128xi32, #tpu.memory_space<vmem>>)
    %dma_start3A_397 = arith.constant 0 : i32
    %dma_start3A_398 = arith.constant 0 : i32
    %dma_start3A_399 = tpu.memref_slice %arg4[%dma_start3A_397, %dma_start3A_398] : memref<50048x8xf32, #tpu.memory_space<hbm>> -> memref<50048x8xf32, #tpu.memory_space<hbm>>
    tpu.enqueue_indirect_dma source(%dma_start3A_399 : memref<50048x8xf32, #tpu.memory_space<hbm>>) target(%arg16 : memref<128x8xf32, #tpu.memory_space<vmem>>) offsets(%arg8 : memref<128xi32, #tpu.memory_space<vmem>>) semaphore(%arg34 : memref<!tpu.dma_semaphore, #tpu.memory_space<semaphore_mem>>)
    %dma_start3A_400 = arith.constant 0 : i32
    %dma_start3A_401 = arith.constant 0 : i32
    %dma_start3A_402 = tpu.memref_slice %arg4[%dma_start3A_400, %dma_start3A_401] : memref<50048x8xf32, #tpu.memory_space<hbm>> -> memref<50048x8xf32, #tpu.memory_space<hbm>>
    tpu.enqueue_indirect_dma source(%dma_start3A_402 : memref<50048x8xf32, #tpu.memory_space<hbm>>) target(%arg18 : memref<128x8xf32, #tpu.memory_space<vmem>>) offsets(%arg12 : memref<128xi32, #tpu.memory_space<vmem>>) semaphore(%arg34 : memref<!tpu.dma_semaphore, #tpu.memory_space<semaphore_mem>>)
    %scan3A = arith.constant 0 : i32
    %scan3A_403 = arith.constant 0 : i32
    %scan3A_404 = arith.constant 98 : i32
    %scan3A_405 = arith.addi %scan3A_403, %scan3A_404 : i32
    %scan3A_406 = arith.constant 1 : i32
    scf.for %scan3A_437 = %scan3A_403 to %scan3A_405 step %scan3A_406  : i32 {
      %mul3A_438 = arith.constant 4 : i32
      %mul3A_439 = arith.muli %mul3A_438, %scan3A_437 : i32
      %add3A_440 = arith.constant 0 : i32
      %add3A_441 = arith.addi %mul3A_439, %add3A_440 : i32
      %dma_wait3A_442 = arith.constant 0 : i32
      %dma_wait3A_443 = arith.constant 0 : i32
      %dma_wait3A_444 = tpu.memref_slice %arg4[%dma_wait3A_442, %dma_wait3A_443] : memref<50048x8xf32, #tpu.memory_space<hbm>> -> memref<50048x8xf32, #tpu.memory_space<hbm>>
      tpu.wait_indirect_dma semaphore(%arg34 : memref<!tpu.dma_semaphore, #tpu.memory_space<semaphore_mem>>) src(%dma_wait3A_444 : memref<50048x8xf32, #tpu.memory_space<hbm>>) dst(%arg16 : memref<128x8xf32, #tpu.memory_space<vmem>>)
      %dma_wait3A_445 = arith.constant 0 : i32
      %dma_wait3A_446 = arith.constant 0 : i32
      %dma_wait3A_447 = tpu.memref_slice %arg4[%dma_wait3A_445, %dma_wait3A_446] : memref<50048x8xf32, #tpu.memory_space<hbm>> -> memref<50048x8xf32, #tpu.memory_space<hbm>>
      tpu.wait_indirect_dma semaphore(%arg34 : memref<!tpu.dma_semaphore, #tpu.memory_space<semaphore_mem>>) src(%dma_wait3A_447 : memref<50048x8xf32, #tpu.memory_space<hbm>>) dst(%arg18 : memref<128x8xf32, #tpu.memory_space<vmem>>)
      %ge3A = arith.constant 2 : i32
      %ge3A_448 = arith.cmpi sge, %add3A_441, %ge3A : i32
      %convert_element_type3A = arith.extui %ge3A_448 : i1 to i32
      %cond3A = arith.constant 0 : i32
      %cond3A_449 = arith.cmpi ne, %convert_element_type3A, %cond3A : i32
      scf.if %cond3A_449 {
        %dma_wait3A_662 = arith.constant 0 : i32
        %dma_wait3A_663 = arith.constant 0 : i32
        %dma_wait3A_664 = tpu.memref_slice %arg29[%dma_wait3A_662, %dma_wait3A_663] : memref<50048x8xf32, #tpu.memory_space<vmem_shared>> -> memref<50048x8xf32, #tpu.memory_space<vmem_shared>>
        tpu.wait_indirect_dma semaphore(%arg36 : memref<!tpu.dma_semaphore, #tpu.memory_space<semaphore_mem>>) src(%arg22 : memref<128x8xf32, #tpu.memory_space<vmem>>) dst(%dma_wait3A_664 : memref<50048x8xf32, #tpu.memory_space<vmem_shared>>)
        %dma_wait3A_665 = arith.constant 0 : i32
        %dma_wait3A_666 = arith.constant 0 : i32
        %dma_wait3A_667 = tpu.memref_slice %arg29[%dma_wait3A_665, %dma_wait3A_666] : memref<50048x8xf32, #tpu.memory_space<vmem_shared>> -> memref<50048x8xf32, #tpu.memory_space<vmem_shared>>
        tpu.wait_indirect_dma semaphore(%arg36 : memref<!tpu.dma_semaphore, #tpu.memory_space<semaphore_mem>>) src(%arg20 : memref<128x8xf32, #tpu.memory_space<vmem>>) dst(%dma_wait3A_667 : memref<50048x8xf32, #tpu.memory_space<vmem_shared>>)
      } else {
      }
      %add3A_450 = arith.constant 2 : i32
      %add3A_451 = arith.addi %add3A_441, %add3A_450 : i32
      %lt3A = arith.constant 392 : i32
      %lt3A_452 = arith.cmpi slt, %add3A_451, %lt3A : i32
      %convert_element_type3A_453 = arith.extui %lt3A_452 : i1 to i32
      %cond3A_454 = arith.constant 0 : i32
      %cond3A_455 = arith.cmpi ne, %convert_element_type3A_453, %cond3A_454 : i32
      scf.if %cond3A_455 {
        %add3A_662 = arith.constant 2 : i32
        %add3A_663 = arith.addi %add3A_441, %add3A_662 : i32
        %mul3A_664 = arith.constant 128 : i32
        %mul3A_665 = arith.muli %add3A_663, %mul3A_664 : i32
        %add3A_666 = arith.addi %mul3A_3, %mul3A_665 : i32
        %dma_start3A_667 = tpu.memref_slice %arg2[%add3A_666] : memref<1605632xi32, #tpu.memory_space<hbm>> -> memref<128xi32, #tpu.memory_space<hbm>>
        %dma_start3A_668 = tpu.memref_slice %arg2[%add3A_666] : memref<1605632xi32, #tpu.memory_space<hbm>> -> memref<128xi32, #tpu.memory_space<hbm>>
        tpu.enqueue_dma source(%dma_start3A_668 : memref<128xi32, #tpu.memory_space<hbm>>) target(%arg10 : memref<128xi32, #tpu.memory_space<vmem>>) target_semaphore(%arg32 : memref<!tpu.dma_semaphore, #tpu.memory_space<semaphore_mem>>)
        %dma_start3A_669 = tpu.memref_slice %arg3[%add3A_666] : memref<1605632xi32, #tpu.memory_space<hbm>> -> memref<128xi32, #tpu.memory_space<hbm>>
        %dma_start3A_670 = tpu.memref_slice %arg3[%add3A_666] : memref<1605632xi32, #tpu.memory_space<hbm>> -> memref<128xi32, #tpu.memory_space<hbm>>
        tpu.enqueue_dma source(%dma_start3A_670 : memref<128xi32, #tpu.memory_space<hbm>>) target(%arg14 : memref<128xi32, #tpu.memory_space<vmem>>) target_semaphore(%arg32 : memref<!tpu.dma_semaphore, #tpu.memory_space<semaphore_mem>>)
      } else {
      }
      %add3A_456 = arith.constant 1 : i32
      %add3A_457 = arith.addi %add3A_441, %add3A_456 : i32
      %lt3A_458 = arith.constant 392 : i32
      %lt3A_459 = arith.cmpi slt, %add3A_457, %lt3A_458 : i32
      %convert_element_type3A_460 = arith.extui %lt3A_459 : i1 to i32
      %cond3A_461 = arith.constant 0 : i32
      %cond3A_462 = arith.cmpi ne, %convert_element_type3A_460, %cond3A_461 : i32
      scf.if %cond3A_462 {
        %add3A_662 = arith.constant 1 : i32
        %add3A_663 = arith.addi %add3A_441, %add3A_662 : i32
        %mul3A_664 = arith.constant 128 : i32
        %mul3A_665 = arith.muli %add3A_663, %mul3A_664 : i32
        %add3A_666 = arith.addi %mul3A_3, %mul3A_665 : i32
        %dma_wait3A_667 = tpu.memref_slice %arg2[%add3A_666] : memref<1605632xi32, #tpu.memory_space<hbm>> -> memref<128xi32, #tpu.memory_space<hbm>>
        %dma_wait3A_668 = tpu.memref_slice %arg2[%add3A_666] : memref<1605632xi32, #tpu.memory_space<hbm>> -> memref<128xi32, #tpu.memory_space<hbm>>
        tpu.wait_dma2 semaphore(%arg31 : memref<!tpu.dma_semaphore, #tpu.memory_space<semaphore_mem>>) src(%dma_wait3A_668 : memref<128xi32, #tpu.memory_space<hbm>>) dst(%arg9 : memref<128xi32, #tpu.memory_space<vmem>>)
        %dma_wait3A_669 = tpu.memref_slice %arg3[%add3A_666] : memref<1605632xi32, #tpu.memory_space<hbm>> -> memref<128xi32, #tpu.memory_space<hbm>>
        %dma_wait3A_670 = tpu.memref_slice %arg3[%add3A_666] : memref<1605632xi32, #tpu.memory_space<hbm>> -> memref<128xi32, #tpu.memory_space<hbm>>
        tpu.wait_dma2 semaphore(%arg31 : memref<!tpu.dma_semaphore, #tpu.memory_space<semaphore_mem>>) src(%dma_wait3A_670 : memref<128xi32, #tpu.memory_space<hbm>>) dst(%arg13 : memref<128xi32, #tpu.memory_space<vmem>>)
        %dma_start3A_671 = arith.constant 0 : i32
        %dma_start3A_672 = arith.constant 0 : i32
        %dma_start3A_673 = tpu.memref_slice %arg4[%dma_start3A_671, %dma_start3A_672] : memref<50048x8xf32, #tpu.memory_space<hbm>> -> memref<50048x8xf32, #tpu.memory_space<hbm>>
        tpu.enqueue_indirect_dma source(%dma_start3A_673 : memref<50048x8xf32, #tpu.memory_space<hbm>>) target(%arg17 : memref<128x8xf32, #tpu.memory_space<vmem>>) offsets(%arg9 : memref<128xi32, #tpu.memory_space<vmem>>) semaphore(%arg35 : memref<!tpu.dma_semaphore, #tpu.memory_space<semaphore_mem>>)
        %dma_start3A_674 = arith.constant 0 : i32
        %dma_start3A_675 = arith.constant 0 : i32
        %dma_start3A_676 = tpu.memref_slice %arg4[%dma_start3A_674, %dma_start3A_675] : memref<50048x8xf32, #tpu.memory_space<hbm>> -> memref<50048x8xf32, #tpu.memory_space<hbm>>
        tpu.enqueue_indirect_dma source(%dma_start3A_676 : memref<50048x8xf32, #tpu.memory_space<hbm>>) target(%arg19 : memref<128x8xf32, #tpu.memory_space<vmem>>) offsets(%arg13 : memref<128xi32, #tpu.memory_space<vmem>>) semaphore(%arg35 : memref<!tpu.dma_semaphore, #tpu.memory_space<semaphore_mem>>)
      } else {
      }
      %get3A_463 = arith.constant 0 : index
      %get3A_464 = tpu.vector_load %arg24[%get3A_463] {strides = array<i32>} : memref<16xf32, #tpu.memory_space<vmem>>, vector<16xf32>,
      %get3A_465 = arith.constant 0 : index
      %get3A_466 = tpu.vector_load %arg25[%get3A_465] {strides = array<i32>} : memref<16xf32, #tpu.memory_space<vmem>>, vector<16xf32>,
      %get3A_467 = arith.constant 0 : index
      %get3A_468 = tpu.vector_load %arg26[%get3A_467] {strides = array<i32>} : memref<16xf32, #tpu.memory_space<vmem>>, vector<16xf32>,
      %get3A_469 = arith.constant 0 : index
      %get3A_470 = tpu.vector_load %arg27[%get3A_469] {strides = array<i32>} : memref<16xf32, #tpu.memory_space<vmem>>, vector<16xf32>,
      %scan3A_471 = arith.constant 0 : i32
      %scan3A_472 = arith.constant 4 : i32
      %scan3A_473 = arith.addi %scan3A_471, %scan3A_472 : i32
      %scan3A_474 = arith.constant 1 : i32
      %scan3A_475:4 = scf.for %scan3A_662 = %scan3A_471 to %scan3A_473 step %scan3A_474 iter_args(%scan3A_663 = %get3A_464, %scan3A_664 = %get3A_466, %scan3A_665 = %get3A_468, %scan3A_666 = %get3A_470) -> (vector<16xf32>, vector<16xf32>, vector<16xf32>, vector<16xf32>)  : i32 {
        %mul3A_667 = arith.constant 2 : i32
        %mul3A_668 = arith.muli %mul3A_667, %scan3A_662 : i32
        %mul3A_669 = arith.constant 16 : i32
        %mul3A_670 = arith.muli %mul3A_668, %mul3A_669 : i32
        %add3A_671 = vector.broadcast %mul3A_670 : i32 to vector<16xi32>
        %add3A_672 = arith.addi %iota3A, %add3A_671 : vector<16xi32>
        %mul3A_673 = arith.constant 16 : i32
        %mul3A_674 = arith.muli %mul3A_668, %mul3A_673 : i32
        %get3A_675 = arith.index_cast %mul3A_674 : i32 to index
        %get3A_676 = tpu.vector_load %arg8[%get3A_675] {strides = array<i32>} : memref<128xi32, #tpu.memory_space<vmem>>, vector<16xi32>,
        %mul3A_677 = arith.constant 16 : i32
        %mul3A_678 = arith.muli %mul3A_668, %mul3A_677 : i32
        %get3A_679 = arith.index_cast %mul3A_678 : i32 to index
        %get3A_680 = tpu.vector_load %arg12[%get3A_679] {strides = array<i32>} : memref<128xi32, #tpu.memory_space<vmem>>, vector<16xi32>,
        %broadcast_in_dim3A_681 = arith.constant 0 : i32
        %broadcast_in_dim3A_682 = vector.broadcast %broadcast_in_dim3A_681 : i32 to vector<16xi32>
        %gather3A = tpu.vector_load_idx %arg16[%add3A_672, %broadcast_in_dim3A_682] : memref<128x8xf32, #tpu.memory_space<vmem>>[vector<16xi32>, vector<16xi32>], vector<16xf32>,
        %broadcast_in_dim3A_683 = arith.constant 1 : i32
        %broadcast_in_dim3A_684 = vector.broadcast %broadcast_in_dim3A_683 : i32 to vector<16xi32>
        %gather3A_685 = tpu.vector_load_idx %arg16[%add3A_672, %broadcast_in_dim3A_684] : memref<128x8xf32, #tpu.memory_space<vmem>>[vector<16xi32>, vector<16xi32>], vector<16xf32>,
        %broadcast_in_dim3A_686 = arith.constant 2 : i32
        %broadcast_in_dim3A_687 = vector.broadcast %broadcast_in_dim3A_686 : i32 to vector<16xi32>
        %gather3A_688 = tpu.vector_load_idx %arg16[%add3A_672, %broadcast_in_dim3A_687] : memref<128x8xf32, #tpu.memory_space<vmem>>[vector<16xi32>, vector<16xi32>], vector<16xf32>,
        %broadcast_in_dim3A_689 = arith.constant 3 : i32
        %broadcast_in_dim3A_690 = vector.broadcast %broadcast_in_dim3A_689 : i32 to vector<16xi32>
        %gather3A_691 = tpu.vector_load_idx %arg16[%add3A_672, %broadcast_in_dim3A_690] : memref<128x8xf32, #tpu.memory_space<vmem>>[vector<16xi32>, vector<16xi32>], vector<16xf32>,
        %broadcast_in_dim3A_692 = arith.constant 4 : i32
        %broadcast_in_dim3A_693 = vector.broadcast %broadcast_in_dim3A_692 : i32 to vector<16xi32>
        %gather3A_694 = tpu.vector_load_idx %arg16[%add3A_672, %broadcast_in_dim3A_693] : memref<128x8xf32, #tpu.memory_space<vmem>>[vector<16xi32>, vector<16xi32>], vector<16xf32>,
        %broadcast_in_dim3A_695 = arith.constant 5 : i32
        %broadcast_in_dim3A_696 = vector.broadcast %broadcast_in_dim3A_695 : i32 to vector<16xi32>
        %gather3A_697 = tpu.vector_load_idx %arg16[%add3A_672, %broadcast_in_dim3A_696] : memref<128x8xf32, #tpu.memory_space<vmem>>[vector<16xi32>, vector<16xi32>], vector<16xf32>,
        %broadcast_in_dim3A_698 = arith.constant 6 : i32
        %broadcast_in_dim3A_699 = vector.broadcast %broadcast_in_dim3A_698 : i32 to vector<16xi32>
        %gather3A_700 = tpu.vector_load_idx %arg16[%add3A_672, %broadcast_in_dim3A_699] : memref<128x8xf32, #tpu.memory_space<vmem>>[vector<16xi32>, vector<16xi32>], vector<16xf32>,
        %broadcast_in_dim3A_701 = arith.constant 7 : i32
        %broadcast_in_dim3A_702 = vector.broadcast %broadcast_in_dim3A_701 : i32 to vector<16xi32>
        %gather3A_703 = tpu.vector_load_idx %arg16[%add3A_672, %broadcast_in_dim3A_702] : memref<128x8xf32, #tpu.memory_space<vmem>>[vector<16xi32>, vector<16xi32>], vector<16xf32>,
        %broadcast_in_dim3A_704 = arith.constant 0 : i32
        %broadcast_in_dim3A_705 = vector.broadcast %broadcast_in_dim3A_704 : i32 to vector<16xi32>
        %gather3A_706 = tpu.vector_load_idx %arg18[%add3A_672, %broadcast_in_dim3A_705] : memref<128x8xf32, #tpu.memory_space<vmem>>[vector<16xi32>, vector<16xi32>], vector<16xf32>,
        %broadcast_in_dim3A_707 = arith.constant 1 : i32
        %broadcast_in_dim3A_708 = vector.broadcast %broadcast_in_dim3A_707 : i32 to vector<16xi32>
        %gather3A_709 = tpu.vector_load_idx %arg18[%add3A_672, %broadcast_in_dim3A_708] : memref<128x8xf32, #tpu.memory_space<vmem>>[vector<16xi32>, vector<16xi32>], vector<16xf32>,
        %broadcast_in_dim3A_710 = arith.constant 2 : i32
        %broadcast_in_dim3A_711 = vector.broadcast %broadcast_in_dim3A_710 : i32 to vector<16xi32>
        %gather3A_712 = tpu.vector_load_idx %arg18[%add3A_672, %broadcast_in_dim3A_711] : memref<128x8xf32, #tpu.memory_space<vmem>>[vector<16xi32>, vector<16xi32>], vector<16xf32>,
        %broadcast_in_dim3A_713 = arith.constant 3 : i32
        %broadcast_in_dim3A_714 = vector.broadcast %broadcast_in_dim3A_713 : i32 to vector<16xi32>
        %gather3A_715 = tpu.vector_load_idx %arg18[%add3A_672, %broadcast_in_dim3A_714] : memref<128x8xf32, #tpu.memory_space<vmem>>[vector<16xi32>, vector<16xi32>], vector<16xf32>,
        %broadcast_in_dim3A_716 = arith.constant 4 : i32
        %broadcast_in_dim3A_717 = vector.broadcast %broadcast_in_dim3A_716 : i32 to vector<16xi32>
        %gather3A_718 = tpu.vector_load_idx %arg18[%add3A_672, %broadcast_in_dim3A_717] : memref<128x8xf32, #tpu.memory_space<vmem>>[vector<16xi32>, vector<16xi32>], vector<16xf32>,
        %broadcast_in_dim3A_719 = arith.constant 5 : i32
        %broadcast_in_dim3A_720 = vector.broadcast %broadcast_in_dim3A_719 : i32 to vector<16xi32>
        %gather3A_721 = tpu.vector_load_idx %arg18[%add3A_672, %broadcast_in_dim3A_720] : memref<128x8xf32, #tpu.memory_space<vmem>>[vector<16xi32>, vector<16xi32>], vector<16xf32>,
        %broadcast_in_dim3A_722 = arith.constant 6 : i32
        %broadcast_in_dim3A_723 = vector.broadcast %broadcast_in_dim3A_722 : i32 to vector<16xi32>
        %gather3A_724 = tpu.vector_load_idx %arg18[%add3A_672, %broadcast_in_dim3A_723] : memref<128x8xf32, #tpu.memory_space<vmem>>[vector<16xi32>, vector<16xi32>], vector<16xf32>,
        %broadcast_in_dim3A_725 = arith.constant 7 : i32
        %broadcast_in_dim3A_726 = vector.broadcast %broadcast_in_dim3A_725 : i32 to vector<16xi32>
        %gather3A_727 = tpu.vector_load_idx %arg18[%add3A_672, %broadcast_in_dim3A_726] : memref<128x8xf32, #tpu.memory_space<vmem>>[vector<16xi32>, vector<16xi32>], vector<16xf32>,
        %sub3A = arith.subf %gather3A_706, %gather3A : vector<16xf32>
        %bitcast3A = vector.bitcast %sub3A : vector<16xf32> to vector<16xi32>
        %add3A_728 = arith.constant 32767 : i32
        %add3A_729 = vector.broadcast %add3A_728 : i32 to vector<16xi32>
        %add3A_730 = arith.addi %bitcast3A, %add3A_729 : vector<16xi32>
        %shift_right_logical3A = arith.constant 16 : i32
        %shift_right_logical3A_731 = vector.broadcast %shift_right_logical3A : i32 to vector<16xi32>
        %shift_right_logical3A_732 = arith.shrui %bitcast3A, %shift_right_logical3A_731 : vector<16xi32>
        %and3A = arith.constant 1 : i32
        %and3A_733 = vector.broadcast %and3A : i32 to vector<16xi32>
        %and3A_734 = arith.andi %shift_right_logical3A_732, %and3A_733 : vector<16xi32>
        %add3A_735 = arith.addi %add3A_730, %and3A_734 : vector<16xi32>
        %and3A_736 = arith.constant -65536 : i32
        %and3A_737 = vector.broadcast %and3A_736 : i32 to vector<16xi32>
        %and3A_738 = arith.andi %add3A_735, %and3A_737 : vector<16xi32>
        %bitcast3A_739 = vector.bitcast %and3A_738 : vector<16xi32> to vector<16xf32>
        %mul3A_740 = arith.constant 1.250000e-01 : f32
        %mul3A_741 = vector.broadcast %mul3A_740 : f32 to vector<16xf32>
        %mul3A_742 = arith.mulf %bitcast3A_739, %mul3A_741 : vector<16xf32>
        %gt3A = arith.constant 5.000000e-01 : f32
        %gt3A_743 = vector.broadcast %gt3A : f32 to vector<16xf32>
        %gt3A_744 = arith.cmpf ogt, %mul3A_742, %gt3A_743 : vector<16xf32>
        %jit3A = arith.constant 1.000000e+00 : f32
        %jit3A_745 = arith.constant 0.000000e+00 : f32
        %broadcast_in_dim3A_746 = vector.broadcast %jit3A : f32 to vector<16xf32>
        %broadcast_in_dim3A_747 = vector.broadcast %jit3A_745 : f32 to vector<16xf32>
        %select_n3A = arith.select %gt3A_744, %broadcast_in_dim3A_746, %broadcast_in_dim3A_747 : vector<16xi1>, vector<16xf32>
        %lt3A_748 = arith.constant -5.000000e-01 : f32
        %lt3A_749 = vector.broadcast %lt3A_748 : f32 to vector<16xf32>
        %lt3A_750 = arith.cmpf olt, %mul3A_742, %lt3A_749 : vector<16xf32>
        %jit3A_751 = arith.constant 1.000000e+00 : f32
        %jit3A_752 = arith.constant 0.000000e+00 : f32
        %broadcast_in_dim3A_753 = vector.broadcast %jit3A_751 : f32 to vector<16xf32>
        %broadcast_in_dim3A_754 = vector.broadcast %jit3A_752 : f32 to vector<16xf32>
        %select_n3A_755 = arith.select %lt3A_750, %broadcast_in_dim3A_753, %broadcast_in_dim3A_754 : vector<16xi1>, vector<16xf32>
        %sub3A_756 = arith.subf %select_n3A, %select_n3A_755 : vector<16xf32>
        %sub3A_757 = arith.subf %mul3A_742, %sub3A_756 : vector<16xf32>
        %bitcast3A_758 = vector.bitcast %sub3A_757 : vector<16xf32> to vector<16xi32>
        %add3A_759 = arith.constant 32767 : i32
        %add3A_760 = vector.broadcast %add3A_759 : i32 to vector<16xi32>
        %add3A_761 = arith.addi %bitcast3A_758, %add3A_760 : vector<16xi32>
        %shift_right_logical3A_762 = arith.constant 16 : i32
        %shift_right_logical3A_763 = vector.broadcast %shift_right_logical3A_762 : i32 to vector<16xi32>
        %shift_right_logical3A_764 = arith.shrui %bitcast3A_758, %shift_right_logical3A_763 : vector<16xi32>
        %and3A_765 = arith.constant 1 : i32
        %and3A_766 = vector.broadcast %and3A_765 : i32 to vector<16xi32>
        %and3A_767 = arith.andi %shift_right_logical3A_764, %and3A_766 : vector<16xi32>
        %add3A_768 = arith.addi %add3A_761, %and3A_767 : vector<16xi32>
        %and3A_769 = arith.constant -65536 : i32
        %and3A_770 = vector.broadcast %and3A_769 : i32 to vector<16xi32>
        %and3A_771 = arith.andi %add3A_768, %and3A_770 : vector<16xi32>
        %bitcast3A_772 = vector.bitcast %and3A_771 : vector<16xi32> to vector<16xf32>
        %mul3A_773 = arith.constant 8.000000e+00 : f32
        %mul3A_774 = vector.broadcast %mul3A_773 : f32 to vector<16xf32>
        %mul3A_775 = arith.mulf %bitcast3A_772, %mul3A_774 : vector<16xf32>
        %sub3A_776 = arith.subf %gather3A_709, %gather3A_685 : vector<16xf32>
        %bitcast3A_777 = vector.bitcast %sub3A_776 : vector<16xf32> to vector<16xi32>
        %add3A_778 = arith.constant 32767 : i32
        %add3A_779 = vector.broadcast %add3A_778 : i32 to vector<16xi32>
        %add3A_780 = arith.addi %bitcast3A_777, %add3A_779 : vector<16xi32>
        %shift_right_logical3A_781 = arith.constant 16 : i32
        %shift_right_logical3A_782 = vector.broadcast %shift_right_logical3A_781 : i32 to vector<16xi32>
        %shift_right_logical3A_783 = arith.shrui %bitcast3A_777, %shift_right_logical3A_782 : vector<16xi32>
        %and3A_784 = arith.constant 1 : i32
        %and3A_785 = vector.broadcast %and3A_784 : i32 to vector<16xi32>
        %and3A_786 = arith.andi %shift_right_logical3A_783, %and3A_785 : vector<16xi32>
        %add3A_787 = arith.addi %add3A_780, %and3A_786 : vector<16xi32>
        %and3A_788 = arith.constant -65536 : i32
        %and3A_789 = vector.broadcast %and3A_788 : i32 to vector<16xi32>
        %and3A_790 = arith.andi %add3A_787, %and3A_789 : vector<16xi32>
        %bitcast3A_791 = vector.bitcast %and3A_790 : vector<16xi32> to vector<16xf32>
        %mul3A_792 = arith.constant 1.250000e-01 : f32
        %mul3A_793 = vector.broadcast %mul3A_792 : f32 to vector<16xf32>
        %mul3A_794 = arith.mulf %bitcast3A_791, %mul3A_793 : vector<16xf32>
        %gt3A_795 = arith.constant 5.000000e-01 : f32
        %gt3A_796 = vector.broadcast %gt3A_795 : f32 to vector<16xf32>
        %gt3A_797 = arith.cmpf ogt, %mul3A_794, %gt3A_796 : vector<16xf32>
        %jit3A_798 = arith.constant 1.000000e+00 : f32
        %jit3A_799 = arith.constant 0.000000e+00 : f32
        %broadcast_in_dim3A_800 = vector.broadcast %jit3A_798 : f32 to vector<16xf32>
        %broadcast_in_dim3A_801 = vector.broadcast %jit3A_799 : f32 to vector<16xf32>
        %select_n3A_802 = arith.select %gt3A_797, %broadcast_in_dim3A_800, %broadcast_in_dim3A_801 : vector<16xi1>, vector<16xf32>
        %lt3A_803 = arith.constant -5.000000e-01 : f32
        %lt3A_804 = vector.broadcast %lt3A_803 : f32 to vector<16xf32>
        %lt3A_805 = arith.cmpf olt, %mul3A_794, %lt3A_804 : vector<16xf32>
        %jit3A_806 = arith.constant 1.000000e+00 : f32
        %jit3A_807 = arith.constant 0.000000e+00 : f32
        %broadcast_in_dim3A_808 = vector.broadcast %jit3A_806 : f32 to vector<16xf32>
        %broadcast_in_dim3A_809 = vector.broadcast %jit3A_807 : f32 to vector<16xf32>
        %select_n3A_810 = arith.select %lt3A_805, %broadcast_in_dim3A_808, %broadcast_in_dim3A_809 : vector<16xi1>, vector<16xf32>
        %sub3A_811 = arith.subf %select_n3A_802, %select_n3A_810 : vector<16xf32>
        %sub3A_812 = arith.subf %mul3A_794, %sub3A_811 : vector<16xf32>
        %bitcast3A_813 = vector.bitcast %sub3A_812 : vector<16xf32> to vector<16xi32>
        %add3A_814 = arith.constant 32767 : i32
        %add3A_815 = vector.broadcast %add3A_814 : i32 to vector<16xi32>
        %add3A_816 = arith.addi %bitcast3A_813, %add3A_815 : vector<16xi32>
        %shift_right_logical3A_817 = arith.constant 16 : i32
        %shift_right_logical3A_818 = vector.broadcast %shift_right_logical3A_817 : i32 to vector<16xi32>
        %shift_right_logical3A_819 = arith.shrui %bitcast3A_813, %shift_right_logical3A_818 : vector<16xi32>
        %and3A_820 = arith.constant 1 : i32
        %and3A_821 = vector.broadcast %and3A_820 : i32 to vector<16xi32>
        %and3A_822 = arith.andi %shift_right_logical3A_819, %and3A_821 : vector<16xi32>
        %add3A_823 = arith.addi %add3A_816, %and3A_822 : vector<16xi32>
        %and3A_824 = arith.constant -65536 : i32
        %and3A_825 = vector.broadcast %and3A_824 : i32 to vector<16xi32>
        %and3A_826 = arith.andi %add3A_823, %and3A_825 : vector<16xi32>
        %bitcast3A_827 = vector.bitcast %and3A_826 : vector<16xi32> to vector<16xf32>
        %mul3A_828 = arith.constant 8.000000e+00 : f32
        %mul3A_829 = vector.broadcast %mul3A_828 : f32 to vector<16xf32>
        %mul3A_830 = arith.mulf %bitcast3A_827, %mul3A_829 : vector<16xf32>
        %sub3A_831 = arith.subf %gather3A_712, %gather3A_688 : vector<16xf32>
        %bitcast3A_832 = vector.bitcast %sub3A_831 : vector<16xf32> to vector<16xi32>
        %add3A_833 = arith.constant 32767 : i32
        %add3A_834 = vector.broadcast %add3A_833 : i32 to vector<16xi32>
        %add3A_835 = arith.addi %bitcast3A_832, %add3A_834 : vector<16xi32>
        %shift_right_logical3A_836 = arith.constant 16 : i32
        %shift_right_logical3A_837 = vector.broadcast %shift_right_logical3A_836 : i32 to vector<16xi32>
        %shift_right_logical3A_838 = arith.shrui %bitcast3A_832, %shift_right_logical3A_837 : vector<16xi32>
        %and3A_839 = arith.constant 1 : i32
        %and3A_840 = vector.broadcast %and3A_839 : i32 to vector<16xi32>
        %and3A_841 = arith.andi %shift_right_logical3A_838, %and3A_840 : vector<16xi32>
        %add3A_842 = arith.addi %add3A_835, %and3A_841 : vector<16xi32>
        %and3A_843 = arith.constant -65536 : i32
        %and3A_844 = vector.broadcast %and3A_843 : i32 to vector<16xi32>
        %and3A_845 = arith.andi %add3A_842, %and3A_844 : vector<16xi32>
        %bitcast3A_846 = vector.bitcast %and3A_845 : vector<16xi32> to vector<16xf32>
        %mul3A_847 = arith.constant 1.250000e-01 : f32
        %mul3A_848 = vector.broadcast %mul3A_847 : f32 to vector<16xf32>
        %mul3A_849 = arith.mulf %bitcast3A_846, %mul3A_848 : vector<16xf32>
        %gt3A_850 = arith.constant 5.000000e-01 : f32
        %gt3A_851 = vector.broadcast %gt3A_850 : f32 to vector<16xf32>
        %gt3A_852 = arith.cmpf ogt, %mul3A_849, %gt3A_851 : vector<16xf32>
        %jit3A_853 = arith.constant 1.000000e+00 : f32
        %jit3A_854 = arith.constant 0.000000e+00 : f32
        %broadcast_in_dim3A_855 = vector.broadcast %jit3A_853 : f32 to vector<16xf32>
        %broadcast_in_dim3A_856 = vector.broadcast %jit3A_854 : f32 to vector<16xf32>
        %select_n3A_857 = arith.select %gt3A_852, %broadcast_in_dim3A_855, %broadcast_in_dim3A_856 : vector<16xi1>, vector<16xf32>
        %lt3A_858 = arith.constant -5.000000e-01 : f32
        %lt3A_859 = vector.broadcast %lt3A_858 : f32 to vector<16xf32>
        %lt3A_860 = arith.cmpf olt, %mul3A_849, %lt3A_859 : vector<16xf32>
        %jit3A_861 = arith.constant 1.000000e+00 : f32
        %jit3A_862 = arith.constant 0.000000e+00 : f32
        %broadcast_in_dim3A_863 = vector.broadcast %jit3A_861 : f32 to vector<16xf32>
        %broadcast_in_dim3A_864 = vector.broadcast %jit3A_862 : f32 to vector<16xf32>
        %select_n3A_865 = arith.select %lt3A_860, %broadcast_in_dim3A_863, %broadcast_in_dim3A_864 : vector<16xi1>, vector<16xf32>
        %sub3A_866 = arith.subf %select_n3A_857, %select_n3A_865 : vector<16xf32>
        %sub3A_867 = arith.subf %mul3A_849, %sub3A_866 : vector<16xf32>
        %bitcast3A_868 = vector.bitcast %sub3A_867 : vector<16xf32> to vector<16xi32>
        %add3A_869 = arith.constant 32767 : i32
        %add3A_870 = vector.broadcast %add3A_869 : i32 to vector<16xi32>
        %add3A_871 = arith.addi %bitcast3A_868, %add3A_870 : vector<16xi32>
        %shift_right_logical3A_872 = arith.constant 16 : i32
        %shift_right_logical3A_873 = vector.broadcast %shift_right_logical3A_872 : i32 to vector<16xi32>
        %shift_right_logical3A_874 = arith.shrui %bitcast3A_868, %shift_right_logical3A_873 : vector<16xi32>
        %and3A_875 = arith.constant 1 : i32
        %and3A_876 = vector.broadcast %and3A_875 : i32 to vector<16xi32>
        %and3A_877 = arith.andi %shift_right_logical3A_874, %and3A_876 : vector<16xi32>
        %add3A_878 = arith.addi %add3A_871, %and3A_877 : vector<16xi32>
        %and3A_879 = arith.constant -65536 : i32
        %and3A_880 = vector.broadcast %and3A_879 : i32 to vector<16xi32>
        %and3A_881 = arith.andi %add3A_878, %and3A_880 : vector<16xi32>
        %bitcast3A_882 = vector.bitcast %and3A_881 : vector<16xi32> to vector<16xf32>
        %mul3A_883 = arith.constant 8.000000e+00 : f32
        %mul3A_884 = vector.broadcast %mul3A_883 : f32 to vector<16xf32>
        %mul3A_885 = arith.mulf %bitcast3A_882, %mul3A_884 : vector<16xf32>
        %mul3A_886 = arith.mulf %mul3A_775, %mul3A_775 : vector<16xf32>
        %mul3A_887 = arith.mulf %mul3A_830, %mul3A_830 : vector<16xf32>
        %add3A_888 = arith.addf %mul3A_886, %mul3A_887 : vector<16xf32>
        %mul3A_889 = arith.mulf %mul3A_885, %mul3A_885 : vector<16xf32>
        %add3A_890 = arith.addf %add3A_888, %mul3A_889 : vector<16xf32>
        %add3A_891 = arith.constant 9.99999996E-13 : f32
        %add3A_892 = vector.broadcast %add3A_891 : f32 to vector<16xf32>
        %add3A_893 = arith.addf %add3A_890, %add3A_892 : vector<16xf32>
        %le3A = arith.constant 1.000000e+00 : f32
        %le3A_894 = vector.broadcast %le3A : f32 to vector<16xf32>
        %le3A_895 = arith.cmpf ole, %add3A_893, %le3A_894 : vector<16xf32>
        %gt3A_896 = arith.constant 9.99999993E-9 : f32
        %gt3A_897 = vector.broadcast %gt3A_896 : f32 to vector<16xf32>
        %gt3A_898 = arith.cmpf ogt, %add3A_893, %gt3A_897 : vector<16xf32>
        %and3A_899 = arith.andi %le3A_895, %gt3A_898 : vector<16xi1>
        %ne3A = arith.cmpi ne, %get3A_676, %get3A_680 : vector<16xi32>
        %and3A_900 = arith.andi %and3A_899, %ne3A : vector<16xi1>
        %jit3A_901 = arith.constant 1.000000e+00 : f32
        %jit3A_902 = arith.constant 0.000000e+00 : f32
        %broadcast_in_dim3A_903 = vector.broadcast %jit3A_901 : f32 to vector<16xf32>
        %broadcast_in_dim3A_904 = vector.broadcast %jit3A_902 : f32 to vector<16xf32>
        %select_n3A_905 = arith.select %and3A_900, %broadcast_in_dim3A_903, %broadcast_in_dim3A_904 : vector<16xi1>, vector<16xf32>
        %bitcast3A_906 = vector.bitcast %add3A_893 : vector<16xf32> to vector<16xi32>
        %shift_right_logical3A_907 = arith.constant 1 : i32
        %shift_right_logical3A_908 = vector.broadcast %shift_right_logical3A_907 : i32 to vector<16xi32>
        %shift_right_logical3A_909 = arith.shrui %bitcast3A_906, %shift_right_logical3A_908 : vector<16xi32>
        %sub3A_910 = arith.constant 1597463007 : i32
        %sub3A_911 = vector.broadcast %sub3A_910 : i32 to vector<16xi32>
        %sub3A_912 = arith.subi %sub3A_911, %shift_right_logical3A_909 : vector<16xi32>
        %bitcast3A_913 = vector.bitcast %sub3A_912 : vector<16xi32> to vector<16xf32>
        %mul3A_914 = arith.constant 5.000000e-01 : f32
        %mul3A_915 = vector.broadcast %mul3A_914 : f32 to vector<16xf32>
        %mul3A_916 = arith.mulf %mul3A_915, %add3A_893 : vector<16xf32>
        %mul3A_917 = arith.mulf %mul3A_916, %bitcast3A_913 : vector<16xf32>
        %mul3A_918 = arith.mulf %mul3A_917, %bitcast3A_913 : vector<16xf32>
        %sub3A_919 = arith.constant 1.500000e+00 : f32
        %sub3A_920 = vector.broadcast %sub3A_919 : f32 to vector<16xf32>
        %sub3A_921 = arith.subf %sub3A_920, %mul3A_918 : vector<16xf32>
        %mul3A_922 = arith.mulf %bitcast3A_913, %sub3A_921 : vector<16xf32>
        %mul3A_923 = arith.constant 5.000000e-01 : f32
        %mul3A_924 = vector.broadcast %mul3A_923 : f32 to vector<16xf32>
        %mul3A_925 = arith.mulf %mul3A_924, %add3A_893 : vector<16xf32>
        %mul3A_926 = arith.mulf %mul3A_925, %mul3A_922 : vector<16xf32>
        %mul3A_927 = arith.mulf %mul3A_926, %mul3A_922 : vector<16xf32>
        %sub3A_928 = arith.constant 1.500000e+00 : f32
        %sub3A_929 = vector.broadcast %sub3A_928 : f32 to vector<16xf32>
        %sub3A_930 = arith.subf %sub3A_929, %mul3A_927 : vector<16xf32>
        %mul3A_931 = arith.mulf %mul3A_922, %sub3A_930 : vector<16xf32>
        %mul3A_932 = arith.constant 5.000000e-01 : f32
        %mul3A_933 = vector.broadcast %mul3A_932 : f32 to vector<16xf32>
        %mul3A_934 = arith.mulf %mul3A_933, %add3A_893 : vector<16xf32>
        %mul3A_935 = arith.mulf %mul3A_934, %mul3A_931 : vector<16xf32>
        %mul3A_936 = arith.mulf %mul3A_935, %mul3A_931 : vector<16xf32>
        %sub3A_937 = arith.constant 1.500000e+00 : f32
        %sub3A_938 = vector.broadcast %sub3A_937 : f32 to vector<16xf32>
        %sub3A_939 = arith.subf %sub3A_938, %mul3A_936 : vector<16xf32>
        %mul3A_940 = arith.mulf %mul3A_931, %sub3A_939 : vector<16xf32>
        %mul3A_941 = arith.mulf %mul3A_940, %mul3A_940 : vector<16xf32>
        %mul3A_942 = arith.mulf %mul3A_941, %mul3A_940 : vector<16xf32>
        %mul3A_943 = arith.mulf %mul3A_942, %mul3A_941 : vector<16xf32>
        %mul3A_944 = arith.mulf %add3A_893, %mul3A_940 : vector<16xf32>
        %mul3A_945 = arith.mulf %mul3A_775, %gather3A_694 : vector<16xf32>
        %mul3A_946 = arith.mulf %mul3A_830, %gather3A_697 : vector<16xf32>
        %add3A_947 = arith.addf %mul3A_945, %mul3A_946 : vector<16xf32>
        %mul3A_948 = arith.mulf %mul3A_885, %gather3A_700 : vector<16xf32>
        %add3A_949 = arith.addf %add3A_947, %mul3A_948 : vector<16xf32>
        %mul3A_950 = arith.mulf %mul3A_775, %gather3A_718 : vector<16xf32>
        %mul3A_951 = arith.mulf %mul3A_830, %gather3A_721 : vector<16xf32>
        %add3A_952 = arith.addf %mul3A_950, %mul3A_951 : vector<16xf32>
        %mul3A_953 = arith.mulf %mul3A_885, %gather3A_724 : vector<16xf32>
        %add3A_954 = arith.addf %add3A_952, %mul3A_953 : vector<16xf32>
        %mul3A_955 = arith.mulf %gather3A_694, %gather3A_718 : vector<16xf32>
        %mul3A_956 = arith.mulf %gather3A_697, %gather3A_721 : vector<16xf32>
        %add3A_957 = arith.addf %mul3A_955, %mul3A_956 : vector<16xf32>
        %mul3A_958 = arith.mulf %gather3A_700, %gather3A_724 : vector<16xf32>
        %add3A_959 = arith.addf %add3A_957, %mul3A_958 : vector<16xf32>
        %mul3A_960 = arith.mulf %gather3A_715, %gather3A_691 : vector<16xf32>
        %mul3A_961 = arith.mulf %mul3A_960, %mul3A_940 : vector<16xf32>
        %mul3A_962 = arith.mulf %gather3A_715, %add3A_949 : vector<16xf32>
        %mul3A_963 = arith.mulf %gather3A_691, %add3A_954 : vector<16xf32>
        %sub3A_964 = arith.subf %mul3A_962, %mul3A_963 : vector<16xf32>
        %mul3A_965 = arith.mulf %sub3A_964, %mul3A_942 : vector<16xf32>
        %add3A_966 = arith.addf %mul3A_961, %mul3A_965 : vector<16xf32>
        %mul3A_967 = arith.constant 3.000000e+00 : f32
        %mul3A_968 = vector.broadcast %mul3A_967 : f32 to vector<16xf32>
        %mul3A_969 = arith.mulf %mul3A_968, %add3A_954 : vector<16xf32>
        %mul3A_970 = arith.mulf %mul3A_969, %add3A_949 : vector<16xf32>
        %mul3A_971 = arith.mulf %mul3A_970, %mul3A_943 : vector<16xf32>
        %add3A_972 = arith.addf %add3A_966, %mul3A_971 : vector<16xf32>
        %mul3A_973 = arith.mulf %add3A_959, %mul3A_942 : vector<16xf32>
        %sub3A_974 = arith.subf %add3A_972, %mul3A_973 : vector<16xf32>
        %mul3A_975 = arith.mulf %gather3A_703, %gather3A_727 : vector<16xf32>
        %bitcast3A_976 = vector.bitcast %mul3A_975 : vector<16xf32> to vector<16xi32>
        %shift_right_logical3A_977 = arith.constant 1 : i32
        %shift_right_logical3A_978 = vector.broadcast %shift_right_logical3A_977 : i32 to vector<16xi32>
        %shift_right_logical3A_979 = arith.shrui %bitcast3A_976, %shift_right_logical3A_978 : vector<16xi32>
        %sub3A_980 = arith.constant 1597463007 : i32
        %sub3A_981 = vector.broadcast %sub3A_980 : i32 to vector<16xi32>
        %sub3A_982 = arith.subi %sub3A_981, %shift_right_logical3A_979 : vector<16xi32>
        %bitcast3A_983 = vector.bitcast %sub3A_982 : vector<16xi32> to vector<16xf32>
        %mul3A_984 = arith.constant 5.000000e-01 : f32
        %mul3A_985 = vector.broadcast %mul3A_984 : f32 to vector<16xf32>
        %mul3A_986 = arith.mulf %mul3A_985, %mul3A_975 : vector<16xf32>
        %mul3A_987 = arith.mulf %mul3A_986, %bitcast3A_983 : vector<16xf32>
        %mul3A_988 = arith.mulf %mul3A_987, %bitcast3A_983 : vector<16xf32>
        %sub3A_989 = arith.constant 1.500000e+00 : f32
        %sub3A_990 = vector.broadcast %sub3A_989 : f32 to vector<16xf32>
        %sub3A_991 = arith.subf %sub3A_990, %mul3A_988 : vector<16xf32>
        %mul3A_992 = arith.mulf %bitcast3A_983, %sub3A_991 : vector<16xf32>
        %mul3A_993 = arith.constant 5.000000e-01 : f32
        %mul3A_994 = vector.broadcast %mul3A_993 : f32 to vector<16xf32>
        %mul3A_995 = arith.mulf %mul3A_994, %mul3A_975 : vector<16xf32>
        %mul3A_996 = arith.mulf %mul3A_995, %mul3A_992 : vector<16xf32>
        %mul3A_997 = arith.mulf %mul3A_996, %mul3A_992 : vector<16xf32>
        %sub3A_998 = arith.constant 1.500000e+00 : f32
        %sub3A_999 = vector.broadcast %sub3A_998 : f32 to vector<16xf32>
        %sub3A_1000 = arith.subf %sub3A_999, %mul3A_997 : vector<16xf32>
        %mul3A_1001 = arith.mulf %mul3A_992, %sub3A_1000 : vector<16xf32>
        %mul3A_1002 = arith.constant 5.000000e-01 : f32
        %mul3A_1003 = vector.broadcast %mul3A_1002 : f32 to vector<16xf32>
        %mul3A_1004 = arith.mulf %mul3A_1003, %mul3A_975 : vector<16xf32>
        %mul3A_1005 = arith.mulf %mul3A_1004, %mul3A_1001 : vector<16xf32>
        %mul3A_1006 = arith.mulf %mul3A_1005, %mul3A_1001 : vector<16xf32>
        %sub3A_1007 = arith.constant 1.500000e+00 : f32
        %sub3A_1008 = vector.broadcast %sub3A_1007 : f32 to vector<16xf32>
        %sub3A_1009 = arith.subf %sub3A_1008, %mul3A_1006 : vector<16xf32>
        %mul3A_1010 = arith.mulf %mul3A_1001, %sub3A_1009 : vector<16xf32>
        %mul3A_1011 = arith.constant 3.900000e-01 : f32
        %mul3A_1012 = vector.broadcast %mul3A_1011 : f32 to vector<16xf32>
        %mul3A_1013 = arith.mulf %mul3A_1012, %add3A_893 : vector<16xf32>
        %mul3A_1014 = arith.mulf %mul3A_1013, %mul3A_944 : vector<16xf32>
        %mul3A_1015 = arith.mulf %mul3A_1014, %mul3A_1010 : vector<16xf32>
        %neg3A = arith.constant 0.000000e+00 : f32
        %neg3A_1016 = vector.broadcast %neg3A : f32 to vector<16xf32>
        %neg3A_1017 = arith.subf %neg3A_1016, %mul3A_1015 : vector<16xf32>
        %exp3A = math.exp %neg3A_1017 : vector<16xf32>
        %sub3A_1018 = arith.constant 1.000000e+00 : f32
        %sub3A_1019 = vector.broadcast %sub3A_1018 : f32 to vector<16xf32>
        %sub3A_1020 = arith.subf %sub3A_1019, %exp3A : vector<16xf32>
        %add3A_1021 = arith.constant 1.000000e+00 : f32
        %add3A_1022 = vector.broadcast %add3A_1021 : f32 to vector<16xf32>
        %add3A_1023 = arith.addf %add3A_1022, %mul3A_1015 : vector<16xf32>
        %mul3A_1024 = arith.mulf %add3A_1023, %exp3A : vector<16xf32>
        %sub3A_1025 = arith.constant 1.000000e+00 : f32
        %sub3A_1026 = vector.broadcast %sub3A_1025 : f32 to vector<16xf32>
        %sub3A_1027 = arith.subf %sub3A_1026, %mul3A_1024 : vector<16xf32>
        %mul3A_1028 = arith.constant -138.935455 : f32
        %mul3A_1029 = vector.broadcast %mul3A_1028 : f32 to vector<16xf32>
        %mul3A_1030 = arith.mulf %mul3A_1029, %select_n3A_905 : vector<16xf32>
        %mul3A_1031 = arith.mulf %sub3A_1020, %mul3A_942 : vector<16xf32>
        %mul3A_1032 = arith.mulf %mul3A_1030, %mul3A_1031 : vector<16xf32>
        %mul3A_1033 = arith.constant 3.000000e+00 : f32
        %mul3A_1034 = vector.broadcast %mul3A_1033 : f32 to vector<16xf32>
        %mul3A_1035 = arith.mulf %mul3A_1034, %sub3A_1027 : vector<16xf32>
        %mul3A_1036 = arith.mulf %mul3A_1035, %add3A_949 : vector<16xf32>
        %mul3A_1037 = arith.mulf %mul3A_1036, %mul3A_943 : vector<16xf32>
        %mul3A_1038 = arith.mulf %mul3A_1030, %mul3A_1037 : vector<16xf32>
        %mul3A_1039 = arith.mulf %mul3A_1032, %gather3A_691 : vector<16xf32>
        %sub3A_1040 = arith.subf %mul3A_1038, %mul3A_1039 : vector<16xf32>
        %mul3A_1041 = arith.constant 3.000000e+00 : f32
        %mul3A_1042 = vector.broadcast %mul3A_1041 : f32 to vector<16xf32>
        %mul3A_1043 = arith.mulf %mul3A_1042, %sub3A_1027 : vector<16xf32>
        %mul3A_1044 = arith.mulf %mul3A_1043, %add3A_954 : vector<16xf32>
        %mul3A_1045 = arith.mulf %mul3A_1044, %mul3A_943 : vector<16xf32>
        %mul3A_1046 = arith.mulf %mul3A_1030, %mul3A_1045 : vector<16xf32>
        %mul3A_1047 = arith.mulf %mul3A_1032, %gather3A_715 : vector<16xf32>
        %add3A_1048 = arith.addf %mul3A_1046, %mul3A_1047 : vector<16xf32>
        %broadcast_in_dim3A_1049 = arith.constant 0 : i32
        %broadcast_in_dim3A_1050 = vector.broadcast %broadcast_in_dim3A_1049 : i32 to vector<16xi32>
        %mul3A_1051 = arith.mulf %sub3A_1040, %mul3A_775 : vector<16xf32>
        %mul3A_1052 = arith.mulf %mul3A_1032, %gather3A_694 : vector<16xf32>
        %sub3A_1053 = arith.subf %mul3A_1051, %mul3A_1052 : vector<16xf32>
        tpu.vector_store_idx %arg22[%add3A_672, %broadcast_in_dim3A_1050], %sub3A_1053 : memref<128x8xf32, #tpu.memory_space<vmem>>[vector<16xi32>, vector<16xi32>], vector<16xf32>,
        %broadcast_in_dim3A_1054 = arith.constant 1 : i32
        %broadcast_in_dim3A_1055 = vector.broadcast %broadcast_in_dim3A_1054 : i32 to vector<16xi32>
        %mul3A_1056 = arith.mulf %sub3A_1040, %mul3A_830 : vector<16xf32>
        %mul3A_1057 = arith.mulf %mul3A_1032, %gather3A_697 : vector<16xf32>
        %sub3A_1058 = arith.subf %mul3A_1056, %mul3A_1057 : vector<16xf32>
        tpu.vector_store_idx %arg22[%add3A_672, %broadcast_in_dim3A_1055], %sub3A_1058 : memref<128x8xf32, #tpu.memory_space<vmem>>[vector<16xi32>, vector<16xi32>], vector<16xf32>,
        %broadcast_in_dim3A_1059 = arith.constant 2 : i32
        %broadcast_in_dim3A_1060 = vector.broadcast %broadcast_in_dim3A_1059 : i32 to vector<16xi32>
        %mul3A_1061 = arith.mulf %sub3A_1040, %mul3A_885 : vector<16xf32>
        %mul3A_1062 = arith.mulf %mul3A_1032, %gather3A_700 : vector<16xf32>
        %sub3A_1063 = arith.subf %mul3A_1061, %mul3A_1062 : vector<16xf32>
        tpu.vector_store_idx %arg22[%add3A_672, %broadcast_in_dim3A_1060], %sub3A_1063 : memref<128x8xf32, #tpu.memory_space<vmem>>[vector<16xi32>, vector<16xi32>], vector<16xf32>,
        %broadcast_in_dim3A_1064 = arith.constant 0 : i32
        %broadcast_in_dim3A_1065 = vector.broadcast %broadcast_in_dim3A_1064 : i32 to vector<16xi32>
        %mul3A_1066 = arith.mulf %add3A_1048, %mul3A_775 : vector<16xf32>
        %mul3A_1067 = arith.mulf %mul3A_1032, %gather3A_718 : vector<16xf32>
        %sub3A_1068 = arith.subf %mul3A_1066, %mul3A_1067 : vector<16xf32>
        tpu.vector_store_idx %arg20[%add3A_672, %broadcast_in_dim3A_1065], %sub3A_1068 : memref<128x8xf32, #tpu.memory_space<vmem>>[vector<16xi32>, vector<16xi32>], vector<16xf32>,
        %broadcast_in_dim3A_1069 = arith.constant 1 : i32
        %broadcast_in_dim3A_1070 = vector.broadcast %broadcast_in_dim3A_1069 : i32 to vector<16xi32>
        %mul3A_1071 = arith.mulf %add3A_1048, %mul3A_830 : vector<16xf32>
        %mul3A_1072 = arith.mulf %mul3A_1032, %gather3A_721 : vector<16xf32>
        %sub3A_1073 = arith.subf %mul3A_1071, %mul3A_1072 : vector<16xf32>
        tpu.vector_store_idx %arg20[%add3A_672, %broadcast_in_dim3A_1070], %sub3A_1073 : memref<128x8xf32, #tpu.memory_space<vmem>>[vector<16xi32>, vector<16xi32>], vector<16xf32>,
        %broadcast_in_dim3A_1074 = arith.constant 2 : i32
        %broadcast_in_dim3A_1075 = vector.broadcast %broadcast_in_dim3A_1074 : i32 to vector<16xi32>
        %mul3A_1076 = arith.mulf %add3A_1048, %mul3A_885 : vector<16xf32>
        %mul3A_1077 = arith.mulf %mul3A_1032, %gather3A_724 : vector<16xf32>
        %sub3A_1078 = arith.subf %mul3A_1076, %mul3A_1077 : vector<16xf32>
        tpu.vector_store_idx %arg20[%add3A_672, %broadcast_in_dim3A_1075], %sub3A_1078 : memref<128x8xf32, #tpu.memory_space<vmem>>[vector<16xi32>, vector<16xi32>], vector<16xf32>,
        %mul3A_1079 = arith.mulf %sub3A_974, %select_n3A_905 : vector<16xf32>
        %mul3A_1080 = arith.constant 2 : i32
        %mul3A_1081 = arith.muli %mul3A_1080, %scan3A_662 : i32
        %add3A_1082 = arith.constant 1 : i32
        %add3A_1083 = arith.addi %mul3A_1081, %add3A_1082 : i32
        %mul3A_1084 = arith.constant 16 : i32
        %mul3A_1085 = arith.muli %add3A_1083, %mul3A_1084 : i32
        %add3A_1086 = vector.broadcast %mul3A_1085 : i32 to vector<16xi32>
        %add3A_1087 = arith.addi %iota3A, %add3A_1086 : vector<16xi32>
        %mul3A_1088 = arith.constant 16 : i32
        %mul3A_1089 = arith.muli %add3A_1083, %mul3A_1088 : i32
        %get3A_1090 = arith.index_cast %mul3A_1089 : i32 to index
        %get3A_1091 = tpu.vector_load %arg8[%get3A_1090] {strides = array<i32>} : memref<128xi32, #tpu.memory_space<vmem>>, vector<16xi32>,
        %mul3A_1092 = arith.constant 16 : i32
        %mul3A_1093 = arith.muli %add3A_1083, %mul3A_1092 : i32
        %get3A_1094 = arith.index_cast %mul3A_1093 : i32 to index
        %get3A_1095 = tpu.vector_load %arg12[%get3A_1094] {strides = array<i32>} : memref<128xi32, #tpu.memory_space<vmem>>, vector<16xi32>,
        %broadcast_in_dim3A_1096 = arith.constant 0 : i32
        %broadcast_in_dim3A_1097 = vector.broadcast %broadcast_in_dim3A_1096 : i32 to vector<16xi32>
        %gather3A_1098 = tpu.vector_load_idx %arg16[%add3A_1087, %broadcast_in_dim3A_1097] : memref<128x8xf32, #tpu.memory_space<vmem>>[vector<16xi32>, vector<16xi32>], vector<16xf32>,
        %broadcast_in_dim3A_1099 = arith.constant 1 : i32
        %broadcast_in_dim3A_1100 = vector.broadcast %broadcast_in_dim3A_1099 : i32 to vector<16xi32>
        %gather3A_1101 = tpu.vector_load_idx %arg16[%add3A_1087, %broadcast_in_dim3A_1100] : memref<128x8xf32, #tpu.memory_space<vmem>>[vector<16xi32>, vector<16xi32>], vector<16xf32>,
        %broadcast_in_dim3A_1102 = arith.constant 2 : i32
        %broadcast_in_dim3A_1103 = vector.broadcast %broadcast_in_dim3A_1102 : i32 to vector<16xi32>
        %gather3A_1104 = tpu.vector_load_idx %arg16[%add3A_1087, %broadcast_in_dim3A_1103] : memref<128x8xf32, #tpu.memory_space<vmem>>[vector<16xi32>, vector<16xi32>], vector<16xf32>,
        %broadcast_in_dim3A_1105 = arith.constant 3 : i32
        %broadcast_in_dim3A_1106 = vector.broadcast %broadcast_in_dim3A_1105 : i32 to vector<16xi32>
        %gather3A_1107 = tpu.vector_load_idx %arg16[%add3A_1087, %broadcast_in_dim3A_1106] : memref<128x8xf32, #tpu.memory_space<vmem>>[vector<16xi32>, vector<16xi32>], vector<16xf32>,
        %broadcast_in_dim3A_1108 = arith.constant 4 : i32
        %broadcast_in_dim3A_1109 = vector.broadcast %broadcast_in_dim3A_1108 : i32 to vector<16xi32>
        %gather3A_1110 = tpu.vector_load_idx %arg16[%add3A_1087, %broadcast_in_dim3A_1109] : memref<128x8xf32, #tpu.memory_space<vmem>>[vector<16xi32>, vector<16xi32>], vector<16xf32>,
        %broadcast_in_dim3A_1111 = arith.constant 5 : i32
        %broadcast_in_dim3A_1112 = vector.broadcast %broadcast_in_dim3A_1111 : i32 to vector<16xi32>
        %gather3A_1113 = tpu.vector_load_idx %arg16[%add3A_1087, %broadcast_in_dim3A_1112] : memref<128x8xf32, #tpu.memory_space<vmem>>[vector<16xi32>, vector<16xi32>], vector<16xf32>,
        %broadcast_in_dim3A_1114 = arith.constant 6 : i32
        %broadcast_in_dim3A_1115 = vector.broadcast %broadcast_in_dim3A_1114 : i32 to vector<16xi32>
        %gather3A_1116 = tpu.vector_load_idx %arg16[%add3A_1087, %broadcast_in_dim3A_1115] : memref<128x8xf32, #tpu.memory_space<vmem>>[vector<16xi32>, vector<16xi32>], vector<16xf32>,
        %broadcast_in_dim3A_1117 = arith.constant 7 : i32
        %broadcast_in_dim3A_1118 = vector.broadcast %broadcast_in_dim3A_1117 : i32 to vector<16xi32>
        %gather3A_1119 = tpu.vector_load_idx %arg16[%add3A_1087, %broadcast_in_dim3A_1118] : memref<128x8xf32, #tpu.memory_space<vmem>>[vector<16xi32>, vector<16xi32>], vector<16xf32>,
        %broadcast_in_dim3A_1120 = arith.constant 0 : i32
        %broadcast_in_dim3A_1121 = vector.broadcast %broadcast_in_dim3A_1120 : i32 to vector<16xi32>
        %gather3A_1122 = tpu.vector_load_idx %arg18[%add3A_1087, %broadcast_in_dim3A_1121] : memref<128x8xf32, #tpu.memory_space<vmem>>[vector<16xi32>, vector<16xi32>], vector<16xf32>,
        %broadcast_in_dim3A_1123 = arith.constant 1 : i32
        %broadcast_in_dim3A_1124 = vector.broadcast %broadcast_in_dim3A_1123 : i32 to vector<16xi32>
        %gather3A_1125 = tpu.vector_load_idx %arg18[%add3A_1087, %broadcast_in_dim3A_1124] : memref<128x8xf32, #tpu.memory_space<vmem>>[vector<16xi32>, vector<16xi32>], vector<16xf32>,
        %broadcast_in_dim3A_1126 = arith.constant 2 : i32
        %broadcast_in_dim3A_1127 = vector.broadcast %broadcast_in_dim3A_1126 : i32 to vector<16xi32>
        %gather3A_1128 = tpu.vector_load_idx %arg18[%add3A_1087, %broadcast_in_dim3A_1127] : memref<128x8xf32, #tpu.memory_space<vmem>>[vector<16xi32>, vector<16xi32>], vector<16xf32>,
        %broadcast_in_dim3A_1129 = arith.constant 3 : i32
        %broadcast_in_dim3A_1130 = vector.broadcast %broadcast_in_dim3A_1129 : i32 to vector<16xi32>
        %gather3A_1131 = tpu.vector_load_idx %arg18[%add3A_1087, %broadcast_in_dim3A_1130] : memref<128x8xf32, #tpu.memory_space<vmem>>[vector<16xi32>, vector<16xi32>], vector<16xf32>,
        %broadcast_in_dim3A_1132 = arith.constant 4 : i32
        %broadcast_in_dim3A_1133 = vector.broadcast %broadcast_in_dim3A_1132 : i32 to vector<16xi32>
        %gather3A_1134 = tpu.vector_load_idx %arg18[%add3A_1087, %broadcast_in_dim3A_1133] : memref<128x8xf32, #tpu.memory_space<vmem>>[vector<16xi32>, vector<16xi32>], vector<16xf32>,
        %broadcast_in_dim3A_1135 = arith.constant 5 : i32
        %broadcast_in_dim3A_1136 = vector.broadcast %broadcast_in_dim3A_1135 : i32 to vector<16xi32>
        %gather3A_1137 = tpu.vector_load_idx %arg18[%add3A_1087, %broadcast_in_dim3A_1136] : memref<128x8xf32, #tpu.memory_space<vmem>>[vector<16xi32>, vector<16xi32>], vector<16xf32>,
        %broadcast_in_dim3A_1138 = arith.constant 6 : i32
        %broadcast_in_dim3A_1139 = vector.broadcast %broadcast_in_dim3A_1138 : i32 to vector<16xi32>
        %gather3A_1140 = tpu.vector_load_idx %arg18[%add3A_1087, %broadcast_in_dim3A_1139] : memref<128x8xf32, #tpu.memory_space<vmem>>[vector<16xi32>, vector<16xi32>], vector<16xf32>,
        %broadcast_in_dim3A_1141 = arith.constant 7 : i32
        %broadcast_in_dim3A_1142 = vector.broadcast %broadcast_in_dim3A_1141 : i32 to vector<16xi32>
        %gather3A_1143 = tpu.vector_load_idx %arg18[%add3A_1087, %broadcast_in_dim3A_1142] : memref<128x8xf32, #tpu.memory_space<vmem>>[vector<16xi32>, vector<16xi32>], vector<16xf32>,
        %sub3A_1144 = arith.subf %gather3A_1122, %gather3A_1098 : vector<16xf32>
        %bitcast3A_1145 = vector.bitcast %sub3A_1144 : vector<16xf32> to vector<16xi32>
        %add3A_1146 = arith.constant 32767 : i32
        %add3A_1147 = vector.broadcast %add3A_1146 : i32 to vector<16xi32>
        %add3A_1148 = arith.addi %bitcast3A_1145, %add3A_1147 : vector<16xi32>
        %shift_right_logical3A_1149 = arith.constant 16 : i32
        %shift_right_logical3A_1150 = vector.broadcast %shift_right_logical3A_1149 : i32 to vector<16xi32>
        %shift_right_logical3A_1151 = arith.shrui %bitcast3A_1145, %shift_right_logical3A_1150 : vector<16xi32>
        %and3A_1152 = arith.constant 1 : i32
        %and3A_1153 = vector.broadcast %and3A_1152 : i32 to vector<16xi32>
        %and3A_1154 = arith.andi %shift_right_logical3A_1151, %and3A_1153 : vector<16xi32>
        %add3A_1155 = arith.addi %add3A_1148, %and3A_1154 : vector<16xi32>
        %and3A_1156 = arith.constant -65536 : i32
        %and3A_1157 = vector.broadcast %and3A_1156 : i32 to vector<16xi32>
        %and3A_1158 = arith.andi %add3A_1155, %and3A_1157 : vector<16xi32>
        %bitcast3A_1159 = vector.bitcast %and3A_1158 : vector<16xi32> to vector<16xf32>
        %mul3A_1160 = arith.constant 1.250000e-01 : f32
        %mul3A_1161 = vector.broadcast %mul3A_1160 : f32 to vector<16xf32>
        %mul3A_1162 = arith.mulf %bitcast3A_1159, %mul3A_1161 : vector<16xf32>
        %gt3A_1163 = arith.constant 5.000000e-01 : f32
        %gt3A_1164 = vector.broadcast %gt3A_1163 : f32 to vector<16xf32>
        %gt3A_1165 = arith.cmpf ogt, %mul3A_1162, %gt3A_1164 : vector<16xf32>
        %jit3A_1166 = arith.constant 1.000000e+00 : f32
        %jit3A_1167 = arith.constant 0.000000e+00 : f32
        %broadcast_in_dim3A_1168 = vector.broadcast %jit3A_1166 : f32 to vector<16xf32>
        %broadcast_in_dim3A_1169 = vector.broadcast %jit3A_1167 : f32 to vector<16xf32>
        %select_n3A_1170 = arith.select %gt3A_1165, %broadcast_in_dim3A_1168, %broadcast_in_dim3A_1169 : vector<16xi1>, vector<16xf32>
        %lt3A_1171 = arith.constant -5.000000e-01 : f32
        %lt3A_1172 = vector.broadcast %lt3A_1171 : f32 to vector<16xf32>
        %lt3A_1173 = arith.cmpf olt, %mul3A_1162, %lt3A_1172 : vector<16xf32>
        %jit3A_1174 = arith.constant 1.000000e+00 : f32
        %jit3A_1175 = arith.constant 0.000000e+00 : f32
        %broadcast_in_dim3A_1176 = vector.broadcast %jit3A_1174 : f32 to vector<16xf32>
        %broadcast_in_dim3A_1177 = vector.broadcast %jit3A_1175 : f32 to vector<16xf32>
        %select_n3A_1178 = arith.select %lt3A_1173, %broadcast_in_dim3A_1176, %broadcast_in_dim3A_1177 : vector<16xi1>, vector<16xf32>
        %sub3A_1179 = arith.subf %select_n3A_1170, %select_n3A_1178 : vector<16xf32>
        %sub3A_1180 = arith.subf %mul3A_1162, %sub3A_1179 : vector<16xf32>
        %bitcast3A_1181 = vector.bitcast %sub3A_1180 : vector<16xf32> to vector<16xi32>
        %add3A_1182 = arith.constant 32767 : i32
        %add3A_1183 = vector.broadcast %add3A_1182 : i32 to vector<16xi32>
        %add3A_1184 = arith.addi %bitcast3A_1181, %add3A_1183 : vector<16xi32>
        %shift_right_logical3A_1185 = arith.constant 16 : i32
        %shift_right_logical3A_1186 = vector.broadcast %shift_right_logical3A_1185 : i32 to vector<16xi32>
        %shift_right_logical3A_1187 = arith.shrui %bitcast3A_1181, %shift_right_logical3A_1186 : vector<16xi32>
        %and3A_1188 = arith.constant 1 : i32
        %and3A_1189 = vector.broadcast %and3A_1188 : i32 to vector<16xi32>
        %and3A_1190 = arith.andi %shift_right_logical3A_1187, %and3A_1189 : vector<16xi32>
        %add3A_1191 = arith.addi %add3A_1184, %and3A_1190 : vector<16xi32>
        %and3A_1192 = arith.constant -65536 : i32
        %and3A_1193 = vector.broadcast %and3A_1192 : i32 to vector<16xi32>
        %and3A_1194 = arith.andi %add3A_1191, %and3A_1193 : vector<16xi32>
        %bitcast3A_1195 = vector.bitcast %and3A_1194 : vector<16xi32> to vector<16xf32>
        %mul3A_1196 = arith.constant 8.000000e+00 : f32
        %mul3A_1197 = vector.broadcast %mul3A_1196 : f32 to vector<16xf32>
        %mul3A_1198 = arith.mulf %bitcast3A_1195, %mul3A_1197 : vector<16xf32>
        %sub3A_1199 = arith.subf %gather3A_1125, %gather3A_1101 : vector<16xf32>
        %bitcast3A_1200 = vector.bitcast %sub3A_1199 : vector<16xf32> to vector<16xi32>
        %add3A_1201 = arith.constant 32767 : i32
        %add3A_1202 = vector.broadcast %add3A_1201 : i32 to vector<16xi32>
        %add3A_1203 = arith.addi %bitcast3A_1200, %add3A_1202 : vector<16xi32>
        %shift_right_logical3A_1204 = arith.constant 16 : i32
        %shift_right_logical3A_1205 = vector.broadcast %shift_right_logical3A_1204 : i32 to vector<16xi32>
        %shift_right_logical3A_1206 = arith.shrui %bitcast3A_1200, %shift_right_logical3A_1205 : vector<16xi32>
        %and3A_1207 = arith.constant 1 : i32
        %and3A_1208 = vector.broadcast %and3A_1207 : i32 to vector<16xi32>
        %and3A_1209 = arith.andi %shift_right_logical3A_1206, %and3A_1208 : vector<16xi32>
        %add3A_1210 = arith.addi %add3A_1203, %and3A_1209 : vector<16xi32>
        %and3A_1211 = arith.constant -65536 : i32
        %and3A_1212 = vector.broadcast %and3A_1211 : i32 to vector<16xi32>
        %and3A_1213 = arith.andi %add3A_1210, %and3A_1212 : vector<16xi32>
        %bitcast3A_1214 = vector.bitcast %and3A_1213 : vector<16xi32> to vector<16xf32>
        %mul3A_1215 = arith.constant 1.250000e-01 : f32
        %mul3A_1216 = vector.broadcast %mul3A_1215 : f32 to vector<16xf32>
        %mul3A_1217 = arith.mulf %bitcast3A_1214, %mul3A_1216 : vector<16xf32>
        %gt3A_1218 = arith.constant 5.000000e-01 : f32
        %gt3A_1219 = vector.broadcast %gt3A_1218 : f32 to vector<16xf32>
        %gt3A_1220 = arith.cmpf ogt, %mul3A_1217, %gt3A_1219 : vector<16xf32>
        %jit3A_1221 = arith.constant 1.000000e+00 : f32
        %jit3A_1222 = arith.constant 0.000000e+00 : f32
        %broadcast_in_dim3A_1223 = vector.broadcast %jit3A_1221 : f32 to vector<16xf32>
        %broadcast_in_dim3A_1224 = vector.broadcast %jit3A_1222 : f32 to vector<16xf32>
        %select_n3A_1225 = arith.select %gt3A_1220, %broadcast_in_dim3A_1223, %broadcast_in_dim3A_1224 : vector<16xi1>, vector<16xf32>
        %lt3A_1226 = arith.constant -5.000000e-01 : f32
        %lt3A_1227 = vector.broadcast %lt3A_1226 : f32 to vector<16xf32>
        %lt3A_1228 = arith.cmpf olt, %mul3A_1217, %lt3A_1227 : vector<16xf32>
        %jit3A_1229 = arith.constant 1.000000e+00 : f32
        %jit3A_1230 = arith.constant 0.000000e+00 : f32
        %broadcast_in_dim3A_1231 = vector.broadcast %jit3A_1229 : f32 to vector<16xf32>
        %broadcast_in_dim3A_1232 = vector.broadcast %jit3A_1230 : f32 to vector<16xf32>
        %select_n3A_1233 = arith.select %lt3A_1228, %broadcast_in_dim3A_1231, %broadcast_in_dim3A_1232 : vector<16xi1>, vector<16xf32>
        %sub3A_1234 = arith.subf %select_n3A_1225, %select_n3A_1233 : vector<16xf32>
        %sub3A_1235 = arith.subf %mul3A_1217, %sub3A_1234 : vector<16xf32>
        %bitcast3A_1236 = vector.bitcast %sub3A_1235 : vector<16xf32> to vector<16xi32>
        %add3A_1237 = arith.constant 32767 : i32
        %add3A_1238 = vector.broadcast %add3A_1237 : i32 to vector<16xi32>
        %add3A_1239 = arith.addi %bitcast3A_1236, %add3A_1238 : vector<16xi32>
        %shift_right_logical3A_1240 = arith.constant 16 : i32
        %shift_right_logical3A_1241 = vector.broadcast %shift_right_logical3A_1240 : i32 to vector<16xi32>
        %shift_right_logical3A_1242 = arith.shrui %bitcast3A_1236, %shift_right_logical3A_1241 : vector<16xi32>
        %and3A_1243 = arith.constant 1 : i32
        %and3A_1244 = vector.broadcast %and3A_1243 : i32 to vector<16xi32>
        %and3A_1245 = arith.andi %shift_right_logical3A_1242, %and3A_1244 : vector<16xi32>
        %add3A_1246 = arith.addi %add3A_1239, %and3A_1245 : vector<16xi32>
        %and3A_1247 = arith.constant -65536 : i32
        %and3A_1248 = vector.broadcast %and3A_1247 : i32 to vector<16xi32>
        %and3A_1249 = arith.andi %add3A_1246, %and3A_1248 : vector<16xi32>
        %bitcast3A_1250 = vector.bitcast %and3A_1249 : vector<16xi32> to vector<16xf32>
        %mul3A_1251 = arith.constant 8.000000e+00 : f32
        %mul3A_1252 = vector.broadcast %mul3A_1251 : f32 to vector<16xf32>
        %mul3A_1253 = arith.mulf %bitcast3A_1250, %mul3A_1252 : vector<16xf32>
        %sub3A_1254 = arith.subf %gather3A_1128, %gather3A_1104 : vector<16xf32>
        %bitcast3A_1255 = vector.bitcast %sub3A_1254 : vector<16xf32> to vector<16xi32>
        %add3A_1256 = arith.constant 32767 : i32
        %add3A_1257 = vector.broadcast %add3A_1256 : i32 to vector<16xi32>
        %add3A_1258 = arith.addi %bitcast3A_1255, %add3A_1257 : vector<16xi32>
        %shift_right_logical3A_1259 = arith.constant 16 : i32
        %shift_right_logical3A_1260 = vector.broadcast %shift_right_logical3A_1259 : i32 to vector<16xi32>
        %shift_right_logical3A_1261 = arith.shrui %bitcast3A_1255, %shift_right_logical3A_1260 : vector<16xi32>
        %and3A_1262 = arith.constant 1 : i32
        %and3A_1263 = vector.broadcast %and3A_1262 : i32 to vector<16xi32>
        %and3A_1264 = arith.andi %shift_right_logical3A_1261, %and3A_1263 : vector<16xi32>
        %add3A_1265 = arith.addi %add3A_1258, %and3A_1264 : vector<16xi32>
        %and3A_1266 = arith.constant -65536 : i32
        %and3A_1267 = vector.broadcast %and3A_1266 : i32 to vector<16xi32>
        %and3A_1268 = arith.andi %add3A_1265, %and3A_1267 : vector<16xi32>
        %bitcast3A_1269 = vector.bitcast %and3A_1268 : vector<16xi32> to vector<16xf32>
        %mul3A_1270 = arith.constant 1.250000e-01 : f32
        %mul3A_1271 = vector.broadcast %mul3A_1270 : f32 to vector<16xf32>
        %mul3A_1272 = arith.mulf %bitcast3A_1269, %mul3A_1271 : vector<16xf32>
        %gt3A_1273 = arith.constant 5.000000e-01 : f32
        %gt3A_1274 = vector.broadcast %gt3A_1273 : f32 to vector<16xf32>
        %gt3A_1275 = arith.cmpf ogt, %mul3A_1272, %gt3A_1274 : vector<16xf32>
        %jit3A_1276 = arith.constant 1.000000e+00 : f32
        %jit3A_1277 = arith.constant 0.000000e+00 : f32
        %broadcast_in_dim3A_1278 = vector.broadcast %jit3A_1276 : f32 to vector<16xf32>
        %broadcast_in_dim3A_1279 = vector.broadcast %jit3A_1277 : f32 to vector<16xf32>
        %select_n3A_1280 = arith.select %gt3A_1275, %broadcast_in_dim3A_1278, %broadcast_in_dim3A_1279 : vector<16xi1>, vector<16xf32>
        %lt3A_1281 = arith.constant -5.000000e-01 : f32
        %lt3A_1282 = vector.broadcast %lt3A_1281 : f32 to vector<16xf32>
        %lt3A_1283 = arith.cmpf olt, %mul3A_1272, %lt3A_1282 : vector<16xf32>
        %jit3A_1284 = arith.constant 1.000000e+00 : f32
        %jit3A_1285 = arith.constant 0.000000e+00 : f32
        %broadcast_in_dim3A_1286 = vector.broadcast %jit3A_1284 : f32 to vector<16xf32>
        %broadcast_in_dim3A_1287 = vector.broadcast %jit3A_1285 : f32 to vector<16xf32>
        %select_n3A_1288 = arith.select %lt3A_1283, %broadcast_in_dim3A_1286, %broadcast_in_dim3A_1287 : vector<16xi1>, vector<16xf32>
        %sub3A_1289 = arith.subf %select_n3A_1280, %select_n3A_1288 : vector<16xf32>
        %sub3A_1290 = arith.subf %mul3A_1272, %sub3A_1289 : vector<16xf32>
        %bitcast3A_1291 = vector.bitcast %sub3A_1290 : vector<16xf32> to vector<16xi32>
        %add3A_1292 = arith.constant 32767 : i32
        %add3A_1293 = vector.broadcast %add3A_1292 : i32 to vector<16xi32>
        %add3A_1294 = arith.addi %bitcast3A_1291, %add3A_1293 : vector<16xi32>
        %shift_right_logical3A_1295 = arith.constant 16 : i32
        %shift_right_logical3A_1296 = vector.broadcast %shift_right_logical3A_1295 : i32 to vector<16xi32>
        %shift_right_logical3A_1297 = arith.shrui %bitcast3A_1291, %shift_right_logical3A_1296 : vector<16xi32>
        %and3A_1298 = arith.constant 1 : i32
        %and3A_1299 = vector.broadcast %and3A_1298 : i32 to vector<16xi32>
        %and3A_1300 = arith.andi %shift_right_logical3A_1297, %and3A_1299 : vector<16xi32>
        %add3A_1301 = arith.addi %add3A_1294, %and3A_1300 : vector<16xi32>
        %and3A_1302 = arith.constant -65536 : i32
        %and3A_1303 = vector.broadcast %and3A_1302 : i32 to vector<16xi32>
        %and3A_1304 = arith.andi %add3A_1301, %and3A_1303 : vector<16xi32>
        %bitcast3A_1305 = vector.bitcast %and3A_1304 : vector<16xi32> to vector<16xf32>
        %mul3A_1306 = arith.constant 8.000000e+00 : f32
        %mul3A_1307 = vector.broadcast %mul3A_1306 : f32 to vector<16xf32>
        %mul3A_1308 = arith.mulf %bitcast3A_1305, %mul3A_1307 : vector<16xf32>
        %mul3A_1309 = arith.mulf %mul3A_1198, %mul3A_1198 : vector<16xf32>
        %mul3A_1310 = arith.mulf %mul3A_1253, %mul3A_1253 : vector<16xf32>
        %add3A_1311 = arith.addf %mul3A_1309, %mul3A_1310 : vector<16xf32>
        %mul3A_1312 = arith.mulf %mul3A_1308, %mul3A_1308 : vector<16xf32>
        %add3A_1313 = arith.addf %add3A_1311, %mul3A_1312 : vector<16xf32>
        %add3A_1314 = arith.constant 9.99999996E-13 : f32
        %add3A_1315 = vector.broadcast %add3A_1314 : f32 to vector<16xf32>
        %add3A_1316 = arith.addf %add3A_1313, %add3A_1315 : vector<16xf32>
        %le3A_1317 = arith.constant 1.000000e+00 : f32
        %le3A_1318 = vector.broadcast %le3A_1317 : f32 to vector<16xf32>
        %le3A_1319 = arith.cmpf ole, %add3A_1316, %le3A_1318 : vector<16xf32>
        %gt3A_1320 = arith.constant 9.99999993E-9 : f32
        %gt3A_1321 = vector.broadcast %gt3A_1320 : f32 to vector<16xf32>
        %gt3A_1322 = arith.cmpf ogt, %add3A_1316, %gt3A_1321 : vector<16xf32>
        %and3A_1323 = arith.andi %le3A_1319, %gt3A_1322 : vector<16xi1>
        %ne3A_1324 = arith.cmpi ne, %get3A_1091, %get3A_1095 : vector<16xi32>
        %and3A_1325 = arith.andi %and3A_1323, %ne3A_1324 : vector<16xi1>
        %jit3A_1326 = arith.constant 1.000000e+00 : f32
        %jit3A_1327 = arith.constant 0.000000e+00 : f32
        %broadcast_in_dim3A_1328 = vector.broadcast %jit3A_1326 : f32 to vector<16xf32>
        %broadcast_in_dim3A_1329 = vector.broadcast %jit3A_1327 : f32 to vector<16xf32>
        %select_n3A_1330 = arith.select %and3A_1325, %broadcast_in_dim3A_1328, %broadcast_in_dim3A_1329 : vector<16xi1>, vector<16xf32>
        %bitcast3A_1331 = vector.bitcast %add3A_1316 : vector<16xf32> to vector<16xi32>
        %shift_right_logical3A_1332 = arith.constant 1 : i32
        %shift_right_logical3A_1333 = vector.broadcast %shift_right_logical3A_1332 : i32 to vector<16xi32>
        %shift_right_logical3A_1334 = arith.shrui %bitcast3A_1331, %shift_right_logical3A_1333 : vector<16xi32>
        %sub3A_1335 = arith.constant 1597463007 : i32
        %sub3A_1336 = vector.broadcast %sub3A_1335 : i32 to vector<16xi32>
        %sub3A_1337 = arith.subi %sub3A_1336, %shift_right_logical3A_1334 : vector<16xi32>
        %bitcast3A_1338 = vector.bitcast %sub3A_1337 : vector<16xi32> to vector<16xf32>
        %mul3A_1339 = arith.constant 5.000000e-01 : f32
        %mul3A_1340 = vector.broadcast %mul3A_1339 : f32 to vector<16xf32>
        %mul3A_1341 = arith.mulf %mul3A_1340, %add3A_1316 : vector<16xf32>
        %mul3A_1342 = arith.mulf %mul3A_1341, %bitcast3A_1338 : vector<16xf32>
        %mul3A_1343 = arith.mulf %mul3A_1342, %bitcast3A_1338 : vector<16xf32>
        %sub3A_1344 = arith.constant 1.500000e+00 : f32
        %sub3A_1345 = vector.broadcast %sub3A_1344 : f32 to vector<16xf32>
        %sub3A_1346 = arith.subf %sub3A_1345, %mul3A_1343 : vector<16xf32>
        %mul3A_1347 = arith.mulf %bitcast3A_1338, %sub3A_1346 : vector<16xf32>
        %mul3A_1348 = arith.constant 5.000000e-01 : f32
        %mul3A_1349 = vector.broadcast %mul3A_1348 : f32 to vector<16xf32>
        %mul3A_1350 = arith.mulf %mul3A_1349, %add3A_1316 : vector<16xf32>
        %mul3A_1351 = arith.mulf %mul3A_1350, %mul3A_1347 : vector<16xf32>
        %mul3A_1352 = arith.mulf %mul3A_1351, %mul3A_1347 : vector<16xf32>
        %sub3A_1353 = arith.constant 1.500000e+00 : f32
        %sub3A_1354 = vector.broadcast %sub3A_1353 : f32 to vector<16xf32>
        %sub3A_1355 = arith.subf %sub3A_1354, %mul3A_1352 : vector<16xf32>
        %mul3A_1356 = arith.mulf %mul3A_1347, %sub3A_1355 : vector<16xf32>
        %mul3A_1357 = arith.constant 5.000000e-01 : f32
        %mul3A_1358 = vector.broadcast %mul3A_1357 : f32 to vector<16xf32>
        %mul3A_1359 = arith.mulf %mul3A_1358, %add3A_1316 : vector<16xf32>
        %mul3A_1360 = arith.mulf %mul3A_1359, %mul3A_1356 : vector<16xf32>
        %mul3A_1361 = arith.mulf %mul3A_1360, %mul3A_1356 : vector<16xf32>
        %sub3A_1362 = arith.constant 1.500000e+00 : f32
        %sub3A_1363 = vector.broadcast %sub3A_1362 : f32 to vector<16xf32>
        %sub3A_1364 = arith.subf %sub3A_1363, %mul3A_1361 : vector<16xf32>
        %mul3A_1365 = arith.mulf %mul3A_1356, %sub3A_1364 : vector<16xf32>
        %mul3A_1366 = arith.mulf %mul3A_1365, %mul3A_1365 : vector<16xf32>
        %mul3A_1367 = arith.mulf %mul3A_1366, %mul3A_1365 : vector<16xf32>
        %mul3A_1368 = arith.mulf %mul3A_1367, %mul3A_1366 : vector<16xf32>
        %mul3A_1369 = arith.mulf %add3A_1316, %mul3A_1365 : vector<16xf32>
        %mul3A_1370 = arith.mulf %mul3A_1198, %gather3A_1110 : vector<16xf32>
        %mul3A_1371 = arith.mulf %mul3A_1253, %gather3A_1113 : vector<16xf32>
        %add3A_1372 = arith.addf %mul3A_1370, %mul3A_1371 : vector<16xf32>
        %mul3A_1373 = arith.mulf %mul3A_1308, %gather3A_1116 : vector<16xf32>
        %add3A_1374 = arith.addf %add3A_1372, %mul3A_1373 : vector<16xf32>
        %mul3A_1375 = arith.mulf %mul3A_1198, %gather3A_1134 : vector<16xf32>
        %mul3A_1376 = arith.mulf %mul3A_1253, %gather3A_1137 : vector<16xf32>
        %add3A_1377 = arith.addf %mul3A_1375, %mul3A_1376 : vector<16xf32>
        %mul3A_1378 = arith.mulf %mul3A_1308, %gather3A_1140 : vector<16xf32>
        %add3A_1379 = arith.addf %add3A_1377, %mul3A_1378 : vector<16xf32>
        %mul3A_1380 = arith.mulf %gather3A_1110, %gather3A_1134 : vector<16xf32>
        %mul3A_1381 = arith.mulf %gather3A_1113, %gather3A_1137 : vector<16xf32>
        %add3A_1382 = arith.addf %mul3A_1380, %mul3A_1381 : vector<16xf32>
        %mul3A_1383 = arith.mulf %gather3A_1116, %gather3A_1140 : vector<16xf32>
        %add3A_1384 = arith.addf %add3A_1382, %mul3A_1383 : vector<16xf32>
        %mul3A_1385 = arith.mulf %gather3A_1131, %gather3A_1107 : vector<16xf32>
        %mul3A_1386 = arith.mulf %mul3A_1385, %mul3A_1365 : vector<16xf32>
        %mul3A_1387 = arith.mulf %gather3A_1131, %add3A_1374 : vector<16xf32>
        %mul3A_1388 = arith.mulf %gather3A_1107, %add3A_1379 : vector<16xf32>
        %sub3A_1389 = arith.subf %mul3A_1387, %mul3A_1388 : vector<16xf32>
        %mul3A_1390 = arith.mulf %sub3A_1389, %mul3A_1367 : vector<16xf32>
        %add3A_1391 = arith.addf %mul3A_1386, %mul3A_1390 : vector<16xf32>
        %mul3A_1392 = arith.constant 3.000000e+00 : f32
        %mul3A_1393 = vector.broadcast %mul3A_1392 : f32 to vector<16xf32>
        %mul3A_1394 = arith.mulf %mul3A_1393, %add3A_1379 : vector<16xf32>
        %mul3A_1395 = arith.mulf %mul3A_1394, %add3A_1374 : vector<16xf32>
        %mul3A_1396 = arith.mulf %mul3A_1395, %mul3A_1368 : vector<16xf32>
        %add3A_1397 = arith.addf %add3A_1391, %mul3A_1396 : vector<16xf32>
        %mul3A_1398 = arith.mulf %add3A_1384, %mul3A_1367 : vector<16xf32>
        %sub3A_1399 = arith.subf %add3A_1397, %mul3A_1398 : vector<16xf32>
        %mul3A_1400 = arith.mulf %gather3A_1119, %gather3A_1143 : vector<16xf32>
        %bitcast3A_1401 = vector.bitcast %mul3A_1400 : vector<16xf32> to vector<16xi32>
        %shift_right_logical3A_1402 = arith.constant 1 : i32
        %shift_right_logical3A_1403 = vector.broadcast %shift_right_logical3A_1402 : i32 to vector<16xi32>
        %shift_right_logical3A_1404 = arith.shrui %bitcast3A_1401, %shift_right_logical3A_1403 : vector<16xi32>
        %sub3A_1405 = arith.constant 1597463007 : i32
        %sub3A_1406 = vector.broadcast %sub3A_1405 : i32 to vector<16xi32>
        %sub3A_1407 = arith.subi %sub3A_1406, %shift_right_logical3A_1404 : vector<16xi32>
        %bitcast3A_1408 = vector.bitcast %sub3A_1407 : vector<16xi32> to vector<16xf32>
        %mul3A_1409 = arith.constant 5.000000e-01 : f32
        %mul3A_1410 = vector.broadcast %mul3A_1409 : f32 to vector<16xf32>
        %mul3A_1411 = arith.mulf %mul3A_1410, %mul3A_1400 : vector<16xf32>
        %mul3A_1412 = arith.mulf %mul3A_1411, %bitcast3A_1408 : vector<16xf32>
        %mul3A_1413 = arith.mulf %mul3A_1412, %bitcast3A_1408 : vector<16xf32>
        %sub3A_1414 = arith.constant 1.500000e+00 : f32
        %sub3A_1415 = vector.broadcast %sub3A_1414 : f32 to vector<16xf32>
        %sub3A_1416 = arith.subf %sub3A_1415, %mul3A_1413 : vector<16xf32>
        %mul3A_1417 = arith.mulf %bitcast3A_1408, %sub3A_1416 : vector<16xf32>
        %mul3A_1418 = arith.constant 5.000000e-01 : f32
        %mul3A_1419 = vector.broadcast %mul3A_1418 : f32 to vector<16xf32>
        %mul3A_1420 = arith.mulf %mul3A_1419, %mul3A_1400 : vector<16xf32>
        %mul3A_1421 = arith.mulf %mul3A_1420, %mul3A_1417 : vector<16xf32>
        %mul3A_1422 = arith.mulf %mul3A_1421, %mul3A_1417 : vector<16xf32>
        %sub3A_1423 = arith.constant 1.500000e+00 : f32
        %sub3A_1424 = vector.broadcast %sub3A_1423 : f32 to vector<16xf32>
        %sub3A_1425 = arith.subf %sub3A_1424, %mul3A_1422 : vector<16xf32>
        %mul3A_1426 = arith.mulf %mul3A_1417, %sub3A_1425 : vector<16xf32>
        %mul3A_1427 = arith.constant 5.000000e-01 : f32
        %mul3A_1428 = vector.broadcast %mul3A_1427 : f32 to vector<16xf32>
        %mul3A_1429 = arith.mulf %mul3A_1428, %mul3A_1400 : vector<16xf32>
        %mul3A_1430 = arith.mulf %mul3A_1429, %mul3A_1426 : vector<16xf32>
        %mul3A_1431 = arith.mulf %mul3A_1430, %mul3A_1426 : vector<16xf32>
        %sub3A_1432 = arith.constant 1.500000e+00 : f32
        %sub3A_1433 = vector.broadcast %sub3A_1432 : f32 to vector<16xf32>
        %sub3A_1434 = arith.subf %sub3A_1433, %mul3A_1431 : vector<16xf32>
        %mul3A_1435 = arith.mulf %mul3A_1426, %sub3A_1434 : vector<16xf32>
        %mul3A_1436 = arith.constant 3.900000e-01 : f32
        %mul3A_1437 = vector.broadcast %mul3A_1436 : f32 to vector<16xf32>
        %mul3A_1438 = arith.mulf %mul3A_1437, %add3A_1316 : vector<16xf32>
        %mul3A_1439 = arith.mulf %mul3A_1438, %mul3A_1369 : vector<16xf32>
        %mul3A_1440 = arith.mulf %mul3A_1439, %mul3A_1435 : vector<16xf32>
        %neg3A_1441 = arith.constant 0.000000e+00 : f32
        %neg3A_1442 = vector.broadcast %neg3A_1441 : f32 to vector<16xf32>
        %neg3A_1443 = arith.subf %neg3A_1442, %mul3A_1440 : vector<16xf32>
        %exp3A_1444 = math.exp %neg3A_1443 : vector<16xf32>
        %sub3A_1445 = arith.constant 1.000000e+00 : f32
        %sub3A_1446 = vector.broadcast %sub3A_1445 : f32 to vector<16xf32>
        %sub3A_1447 = arith.subf %sub3A_1446, %exp3A_1444 : vector<16xf32>
        %add3A_1448 = arith.constant 1.000000e+00 : f32
        %add3A_1449 = vector.broadcast %add3A_1448 : f32 to vector<16xf32>
        %add3A_1450 = arith.addf %add3A_1449, %mul3A_1440 : vector<16xf32>
        %mul3A_1451 = arith.mulf %add3A_1450, %exp3A_1444 : vector<16xf32>
        %sub3A_1452 = arith.constant 1.000000e+00 : f32
        %sub3A_1453 = vector.broadcast %sub3A_1452 : f32 to vector<16xf32>
        %sub3A_1454 = arith.subf %sub3A_1453, %mul3A_1451 : vector<16xf32>
        %mul3A_1455 = arith.constant -138.935455 : f32
        %mul3A_1456 = vector.broadcast %mul3A_1455 : f32 to vector<16xf32>
        %mul3A_1457 = arith.mulf %mul3A_1456, %select_n3A_1330 : vector<16xf32>
        %mul3A_1458 = arith.mulf %sub3A_1447, %mul3A_1367 : vector<16xf32>
        %mul3A_1459 = arith.mulf %mul3A_1457, %mul3A_1458 : vector<16xf32>
        %mul3A_1460 = arith.constant 3.000000e+00 : f32
        %mul3A_1461 = vector.broadcast %mul3A_1460 : f32 to vector<16xf32>
        %mul3A_1462 = arith.mulf %mul3A_1461, %sub3A_1454 : vector<16xf32>
        %mul3A_1463 = arith.mulf %mul3A_1462, %add3A_1374 : vector<16xf32>
        %mul3A_1464 = arith.mulf %mul3A_1463, %mul3A_1368 : vector<16xf32>
        %mul3A_1465 = arith.mulf %mul3A_1457, %mul3A_1464 : vector<16xf32>
        %mul3A_1466 = arith.mulf %mul3A_1459, %gather3A_1107 : vector<16xf32>
        %sub3A_1467 = arith.subf %mul3A_1465, %mul3A_1466 : vector<16xf32>
        %mul3A_1468 = arith.constant 3.000000e+00 : f32
        %mul3A_1469 = vector.broadcast %mul3A_1468 : f32 to vector<16xf32>
        %mul3A_1470 = arith.mulf %mul3A_1469, %sub3A_1454 : vector<16xf32>
        %mul3A_1471 = arith.mulf %mul3A_1470, %add3A_1379 : vector<16xf32>
        %mul3A_1472 = arith.mulf %mul3A_1471, %mul3A_1368 : vector<16xf32>
        %mul3A_1473 = arith.mulf %mul3A_1457, %mul3A_1472 : vector<16xf32>
        %mul3A_1474 = arith.mulf %mul3A_1459, %gather3A_1131 : vector<16xf32>
        %add3A_1475 = arith.addf %mul3A_1473, %mul3A_1474 : vector<16xf32>
        %broadcast_in_dim3A_1476 = arith.constant 0 : i32
        %broadcast_in_dim3A_1477 = vector.broadcast %broadcast_in_dim3A_1476 : i32 to vector<16xi32>
        %mul3A_1478 = arith.mulf %sub3A_1467, %mul3A_1198 : vector<16xf32>
        %mul3A_1479 = arith.mulf %mul3A_1459, %gather3A_1110 : vector<16xf32>
        %sub3A_1480 = arith.subf %mul3A_1478, %mul3A_1479 : vector<16xf32>
        tpu.vector_store_idx %arg22[%add3A_1087, %broadcast_in_dim3A_1477], %sub3A_1480 : memref<128x8xf32, #tpu.memory_space<vmem>>[vector<16xi32>, vector<16xi32>], vector<16xf32>,
        %broadcast_in_dim3A_1481 = arith.constant 1 : i32
        %broadcast_in_dim3A_1482 = vector.broadcast %broadcast_in_dim3A_1481 : i32 to vector<16xi32>
        %mul3A_1483 = arith.mulf %sub3A_1467, %mul3A_1253 : vector<16xf32>
        %mul3A_1484 = arith.mulf %mul3A_1459, %gather3A_1113 : vector<16xf32>
        %sub3A_1485 = arith.subf %mul3A_1483, %mul3A_1484 : vector<16xf32>
        tpu.vector_store_idx %arg22[%add3A_1087, %broadcast_in_dim3A_1482], %sub3A_1485 : memref<128x8xf32, #tpu.memory_space<vmem>>[vector<16xi32>, vector<16xi32>], vector<16xf32>,
        %broadcast_in_dim3A_1486 = arith.constant 2 : i32
        %broadcast_in_dim3A_1487 = vector.broadcast %broadcast_in_dim3A_1486 : i32 to vector<16xi32>
        %mul3A_1488 = arith.mulf %sub3A_1467, %mul3A_1308 : vector<16xf32>
        %mul3A_1489 = arith.mulf %mul3A_1459, %gather3A_1116 : vector<16xf32>
        %sub3A_1490 = arith.subf %mul3A_1488, %mul3A_1489 : vector<16xf32>
        tpu.vector_store_idx %arg22[%add3A_1087, %broadcast_in_dim3A_1487], %sub3A_1490 : memref<128x8xf32, #tpu.memory_space<vmem>>[vector<16xi32>, vector<16xi32>], vector<16xf32>,
        %broadcast_in_dim3A_1491 = arith.constant 0 : i32
        %broadcast_in_dim3A_1492 = vector.broadcast %broadcast_in_dim3A_1491 : i32 to vector<16xi32>
        %mul3A_1493 = arith.mulf %add3A_1475, %mul3A_1198 : vector<16xf32>
        %mul3A_1494 = arith.mulf %mul3A_1459, %gather3A_1134 : vector<16xf32>
        %sub3A_1495 = arith.subf %mul3A_1493, %mul3A_1494 : vector<16xf32>
        tpu.vector_store_idx %arg20[%add3A_1087, %broadcast_in_dim3A_1492], %sub3A_1495 : memref<128x8xf32, #tpu.memory_space<vmem>>[vector<16xi32>, vector<16xi32>], vector<16xf32>,
        %broadcast_in_dim3A_1496 = arith.constant 1 : i32
        %broadcast_in_dim3A_1497 = vector.broadcast %broadcast_in_dim3A_1496 : i32 to vector<16xi32>
        %mul3A_1498 = arith.mulf %add3A_1475, %mul3A_1253 : vector<16xf32>
        %mul3A_1499 = arith.mulf %mul3A_1459, %gather3A_1137 : vector<16xf32>
        %sub3A_1500 = arith.subf %mul3A_1498, %mul3A_1499 : vector<16xf32>
        tpu.vector_store_idx %arg20[%add3A_1087, %broadcast_in_dim3A_1497], %sub3A_1500 : memref<128x8xf32, #tpu.memory_space<vmem>>[vector<16xi32>, vector<16xi32>], vector<16xf32>,
        %broadcast_in_dim3A_1501 = arith.constant 2 : i32
        %broadcast_in_dim3A_1502 = vector.broadcast %broadcast_in_dim3A_1501 : i32 to vector<16xi32>
        %mul3A_1503 = arith.mulf %add3A_1475, %mul3A_1308 : vector<16xf32>
        %mul3A_1504 = arith.mulf %mul3A_1459, %gather3A_1140 : vector<16xf32>
        %sub3A_1505 = arith.subf %mul3A_1503, %mul3A_1504 : vector<16xf32>
        tpu.vector_store_idx %arg20[%add3A_1087, %broadcast_in_dim3A_1502], %sub3A_1505 : memref<128x8xf32, #tpu.memory_space<vmem>>[vector<16xi32>, vector<16xi32>], vector<16xf32>,
        %mul3A_1506 = arith.mulf %sub3A_1399, %select_n3A_1330 : vector<16xf32>
        %sub3A_1507 = arith.subf %mul3A_1079, %scan3A_664 : vector<16xf32>
        %add3A_1508 = arith.addf %scan3A_663, %sub3A_1507 : vector<16xf32>
        %sub3A_1509 = arith.subf %add3A_1508, %scan3A_663 : vector<16xf32>
        %sub3A_1510 = arith.subf %sub3A_1509, %sub3A_1507 : vector<16xf32>
        %sub3A_1511 = arith.subf %mul3A_1506, %scan3A_666 : vector<16xf32>
        %add3A_1512 = arith.addf %scan3A_665, %sub3A_1511 : vector<16xf32>
        %sub3A_1513 = arith.subf %add3A_1512, %scan3A_665 : vector<16xf32>
        %sub3A_1514 = arith.subf %sub3A_1513, %sub3A_1511 : vector<16xf32>
        scf.yield %add3A_1508, %sub3A_1510, %add3A_1512, %sub3A_1514 : vector<16xf32>, vector<16xf32>, vector<16xf32>, vector<16xf32>
      }
      %scan3A_476 = arith.constant 4 : i32
      %swap3A_477 = arith.constant 0 : index
      %swap3A_478 = tpu.vector_load %arg24[%swap3A_477] {strides = array<i32>} : memref<16xf32, #tpu.memory_space<vmem>>, vector<16xf32>,
      tpu.vector_store %arg24[%swap3A_477], %scan3A_475#0 {strides = array<i32>} : memref<16xf32, #tpu.memory_space<vmem>>, vector<16xf32>,
      %swap3A_479 = arith.constant 0 : index
      %swap3A_480 = tpu.vector_load %arg25[%swap3A_479] {strides = array<i32>} : memref<16xf32, #tpu.memory_space<vmem>>, vector<16xf32>,
      tpu.vector_store %arg25[%swap3A_479], %scan3A_475#1 {strides = array<i32>} : memref<16xf32, #tpu.memory_space<vmem>>, vector<16xf32>,
      %swap3A_481 = arith.constant 0 : index
      %swap3A_482 = tpu.vector_load %arg26[%swap3A_481] {strides = array<i32>} : memref<16xf32, #tpu.memory_space<vmem>>, vector<16xf32>,
      tpu.vector_store %arg26[%swap3A_481], %scan3A_475#2 {strides = array<i32>} : memref<16xf32, #tpu.memory_space<vmem>>, vector<16xf32>,
      %swap3A_483 = arith.constant 0 : index
      %swap3A_484 = tpu.vector_load %arg27[%swap3A_483] {strides = array<i32>} : memref<16xf32, #tpu.memory_space<vmem>>, vector<16xf32>,
      tpu.vector_store %arg27[%swap3A_483], %scan3A_475#3 {strides = array<i32>} : memref<16xf32, #tpu.memory_space<vmem>>, vector<16xf32>,
      %dma_start3A_485 = arith.constant 0 : i32
      %dma_start3A_486 = arith.constant 0 : i32
      %dma_start3A_487 = tpu.memref_slice %arg29[%dma_start3A_485, %dma_start3A_486] : memref<50048x8xf32, #tpu.memory_space<vmem_shared>> -> memref<50048x8xf32, #tpu.memory_space<vmem_shared>>
      tpu.enqueue_indirect_dma source(%arg22 : memref<128x8xf32, #tpu.memory_space<vmem>>) target(%dma_start3A_487 : memref<50048x8xf32, #tpu.memory_space<vmem_shared>>) offsets(%arg12 : memref<128xi32, #tpu.memory_space<vmem>>) semaphore(%arg36 : memref<!tpu.dma_semaphore, #tpu.memory_space<semaphore_mem>>) {add = true}
      %dma_start3A_488 = arith.constant 0 : i32
      %dma_start3A_489 = arith.constant 0 : i32
      %dma_start3A_490 = tpu.memref_slice %arg29[%dma_start3A_488, %dma_start3A_489] : memref<50048x8xf32, #tpu.memory_space<vmem_shared>> -> memref<50048x8xf32, #tpu.memory_space<vmem_shared>>
      tpu.enqueue_indirect_dma source(%arg20 : memref<128x8xf32, #tpu.memory_space<vmem>>) target(%dma_start3A_490 : memref<50048x8xf32, #tpu.memory_space<vmem_shared>>) offsets(%arg8 : memref<128xi32, #tpu.memory_space<vmem>>) semaphore(%arg36 : memref<!tpu.dma_semaphore, #tpu.memory_space<semaphore_mem>>) {add = true}
      %mul3A_491 = arith.constant 4 : i32
      %mul3A_492 = arith.muli %mul3A_491, %scan3A_437 : i32
      %add3A_493 = arith.constant 1 : i32
      %add3A_494 = arith.addi %mul3A_492, %add3A_493 : i32
      %dma_wait3A_495 = arith.constant 0 : i32
      %dma_wait3A_496 = arith.constant 0 : i32
      %dma_wait3A_497 = tpu.memref_slice %arg4[%dma_wait3A_495, %dma_wait3A_496] : memref<50048x8xf32, #tpu.memory_space<hbm>> -> memref<50048x8xf32, #tpu.memory_space<hbm>>
      tpu.wait_indirect_dma semaphore(%arg35 : memref<!tpu.dma_semaphore, #tpu.memory_space<semaphore_mem>>) src(%dma_wait3A_497 : memref<50048x8xf32, #tpu.memory_space<hbm>>) dst(%arg17 : memref<128x8xf32, #tpu.memory_space<vmem>>)
      %dma_wait3A_498 = arith.constant 0 : i32
      %dma_wait3A_499 = arith.constant 0 : i32
      %dma_wait3A_500 = tpu.memref_slice %arg4[%dma_wait3A_498, %dma_wait3A_499] : memref<50048x8xf32, #tpu.memory_space<hbm>> -> memref<50048x8xf32, #tpu.memory_space<hbm>>
      tpu.wait_indirect_dma semaphore(%arg35 : memref<!tpu.dma_semaphore, #tpu.memory_space<semaphore_mem>>) src(%dma_wait3A_500 : memref<50048x8xf32, #tpu.memory_space<hbm>>) dst(%arg19 : memref<128x8xf32, #tpu.memory_space<vmem>>)
      %ge3A_501 = arith.constant 2 : i32
      %ge3A_502 = arith.cmpi sge, %add3A_494, %ge3A_501 : i32
      %convert_element_type3A_503 = arith.extui %ge3A_502 : i1 to i32
      %cond3A_504 = arith.constant 0 : i32
      %cond3A_505 = arith.cmpi ne, %convert_element_type3A_503, %cond3A_504 : i32
      scf.if %cond3A_505 {
        %dma_wait3A_662 = arith.constant 0 : i32
        %dma_wait3A_663 = arith.constant 0 : i32
        %dma_wait3A_664 = tpu.memref_slice %arg29[%dma_wait3A_662, %dma_wait3A_663] : memref<50048x8xf32, #tpu.memory_space<vmem_shared>> -> memref<50048x8xf32, #tpu.memory_space<vmem_shared>>
        tpu.wait_indirect_dma semaphore(%arg37 : memref<!tpu.dma_semaphore, #tpu.memory_space<semaphore_mem>>) src(%arg23 : memref<128x8xf32, #tpu.memory_space<vmem>>) dst(%dma_wait3A_664 : memref<50048x8xf32, #tpu.memory_space<vmem_shared>>)
        %dma_wait3A_665 = arith.constant 0 : i32
        %dma_wait3A_666 = arith.constant 0 : i32
        %dma_wait3A_667 = tpu.memref_slice %arg29[%dma_wait3A_665, %dma_wait3A_666] : memref<50048x8xf32, #tpu.memory_space<vmem_shared>> -> memref<50048x8xf32, #tpu.memory_space<vmem_shared>>
        tpu.wait_indirect_dma semaphore(%arg37 : memref<!tpu.dma_semaphore, #tpu.memory_space<semaphore_mem>>) src(%arg21 : memref<128x8xf32, #tpu.memory_space<vmem>>) dst(%dma_wait3A_667 : memref<50048x8xf32, #tpu.memory_space<vmem_shared>>)
      } else {
      }
      %add3A_506 = arith.constant 2 : i32
      %add3A_507 = arith.addi %add3A_494, %add3A_506 : i32
      %lt3A_508 = arith.constant 392 : i32
      %lt3A_509 = arith.cmpi slt, %add3A_507, %lt3A_508 : i32
      %convert_element_type3A_510 = arith.extui %lt3A_509 : i1 to i32
      %cond3A_511 = arith.constant 0 : i32
      %cond3A_512 = arith.cmpi ne, %convert_element_type3A_510, %cond3A_511 : i32
      scf.if %cond3A_512 {
        %add3A_662 = arith.constant 2 : i32
        %add3A_663 = arith.addi %add3A_494, %add3A_662 : i32
        %mul3A_664 = arith.constant 128 : i32
        %mul3A_665 = arith.muli %add3A_663, %mul3A_664 : i32
        %add3A_666 = arith.addi %mul3A_3, %mul3A_665 : i32
        %dma_start3A_667 = tpu.memref_slice %arg2[%add3A_666] : memref<1605632xi32, #tpu.memory_space<hbm>> -> memref<128xi32, #tpu.memory_space<hbm>>
        %dma_start3A_668 = tpu.memref_slice %arg2[%add3A_666] : memref<1605632xi32, #tpu.memory_space<hbm>> -> memref<128xi32, #tpu.memory_space<hbm>>
        tpu.enqueue_dma source(%dma_start3A_668 : memref<128xi32, #tpu.memory_space<hbm>>) target(%arg11 : memref<128xi32, #tpu.memory_space<vmem>>) target_semaphore(%arg33 : memref<!tpu.dma_semaphore, #tpu.memory_space<semaphore_mem>>)
        %dma_start3A_669 = tpu.memref_slice %arg3[%add3A_666] : memref<1605632xi32, #tpu.memory_space<hbm>> -> memref<128xi32, #tpu.memory_space<hbm>>
        %dma_start3A_670 = tpu.memref_slice %arg3[%add3A_666] : memref<1605632xi32, #tpu.memory_space<hbm>> -> memref<128xi32, #tpu.memory_space<hbm>>
        tpu.enqueue_dma source(%dma_start3A_670 : memref<128xi32, #tpu.memory_space<hbm>>) target(%arg15 : memref<128xi32, #tpu.memory_space<vmem>>) target_semaphore(%arg33 : memref<!tpu.dma_semaphore, #tpu.memory_space<semaphore_mem>>)
      } else {
      }
      %add3A_513 = arith.constant 1 : i32
      %add3A_514 = arith.addi %add3A_494, %add3A_513 : i32
      %lt3A_515 = arith.constant 392 : i32
      %lt3A_516 = arith.cmpi slt, %add3A_514, %lt3A_515 : i32
      %convert_element_type3A_517 = arith.extui %lt3A_516 : i1 to i32
      %cond3A_518 = arith.constant 0 : i32
      %cond3A_519 = arith.cmpi ne, %convert_element_type3A_517, %cond3A_518 : i32
      scf.if %cond3A_519 {
        %add3A_662 = arith.constant 1 : i32
        %add3A_663 = arith.addi %add3A_494, %add3A_662 : i32
        %mul3A_664 = arith.constant 128 : i32
        %mul3A_665 = arith.muli %add3A_663, %mul3A_664 : i32
        %add3A_666 = arith.addi %mul3A_3, %mul3A_665 : i32
        %dma_wait3A_667 = tpu.memref_slice %arg2[%add3A_666] : memref<1605632xi32, #tpu.memory_space<hbm>> -> memref<128xi32, #tpu.memory_space<hbm>>
        %dma_wait3A_668 = tpu.memref_slice %arg2[%add3A_666] : memref<1605632xi32, #tpu.memory_space<hbm>> -> memref<128xi32, #tpu.memory_space<hbm>>
        tpu.wait_dma2 semaphore(%arg32 : memref<!tpu.dma_semaphore, #tpu.memory_space<semaphore_mem>>) src(%dma_wait3A_668 : memref<128xi32, #tpu.memory_space<hbm>>) dst(%arg10 : memref<128xi32, #tpu.memory_space<vmem>>)
        %dma_wait3A_669 = tpu.memref_slice %arg3[%add3A_666] : memref<1605632xi32, #tpu.memory_space<hbm>> -> memref<128xi32, #tpu.memory_space<hbm>>
        %dma_wait3A_670 = tpu.memref_slice %arg3[%add3A_666] : memref<1605632xi32, #tpu.memory_space<hbm>> -> memref<128xi32, #tpu.memory_space<hbm>>
        tpu.wait_dma2 semaphore(%arg32 : memref<!tpu.dma_semaphore, #tpu.memory_space<semaphore_mem>>) src(%dma_wait3A_670 : memref<128xi32, #tpu.memory_space<hbm>>) dst(%arg14 : memref<128xi32, #tpu.memory_space<vmem>>)
        %dma_start3A_671 = arith.constant 0 : i32
        %dma_start3A_672 = arith.constant 0 : i32
        %dma_start3A_673 = tpu.memref_slice %arg4[%dma_start3A_671, %dma_start3A_672] : memref<50048x8xf32, #tpu.memory_space<hbm>> -> memref<50048x8xf32, #tpu.memory_space<hbm>>
        tpu.enqueue_indirect_dma source(%dma_start3A_673 : memref<50048x8xf32, #tpu.memory_space<hbm>>) target(%arg16 : memref<128x8xf32, #tpu.memory_space<vmem>>) offsets(%arg10 : memref<128xi32, #tpu.memory_space<vmem>>) semaphore(%arg34 : memref<!tpu.dma_semaphore, #tpu.memory_space<semaphore_mem>>)
        %dma_start3A_674 = arith.constant 0 : i32
        %dma_start3A_675 = arith.constant 0 : i32
        %dma_start3A_676 = tpu.memref_slice %arg4[%dma_start3A_674, %dma_start3A_675] : memref<50048x8xf32, #tpu.memory_space<hbm>> -> memref<50048x8xf32, #tpu.memory_space<hbm>>
        tpu.enqueue_indirect_dma source(%dma_start3A_676 : memref<50048x8xf32, #tpu.memory_space<hbm>>) target(%arg18 : memref<128x8xf32, #tpu.memory_space<vmem>>) offsets(%arg14 : memref<128xi32, #tpu.memory_space<vmem>>) semaphore(%arg34 : memref<!tpu.dma_semaphore, #tpu.memory_space<semaphore_mem>>)
      } else {
      }
      %get3A_520 = arith.constant 0 : index
      %get3A_521 = tpu.vector_load %arg24[%get3A_520] {strides = array<i32>} : memref<16xf32, #tpu.memory_space<vmem>>, vector<16xf32>,
      %get3A_522 = arith.constant 0 : index
      %get3A_523 = tpu.vector_load %arg25[%get3A_522] {strides = array<i32>} : memref<16xf32, #tpu.memory_space<vmem>>, vector<16xf32>,
      %get3A_524 = arith.constant 0 : index
      %get3A_525 = tpu.vector_load %arg26[%get3A_524] {strides = array<i32>} : memref<16xf32, #tpu.memory_space<vmem>>, vector<16xf32>,
      %get3A_526 = arith.constant 0 : index
      %get3A_527 = tpu.vector_load %arg27[%get3A_526] {strides = array<i32>} : memref<16xf32, #tpu.memory_space<vmem>>, vector<16xf32>,
      %scan3A_528 = arith.constant 0 : i32
      %scan3A_529 = arith.constant 4 : i32
      %scan3A_530 = arith.addi %scan3A_528, %scan3A_529 : i32
      %scan3A_531 = arith.constant 1 : i32
      %scan3A_532:4 = scf.for %scan3A_662 = %scan3A_528 to %scan3A_530 step %scan3A_531 iter_args(%scan3A_663 = %get3A_521, %scan3A_664 = %get3A_523, %scan3A_665 = %get3A_525, %scan3A_666 = %get3A_527) -> (vector<16xf32>, vector<16xf32>, vector<16xf32>, vector<16xf32>)  : i32 {
        %mul3A_667 = arith.constant 2 : i32
        %mul3A_668 = arith.muli %mul3A_667, %scan3A_662 : i32
        %mul3A_669 = arith.constant 16 : i32
        %mul3A_670 = arith.muli %mul3A_668, %mul3A_669 : i32
        %add3A_671 = vector.broadcast %mul3A_670 : i32 to vector<16xi32>
        %add3A_672 = arith.addi %iota3A, %add3A_671 : vector<16xi32>
        %mul3A_673 = arith.constant 16 : i32
        %mul3A_674 = arith.muli %mul3A_668, %mul3A_673 : i32
        %get3A_675 = arith.index_cast %mul3A_674 : i32 to index
        %get3A_676 = tpu.vector_load %arg9[%get3A_675] {strides = array<i32>} : memref<128xi32, #tpu.memory_space<vmem>>, vector<16xi32>,
        %mul3A_677 = arith.constant 16 : i32
        %mul3A_678 = arith.muli %mul3A_668, %mul3A_677 : i32
        %get3A_679 = arith.index_cast %mul3A_678 : i32 to index
        %get3A_680 = tpu.vector_load %arg13[%get3A_679] {strides = array<i32>} : memref<128xi32, #tpu.memory_space<vmem>>, vector<16xi32>,
        %broadcast_in_dim3A_681 = arith.constant 0 : i32
        %broadcast_in_dim3A_682 = vector.broadcast %broadcast_in_dim3A_681 : i32 to vector<16xi32>
        %gather3A = tpu.vector_load_idx %arg17[%add3A_672, %broadcast_in_dim3A_682] : memref<128x8xf32, #tpu.memory_space<vmem>>[vector<16xi32>, vector<16xi32>], vector<16xf32>,
        %broadcast_in_dim3A_683 = arith.constant 1 : i32
        %broadcast_in_dim3A_684 = vector.broadcast %broadcast_in_dim3A_683 : i32 to vector<16xi32>
        %gather3A_685 = tpu.vector_load_idx %arg17[%add3A_672, %broadcast_in_dim3A_684] : memref<128x8xf32, #tpu.memory_space<vmem>>[vector<16xi32>, vector<16xi32>], vector<16xf32>,
        %broadcast_in_dim3A_686 = arith.constant 2 : i32
        %broadcast_in_dim3A_687 = vector.broadcast %broadcast_in_dim3A_686 : i32 to vector<16xi32>
        %gather3A_688 = tpu.vector_load_idx %arg17[%add3A_672, %broadcast_in_dim3A_687] : memref<128x8xf32, #tpu.memory_space<vmem>>[vector<16xi32>, vector<16xi32>], vector<16xf32>,
        %broadcast_in_dim3A_689 = arith.constant 3 : i32
        %broadcast_in_dim3A_690 = vector.broadcast %broadcast_in_dim3A_689 : i32 to vector<16xi32>
        %gather3A_691 = tpu.vector_load_idx %arg17[%add3A_672, %broadcast_in_dim3A_690] : memref<128x8xf32, #tpu.memory_space<vmem>>[vector<16xi32>, vector<16xi32>], vector<16xf32>,
        %broadcast_in_dim3A_692 = arith.constant 4 : i32
        %broadcast_in_dim3A_693 = vector.broadcast %broadcast_in_dim3A_692 : i32 to vector<16xi32>
        %gather3A_694 = tpu.vector_load_idx %arg17[%add3A_672, %broadcast_in_dim3A_693] : memref<128x8xf32, #tpu.memory_space<vmem>>[vector<16xi32>, vector<16xi32>], vector<16xf32>,
        %broadcast_in_dim3A_695 = arith.constant 5 : i32
        %broadcast_in_dim3A_696 = vector.broadcast %broadcast_in_dim3A_695 : i32 to vector<16xi32>
        %gather3A_697 = tpu.vector_load_idx %arg17[%add3A_672, %broadcast_in_dim3A_696] : memref<128x8xf32, #tpu.memory_space<vmem>>[vector<16xi32>, vector<16xi32>], vector<16xf32>,
        %broadcast_in_dim3A_698 = arith.constant 6 : i32
        %broadcast_in_dim3A_699 = vector.broadcast %broadcast_in_dim3A_698 : i32 to vector<16xi32>
        %gather3A_700 = tpu.vector_load_idx %arg17[%add3A_672, %broadcast_in_dim3A_699] : memref<128x8xf32, #tpu.memory_space<vmem>>[vector<16xi32>, vector<16xi32>], vector<16xf32>,
        %broadcast_in_dim3A_701 = arith.constant 7 : i32
        %broadcast_in_dim3A_702 = vector.broadcast %broadcast_in_dim3A_701 : i32 to vector<16xi32>
        %gather3A_703 = tpu.vector_load_idx %arg17[%add3A_672, %broadcast_in_dim3A_702] : memref<128x8xf32, #tpu.memory_space<vmem>>[vector<16xi32>, vector<16xi32>], vector<16xf32>,
        %broadcast_in_dim3A_704 = arith.constant 0 : i32
        %broadcast_in_dim3A_705 = vector.broadcast %broadcast_in_dim3A_704 : i32 to vector<16xi32>
        %gather3A_706 = tpu.vector_load_idx %arg19[%add3A_672, %broadcast_in_dim3A_705] : memref<128x8xf32, #tpu.memory_space<vmem>>[vector<16xi32>, vector<16xi32>], vector<16xf32>,
        %broadcast_in_dim3A_707 = arith.constant 1 : i32
        %broadcast_in_dim3A_708 = vector.broadcast %broadcast_in_dim3A_707 : i32 to vector<16xi32>
        %gather3A_709 = tpu.vector_load_idx %arg19[%add3A_672, %broadcast_in_dim3A_708] : memref<128x8xf32, #tpu.memory_space<vmem>>[vector<16xi32>, vector<16xi32>], vector<16xf32>,
        %broadcast_in_dim3A_710 = arith.constant 2 : i32
        %broadcast_in_dim3A_711 = vector.broadcast %broadcast_in_dim3A_710 : i32 to vector<16xi32>
        %gather3A_712 = tpu.vector_load_idx %arg19[%add3A_672, %broadcast_in_dim3A_711] : memref<128x8xf32, #tpu.memory_space<vmem>>[vector<16xi32>, vector<16xi32>], vector<16xf32>,
        %broadcast_in_dim3A_713 = arith.constant 3 : i32
        %broadcast_in_dim3A_714 = vector.broadcast %broadcast_in_dim3A_713 : i32 to vector<16xi32>
        %gather3A_715 = tpu.vector_load_idx %arg19[%add3A_672, %broadcast_in_dim3A_714] : memref<128x8xf32, #tpu.memory_space<vmem>>[vector<16xi32>, vector<16xi32>], vector<16xf32>,
        %broadcast_in_dim3A_716 = arith.constant 4 : i32
        %broadcast_in_dim3A_717 = vector.broadcast %broadcast_in_dim3A_716 : i32 to vector<16xi32>
        %gather3A_718 = tpu.vector_load_idx %arg19[%add3A_672, %broadcast_in_dim3A_717] : memref<128x8xf32, #tpu.memory_space<vmem>>[vector<16xi32>, vector<16xi32>], vector<16xf32>,
        %broadcast_in_dim3A_719 = arith.constant 5 : i32
        %broadcast_in_dim3A_720 = vector.broadcast %broadcast_in_dim3A_719 : i32 to vector<16xi32>
        %gather3A_721 = tpu.vector_load_idx %arg19[%add3A_672, %broadcast_in_dim3A_720] : memref<128x8xf32, #tpu.memory_space<vmem>>[vector<16xi32>, vector<16xi32>], vector<16xf32>,
        %broadcast_in_dim3A_722 = arith.constant 6 : i32
        %broadcast_in_dim3A_723 = vector.broadcast %broadcast_in_dim3A_722 : i32 to vector<16xi32>
        %gather3A_724 = tpu.vector_load_idx %arg19[%add3A_672, %broadcast_in_dim3A_723] : memref<128x8xf32, #tpu.memory_space<vmem>>[vector<16xi32>, vector<16xi32>], vector<16xf32>,
        %broadcast_in_dim3A_725 = arith.constant 7 : i32
        %broadcast_in_dim3A_726 = vector.broadcast %broadcast_in_dim3A_725 : i32 to vector<16xi32>
        %gather3A_727 = tpu.vector_load_idx %arg19[%add3A_672, %broadcast_in_dim3A_726] : memref<128x8xf32, #tpu.memory_space<vmem>>[vector<16xi32>, vector<16xi32>], vector<16xf32>,
        %sub3A = arith.subf %gather3A_706, %gather3A : vector<16xf32>
        %bitcast3A = vector.bitcast %sub3A : vector<16xf32> to vector<16xi32>
        %add3A_728 = arith.constant 32767 : i32
        %add3A_729 = vector.broadcast %add3A_728 : i32 to vector<16xi32>
        %add3A_730 = arith.addi %bitcast3A, %add3A_729 : vector<16xi32>
        %shift_right_logical3A = arith.constant 16 : i32
        %shift_right_logical3A_731 = vector.broadcast %shift_right_logical3A : i32 to vector<16xi32>
        %shift_right_logical3A_732 = arith.shrui %bitcast3A, %shift_right_logical3A_731 : vector<16xi32>
        %and3A = arith.constant 1 : i32
        %and3A_733 = vector.broadcast %and3A : i32 to vector<16xi32>
        %and3A_734 = arith.andi %shift_right_logical3A_732, %and3A_733 : vector<16xi32>
        %add3A_735 = arith.addi %add3A_730, %and3A_734 : vector<16xi32>
        %and3A_736 = arith.constant -65536 : i32
        %and3A_737 = vector.broadcast %and3A_736 : i32 to vector<16xi32>
        %and3A_738 = arith.andi %add3A_735, %and3A_737 : vector<16xi32>
        %bitcast3A_739 = vector.bitcast %and3A_738 : vector<16xi32> to vector<16xf32>
        %mul3A_740 = arith.constant 1.250000e-01 : f32
        %mul3A_741 = vector.broadcast %mul3A_740 : f32 to vector<16xf32>
        %mul3A_742 = arith.mulf %bitcast3A_739, %mul3A_741 : vector<16xf32>
        %gt3A = arith.constant 5.000000e-01 : f32
        %gt3A_743 = vector.broadcast %gt3A : f32 to vector<16xf32>
        %gt3A_744 = arith.cmpf ogt, %mul3A_742, %gt3A_743 : vector<16xf32>
        %jit3A = arith.constant 1.000000e+00 : f32
        %jit3A_745 = arith.constant 0.000000e+00 : f32
        %broadcast_in_dim3A_746 = vector.broadcast %jit3A : f32 to vector<16xf32>
        %broadcast_in_dim3A_747 = vector.broadcast %jit3A_745 : f32 to vector<16xf32>
        %select_n3A = arith.select %gt3A_744, %broadcast_in_dim3A_746, %broadcast_in_dim3A_747 : vector<16xi1>, vector<16xf32>
        %lt3A_748 = arith.constant -5.000000e-01 : f32
        %lt3A_749 = vector.broadcast %lt3A_748 : f32 to vector<16xf32>
        %lt3A_750 = arith.cmpf olt, %mul3A_742, %lt3A_749 : vector<16xf32>
        %jit3A_751 = arith.constant 1.000000e+00 : f32
        %jit3A_752 = arith.constant 0.000000e+00 : f32
        %broadcast_in_dim3A_753 = vector.broadcast %jit3A_751 : f32 to vector<16xf32>
        %broadcast_in_dim3A_754 = vector.broadcast %jit3A_752 : f32 to vector<16xf32>
        %select_n3A_755 = arith.select %lt3A_750, %broadcast_in_dim3A_753, %broadcast_in_dim3A_754 : vector<16xi1>, vector<16xf32>
        %sub3A_756 = arith.subf %select_n3A, %select_n3A_755 : vector<16xf32>
        %sub3A_757 = arith.subf %mul3A_742, %sub3A_756 : vector<16xf32>
        %bitcast3A_758 = vector.bitcast %sub3A_757 : vector<16xf32> to vector<16xi32>
        %add3A_759 = arith.constant 32767 : i32
        %add3A_760 = vector.broadcast %add3A_759 : i32 to vector<16xi32>
        %add3A_761 = arith.addi %bitcast3A_758, %add3A_760 : vector<16xi32>
        %shift_right_logical3A_762 = arith.constant 16 : i32
        %shift_right_logical3A_763 = vector.broadcast %shift_right_logical3A_762 : i32 to vector<16xi32>
        %shift_right_logical3A_764 = arith.shrui %bitcast3A_758, %shift_right_logical3A_763 : vector<16xi32>
        %and3A_765 = arith.constant 1 : i32
        %and3A_766 = vector.broadcast %and3A_765 : i32 to vector<16xi32>
        %and3A_767 = arith.andi %shift_right_logical3A_764, %and3A_766 : vector<16xi32>
        %add3A_768 = arith.addi %add3A_761, %and3A_767 : vector<16xi32>
        %and3A_769 = arith.constant -65536 : i32
        %and3A_770 = vector.broadcast %and3A_769 : i32 to vector<16xi32>
        %and3A_771 = arith.andi %add3A_768, %and3A_770 : vector<16xi32>
        %bitcast3A_772 = vector.bitcast %and3A_771 : vector<16xi32> to vector<16xf32>
        %mul3A_773 = arith.constant 8.000000e+00 : f32
        %mul3A_774 = vector.broadcast %mul3A_773 : f32 to vector<16xf32>
        %mul3A_775 = arith.mulf %bitcast3A_772, %mul3A_774 : vector<16xf32>
        %sub3A_776 = arith.subf %gather3A_709, %gather3A_685 : vector<16xf32>
        %bitcast3A_777 = vector.bitcast %sub3A_776 : vector<16xf32> to vector<16xi32>
        %add3A_778 = arith.constant 32767 : i32
        %add3A_779 = vector.broadcast %add3A_778 : i32 to vector<16xi32>
        %add3A_780 = arith.addi %bitcast3A_777, %add3A_779 : vector<16xi32>
        %shift_right_logical3A_781 = arith.constant 16 : i32
        %shift_right_logical3A_782 = vector.broadcast %shift_right_logical3A_781 : i32 to vector<16xi32>
        %shift_right_logical3A_783 = arith.shrui %bitcast3A_777, %shift_right_logical3A_782 : vector<16xi32>
        %and3A_784 = arith.constant 1 : i32
        %and3A_785 = vector.broadcast %and3A_784 : i32 to vector<16xi32>
        %and3A_786 = arith.andi %shift_right_logical3A_783, %and3A_785 : vector<16xi32>
        %add3A_787 = arith.addi %add3A_780, %and3A_786 : vector<16xi32>
        %and3A_788 = arith.constant -65536 : i32
        %and3A_789 = vector.broadcast %and3A_788 : i32 to vector<16xi32>
        %and3A_790 = arith.andi %add3A_787, %and3A_789 : vector<16xi32>
        %bitcast3A_791 = vector.bitcast %and3A_790 : vector<16xi32> to vector<16xf32>
        %mul3A_792 = arith.constant 1.250000e-01 : f32
        %mul3A_793 = vector.broadcast %mul3A_792 : f32 to vector<16xf32>
        %mul3A_794 = arith.mulf %bitcast3A_791, %mul3A_793 : vector<16xf32>
        %gt3A_795 = arith.constant 5.000000e-01 : f32
        %gt3A_796 = vector.broadcast %gt3A_795 : f32 to vector<16xf32>
        %gt3A_797 = arith.cmpf ogt, %mul3A_794, %gt3A_796 : vector<16xf32>
        %jit3A_798 = arith.constant 1.000000e+00 : f32
        %jit3A_799 = arith.constant 0.000000e+00 : f32
        %broadcast_in_dim3A_800 = vector.broadcast %jit3A_798 : f32 to vector<16xf32>
        %broadcast_in_dim3A_801 = vector.broadcast %jit3A_799 : f32 to vector<16xf32>
        %select_n3A_802 = arith.select %gt3A_797, %broadcast_in_dim3A_800, %broadcast_in_dim3A_801 : vector<16xi1>, vector<16xf32>
        %lt3A_803 = arith.constant -5.000000e-01 : f32
        %lt3A_804 = vector.broadcast %lt3A_803 : f32 to vector<16xf32>
        %lt3A_805 = arith.cmpf olt, %mul3A_794, %lt3A_804 : vector<16xf32>
        %jit3A_806 = arith.constant 1.000000e+00 : f32
        %jit3A_807 = arith.constant 0.000000e+00 : f32
        %broadcast_in_dim3A_808 = vector.broadcast %jit3A_806 : f32 to vector<16xf32>
        %broadcast_in_dim3A_809 = vector.broadcast %jit3A_807 : f32 to vector<16xf32>
        %select_n3A_810 = arith.select %lt3A_805, %broadcast_in_dim3A_808, %broadcast_in_dim3A_809 : vector<16xi1>, vector<16xf32>
        %sub3A_811 = arith.subf %select_n3A_802, %select_n3A_810 : vector<16xf32>
        %sub3A_812 = arith.subf %mul3A_794, %sub3A_811 : vector<16xf32>
        %bitcast3A_813 = vector.bitcast %sub3A_812 : vector<16xf32> to vector<16xi32>
        %add3A_814 = arith.constant 32767 : i32
        %add3A_815 = vector.broadcast %add3A_814 : i32 to vector<16xi32>
        %add3A_816 = arith.addi %bitcast3A_813, %add3A_815 : vector<16xi32>
        %shift_right_logical3A_817 = arith.constant 16 : i32
        %shift_right_logical3A_818 = vector.broadcast %shift_right_logical3A_817 : i32 to vector<16xi32>
        %shift_right_logical3A_819 = arith.shrui %bitcast3A_813, %shift_right_logical3A_818 : vector<16xi32>
        %and3A_820 = arith.constant 1 : i32
        %and3A_821 = vector.broadcast %and3A_820 : i32 to vector<16xi32>
        %and3A_822 = arith.andi %shift_right_logical3A_819, %and3A_821 : vector<16xi32>
        %add3A_823 = arith.addi %add3A_816, %and3A_822 : vector<16xi32>
        %and3A_824 = arith.constant -65536 : i32
        %and3A_825 = vector.broadcast %and3A_824 : i32 to vector<16xi32>
        %and3A_826 = arith.andi %add3A_823, %and3A_825 : vector<16xi32>
        %bitcast3A_827 = vector.bitcast %and3A_826 : vector<16xi32> to vector<16xf32>
        %mul3A_828 = arith.constant 8.000000e+00 : f32
        %mul3A_829 = vector.broadcast %mul3A_828 : f32 to vector<16xf32>
        %mul3A_830 = arith.mulf %bitcast3A_827, %mul3A_829 : vector<16xf32>
        %sub3A_831 = arith.subf %gather3A_712, %gather3A_688 : vector<16xf32>
        %bitcast3A_832 = vector.bitcast %sub3A_831 : vector<16xf32> to vector<16xi32>
        %add3A_833 = arith.constant 32767 : i32
        %add3A_834 = vector.broadcast %add3A_833 : i32 to vector<16xi32>
        %add3A_835 = arith.addi %bitcast3A_832, %add3A_834 : vector<16xi32>
        %shift_right_logical3A_836 = arith.constant 16 : i32
        %shift_right_logical3A_837 = vector.broadcast %shift_right_logical3A_836 : i32 to vector<16xi32>
        %shift_right_logical3A_838 = arith.shrui %bitcast3A_832, %shift_right_logical3A_837 : vector<16xi32>
        %and3A_839 = arith.constant 1 : i32
        %and3A_840 = vector.broadcast %and3A_839 : i32 to vector<16xi32>
        %and3A_841 = arith.andi %shift_right_logical3A_838, %and3A_840 : vector<16xi32>
        %add3A_842 = arith.addi %add3A_835, %and3A_841 : vector<16xi32>
        %and3A_843 = arith.constant -65536 : i32
        %and3A_844 = vector.broadcast %and3A_843 : i32 to vector<16xi32>
        %and3A_845 = arith.andi %add3A_842, %and3A_844 : vector<16xi32>
        %bitcast3A_846 = vector.bitcast %and3A_845 : vector<16xi32> to vector<16xf32>
        %mul3A_847 = arith.constant 1.250000e-01 : f32
        %mul3A_848 = vector.broadcast %mul3A_847 : f32 to vector<16xf32>
        %mul3A_849 = arith.mulf %bitcast3A_846, %mul3A_848 : vector<16xf32>
        %gt3A_850 = arith.constant 5.000000e-01 : f32
        %gt3A_851 = vector.broadcast %gt3A_850 : f32 to vector<16xf32>
        %gt3A_852 = arith.cmpf ogt, %mul3A_849, %gt3A_851 : vector<16xf32>
        %jit3A_853 = arith.constant 1.000000e+00 : f32
        %jit3A_854 = arith.constant 0.000000e+00 : f32
        %broadcast_in_dim3A_855 = vector.broadcast %jit3A_853 : f32 to vector<16xf32>
        %broadcast_in_dim3A_856 = vector.broadcast %jit3A_854 : f32 to vector<16xf32>
        %select_n3A_857 = arith.select %gt3A_852, %broadcast_in_dim3A_855, %broadcast_in_dim3A_856 : vector<16xi1>, vector<16xf32>
        %lt3A_858 = arith.constant -5.000000e-01 : f32
        %lt3A_859 = vector.broadcast %lt3A_858 : f32 to vector<16xf32>
        %lt3A_860 = arith.cmpf olt, %mul3A_849, %lt3A_859 : vector<16xf32>
        %jit3A_861 = arith.constant 1.000000e+00 : f32
        %jit3A_862 = arith.constant 0.000000e+00 : f32
        %broadcast_in_dim3A_863 = vector.broadcast %jit3A_861 : f32 to vector<16xf32>
        %broadcast_in_dim3A_864 = vector.broadcast %jit3A_862 : f32 to vector<16xf32>
        %select_n3A_865 = arith.select %lt3A_860, %broadcast_in_dim3A_863, %broadcast_in_dim3A_864 : vector<16xi1>, vector<16xf32>
        %sub3A_866 = arith.subf %select_n3A_857, %select_n3A_865 : vector<16xf32>
        %sub3A_867 = arith.subf %mul3A_849, %sub3A_866 : vector<16xf32>
        %bitcast3A_868 = vector.bitcast %sub3A_867 : vector<16xf32> to vector<16xi32>
        %add3A_869 = arith.constant 32767 : i32
        %add3A_870 = vector.broadcast %add3A_869 : i32 to vector<16xi32>
        %add3A_871 = arith.addi %bitcast3A_868, %add3A_870 : vector<16xi32>
        %shift_right_logical3A_872 = arith.constant 16 : i32
        %shift_right_logical3A_873 = vector.broadcast %shift_right_logical3A_872 : i32 to vector<16xi32>
        %shift_right_logical3A_874 = arith.shrui %bitcast3A_868, %shift_right_logical3A_873 : vector<16xi32>
        %and3A_875 = arith.constant 1 : i32
        %and3A_876 = vector.broadcast %and3A_875 : i32 to vector<16xi32>
        %and3A_877 = arith.andi %shift_right_logical3A_874, %and3A_876 : vector<16xi32>
        %add3A_878 = arith.addi %add3A_871, %and3A_877 : vector<16xi32>
        %and3A_879 = arith.constant -65536 : i32
        %and3A_880 = vector.broadcast %and3A_879 : i32 to vector<16xi32>
        %and3A_881 = arith.andi %add3A_878, %and3A_880 : vector<16xi32>
        %bitcast3A_882 = vector.bitcast %and3A_881 : vector<16xi32> to vector<16xf32>
        %mul3A_883 = arith.constant 8.000000e+00 : f32
        %mul3A_884 = vector.broadcast %mul3A_883 : f32 to vector<16xf32>
        %mul3A_885 = arith.mulf %bitcast3A_882, %mul3A_884 : vector<16xf32>
        %mul3A_886 = arith.mulf %mul3A_775, %mul3A_775 : vector<16xf32>
        %mul3A_887 = arith.mulf %mul3A_830, %mul3A_830 : vector<16xf32>
        %add3A_888 = arith.addf %mul3A_886, %mul3A_887 : vector<16xf32>
        %mul3A_889 = arith.mulf %mul3A_885, %mul3A_885 : vector<16xf32>
        %add3A_890 = arith.addf %add3A_888, %mul3A_889 : vector<16xf32>
        %add3A_891 = arith.constant 9.99999996E-13 : f32
        %add3A_892 = vector.broadcast %add3A_891 : f32 to vector<16xf32>
        %add3A_893 = arith.addf %add3A_890, %add3A_892 : vector<16xf32>
        %le3A = arith.constant 1.000000e+00 : f32
        %le3A_894 = vector.broadcast %le3A : f32 to vector<16xf32>
        %le3A_895 = arith.cmpf ole, %add3A_893, %le3A_894 : vector<16xf32>
        %gt3A_896 = arith.constant 9.99999993E-9 : f32
        %gt3A_897 = vector.broadcast %gt3A_896 : f32 to vector<16xf32>
        %gt3A_898 = arith.cmpf ogt, %add3A_893, %gt3A_897 : vector<16xf32>
        %and3A_899 = arith.andi %le3A_895, %gt3A_898 : vector<16xi1>
        %ne3A = arith.cmpi ne, %get3A_676, %get3A_680 : vector<16xi32>
        %and3A_900 = arith.andi %and3A_899, %ne3A : vector<16xi1>
        %jit3A_901 = arith.constant 1.000000e+00 : f32
        %jit3A_902 = arith.constant 0.000000e+00 : f32
        %broadcast_in_dim3A_903 = vector.broadcast %jit3A_901 : f32 to vector<16xf32>
        %broadcast_in_dim3A_904 = vector.broadcast %jit3A_902 : f32 to vector<16xf32>
        %select_n3A_905 = arith.select %and3A_900, %broadcast_in_dim3A_903, %broadcast_in_dim3A_904 : vector<16xi1>, vector<16xf32>
        %bitcast3A_906 = vector.bitcast %add3A_893 : vector<16xf32> to vector<16xi32>
        %shift_right_logical3A_907 = arith.constant 1 : i32
        %shift_right_logical3A_908 = vector.broadcast %shift_right_logical3A_907 : i32 to vector<16xi32>
        %shift_right_logical3A_909 = arith.shrui %bitcast3A_906, %shift_right_logical3A_908 : vector<16xi32>
        %sub3A_910 = arith.constant 1597463007 : i32
        %sub3A_911 = vector.broadcast %sub3A_910 : i32 to vector<16xi32>
        %sub3A_912 = arith.subi %sub3A_911, %shift_right_logical3A_909 : vector<16xi32>
        %bitcast3A_913 = vector.bitcast %sub3A_912 : vector<16xi32> to vector<16xf32>
        %mul3A_914 = arith.constant 5.000000e-01 : f32
        %mul3A_915 = vector.broadcast %mul3A_914 : f32 to vector<16xf32>
        %mul3A_916 = arith.mulf %mul3A_915, %add3A_893 : vector<16xf32>
        %mul3A_917 = arith.mulf %mul3A_916, %bitcast3A_913 : vector<16xf32>
        %mul3A_918 = arith.mulf %mul3A_917, %bitcast3A_913 : vector<16xf32>
        %sub3A_919 = arith.constant 1.500000e+00 : f32
        %sub3A_920 = vector.broadcast %sub3A_919 : f32 to vector<16xf32>
        %sub3A_921 = arith.subf %sub3A_920, %mul3A_918 : vector<16xf32>
        %mul3A_922 = arith.mulf %bitcast3A_913, %sub3A_921 : vector<16xf32>
        %mul3A_923 = arith.constant 5.000000e-01 : f32
        %mul3A_924 = vector.broadcast %mul3A_923 : f32 to vector<16xf32>
        %mul3A_925 = arith.mulf %mul3A_924, %add3A_893 : vector<16xf32>
        %mul3A_926 = arith.mulf %mul3A_925, %mul3A_922 : vector<16xf32>
        %mul3A_927 = arith.mulf %mul3A_926, %mul3A_922 : vector<16xf32>
        %sub3A_928 = arith.constant 1.500000e+00 : f32
        %sub3A_929 = vector.broadcast %sub3A_928 : f32 to vector<16xf32>
        %sub3A_930 = arith.subf %sub3A_929, %mul3A_927 : vector<16xf32>
        %mul3A_931 = arith.mulf %mul3A_922, %sub3A_930 : vector<16xf32>
        %mul3A_932 = arith.constant 5.000000e-01 : f32
        %mul3A_933 = vector.broadcast %mul3A_932 : f32 to vector<16xf32>
        %mul3A_934 = arith.mulf %mul3A_933, %add3A_893 : vector<16xf32>
        %mul3A_935 = arith.mulf %mul3A_934, %mul3A_931 : vector<16xf32>
        %mul3A_936 = arith.mulf %mul3A_935, %mul3A_931 : vector<16xf32>
        %sub3A_937 = arith.constant 1.500000e+00 : f32
        %sub3A_938 = vector.broadcast %sub3A_937 : f32 to vector<16xf32>
        %sub3A_939 = arith.subf %sub3A_938, %mul3A_936 : vector<16xf32>
        %mul3A_940 = arith.mulf %mul3A_931, %sub3A_939 : vector<16xf32>
        %mul3A_941 = arith.mulf %mul3A_940, %mul3A_940 : vector<16xf32>
        %mul3A_942 = arith.mulf %mul3A_941, %mul3A_940 : vector<16xf32>
        %mul3A_943 = arith.mulf %mul3A_942, %mul3A_941 : vector<16xf32>
        %mul3A_944 = arith.mulf %add3A_893, %mul3A_940 : vector<16xf32>
        %mul3A_945 = arith.mulf %mul3A_775, %gather3A_694 : vector<16xf32>
        %mul3A_946 = arith.mulf %mul3A_830, %gather3A_697 : vector<16xf32>
        %add3A_947 = arith.addf %mul3A_945, %mul3A_946 : vector<16xf32>
        %mul3A_948 = arith.mulf %mul3A_885, %gather3A_700 : vector<16xf32>
        %add3A_949 = arith.addf %add3A_947, %mul3A_948 : vector<16xf32>
        %mul3A_950 = arith.mulf %mul3A_775, %gather3A_718 : vector<16xf32>
        %mul3A_951 = arith.mulf %mul3A_830, %gather3A_721 : vector<16xf32>
        %add3A_952 = arith.addf %mul3A_950, %mul3A_951 : vector<16xf32>
        %mul3A_953 = arith.mulf %mul3A_885, %gather3A_724 : vector<16xf32>
        %add3A_954 = arith.addf %add3A_952, %mul3A_953 : vector<16xf32>
        %mul3A_955 = arith.mulf %gather3A_694, %gather3A_718 : vector<16xf32>
        %mul3A_956 = arith.mulf %gather3A_697, %gather3A_721 : vector<16xf32>
        %add3A_957 = arith.addf %mul3A_955, %mul3A_956 : vector<16xf32>
        %mul3A_958 = arith.mulf %gather3A_700, %gather3A_724 : vector<16xf32>
        %add3A_959 = arith.addf %add3A_957, %mul3A_958 : vector<16xf32>
        %mul3A_960 = arith.mulf %gather3A_715, %gather3A_691 : vector<16xf32>
        %mul3A_961 = arith.mulf %mul3A_960, %mul3A_940 : vector<16xf32>
        %mul3A_962 = arith.mulf %gather3A_715, %add3A_949 : vector<16xf32>
        %mul3A_963 = arith.mulf %gather3A_691, %add3A_954 : vector<16xf32>
        %sub3A_964 = arith.subf %mul3A_962, %mul3A_963 : vector<16xf32>
        %mul3A_965 = arith.mulf %sub3A_964, %mul3A_942 : vector<16xf32>
        %add3A_966 = arith.addf %mul3A_961, %mul3A_965 : vector<16xf32>
        %mul3A_967 = arith.constant 3.000000e+00 : f32
        %mul3A_968 = vector.broadcast %mul3A_967 : f32 to vector<16xf32>
        %mul3A_969 = arith.mulf %mul3A_968, %add3A_954 : vector<16xf32>
        %mul3A_970 = arith.mulf %mul3A_969, %add3A_949 : vector<16xf32>
        %mul3A_971 = arith.mulf %mul3A_970, %mul3A_943 : vector<16xf32>
        %add3A_972 = arith.addf %add3A_966, %mul3A_971 : vector<16xf32>
        %mul3A_973 = arith.mulf %add3A_959, %mul3A_942 : vector<16xf32>
        %sub3A_974 = arith.subf %add3A_972, %mul3A_973 : vector<16xf32>
        %mul3A_975 = arith.mulf %gather3A_703, %gather3A_727 : vector<16xf32>
        %bitcast3A_976 = vector.bitcast %mul3A_975 : vector<16xf32> to vector<16xi32>
        %shift_right_logical3A_977 = arith.constant 1 : i32
        %shift_right_logical3A_978 = vector.broadcast %shift_right_logical3A_977 : i32 to vector<16xi32>
        %shift_right_logical3A_979 = arith.shrui %bitcast3A_976, %shift_right_logical3A_978 : vector<16xi32>
        %sub3A_980 = arith.constant 1597463007 : i32
        %sub3A_981 = vector.broadcast %sub3A_980 : i32 to vector<16xi32>
        %sub3A_982 = arith.subi %sub3A_981, %shift_right_logical3A_979 : vector<16xi32>
        %bitcast3A_983 = vector.bitcast %sub3A_982 : vector<16xi32> to vector<16xf32>
        %mul3A_984 = arith.constant 5.000000e-01 : f32
        %mul3A_985 = vector.broadcast %mul3A_984 : f32 to vector<16xf32>
        %mul3A_986 = arith.mulf %mul3A_985, %mul3A_975 : vector<16xf32>
        %mul3A_987 = arith.mulf %mul3A_986, %bitcast3A_983 : vector<16xf32>
        %mul3A_988 = arith.mulf %mul3A_987, %bitcast3A_983 : vector<16xf32>
        %sub3A_989 = arith.constant 1.500000e+00 : f32
        %sub3A_990 = vector.broadcast %sub3A_989 : f32 to vector<16xf32>
        %sub3A_991 = arith.subf %sub3A_990, %mul3A_988 : vector<16xf32>
        %mul3A_992 = arith.mulf %bitcast3A_983, %sub3A_991 : vector<16xf32>
        %mul3A_993 = arith.constant 5.000000e-01 : f32
        %mul3A_994 = vector.broadcast %mul3A_993 : f32 to vector<16xf32>
        %mul3A_995 = arith.mulf %mul3A_994, %mul3A_975 : vector<16xf32>
        %mul3A_996 = arith.mulf %mul3A_995, %mul3A_992 : vector<16xf32>
        %mul3A_997 = arith.mulf %mul3A_996, %mul3A_992 : vector<16xf32>
        %sub3A_998 = arith.constant 1.500000e+00 : f32
        %sub3A_999 = vector.broadcast %sub3A_998 : f32 to vector<16xf32>
        %sub3A_1000 = arith.subf %sub3A_999, %mul3A_997 : vector<16xf32>
        %mul3A_1001 = arith.mulf %mul3A_992, %sub3A_1000 : vector<16xf32>
        %mul3A_1002 = arith.constant 5.000000e-01 : f32
        %mul3A_1003 = vector.broadcast %mul3A_1002 : f32 to vector<16xf32>
        %mul3A_1004 = arith.mulf %mul3A_1003, %mul3A_975 : vector<16xf32>
        %mul3A_1005 = arith.mulf %mul3A_1004, %mul3A_1001 : vector<16xf32>
        %mul3A_1006 = arith.mulf %mul3A_1005, %mul3A_1001 : vector<16xf32>
        %sub3A_1007 = arith.constant 1.500000e+00 : f32
        %sub3A_1008 = vector.broadcast %sub3A_1007 : f32 to vector<16xf32>
        %sub3A_1009 = arith.subf %sub3A_1008, %mul3A_1006 : vector<16xf32>
        %mul3A_1010 = arith.mulf %mul3A_1001, %sub3A_1009 : vector<16xf32>
        %mul3A_1011 = arith.constant 3.900000e-01 : f32
        %mul3A_1012 = vector.broadcast %mul3A_1011 : f32 to vector<16xf32>
        %mul3A_1013 = arith.mulf %mul3A_1012, %add3A_893 : vector<16xf32>
        %mul3A_1014 = arith.mulf %mul3A_1013, %mul3A_944 : vector<16xf32>
        %mul3A_1015 = arith.mulf %mul3A_1014, %mul3A_1010 : vector<16xf32>
        %neg3A = arith.constant 0.000000e+00 : f32
        %neg3A_1016 = vector.broadcast %neg3A : f32 to vector<16xf32>
        %neg3A_1017 = arith.subf %neg3A_1016, %mul3A_1015 : vector<16xf32>
        %exp3A = math.exp %neg3A_1017 : vector<16xf32>
        %sub3A_1018 = arith.constant 1.000000e+00 : f32
        %sub3A_1019 = vector.broadcast %sub3A_1018 : f32 to vector<16xf32>
        %sub3A_1020 = arith.subf %sub3A_1019, %exp3A : vector<16xf32>
        %add3A_1021 = arith.constant 1.000000e+00 : f32
        %add3A_1022 = vector.broadcast %add3A_1021 : f32 to vector<16xf32>
        %add3A_1023 = arith.addf %add3A_1022, %mul3A_1015 : vector<16xf32>
        %mul3A_1024 = arith.mulf %add3A_1023, %exp3A : vector<16xf32>
        %sub3A_1025 = arith.constant 1.000000e+00 : f32
        %sub3A_1026 = vector.broadcast %sub3A_1025 : f32 to vector<16xf32>
        %sub3A_1027 = arith.subf %sub3A_1026, %mul3A_1024 : vector<16xf32>
        %mul3A_1028 = arith.constant -138.935455 : f32
        %mul3A_1029 = vector.broadcast %mul3A_1028 : f32 to vector<16xf32>
        %mul3A_1030 = arith.mulf %mul3A_1029, %select_n3A_905 : vector<16xf32>
        %mul3A_1031 = arith.mulf %sub3A_1020, %mul3A_942 : vector<16xf32>
        %mul3A_1032 = arith.mulf %mul3A_1030, %mul3A_1031 : vector<16xf32>
        %mul3A_1033 = arith.constant 3.000000e+00 : f32
        %mul3A_1034 = vector.broadcast %mul3A_1033 : f32 to vector<16xf32>
        %mul3A_1035 = arith.mulf %mul3A_1034, %sub3A_1027 : vector<16xf32>
        %mul3A_1036 = arith.mulf %mul3A_1035, %add3A_949 : vector<16xf32>
        %mul3A_1037 = arith.mulf %mul3A_1036, %mul3A_943 : vector<16xf32>
        %mul3A_1038 = arith.mulf %mul3A_1030, %mul3A_1037 : vector<16xf32>
        %mul3A_1039 = arith.mulf %mul3A_1032, %gather3A_691 : vector<16xf32>
        %sub3A_1040 = arith.subf %mul3A_1038, %mul3A_1039 : vector<16xf32>
        %mul3A_1041 = arith.constant 3.000000e+00 : f32
        %mul3A_1042 = vector.broadcast %mul3A_1041 : f32 to vector<16xf32>
        %mul3A_1043 = arith.mulf %mul3A_1042, %sub3A_1027 : vector<16xf32>
        %mul3A_1044 = arith.mulf %mul3A_1043, %add3A_954 : vector<16xf32>
        %mul3A_1045 = arith.mulf %mul3A_1044, %mul3A_943 : vector<16xf32>
        %mul3A_1046 = arith.mulf %mul3A_1030, %mul3A_1045 : vector<16xf32>
        %mul3A_1047 = arith.mulf %mul3A_1032, %gather3A_715 : vector<16xf32>
        %add3A_1048 = arith.addf %mul3A_1046, %mul3A_1047 : vector<16xf32>
        %broadcast_in_dim3A_1049 = arith.constant 0 : i32
        %broadcast_in_dim3A_1050 = vector.broadcast %broadcast_in_dim3A_1049 : i32 to vector<16xi32>
        %mul3A_1051 = arith.mulf %sub3A_1040, %mul3A_775 : vector<16xf32>
        %mul3A_1052 = arith.mulf %mul3A_1032, %gather3A_694 : vector<16xf32>
        %sub3A_1053 = arith.subf %mul3A_1051, %mul3A_1052 : vector<16xf32>
        tpu.vector_store_idx %arg23[%add3A_672, %broadcast_in_dim3A_1050], %sub3A_1053 : memref<128x8xf32, #tpu.memory_space<vmem>>[vector<16xi32>, vector<16xi32>], vector<16xf32>,
        %broadcast_in_dim3A_1054 = arith.constant 1 : i32
        %broadcast_in_dim3A_1055 = vector.broadcast %broadcast_in_dim3A_1054 : i32 to vector<16xi32>
        %mul3A_1056 = arith.mulf %sub3A_1040, %mul3A_830 : vector<16xf32>
        %mul3A_1057 = arith.mulf %mul3A_1032, %gather3A_697 : vector<16xf32>
        %sub3A_1058 = arith.subf %mul3A_1056, %mul3A_1057 : vector<16xf32>
        tpu.vector_store_idx %arg23[%add3A_672, %broadcast_in_dim3A_1055], %sub3A_1058 : memref<128x8xf32, #tpu.memory_space<vmem>>[vector<16xi32>, vector<16xi32>], vector<16xf32>,
        %broadcast_in_dim3A_1059 = arith.constant 2 : i32
        %broadcast_in_dim3A_1060 = vector.broadcast %broadcast_in_dim3A_1059 : i32 to vector<16xi32>
        %mul3A_1061 = arith.mulf %sub3A_1040, %mul3A_885 : vector<16xf32>
        %mul3A_1062 = arith.mulf %mul3A_1032, %gather3A_700 : vector<16xf32>
        %sub3A_1063 = arith.subf %mul3A_1061, %mul3A_1062 : vector<16xf32>
        tpu.vector_store_idx %arg23[%add3A_672, %broadcast_in_dim3A_1060], %sub3A_1063 : memref<128x8xf32, #tpu.memory_space<vmem>>[vector<16xi32>, vector<16xi32>], vector<16xf32>,
        %broadcast_in_dim3A_1064 = arith.constant 0 : i32
        %broadcast_in_dim3A_1065 = vector.broadcast %broadcast_in_dim3A_1064 : i32 to vector<16xi32>
        %mul3A_1066 = arith.mulf %add3A_1048, %mul3A_775 : vector<16xf32>
        %mul3A_1067 = arith.mulf %mul3A_1032, %gather3A_718 : vector<16xf32>
        %sub3A_1068 = arith.subf %mul3A_1066, %mul3A_1067 : vector<16xf32>
        tpu.vector_store_idx %arg21[%add3A_672, %broadcast_in_dim3A_1065], %sub3A_1068 : memref<128x8xf32, #tpu.memory_space<vmem>>[vector<16xi32>, vector<16xi32>], vector<16xf32>,
        %broadcast_in_dim3A_1069 = arith.constant 1 : i32
        %broadcast_in_dim3A_1070 = vector.broadcast %broadcast_in_dim3A_1069 : i32 to vector<16xi32>
        %mul3A_1071 = arith.mulf %add3A_1048, %mul3A_830 : vector<16xf32>
        %mul3A_1072 = arith.mulf %mul3A_1032, %gather3A_721 : vector<16xf32>
        %sub3A_1073 = arith.subf %mul3A_1071, %mul3A_1072 : vector<16xf32>
        tpu.vector_store_idx %arg21[%add3A_672, %broadcast_in_dim3A_1070], %sub3A_1073 : memref<128x8xf32, #tpu.memory_space<vmem>>[vector<16xi32>, vector<16xi32>], vector<16xf32>,
        %broadcast_in_dim3A_1074 = arith.constant 2 : i32
        %broadcast_in_dim3A_1075 = vector.broadcast %broadcast_in_dim3A_1074 : i32 to vector<16xi32>
        %mul3A_1076 = arith.mulf %add3A_1048, %mul3A_885 : vector<16xf32>
        %mul3A_1077 = arith.mulf %mul3A_1032, %gather3A_724 : vector<16xf32>
        %sub3A_1078 = arith.subf %mul3A_1076, %mul3A_1077 : vector<16xf32>
        tpu.vector_store_idx %arg21[%add3A_672, %broadcast_in_dim3A_1075], %sub3A_1078 : memref<128x8xf32, #tpu.memory_space<vmem>>[vector<16xi32>, vector<16xi32>], vector<16xf32>,
        %mul3A_1079 = arith.mulf %sub3A_974, %select_n3A_905 : vector<16xf32>
        %mul3A_1080 = arith.constant 2 : i32
        %mul3A_1081 = arith.muli %mul3A_1080, %scan3A_662 : i32
        %add3A_1082 = arith.constant 1 : i32
        %add3A_1083 = arith.addi %mul3A_1081, %add3A_1082 : i32
        %mul3A_1084 = arith.constant 16 : i32
        %mul3A_1085 = arith.muli %add3A_1083, %mul3A_1084 : i32
        %add3A_1086 = vector.broadcast %mul3A_1085 : i32 to vector<16xi32>
        %add3A_1087 = arith.addi %iota3A, %add3A_1086 : vector<16xi32>
        %mul3A_1088 = arith.constant 16 : i32
        %mul3A_1089 = arith.muli %add3A_1083, %mul3A_1088 : i32
        %get3A_1090 = arith.index_cast %mul3A_1089 : i32 to index
        %get3A_1091 = tpu.vector_load %arg9[%get3A_1090] {strides = array<i32>} : memref<128xi32, #tpu.memory_space<vmem>>, vector<16xi32>,
        %mul3A_1092 = arith.constant 16 : i32
        %mul3A_1093 = arith.muli %add3A_1083, %mul3A_1092 : i32
        %get3A_1094 = arith.index_cast %mul3A_1093 : i32 to index
        %get3A_1095 = tpu.vector_load %arg13[%get3A_1094] {strides = array<i32>} : memref<128xi32, #tpu.memory_space<vmem>>, vector<16xi32>,
        %broadcast_in_dim3A_1096 = arith.constant 0 : i32
        %broadcast_in_dim3A_1097 = vector.broadcast %broadcast_in_dim3A_1096 : i32 to vector<16xi32>
        %gather3A_1098 = tpu.vector_load_idx %arg17[%add3A_1087, %broadcast_in_dim3A_1097] : memref<128x8xf32, #tpu.memory_space<vmem>>[vector<16xi32>, vector<16xi32>], vector<16xf32>,
        %broadcast_in_dim3A_1099 = arith.constant 1 : i32
        %broadcast_in_dim3A_1100 = vector.broadcast %broadcast_in_dim3A_1099 : i32 to vector<16xi32>
        %gather3A_1101 = tpu.vector_load_idx %arg17[%add3A_1087, %broadcast_in_dim3A_1100] : memref<128x8xf32, #tpu.memory_space<vmem>>[vector<16xi32>, vector<16xi32>], vector<16xf32>,
        %broadcast_in_dim3A_1102 = arith.constant 2 : i32
        %broadcast_in_dim3A_1103 = vector.broadcast %broadcast_in_dim3A_1102 : i32 to vector<16xi32>
        %gather3A_1104 = tpu.vector_load_idx %arg17[%add3A_1087, %broadcast_in_dim3A_1103] : memref<128x8xf32, #tpu.memory_space<vmem>>[vector<16xi32>, vector<16xi32>], vector<16xf32>,
        %broadcast_in_dim3A_1105 = arith.constant 3 : i32
        %broadcast_in_dim3A_1106 = vector.broadcast %broadcast_in_dim3A_1105 : i32 to vector<16xi32>
        %gather3A_1107 = tpu.vector_load_idx %arg17[%add3A_1087, %broadcast_in_dim3A_1106] : memref<128x8xf32, #tpu.memory_space<vmem>>[vector<16xi32>, vector<16xi32>], vector<16xf32>,
        %broadcast_in_dim3A_1108 = arith.constant 4 : i32
        %broadcast_in_dim3A_1109 = vector.broadcast %broadcast_in_dim3A_1108 : i32 to vector<16xi32>
        %gather3A_1110 = tpu.vector_load_idx %arg17[%add3A_1087, %broadcast_in_dim3A_1109] : memref<128x8xf32, #tpu.memory_space<vmem>>[vector<16xi32>, vector<16xi32>], vector<16xf32>,
        %broadcast_in_dim3A_1111 = arith.constant 5 : i32
        %broadcast_in_dim3A_1112 = vector.broadcast %broadcast_in_dim3A_1111 : i32 to vector<16xi32>
        %gather3A_1113 = tpu.vector_load_idx %arg17[%add3A_1087, %broadcast_in_dim3A_1112] : memref<128x8xf32, #tpu.memory_space<vmem>>[vector<16xi32>, vector<16xi32>], vector<16xf32>,
        %broadcast_in_dim3A_1114 = arith.constant 6 : i32
        %broadcast_in_dim3A_1115 = vector.broadcast %broadcast_in_dim3A_1114 : i32 to vector<16xi32>
        %gather3A_1116 = tpu.vector_load_idx %arg17[%add3A_1087, %broadcast_in_dim3A_1115] : memref<128x8xf32, #tpu.memory_space<vmem>>[vector<16xi32>, vector<16xi32>], vector<16xf32>,
        %broadcast_in_dim3A_1117 = arith.constant 7 : i32
        %broadcast_in_dim3A_1118 = vector.broadcast %broadcast_in_dim3A_1117 : i32 to vector<16xi32>
        %gather3A_1119 = tpu.vector_load_idx %arg17[%add3A_1087, %broadcast_in_dim3A_1118] : memref<128x8xf32, #tpu.memory_space<vmem>>[vector<16xi32>, vector<16xi32>], vector<16xf32>,
        %broadcast_in_dim3A_1120 = arith.constant 0 : i32
        %broadcast_in_dim3A_1121 = vector.broadcast %broadcast_in_dim3A_1120 : i32 to vector<16xi32>
        %gather3A_1122 = tpu.vector_load_idx %arg19[%add3A_1087, %broadcast_in_dim3A_1121] : memref<128x8xf32, #tpu.memory_space<vmem>>[vector<16xi32>, vector<16xi32>], vector<16xf32>,
        %broadcast_in_dim3A_1123 = arith.constant 1 : i32
        %broadcast_in_dim3A_1124 = vector.broadcast %broadcast_in_dim3A_1123 : i32 to vector<16xi32>
        %gather3A_1125 = tpu.vector_load_idx %arg19[%add3A_1087, %broadcast_in_dim3A_1124] : memref<128x8xf32, #tpu.memory_space<vmem>>[vector<16xi32>, vector<16xi32>], vector<16xf32>,
        %broadcast_in_dim3A_1126 = arith.constant 2 : i32
        %broadcast_in_dim3A_1127 = vector.broadcast %broadcast_in_dim3A_1126 : i32 to vector<16xi32>
        %gather3A_1128 = tpu.vector_load_idx %arg19[%add3A_1087, %broadcast_in_dim3A_1127] : memref<128x8xf32, #tpu.memory_space<vmem>>[vector<16xi32>, vector<16xi32>], vector<16xf32>,
        %broadcast_in_dim3A_1129 = arith.constant 3 : i32
        %broadcast_in_dim3A_1130 = vector.broadcast %broadcast_in_dim3A_1129 : i32 to vector<16xi32>
        %gather3A_1131 = tpu.vector_load_idx %arg19[%add3A_1087, %broadcast_in_dim3A_1130] : memref<128x8xf32, #tpu.memory_space<vmem>>[vector<16xi32>, vector<16xi32>], vector<16xf32>,
        %broadcast_in_dim3A_1132 = arith.constant 4 : i32
        %broadcast_in_dim3A_1133 = vector.broadcast %broadcast_in_dim3A_1132 : i32 to vector<16xi32>
        %gather3A_1134 = tpu.vector_load_idx %arg19[%add3A_1087, %broadcast_in_dim3A_1133] : memref<128x8xf32, #tpu.memory_space<vmem>>[vector<16xi32>, vector<16xi32>], vector<16xf32>,
        %broadcast_in_dim3A_1135 = arith.constant 5 : i32
        %broadcast_in_dim3A_1136 = vector.broadcast %broadcast_in_dim3A_1135 : i32 to vector<16xi32>
        %gather3A_1137 = tpu.vector_load_idx %arg19[%add3A_1087, %broadcast_in_dim3A_1136] : memref<128x8xf32, #tpu.memory_space<vmem>>[vector<16xi32>, vector<16xi32>], vector<16xf32>,
        %broadcast_in_dim3A_1138 = arith.constant 6 : i32
        %broadcast_in_dim3A_1139 = vector.broadcast %broadcast_in_dim3A_1138 : i32 to vector<16xi32>
        %gather3A_1140 = tpu.vector_load_idx %arg19[%add3A_1087, %broadcast_in_dim3A_1139] : memref<128x8xf32, #tpu.memory_space<vmem>>[vector<16xi32>, vector<16xi32>], vector<16xf32>,
        %broadcast_in_dim3A_1141 = arith.constant 7 : i32
        %broadcast_in_dim3A_1142 = vector.broadcast %broadcast_in_dim3A_1141 : i32 to vector<16xi32>
        %gather3A_1143 = tpu.vector_load_idx %arg19[%add3A_1087, %broadcast_in_dim3A_1142] : memref<128x8xf32, #tpu.memory_space<vmem>>[vector<16xi32>, vector<16xi32>], vector<16xf32>,
        %sub3A_1144 = arith.subf %gather3A_1122, %gather3A_1098 : vector<16xf32>
        %bitcast3A_1145 = vector.bitcast %sub3A_1144 : vector<16xf32> to vector<16xi32>
        %add3A_1146 = arith.constant 32767 : i32
        %add3A_1147 = vector.broadcast %add3A_1146 : i32 to vector<16xi32>
        %add3A_1148 = arith.addi %bitcast3A_1145, %add3A_1147 : vector<16xi32>
        %shift_right_logical3A_1149 = arith.constant 16 : i32
        %shift_right_logical3A_1150 = vector.broadcast %shift_right_logical3A_1149 : i32 to vector<16xi32>
        %shift_right_logical3A_1151 = arith.shrui %bitcast3A_1145, %shift_right_logical3A_1150 : vector<16xi32>
        %and3A_1152 = arith.constant 1 : i32
        %and3A_1153 = vector.broadcast %and3A_1152 : i32 to vector<16xi32>
        %and3A_1154 = arith.andi %shift_right_logical3A_1151, %and3A_1153 : vector<16xi32>
        %add3A_1155 = arith.addi %add3A_1148, %and3A_1154 : vector<16xi32>
        %and3A_1156 = arith.constant -65536 : i32
        %and3A_1157 = vector.broadcast %and3A_1156 : i32 to vector<16xi32>
        %and3A_1158 = arith.andi %add3A_1155, %and3A_1157 : vector<16xi32>
        %bitcast3A_1159 = vector.bitcast %and3A_1158 : vector<16xi32> to vector<16xf32>
        %mul3A_1160 = arith.constant 1.250000e-01 : f32
        %mul3A_1161 = vector.broadcast %mul3A_1160 : f32 to vector<16xf32>
        %mul3A_1162 = arith.mulf %bitcast3A_1159, %mul3A_1161 : vector<16xf32>
        %gt3A_1163 = arith.constant 5.000000e-01 : f32
        %gt3A_1164 = vector.broadcast %gt3A_1163 : f32 to vector<16xf32>
        %gt3A_1165 = arith.cmpf ogt, %mul3A_1162, %gt3A_1164 : vector<16xf32>
        %jit3A_1166 = arith.constant 1.000000e+00 : f32
        %jit3A_1167 = arith.constant 0.000000e+00 : f32
        %broadcast_in_dim3A_1168 = vector.broadcast %jit3A_1166 : f32 to vector<16xf32>
        %broadcast_in_dim3A_1169 = vector.broadcast %jit3A_1167 : f32 to vector<16xf32>
        %select_n3A_1170 = arith.select %gt3A_1165, %broadcast_in_dim3A_1168, %broadcast_in_dim3A_1169 : vector<16xi1>, vector<16xf32>
        %lt3A_1171 = arith.constant -5.000000e-01 : f32
        %lt3A_1172 = vector.broadcast %lt3A_1171 : f32 to vector<16xf32>
        %lt3A_1173 = arith.cmpf olt, %mul3A_1162, %lt3A_1172 : vector<16xf32>
        %jit3A_1174 = arith.constant 1.000000e+00 : f32
        %jit3A_1175 = arith.constant 0.000000e+00 : f32
        %broadcast_in_dim3A_1176 = vector.broadcast %jit3A_1174 : f32 to vector<16xf32>
        %broadcast_in_dim3A_1177 = vector.broadcast %jit3A_1175 : f32 to vector<16xf32>
        %select_n3A_1178 = arith.select %lt3A_1173, %broadcast_in_dim3A_1176, %broadcast_in_dim3A_1177 : vector<16xi1>, vector<16xf32>
        %sub3A_1179 = arith.subf %select_n3A_1170, %select_n3A_1178 : vector<16xf32>
        %sub3A_1180 = arith.subf %mul3A_1162, %sub3A_1179 : vector<16xf32>
        %bitcast3A_1181 = vector.bitcast %sub3A_1180 : vector<16xf32> to vector<16xi32>
        %add3A_1182 = arith.constant 32767 : i32
        %add3A_1183 = vector.broadcast %add3A_1182 : i32 to vector<16xi32>
        %add3A_1184 = arith.addi %bitcast3A_1181, %add3A_1183 : vector<16xi32>
        %shift_right_logical3A_1185 = arith.constant 16 : i32
        %shift_right_logical3A_1186 = vector.broadcast %shift_right_logical3A_1185 : i32 to vector<16xi32>
        %shift_right_logical3A_1187 = arith.shrui %bitcast3A_1181, %shift_right_logical3A_1186 : vector<16xi32>
        %and3A_1188 = arith.constant 1 : i32
        %and3A_1189 = vector.broadcast %and3A_1188 : i32 to vector<16xi32>
        %and3A_1190 = arith.andi %shift_right_logical3A_1187, %and3A_1189 : vector<16xi32>
        %add3A_1191 = arith.addi %add3A_1184, %and3A_1190 : vector<16xi32>
        %and3A_1192 = arith.constant -65536 : i32
        %and3A_1193 = vector.broadcast %and3A_1192 : i32 to vector<16xi32>
        %and3A_1194 = arith.andi %add3A_1191, %and3A_1193 : vector<16xi32>
        %bitcast3A_1195 = vector.bitcast %and3A_1194 : vector<16xi32> to vector<16xf32>
        %mul3A_1196 = arith.constant 8.000000e+00 : f32
        %mul3A_1197 = vector.broadcast %mul3A_1196 : f32 to vector<16xf32>
        %mul3A_1198 = arith.mulf %bitcast3A_1195, %mul3A_1197 : vector<16xf32>
        %sub3A_1199 = arith.subf %gather3A_1125, %gather3A_1101 : vector<16xf32>
        %bitcast3A_1200 = vector.bitcast %sub3A_1199 : vector<16xf32> to vector<16xi32>
        %add3A_1201 = arith.constant 32767 : i32
        %add3A_1202 = vector.broadcast %add3A_1201 : i32 to vector<16xi32>
        %add3A_1203 = arith.addi %bitcast3A_1200, %add3A_1202 : vector<16xi32>
        %shift_right_logical3A_1204 = arith.constant 16 : i32
        %shift_right_logical3A_1205 = vector.broadcast %shift_right_logical3A_1204 : i32 to vector<16xi32>
        %shift_right_logical3A_1206 = arith.shrui %bitcast3A_1200, %shift_right_logical3A_1205 : vector<16xi32>
        %and3A_1207 = arith.constant 1 : i32
        %and3A_1208 = vector.broadcast %and3A_1207 : i32 to vector<16xi32>
        %and3A_1209 = arith.andi %shift_right_logical3A_1206, %and3A_1208 : vector<16xi32>
        %add3A_1210 = arith.addi %add3A_1203, %and3A_1209 : vector<16xi32>
        %and3A_1211 = arith.constant -65536 : i32
        %and3A_1212 = vector.broadcast %and3A_1211 : i32 to vector<16xi32>
        %and3A_1213 = arith.andi %add3A_1210, %and3A_1212 : vector<16xi32>
        %bitcast3A_1214 = vector.bitcast %and3A_1213 : vector<16xi32> to vector<16xf32>
        %mul3A_1215 = arith.constant 1.250000e-01 : f32
        %mul3A_1216 = vector.broadcast %mul3A_1215 : f32 to vector<16xf32>
        %mul3A_1217 = arith.mulf %bitcast3A_1214, %mul3A_1216 : vector<16xf32>
        %gt3A_1218 = arith.constant 5.000000e-01 : f32
        %gt3A_1219 = vector.broadcast %gt3A_1218 : f32 to vector<16xf32>
        %gt3A_1220 = arith.cmpf ogt, %mul3A_1217, %gt3A_1219 : vector<16xf32>
        %jit3A_1221 = arith.constant 1.000000e+00 : f32
        %jit3A_1222 = arith.constant 0.000000e+00 : f32
        %broadcast_in_dim3A_1223 = vector.broadcast %jit3A_1221 : f32 to vector<16xf32>
        %broadcast_in_dim3A_1224 = vector.broadcast %jit3A_1222 : f32 to vector<16xf32>
        %select_n3A_1225 = arith.select %gt3A_1220, %broadcast_in_dim3A_1223, %broadcast_in_dim3A_1224 : vector<16xi1>, vector<16xf32>
        %lt3A_1226 = arith.constant -5.000000e-01 : f32
        %lt3A_1227 = vector.broadcast %lt3A_1226 : f32 to vector<16xf32>
        %lt3A_1228 = arith.cmpf olt, %mul3A_1217, %lt3A_1227 : vector<16xf32>
        %jit3A_1229 = arith.constant 1.000000e+00 : f32
        %jit3A_1230 = arith.constant 0.000000e+00 : f32
        %broadcast_in_dim3A_1231 = vector.broadcast %jit3A_1229 : f32 to vector<16xf32>
        %broadcast_in_dim3A_1232 = vector.broadcast %jit3A_1230 : f32 to vector<16xf32>
        %select_n3A_1233 = arith.select %lt3A_1228, %broadcast_in_dim3A_1231, %broadcast_in_dim3A_1232 : vector<16xi1>, vector<16xf32>
        %sub3A_1234 = arith.subf %select_n3A_1225, %select_n3A_1233 : vector<16xf32>
        %sub3A_1235 = arith.subf %mul3A_1217, %sub3A_1234 : vector<16xf32>
        %bitcast3A_1236 = vector.bitcast %sub3A_1235 : vector<16xf32> to vector<16xi32>
        %add3A_1237 = arith.constant 32767 : i32
        %add3A_1238 = vector.broadcast %add3A_1237 : i32 to vector<16xi32>
        %add3A_1239 = arith.addi %bitcast3A_1236, %add3A_1238 : vector<16xi32>
        %shift_right_logical3A_1240 = arith.constant 16 : i32
        %shift_right_logical3A_1241 = vector.broadcast %shift_right_logical3A_1240 : i32 to vector<16xi32>
        %shift_right_logical3A_1242 = arith.shrui %bitcast3A_1236, %shift_right_logical3A_1241 : vector<16xi32>
        %and3A_1243 = arith.constant 1 : i32
        %and3A_1244 = vector.broadcast %and3A_1243 : i32 to vector<16xi32>
        %and3A_1245 = arith.andi %shift_right_logical3A_1242, %and3A_1244 : vector<16xi32>
        %add3A_1246 = arith.addi %add3A_1239, %and3A_1245 : vector<16xi32>
        %and3A_1247 = arith.constant -65536 : i32
        %and3A_1248 = vector.broadcast %and3A_1247 : i32 to vector<16xi32>
        %and3A_1249 = arith.andi %add3A_1246, %and3A_1248 : vector<16xi32>
        %bitcast3A_1250 = vector.bitcast %and3A_1249 : vector<16xi32> to vector<16xf32>
        %mul3A_1251 = arith.constant 8.000000e+00 : f32
        %mul3A_1252 = vector.broadcast %mul3A_1251 : f32 to vector<16xf32>
        %mul3A_1253 = arith.mulf %bitcast3A_1250, %mul3A_1252 : vector<16xf32>
        %sub3A_1254 = arith.subf %gather3A_1128, %gather3A_1104 : vector<16xf32>
        %bitcast3A_1255 = vector.bitcast %sub3A_1254 : vector<16xf32> to vector<16xi32>
        %add3A_1256 = arith.constant 32767 : i32
        %add3A_1257 = vector.broadcast %add3A_1256 : i32 to vector<16xi32>
        %add3A_1258 = arith.addi %bitcast3A_1255, %add3A_1257 : vector<16xi32>
        %shift_right_logical3A_1259 = arith.constant 16 : i32
        %shift_right_logical3A_1260 = vector.broadcast %shift_right_logical3A_1259 : i32 to vector<16xi32>
        %shift_right_logical3A_1261 = arith.shrui %bitcast3A_1255, %shift_right_logical3A_1260 : vector<16xi32>
        %and3A_1262 = arith.constant 1 : i32
        %and3A_1263 = vector.broadcast %and3A_1262 : i32 to vector<16xi32>
        %and3A_1264 = arith.andi %shift_right_logical3A_1261, %and3A_1263 : vector<16xi32>
        %add3A_1265 = arith.addi %add3A_1258, %and3A_1264 : vector<16xi32>
        %and3A_1266 = arith.constant -65536 : i32
        %and3A_1267 = vector.broadcast %and3A_1266 : i32 to vector<16xi32>
        %and3A_1268 = arith.andi %add3A_1265, %and3A_1267 : vector<16xi32>
        %bitcast3A_1269 = vector.bitcast %and3A_1268 : vector<16xi32> to vector<16xf32>
        %mul3A_1270 = arith.constant 1.250000e-01 : f32
        %mul3A_1271 = vector.broadcast %mul3A_1270 : f32 to vector<16xf32>
        %mul3A_1272 = arith.mulf %bitcast3A_1269, %mul3A_1271 : vector<16xf32>
        %gt3A_1273 = arith.constant 5.000000e-01 : f32
        %gt3A_1274 = vector.broadcast %gt3A_1273 : f32 to vector<16xf32>
        %gt3A_1275 = arith.cmpf ogt, %mul3A_1272, %gt3A_1274 : vector<16xf32>
        %jit3A_1276 = arith.constant 1.000000e+00 : f32
        %jit3A_1277 = arith.constant 0.000000e+00 : f32
        %broadcast_in_dim3A_1278 = vector.broadcast %jit3A_1276 : f32 to vector<16xf32>
        %broadcast_in_dim3A_1279 = vector.broadcast %jit3A_1277 : f32 to vector<16xf32>
        %select_n3A_1280 = arith.select %gt3A_1275, %broadcast_in_dim3A_1278, %broadcast_in_dim3A_1279 : vector<16xi1>, vector<16xf32>
        %lt3A_1281 = arith.constant -5.000000e-01 : f32
        %lt3A_1282 = vector.broadcast %lt3A_1281 : f32 to vector<16xf32>
        %lt3A_1283 = arith.cmpf olt, %mul3A_1272, %lt3A_1282 : vector<16xf32>
        %jit3A_1284 = arith.constant 1.000000e+00 : f32
        %jit3A_1285 = arith.constant 0.000000e+00 : f32
        %broadcast_in_dim3A_1286 = vector.broadcast %jit3A_1284 : f32 to vector<16xf32>
        %broadcast_in_dim3A_1287 = vector.broadcast %jit3A_1285 : f32 to vector<16xf32>
        %select_n3A_1288 = arith.select %lt3A_1283, %broadcast_in_dim3A_1286, %broadcast_in_dim3A_1287 : vector<16xi1>, vector<16xf32>
        %sub3A_1289 = arith.subf %select_n3A_1280, %select_n3A_1288 : vector<16xf32>
        %sub3A_1290 = arith.subf %mul3A_1272, %sub3A_1289 : vector<16xf32>
        %bitcast3A_1291 = vector.bitcast %sub3A_1290 : vector<16xf32> to vector<16xi32>
        %add3A_1292 = arith.constant 32767 : i32
        %add3A_1293 = vector.broadcast %add3A_1292 : i32 to vector<16xi32>
        %add3A_1294 = arith.addi %bitcast3A_1291, %add3A_1293 : vector<16xi32>
        %shift_right_logical3A_1295 = arith.constant 16 : i32
        %shift_right_logical3A_1296 = vector.broadcast %shift_right_logical3A_1295 : i32 to vector<16xi32>
        %shift_right_logical3A_1297 = arith.shrui %bitcast3A_1291, %shift_right_logical3A_1296 : vector<16xi32>
        %and3A_1298 = arith.constant 1 : i32
        %and3A_1299 = vector.broadcast %and3A_1298 : i32 to vector<16xi32>
        %and3A_1300 = arith.andi %shift_right_logical3A_1297, %and3A_1299 : vector<16xi32>
        %add3A_1301 = arith.addi %add3A_1294, %and3A_1300 : vector<16xi32>
        %and3A_1302 = arith.constant -65536 : i32
        %and3A_1303 = vector.broadcast %and3A_1302 : i32 to vector<16xi32>
        %and3A_1304 = arith.andi %add3A_1301, %and3A_1303 : vector<16xi32>
        %bitcast3A_1305 = vector.bitcast %and3A_1304 : vector<16xi32> to vector<16xf32>
        %mul3A_1306 = arith.constant 8.000000e+00 : f32
        %mul3A_1307 = vector.broadcast %mul3A_1306 : f32 to vector<16xf32>
        %mul3A_1308 = arith.mulf %bitcast3A_1305, %mul3A_1307 : vector<16xf32>
        %mul3A_1309 = arith.mulf %mul3A_1198, %mul3A_1198 : vector<16xf32>
        %mul3A_1310 = arith.mulf %mul3A_1253, %mul3A_1253 : vector<16xf32>
        %add3A_1311 = arith.addf %mul3A_1309, %mul3A_1310 : vector<16xf32>
        %mul3A_1312 = arith.mulf %mul3A_1308, %mul3A_1308 : vector<16xf32>
        %add3A_1313 = arith.addf %add3A_1311, %mul3A_1312 : vector<16xf32>
        %add3A_1314 = arith.constant 9.99999996E-13 : f32
        %add3A_1315 = vector.broadcast %add3A_1314 : f32 to vector<16xf32>
        %add3A_1316 = arith.addf %add3A_1313, %add3A_1315 : vector<16xf32>
        %le3A_1317 = arith.constant 1.000000e+00 : f32
        %le3A_1318 = vector.broadcast %le3A_1317 : f32 to vector<16xf32>
        %le3A_1319 = arith.cmpf ole, %add3A_1316, %le3A_1318 : vector<16xf32>
        %gt3A_1320 = arith.constant 9.99999993E-9 : f32
        %gt3A_1321 = vector.broadcast %gt3A_1320 : f32 to vector<16xf32>
        %gt3A_1322 = arith.cmpf ogt, %add3A_1316, %gt3A_1321 : vector<16xf32>
        %and3A_1323 = arith.andi %le3A_1319, %gt3A_1322 : vector<16xi1>
        %ne3A_1324 = arith.cmpi ne, %get3A_1091, %get3A_1095 : vector<16xi32>
        %and3A_1325 = arith.andi %and3A_1323, %ne3A_1324 : vector<16xi1>
        %jit3A_1326 = arith.constant 1.000000e+00 : f32
        %jit3A_1327 = arith.constant 0.000000e+00 : f32
        %broadcast_in_dim3A_1328 = vector.broadcast %jit3A_1326 : f32 to vector<16xf32>
        %broadcast_in_dim3A_1329 = vector.broadcast %jit3A_1327 : f32 to vector<16xf32>
        %select_n3A_1330 = arith.select %and3A_1325, %broadcast_in_dim3A_1328, %broadcast_in_dim3A_1329 : vector<16xi1>, vector<16xf32>
        %bitcast3A_1331 = vector.bitcast %add3A_1316 : vector<16xf32> to vector<16xi32>
        %shift_right_logical3A_1332 = arith.constant 1 : i32
        %shift_right_logical3A_1333 = vector.broadcast %shift_right_logical3A_1332 : i32 to vector<16xi32>
        %shift_right_logical3A_1334 = arith.shrui %bitcast3A_1331, %shift_right_logical3A_1333 : vector<16xi32>
        %sub3A_1335 = arith.constant 1597463007 : i32
        %sub3A_1336 = vector.broadcast %sub3A_1335 : i32 to vector<16xi32>
        %sub3A_1337 = arith.subi %sub3A_1336, %shift_right_logical3A_1334 : vector<16xi32>
        %bitcast3A_1338 = vector.bitcast %sub3A_1337 : vector<16xi32> to vector<16xf32>
        %mul3A_1339 = arith.constant 5.000000e-01 : f32
        %mul3A_1340 = vector.broadcast %mul3A_1339 : f32 to vector<16xf32>
        %mul3A_1341 = arith.mulf %mul3A_1340, %add3A_1316 : vector<16xf32>
        %mul3A_1342 = arith.mulf %mul3A_1341, %bitcast3A_1338 : vector<16xf32>
        %mul3A_1343 = arith.mulf %mul3A_1342, %bitcast3A_1338 : vector<16xf32>
        %sub3A_1344 = arith.constant 1.500000e+00 : f32
        %sub3A_1345 = vector.broadcast %sub3A_1344 : f32 to vector<16xf32>
        %sub3A_1346 = arith.subf %sub3A_1345, %mul3A_1343 : vector<16xf32>
        %mul3A_1347 = arith.mulf %bitcast3A_1338, %sub3A_1346 : vector<16xf32>
        %mul3A_1348 = arith.constant 5.000000e-01 : f32
        %mul3A_1349 = vector.broadcast %mul3A_1348 : f32 to vector<16xf32>
        %mul3A_1350 = arith.mulf %mul3A_1349, %add3A_1316 : vector<16xf32>
        %mul3A_1351 = arith.mulf %mul3A_1350, %mul3A_1347 : vector<16xf32>
        %mul3A_1352 = arith.mulf %mul3A_1351, %mul3A_1347 : vector<16xf32>
        %sub3A_1353 = arith.constant 1.500000e+00 : f32
        %sub3A_1354 = vector.broadcast %sub3A_1353 : f32 to vector<16xf32>
        %sub3A_1355 = arith.subf %sub3A_1354, %mul3A_1352 : vector<16xf32>
        %mul3A_1356 = arith.mulf %mul3A_1347, %sub3A_1355 : vector<16xf32>
        %mul3A_1357 = arith.constant 5.000000e-01 : f32
        %mul3A_1358 = vector.broadcast %mul3A_1357 : f32 to vector<16xf32>
        %mul3A_1359 = arith.mulf %mul3A_1358, %add3A_1316 : vector<16xf32>
        %mul3A_1360 = arith.mulf %mul3A_1359, %mul3A_1356 : vector<16xf32>
        %mul3A_1361 = arith.mulf %mul3A_1360, %mul3A_1356 : vector<16xf32>
        %sub3A_1362 = arith.constant 1.500000e+00 : f32
        %sub3A_1363 = vector.broadcast %sub3A_1362 : f32 to vector<16xf32>
        %sub3A_1364 = arith.subf %sub3A_1363, %mul3A_1361 : vector<16xf32>
        %mul3A_1365 = arith.mulf %mul3A_1356, %sub3A_1364 : vector<16xf32>
        %mul3A_1366 = arith.mulf %mul3A_1365, %mul3A_1365 : vector<16xf32>
        %mul3A_1367 = arith.mulf %mul3A_1366, %mul3A_1365 : vector<16xf32>
        %mul3A_1368 = arith.mulf %mul3A_1367, %mul3A_1366 : vector<16xf32>
        %mul3A_1369 = arith.mulf %add3A_1316, %mul3A_1365 : vector<16xf32>
        %mul3A_1370 = arith.mulf %mul3A_1198, %gather3A_1110 : vector<16xf32>
        %mul3A_1371 = arith.mulf %mul3A_1253, %gather3A_1113 : vector<16xf32>
        %add3A_1372 = arith.addf %mul3A_1370, %mul3A_1371 : vector<16xf32>
        %mul3A_1373 = arith.mulf %mul3A_1308, %gather3A_1116 : vector<16xf32>
        %add3A_1374 = arith.addf %add3A_1372, %mul3A_1373 : vector<16xf32>
        %mul3A_1375 = arith.mulf %mul3A_1198, %gather3A_1134 : vector<16xf32>
        %mul3A_1376 = arith.mulf %mul3A_1253, %gather3A_1137 : vector<16xf32>
        %add3A_1377 = arith.addf %mul3A_1375, %mul3A_1376 : vector<16xf32>
        %mul3A_1378 = arith.mulf %mul3A_1308, %gather3A_1140 : vector<16xf32>
        %add3A_1379 = arith.addf %add3A_1377, %mul3A_1378 : vector<16xf32>
        %mul3A_1380 = arith.mulf %gather3A_1110, %gather3A_1134 : vector<16xf32>
        %mul3A_1381 = arith.mulf %gather3A_1113, %gather3A_1137 : vector<16xf32>
        %add3A_1382 = arith.addf %mul3A_1380, %mul3A_1381 : vector<16xf32>
        %mul3A_1383 = arith.mulf %gather3A_1116, %gather3A_1140 : vector<16xf32>
        %add3A_1384 = arith.addf %add3A_1382, %mul3A_1383 : vector<16xf32>
        %mul3A_1385 = arith.mulf %gather3A_1131, %gather3A_1107 : vector<16xf32>
        %mul3A_1386 = arith.mulf %mul3A_1385, %mul3A_1365 : vector<16xf32>
        %mul3A_1387 = arith.mulf %gather3A_1131, %add3A_1374 : vector<16xf32>
        %mul3A_1388 = arith.mulf %gather3A_1107, %add3A_1379 : vector<16xf32>
        %sub3A_1389 = arith.subf %mul3A_1387, %mul3A_1388 : vector<16xf32>
        %mul3A_1390 = arith.mulf %sub3A_1389, %mul3A_1367 : vector<16xf32>
        %add3A_1391 = arith.addf %mul3A_1386, %mul3A_1390 : vector<16xf32>
        %mul3A_1392 = arith.constant 3.000000e+00 : f32
        %mul3A_1393 = vector.broadcast %mul3A_1392 : f32 to vector<16xf32>
        %mul3A_1394 = arith.mulf %mul3A_1393, %add3A_1379 : vector<16xf32>
        %mul3A_1395 = arith.mulf %mul3A_1394, %add3A_1374 : vector<16xf32>
        %mul3A_1396 = arith.mulf %mul3A_1395, %mul3A_1368 : vector<16xf32>
        %add3A_1397 = arith.addf %add3A_1391, %mul3A_1396 : vector<16xf32>
        %mul3A_1398 = arith.mulf %add3A_1384, %mul3A_1367 : vector<16xf32>
        %sub3A_1399 = arith.subf %add3A_1397, %mul3A_1398 : vector<16xf32>
        %mul3A_1400 = arith.mulf %gather3A_1119, %gather3A_1143 : vector<16xf32>
        %bitcast3A_1401 = vector.bitcast %mul3A_1400 : vector<16xf32> to vector<16xi32>
        %shift_right_logical3A_1402 = arith.constant 1 : i32
        %shift_right_logical3A_1403 = vector.broadcast %shift_right_logical3A_1402 : i32 to vector<16xi32>
        %shift_right_logical3A_1404 = arith.shrui %bitcast3A_1401, %shift_right_logical3A_1403 : vector<16xi32>
        %sub3A_1405 = arith.constant 1597463007 : i32
        %sub3A_1406 = vector.broadcast %sub3A_1405 : i32 to vector<16xi32>
        %sub3A_1407 = arith.subi %sub3A_1406, %shift_right_logical3A_1404 : vector<16xi32>
        %bitcast3A_1408 = vector.bitcast %sub3A_1407 : vector<16xi32> to vector<16xf32>
        %mul3A_1409 = arith.constant 5.000000e-01 : f32
        %mul3A_1410 = vector.broadcast %mul3A_1409 : f32 to vector<16xf32>
        %mul3A_1411 = arith.mulf %mul3A_1410, %mul3A_1400 : vector<16xf32>
        %mul3A_1412 = arith.mulf %mul3A_1411, %bitcast3A_1408 : vector<16xf32>
        %mul3A_1413 = arith.mulf %mul3A_1412, %bitcast3A_1408 : vector<16xf32>
        %sub3A_1414 = arith.constant 1.500000e+00 : f32
        %sub3A_1415 = vector.broadcast %sub3A_1414 : f32 to vector<16xf32>
        %sub3A_1416 = arith.subf %sub3A_1415, %mul3A_1413 : vector<16xf32>
        %mul3A_1417 = arith.mulf %bitcast3A_1408, %sub3A_1416 : vector<16xf32>
        %mul3A_1418 = arith.constant 5.000000e-01 : f32
        %mul3A_1419 = vector.broadcast %mul3A_1418 : f32 to vector<16xf32>
        %mul3A_1420 = arith.mulf %mul3A_1419, %mul3A_1400 : vector<16xf32>
        %mul3A_1421 = arith.mulf %mul3A_1420, %mul3A_1417 : vector<16xf32>
        %mul3A_1422 = arith.mulf %mul3A_1421, %mul3A_1417 : vector<16xf32>
        %sub3A_1423 = arith.constant 1.500000e+00 : f32
        %sub3A_1424 = vector.broadcast %sub3A_1423 : f32 to vector<16xf32>
        %sub3A_1425 = arith.subf %sub3A_1424, %mul3A_1422 : vector<16xf32>
        %mul3A_1426 = arith.mulf %mul3A_1417, %sub3A_1425 : vector<16xf32>
        %mul3A_1427 = arith.constant 5.000000e-01 : f32
        %mul3A_1428 = vector.broadcast %mul3A_1427 : f32 to vector<16xf32>
        %mul3A_1429 = arith.mulf %mul3A_1428, %mul3A_1400 : vector<16xf32>
        %mul3A_1430 = arith.mulf %mul3A_1429, %mul3A_1426 : vector<16xf32>
        %mul3A_1431 = arith.mulf %mul3A_1430, %mul3A_1426 : vector<16xf32>
        %sub3A_1432 = arith.constant 1.500000e+00 : f32
        %sub3A_1433 = vector.broadcast %sub3A_1432 : f32 to vector<16xf32>
        %sub3A_1434 = arith.subf %sub3A_1433, %mul3A_1431 : vector<16xf32>
        %mul3A_1435 = arith.mulf %mul3A_1426, %sub3A_1434 : vector<16xf32>
        %mul3A_1436 = arith.constant 3.900000e-01 : f32
        %mul3A_1437 = vector.broadcast %mul3A_1436 : f32 to vector<16xf32>
        %mul3A_1438 = arith.mulf %mul3A_1437, %add3A_1316 : vector<16xf32>
        %mul3A_1439 = arith.mulf %mul3A_1438, %mul3A_1369 : vector<16xf32>
        %mul3A_1440 = arith.mulf %mul3A_1439, %mul3A_1435 : vector<16xf32>
        %neg3A_1441 = arith.constant 0.000000e+00 : f32
        %neg3A_1442 = vector.broadcast %neg3A_1441 : f32 to vector<16xf32>
        %neg3A_1443 = arith.subf %neg3A_1442, %mul3A_1440 : vector<16xf32>
        %exp3A_1444 = math.exp %neg3A_1443 : vector<16xf32>
        %sub3A_1445 = arith.constant 1.000000e+00 : f32
        %sub3A_1446 = vector.broadcast %sub3A_1445 : f32 to vector<16xf32>
        %sub3A_1447 = arith.subf %sub3A_1446, %exp3A_1444 : vector<16xf32>
        %add3A_1448 = arith.constant 1.000000e+00 : f32
        %add3A_1449 = vector.broadcast %add3A_1448 : f32 to vector<16xf32>
        %add3A_1450 = arith.addf %add3A_1449, %mul3A_1440 : vector<16xf32>
        %mul3A_1451 = arith.mulf %add3A_1450, %exp3A_1444 : vector<16xf32>
        %sub3A_1452 = arith.constant 1.000000e+00 : f32
        %sub3A_1453 = vector.broadcast %sub3A_1452 : f32 to vector<16xf32>
        %sub3A_1454 = arith.subf %sub3A_1453, %mul3A_1451 : vector<16xf32>
        %mul3A_1455 = arith.constant -138.935455 : f32
        %mul3A_1456 = vector.broadcast %mul3A_1455 : f32 to vector<16xf32>
        %mul3A_1457 = arith.mulf %mul3A_1456, %select_n3A_1330 : vector<16xf32>
        %mul3A_1458 = arith.mulf %sub3A_1447, %mul3A_1367 : vector<16xf32>
        %mul3A_1459 = arith.mulf %mul3A_1457, %mul3A_1458 : vector<16xf32>
        %mul3A_1460 = arith.constant 3.000000e+00 : f32
        %mul3A_1461 = vector.broadcast %mul3A_1460 : f32 to vector<16xf32>
        %mul3A_1462 = arith.mulf %mul3A_1461, %sub3A_1454 : vector<16xf32>
        %mul3A_1463 = arith.mulf %mul3A_1462, %add3A_1374 : vector<16xf32>
        %mul3A_1464 = arith.mulf %mul3A_1463, %mul3A_1368 : vector<16xf32>
        %mul3A_1465 = arith.mulf %mul3A_1457, %mul3A_1464 : vector<16xf32>
        %mul3A_1466 = arith.mulf %mul3A_1459, %gather3A_1107 : vector<16xf32>
        %sub3A_1467 = arith.subf %mul3A_1465, %mul3A_1466 : vector<16xf32>
        %mul3A_1468 = arith.constant 3.000000e+00 : f32
        %mul3A_1469 = vector.broadcast %mul3A_1468 : f32 to vector<16xf32>
        %mul3A_1470 = arith.mulf %mul3A_1469, %sub3A_1454 : vector<16xf32>
        %mul3A_1471 = arith.mulf %mul3A_1470, %add3A_1379 : vector<16xf32>
        %mul3A_1472 = arith.mulf %mul3A_1471, %mul3A_1368 : vector<16xf32>
        %mul3A_1473 = arith.mulf %mul3A_1457, %mul3A_1472 : vector<16xf32>
        %mul3A_1474 = arith.mulf %mul3A_1459, %gather3A_1131 : vector<16xf32>
        %add3A_1475 = arith.addf %mul3A_1473, %mul3A_1474 : vector<16xf32>
        %broadcast_in_dim3A_1476 = arith.constant 0 : i32
        %broadcast_in_dim3A_1477 = vector.broadcast %broadcast_in_dim3A_1476 : i32 to vector<16xi32>
        %mul3A_1478 = arith.mulf %sub3A_1467, %mul3A_1198 : vector<16xf32>
        %mul3A_1479 = arith.mulf %mul3A_1459, %gather3A_1110 : vector<16xf32>
        %sub3A_1480 = arith.subf %mul3A_1478, %mul3A_1479 : vector<16xf32>
        tpu.vector_store_idx %arg23[%add3A_1087, %broadcast_in_dim3A_1477], %sub3A_1480 : memref<128x8xf32, #tpu.memory_space<vmem>>[vector<16xi32>, vector<16xi32>], vector<16xf32>,
        %broadcast_in_dim3A_1481 = arith.constant 1 : i32
        %broadcast_in_dim3A_1482 = vector.broadcast %broadcast_in_dim3A_1481 : i32 to vector<16xi32>
        %mul3A_1483 = arith.mulf %sub3A_1467, %mul3A_1253 : vector<16xf32>
        %mul3A_1484 = arith.mulf %mul3A_1459, %gather3A_1113 : vector<16xf32>
        %sub3A_1485 = arith.subf %mul3A_1483, %mul3A_1484 : vector<16xf32>
        tpu.vector_store_idx %arg23[%add3A_1087, %broadcast_in_dim3A_1482], %sub3A_1485 : memref<128x8xf32, #tpu.memory_space<vmem>>[vector<16xi32>, vector<16xi32>], vector<16xf32>,
        %broadcast_in_dim3A_1486 = arith.constant 2 : i32
        %broadcast_in_dim3A_1487 = vector.broadcast %broadcast_in_dim3A_1486 : i32 to vector<16xi32>
        %mul3A_1488 = arith.mulf %sub3A_1467, %mul3A_1308 : vector<16xf32>
        %mul3A_1489 = arith.mulf %mul3A_1459, %gather3A_1116 : vector<16xf32>
        %sub3A_1490 = arith.subf %mul3A_1488, %mul3A_1489 : vector<16xf32>
        tpu.vector_store_idx %arg23[%add3A_1087, %broadcast_in_dim3A_1487], %sub3A_1490 : memref<128x8xf32, #tpu.memory_space<vmem>>[vector<16xi32>, vector<16xi32>], vector<16xf32>,
        %broadcast_in_dim3A_1491 = arith.constant 0 : i32
        %broadcast_in_dim3A_1492 = vector.broadcast %broadcast_in_dim3A_1491 : i32 to vector<16xi32>
        %mul3A_1493 = arith.mulf %add3A_1475, %mul3A_1198 : vector<16xf32>
        %mul3A_1494 = arith.mulf %mul3A_1459, %gather3A_1134 : vector<16xf32>
        %sub3A_1495 = arith.subf %mul3A_1493, %mul3A_1494 : vector<16xf32>
        tpu.vector_store_idx %arg21[%add3A_1087, %broadcast_in_dim3A_1492], %sub3A_1495 : memref<128x8xf32, #tpu.memory_space<vmem>>[vector<16xi32>, vector<16xi32>], vector<16xf32>,
        %broadcast_in_dim3A_1496 = arith.constant 1 : i32
        %broadcast_in_dim3A_1497 = vector.broadcast %broadcast_in_dim3A_1496 : i32 to vector<16xi32>
        %mul3A_1498 = arith.mulf %add3A_1475, %mul3A_1253 : vector<16xf32>
        %mul3A_1499 = arith.mulf %mul3A_1459, %gather3A_1137 : vector<16xf32>
        %sub3A_1500 = arith.subf %mul3A_1498, %mul3A_1499 : vector<16xf32>
        tpu.vector_store_idx %arg21[%add3A_1087, %broadcast_in_dim3A_1497], %sub3A_1500 : memref<128x8xf32, #tpu.memory_space<vmem>>[vector<16xi32>, vector<16xi32>], vector<16xf32>,
        %broadcast_in_dim3A_1501 = arith.constant 2 : i32
        %broadcast_in_dim3A_1502 = vector.broadcast %broadcast_in_dim3A_1501 : i32 to vector<16xi32>
        %mul3A_1503 = arith.mulf %add3A_1475, %mul3A_1308 : vector<16xf32>
        %mul3A_1504 = arith.mulf %mul3A_1459, %gather3A_1140 : vector<16xf32>
        %sub3A_1505 = arith.subf %mul3A_1503, %mul3A_1504 : vector<16xf32>
        tpu.vector_store_idx %arg21[%add3A_1087, %broadcast_in_dim3A_1502], %sub3A_1505 : memref<128x8xf32, #tpu.memory_space<vmem>>[vector<16xi32>, vector<16xi32>], vector<16xf32>,
        %mul3A_1506 = arith.mulf %sub3A_1399, %select_n3A_1330 : vector<16xf32>
        %sub3A_1507 = arith.subf %mul3A_1079, %scan3A_664 : vector<16xf32>
        %add3A_1508 = arith.addf %scan3A_663, %sub3A_1507 : vector<16xf32>
        %sub3A_1509 = arith.subf %add3A_1508, %scan3A_663 : vector<16xf32>
        %sub3A_1510 = arith.subf %sub3A_1509, %sub3A_1507 : vector<16xf32>
        %sub3A_1511 = arith.subf %mul3A_1506, %scan3A_666 : vector<16xf32>
        %add3A_1512 = arith.addf %scan3A_665, %sub3A_1511 : vector<16xf32>
        %sub3A_1513 = arith.subf %add3A_1512, %scan3A_665 : vector<16xf32>
        %sub3A_1514 = arith.subf %sub3A_1513, %sub3A_1511 : vector<16xf32>
        scf.yield %add3A_1508, %sub3A_1510, %add3A_1512, %sub3A_1514 : vector<16xf32>, vector<16xf32>, vector<16xf32>, vector<16xf32>
      }
      %scan3A_533 = arith.constant 4 : i32
      %swap3A_534 = arith.constant 0 : index
      %swap3A_535 = tpu.vector_load %arg24[%swap3A_534] {strides = array<i32>} : memref<16xf32, #tpu.memory_space<vmem>>, vector<16xf32>,
      tpu.vector_store %arg24[%swap3A_534], %scan3A_532#0 {strides = array<i32>} : memref<16xf32, #tpu.memory_space<vmem>>, vector<16xf32>,
      %swap3A_536 = arith.constant 0 : index
      %swap3A_537 = tpu.vector_load %arg25[%swap3A_536] {strides = array<i32>} : memref<16xf32, #tpu.memory_space<vmem>>, vector<16xf32>,
      tpu.vector_store %arg25[%swap3A_536], %scan3A_532#1 {strides = array<i32>} : memref<16xf32, #tpu.memory_space<vmem>>, vector<16xf32>,
      %swap3A_538 = arith.constant 0 : index
      %swap3A_539 = tpu.vector_load %arg26[%swap3A_538] {strides = array<i32>} : memref<16xf32, #tpu.memory_space<vmem>>, vector<16xf32>,
      tpu.vector_store %arg26[%swap3A_538], %scan3A_532#2 {strides = array<i32>} : memref<16xf32, #tpu.memory_space<vmem>>, vector<16xf32>,
      %swap3A_540 = arith.constant 0 : index
      %swap3A_541 = tpu.vector_load %arg27[%swap3A_540] {strides = array<i32>} : memref<16xf32, #tpu.memory_space<vmem>>, vector<16xf32>,
      tpu.vector_store %arg27[%swap3A_540], %scan3A_532#3 {strides = array<i32>} : memref<16xf32, #tpu.memory_space<vmem>>, vector<16xf32>,
      %dma_start3A_542 = arith.constant 0 : i32
      %dma_start3A_543 = arith.constant 0 : i32
      %dma_start3A_544 = tpu.memref_slice %arg29[%dma_start3A_542, %dma_start3A_543] : memref<50048x8xf32, #tpu.memory_space<vmem_shared>> -> memref<50048x8xf32, #tpu.memory_space<vmem_shared>>
      tpu.enqueue_indirect_dma source(%arg23 : memref<128x8xf32, #tpu.memory_space<vmem>>) target(%dma_start3A_544 : memref<50048x8xf32, #tpu.memory_space<vmem_shared>>) offsets(%arg13 : memref<128xi32, #tpu.memory_space<vmem>>) semaphore(%arg37 : memref<!tpu.dma_semaphore, #tpu.memory_space<semaphore_mem>>) {add = true}
      %dma_start3A_545 = arith.constant 0 : i32
      %dma_start3A_546 = arith.constant 0 : i32
      %dma_start3A_547 = tpu.memref_slice %arg29[%dma_start3A_545, %dma_start3A_546] : memref<50048x8xf32, #tpu.memory_space<vmem_shared>> -> memref<50048x8xf32, #tpu.memory_space<vmem_shared>>
      tpu.enqueue_indirect_dma source(%arg21 : memref<128x8xf32, #tpu.memory_space<vmem>>) target(%dma_start3A_547 : memref<50048x8xf32, #tpu.memory_space<vmem_shared>>) offsets(%arg9 : memref<128xi32, #tpu.memory_space<vmem>>) semaphore(%arg37 : memref<!tpu.dma_semaphore, #tpu.memory_space<semaphore_mem>>) {add = true}
      %mul3A_548 = arith.constant 4 : i32
      %mul3A_549 = arith.muli %mul3A_548, %scan3A_437 : i32
      %add3A_550 = arith.constant 2 : i32
      %add3A_551 = arith.addi %mul3A_549, %add3A_550 : i32
      %dma_wait3A_552 = arith.constant 0 : i32
      %dma_wait3A_553 = arith.constant 0 : i32
      %dma_wait3A_554 = tpu.memref_slice %arg4[%dma_wait3A_552, %dma_wait3A_553] : memref<50048x8xf32, #tpu.memory_space<hbm>> -> memref<50048x8xf32, #tpu.memory_space<hbm>>
      tpu.wait_indirect_dma semaphore(%arg34 : memref<!tpu.dma_semaphore, #tpu.memory_space<semaphore_mem>>) src(%dma_wait3A_554 : memref<50048x8xf32, #tpu.memory_space<hbm>>) dst(%arg16 : memref<128x8xf32, #tpu.memory_space<vmem>>)
      %dma_wait3A_555 = arith.constant 0 : i32
      %dma_wait3A_556 = arith.constant 0 : i32
      %dma_wait3A_557 = tpu.memref_slice %arg4[%dma_wait3A_555, %dma_wait3A_556] : memref<50048x8xf32, #tpu.memory_space<hbm>> -> memref<50048x8xf32, #tpu.memory_space<hbm>>
      tpu.wait_indirect_dma semaphore(%arg34 : memref<!tpu.dma_semaphore, #tpu.memory_space<semaphore_mem>>) src(%dma_wait3A_557 : memref<50048x8xf32, #tpu.memory_space<hbm>>) dst(%arg18 : memref<128x8xf32, #tpu.memory_space<vmem>>)
      %ge3A_558 = arith.constant 2 : i32
      %ge3A_559 = arith.cmpi sge, %add3A_551, %ge3A_558 : i32
      %convert_element_type3A_560 = arith.extui %ge3A_559 : i1 to i32
      %cond3A_561 = arith.constant 0 : i32
      %cond3A_562 = arith.cmpi ne, %convert_element_type3A_560, %cond3A_561 : i32
      scf.if %cond3A_562 {
        %dma_wait3A_662 = arith.constant 0 : i32
        %dma_wait3A_663 = arith.constant 0 : i32
        %dma_wait3A_664 = tpu.memref_slice %arg29[%dma_wait3A_662, %dma_wait3A_663] : memref<50048x8xf32, #tpu.memory_space<vmem_shared>> -> memref<50048x8xf32, #tpu.memory_space<vmem_shared>>
        tpu.wait_indirect_dma semaphore(%arg36 : memref<!tpu.dma_semaphore, #tpu.memory_space<semaphore_mem>>) src(%arg22 : memref<128x8xf32, #tpu.memory_space<vmem>>) dst(%dma_wait3A_664 : memref<50048x8xf32, #tpu.memory_space<vmem_shared>>)
        %dma_wait3A_665 = arith.constant 0 : i32
        %dma_wait3A_666 = arith.constant 0 : i32
        %dma_wait3A_667 = tpu.memref_slice %arg29[%dma_wait3A_665, %dma_wait3A_666] : memref<50048x8xf32, #tpu.memory_space<vmem_shared>> -> memref<50048x8xf32, #tpu.memory_space<vmem_shared>>
        tpu.wait_indirect_dma semaphore(%arg36 : memref<!tpu.dma_semaphore, #tpu.memory_space<semaphore_mem>>) src(%arg20 : memref<128x8xf32, #tpu.memory_space<vmem>>) dst(%dma_wait3A_667 : memref<50048x8xf32, #tpu.memory_space<vmem_shared>>)
      } else {
      }
      %add3A_563 = arith.constant 2 : i32
      %add3A_564 = arith.addi %add3A_551, %add3A_563 : i32
      %lt3A_565 = arith.constant 392 : i32
      %lt3A_566 = arith.cmpi slt, %add3A_564, %lt3A_565 : i32
      %convert_element_type3A_567 = arith.extui %lt3A_566 : i1 to i32
      %cond3A_568 = arith.constant 0 : i32
      %cond3A_569 = arith.cmpi ne, %convert_element_type3A_567, %cond3A_568 : i32
      scf.if %cond3A_569 {
        %add3A_662 = arith.constant 2 : i32
        %add3A_663 = arith.addi %add3A_551, %add3A_662 : i32
        %mul3A_664 = arith.constant 128 : i32
        %mul3A_665 = arith.muli %add3A_663, %mul3A_664 : i32
        %add3A_666 = arith.addi %mul3A_3, %mul3A_665 : i32
        %dma_start3A_667 = tpu.memref_slice %arg2[%add3A_666] : memref<1605632xi32, #tpu.memory_space<hbm>> -> memref<128xi32, #tpu.memory_space<hbm>>
        %dma_start3A_668 = tpu.memref_slice %arg2[%add3A_666] : memref<1605632xi32, #tpu.memory_space<hbm>> -> memref<128xi32, #tpu.memory_space<hbm>>
        tpu.enqueue_dma source(%dma_start3A_668 : memref<128xi32, #tpu.memory_space<hbm>>) target(%arg8 : memref<128xi32, #tpu.memory_space<vmem>>) target_semaphore(%arg30 : memref<!tpu.dma_semaphore, #tpu.memory_space<semaphore_mem>>)
        %dma_start3A_669 = tpu.memref_slice %arg3[%add3A_666] : memref<1605632xi32, #tpu.memory_space<hbm>> -> memref<128xi32, #tpu.memory_space<hbm>>
        %dma_start3A_670 = tpu.memref_slice %arg3[%add3A_666] : memref<1605632xi32, #tpu.memory_space<hbm>> -> memref<128xi32, #tpu.memory_space<hbm>>
        tpu.enqueue_dma source(%dma_start3A_670 : memref<128xi32, #tpu.memory_space<hbm>>) target(%arg12 : memref<128xi32, #tpu.memory_space<vmem>>) target_semaphore(%arg30 : memref<!tpu.dma_semaphore, #tpu.memory_space<semaphore_mem>>)
      } else {
      }
      %add3A_570 = arith.constant 1 : i32
      %add3A_571 = arith.addi %add3A_551, %add3A_570 : i32
      %lt3A_572 = arith.constant 392 : i32
      %lt3A_573 = arith.cmpi slt, %add3A_571, %lt3A_572 : i32
      %convert_element_type3A_574 = arith.extui %lt3A_573 : i1 to i32
      %cond3A_575 = arith.constant 0 : i32
      %cond3A_576 = arith.cmpi ne, %convert_element_type3A_574, %cond3A_575 : i32
      scf.if %cond3A_576 {
        %add3A_662 = arith.constant 1 : i32
        %add3A_663 = arith.addi %add3A_551, %add3A_662 : i32
        %mul3A_664 = arith.constant 128 : i32
        %mul3A_665 = arith.muli %add3A_663, %mul3A_664 : i32
        %add3A_666 = arith.addi %mul3A_3, %mul3A_665 : i32
        %dma_wait3A_667 = tpu.memref_slice %arg2[%add3A_666] : memref<1605632xi32, #tpu.memory_space<hbm>> -> memref<128xi32, #tpu.memory_space<hbm>>
        %dma_wait3A_668 = tpu.memref_slice %arg2[%add3A_666] : memref<1605632xi32, #tpu.memory_space<hbm>> -> memref<128xi32, #tpu.memory_space<hbm>>
        tpu.wait_dma2 semaphore(%arg33 : memref<!tpu.dma_semaphore, #tpu.memory_space<semaphore_mem>>) src(%dma_wait3A_668 : memref<128xi32, #tpu.memory_space<hbm>>) dst(%arg11 : memref<128xi32, #tpu.memory_space<vmem>>)
        %dma_wait3A_669 = tpu.memref_slice %arg3[%add3A_666] : memref<1605632xi32, #tpu.memory_space<hbm>> -> memref<128xi32, #tpu.memory_space<hbm>>
        %dma_wait3A_670 = tpu.memref_slice %arg3[%add3A_666] : memref<1605632xi32, #tpu.memory_space<hbm>> -> memref<128xi32, #tpu.memory_space<hbm>>
        tpu.wait_dma2 semaphore(%arg33 : memref<!tpu.dma_semaphore, #tpu.memory_space<semaphore_mem>>) src(%dma_wait3A_670 : memref<128xi32, #tpu.memory_space<hbm>>) dst(%arg15 : memref<128xi32, #tpu.memory_space<vmem>>)
        %dma_start3A_671 = arith.constant 0 : i32
        %dma_start3A_672 = arith.constant 0 : i32
        %dma_start3A_673 = tpu.memref_slice %arg4[%dma_start3A_671, %dma_start3A_672] : memref<50048x8xf32, #tpu.memory_space<hbm>> -> memref<50048x8xf32, #tpu.memory_space<hbm>>
        tpu.enqueue_indirect_dma source(%dma_start3A_673 : memref<50048x8xf32, #tpu.memory_space<hbm>>) target(%arg17 : memref<128x8xf32, #tpu.memory_space<vmem>>) offsets(%arg11 : memref<128xi32, #tpu.memory_space<vmem>>) semaphore(%arg35 : memref<!tpu.dma_semaphore, #tpu.memory_space<semaphore_mem>>)
        %dma_start3A_674 = arith.constant 0 : i32
        %dma_start3A_675 = arith.constant 0 : i32
        %dma_start3A_676 = tpu.memref_slice %arg4[%dma_start3A_674, %dma_start3A_675] : memref<50048x8xf32, #tpu.memory_space<hbm>> -> memref<50048x8xf32, #tpu.memory_space<hbm>>
        tpu.enqueue_indirect_dma source(%dma_start3A_676 : memref<50048x8xf32, #tpu.memory_space<hbm>>) target(%arg19 : memref<128x8xf32, #tpu.memory_space<vmem>>) offsets(%arg15 : memref<128xi32, #tpu.memory_space<vmem>>) semaphore(%arg35 : memref<!tpu.dma_semaphore, #tpu.memory_space<semaphore_mem>>)
      } else {
      }
      %get3A_577 = arith.constant 0 : index
      %get3A_578 = tpu.vector_load %arg24[%get3A_577] {strides = array<i32>} : memref<16xf32, #tpu.memory_space<vmem>>, vector<16xf32>,
      %get3A_579 = arith.constant 0 : index
      %get3A_580 = tpu.vector_load %arg25[%get3A_579] {strides = array<i32>} : memref<16xf32, #tpu.memory_space<vmem>>, vector<16xf32>,
      %get3A_581 = arith.constant 0 : index
      %get3A_582 = tpu.vector_load %arg26[%get3A_581] {strides = array<i32>} : memref<16xf32, #tpu.memory_space<vmem>>, vector<16xf32>,
      %get3A_583 = arith.constant 0 : index
      %get3A_584 = tpu.vector_load %arg27[%get3A_583] {strides = array<i32>} : memref<16xf32, #tpu.memory_space<vmem>>, vector<16xf32>,
      %scan3A_585 = arith.constant 0 : i32
      %scan3A_586 = arith.constant 4 : i32
      %scan3A_587 = arith.addi %scan3A_585, %scan3A_586 : i32
      %scan3A_588 = arith.constant 1 : i32
      %scan3A_589:4 = scf.for %scan3A_662 = %scan3A_585 to %scan3A_587 step %scan3A_588 iter_args(%scan3A_663 = %get3A_578, %scan3A_664 = %get3A_580, %scan3A_665 = %get3A_582, %scan3A_666 = %get3A_584) -> (vector<16xf32>, vector<16xf32>, vector<16xf32>, vector<16xf32>)  : i32 {
        %mul3A_667 = arith.constant 2 : i32
        %mul3A_668 = arith.muli %mul3A_667, %scan3A_662 : i32
        %mul3A_669 = arith.constant 16 : i32
        %mul3A_670 = arith.muli %mul3A_668, %mul3A_669 : i32
        %add3A_671 = vector.broadcast %mul3A_670 : i32 to vector<16xi32>
        %add3A_672 = arith.addi %iota3A, %add3A_671 : vector<16xi32>
        %mul3A_673 = arith.constant 16 : i32
        %mul3A_674 = arith.muli %mul3A_668, %mul3A_673 : i32
        %get3A_675 = arith.index_cast %mul3A_674 : i32 to index
        %get3A_676 = tpu.vector_load %arg10[%get3A_675] {strides = array<i32>} : memref<128xi32, #tpu.memory_space<vmem>>, vector<16xi32>,
        %mul3A_677 = arith.constant 16 : i32
        %mul3A_678 = arith.muli %mul3A_668, %mul3A_677 : i32
        %get3A_679 = arith.index_cast %mul3A_678 : i32 to index
        %get3A_680 = tpu.vector_load %arg14[%get3A_679] {strides = array<i32>} : memref<128xi32, #tpu.memory_space<vmem>>, vector<16xi32>,
        %broadcast_in_dim3A_681 = arith.constant 0 : i32
        %broadcast_in_dim3A_682 = vector.broadcast %broadcast_in_dim3A_681 : i32 to vector<16xi32>
        %gather3A = tpu.vector_load_idx %arg16[%add3A_672, %broadcast_in_dim3A_682] : memref<128x8xf32, #tpu.memory_space<vmem>>[vector<16xi32>, vector<16xi32>], vector<16xf32>,
        %broadcast_in_dim3A_683 = arith.constant 1 : i32
        %broadcast_in_dim3A_684 = vector.broadcast %broadcast_in_dim3A_683 : i32 to vector<16xi32>
        %gather3A_685 = tpu.vector_load_idx %arg16[%add3A_672, %broadcast_in_dim3A_684] : memref<128x8xf32, #tpu.memory_space<vmem>>[vector<16xi32>, vector<16xi32>], vector<16xf32>,
        %broadcast_in_dim3A_686 = arith.constant 2 : i32
        %broadcast_in_dim3A_687 = vector.broadcast %broadcast_in_dim3A_686 : i32 to vector<16xi32>
        %gather3A_688 = tpu.vector_load_idx %arg16[%add3A_672, %broadcast_in_dim3A_687] : memref<128x8xf32, #tpu.memory_space<vmem>>[vector<16xi32>, vector<16xi32>], vector<16xf32>,
        %broadcast_in_dim3A_689 = arith.constant 3 : i32
        %broadcast_in_dim3A_690 = vector.broadcast %broadcast_in_dim3A_689 : i32 to vector<16xi32>
        %gather3A_691 = tpu.vector_load_idx %arg16[%add3A_672, %broadcast_in_dim3A_690] : memref<128x8xf32, #tpu.memory_space<vmem>>[vector<16xi32>, vector<16xi32>], vector<16xf32>,
        %broadcast_in_dim3A_692 = arith.constant 4 : i32
        %broadcast_in_dim3A_693 = vector.broadcast %broadcast_in_dim3A_692 : i32 to vector<16xi32>
        %gather3A_694 = tpu.vector_load_idx %arg16[%add3A_672, %broadcast_in_dim3A_693] : memref<128x8xf32, #tpu.memory_space<vmem>>[vector<16xi32>, vector<16xi32>], vector<16xf32>,
        %broadcast_in_dim3A_695 = arith.constant 5 : i32
        %broadcast_in_dim3A_696 = vector.broadcast %broadcast_in_dim3A_695 : i32 to vector<16xi32>
        %gather3A_697 = tpu.vector_load_idx %arg16[%add3A_672, %broadcast_in_dim3A_696] : memref<128x8xf32, #tpu.memory_space<vmem>>[vector<16xi32>, vector<16xi32>], vector<16xf32>,
        %broadcast_in_dim3A_698 = arith.constant 6 : i32
        %broadcast_in_dim3A_699 = vector.broadcast %broadcast_in_dim3A_698 : i32 to vector<16xi32>
        %gather3A_700 = tpu.vector_load_idx %arg16[%add3A_672, %broadcast_in_dim3A_699] : memref<128x8xf32, #tpu.memory_space<vmem>>[vector<16xi32>, vector<16xi32>], vector<16xf32>,
        %broadcast_in_dim3A_701 = arith.constant 7 : i32
        %broadcast_in_dim3A_702 = vector.broadcast %broadcast_in_dim3A_701 : i32 to vector<16xi32>
        %gather3A_703 = tpu.vector_load_idx %arg16[%add3A_672, %broadcast_in_dim3A_702] : memref<128x8xf32, #tpu.memory_space<vmem>>[vector<16xi32>, vector<16xi32>], vector<16xf32>,
        %broadcast_in_dim3A_704 = arith.constant 0 : i32
        %broadcast_in_dim3A_705 = vector.broadcast %broadcast_in_dim3A_704 : i32 to vector<16xi32>
        %gather3A_706 = tpu.vector_load_idx %arg18[%add3A_672, %broadcast_in_dim3A_705] : memref<128x8xf32, #tpu.memory_space<vmem>>[vector<16xi32>, vector<16xi32>], vector<16xf32>,
        %broadcast_in_dim3A_707 = arith.constant 1 : i32
        %broadcast_in_dim3A_708 = vector.broadcast %broadcast_in_dim3A_707 : i32 to vector<16xi32>
        %gather3A_709 = tpu.vector_load_idx %arg18[%add3A_672, %broadcast_in_dim3A_708] : memref<128x8xf32, #tpu.memory_space<vmem>>[vector<16xi32>, vector<16xi32>], vector<16xf32>,
        %broadcast_in_dim3A_710 = arith.constant 2 : i32
        %broadcast_in_dim3A_711 = vector.broadcast %broadcast_in_dim3A_710 : i32 to vector<16xi32>
        %gather3A_712 = tpu.vector_load_idx %arg18[%add3A_672, %broadcast_in_dim3A_711] : memref<128x8xf32, #tpu.memory_space<vmem>>[vector<16xi32>, vector<16xi32>], vector<16xf32>,
        %broadcast_in_dim3A_713 = arith.constant 3 : i32
        %broadcast_in_dim3A_714 = vector.broadcast %broadcast_in_dim3A_713 : i32 to vector<16xi32>
        %gather3A_715 = tpu.vector_load_idx %arg18[%add3A_672, %broadcast_in_dim3A_714] : memref<128x8xf32, #tpu.memory_space<vmem>>[vector<16xi32>, vector<16xi32>], vector<16xf32>,
        %broadcast_in_dim3A_716 = arith.constant 4 : i32
        %broadcast_in_dim3A_717 = vector.broadcast %broadcast_in_dim3A_716 : i32 to vector<16xi32>
        %gather3A_718 = tpu.vector_load_idx %arg18[%add3A_672, %broadcast_in_dim3A_717] : memref<128x8xf32, #tpu.memory_space<vmem>>[vector<16xi32>, vector<16xi32>], vector<16xf32>,
        %broadcast_in_dim3A_719 = arith.constant 5 : i32
        %broadcast_in_dim3A_720 = vector.broadcast %broadcast_in_dim3A_719 : i32 to vector<16xi32>
        %gather3A_721 = tpu.vector_load_idx %arg18[%add3A_672, %broadcast_in_dim3A_720] : memref<128x8xf32, #tpu.memory_space<vmem>>[vector<16xi32>, vector<16xi32>], vector<16xf32>,
        %broadcast_in_dim3A_722 = arith.constant 6 : i32
        %broadcast_in_dim3A_723 = vector.broadcast %broadcast_in_dim3A_722 : i32 to vector<16xi32>
        %gather3A_724 = tpu.vector_load_idx %arg18[%add3A_672, %broadcast_in_dim3A_723] : memref<128x8xf32, #tpu.memory_space<vmem>>[vector<16xi32>, vector<16xi32>], vector<16xf32>,
        %broadcast_in_dim3A_725 = arith.constant 7 : i32
        %broadcast_in_dim3A_726 = vector.broadcast %broadcast_in_dim3A_725 : i32 to vector<16xi32>
        %gather3A_727 = tpu.vector_load_idx %arg18[%add3A_672, %broadcast_in_dim3A_726] : memref<128x8xf32, #tpu.memory_space<vmem>>[vector<16xi32>, vector<16xi32>], vector<16xf32>,
        %sub3A = arith.subf %gather3A_706, %gather3A : vector<16xf32>
        %bitcast3A = vector.bitcast %sub3A : vector<16xf32> to vector<16xi32>
        %add3A_728 = arith.constant 32767 : i32
        %add3A_729 = vector.broadcast %add3A_728 : i32 to vector<16xi32>
        %add3A_730 = arith.addi %bitcast3A, %add3A_729 : vector<16xi32>
        %shift_right_logical3A = arith.constant 16 : i32
        %shift_right_logical3A_731 = vector.broadcast %shift_right_logical3A : i32 to vector<16xi32>
        %shift_right_logical3A_732 = arith.shrui %bitcast3A, %shift_right_logical3A_731 : vector<16xi32>
        %and3A = arith.constant 1 : i32
        %and3A_733 = vector.broadcast %and3A : i32 to vector<16xi32>
        %and3A_734 = arith.andi %shift_right_logical3A_732, %and3A_733 : vector<16xi32>
        %add3A_735 = arith.addi %add3A_730, %and3A_734 : vector<16xi32>
        %and3A_736 = arith.constant -65536 : i32
        %and3A_737 = vector.broadcast %and3A_736 : i32 to vector<16xi32>
        %and3A_738 = arith.andi %add3A_735, %and3A_737 : vector<16xi32>
        %bitcast3A_739 = vector.bitcast %and3A_738 : vector<16xi32> to vector<16xf32>
        %mul3A_740 = arith.constant 1.250000e-01 : f32
        %mul3A_741 = vector.broadcast %mul3A_740 : f32 to vector<16xf32>
        %mul3A_742 = arith.mulf %bitcast3A_739, %mul3A_741 : vector<16xf32>
        %gt3A = arith.constant 5.000000e-01 : f32
        %gt3A_743 = vector.broadcast %gt3A : f32 to vector<16xf32>
        %gt3A_744 = arith.cmpf ogt, %mul3A_742, %gt3A_743 : vector<16xf32>
        %jit3A = arith.constant 1.000000e+00 : f32
        %jit3A_745 = arith.constant 0.000000e+00 : f32
        %broadcast_in_dim3A_746 = vector.broadcast %jit3A : f32 to vector<16xf32>
        %broadcast_in_dim3A_747 = vector.broadcast %jit3A_745 : f32 to vector<16xf32>
        %select_n3A = arith.select %gt3A_744, %broadcast_in_dim3A_746, %broadcast_in_dim3A_747 : vector<16xi1>, vector<16xf32>
        %lt3A_748 = arith.constant -5.000000e-01 : f32
        %lt3A_749 = vector.broadcast %lt3A_748 : f32 to vector<16xf32>
        %lt3A_750 = arith.cmpf olt, %mul3A_742, %lt3A_749 : vector<16xf32>
        %jit3A_751 = arith.constant 1.000000e+00 : f32
        %jit3A_752 = arith.constant 0.000000e+00 : f32
        %broadcast_in_dim3A_753 = vector.broadcast %jit3A_751 : f32 to vector<16xf32>
        %broadcast_in_dim3A_754 = vector.broadcast %jit3A_752 : f32 to vector<16xf32>
        %select_n3A_755 = arith.select %lt3A_750, %broadcast_in_dim3A_753, %broadcast_in_dim3A_754 : vector<16xi1>, vector<16xf32>
        %sub3A_756 = arith.subf %select_n3A, %select_n3A_755 : vector<16xf32>
        %sub3A_757 = arith.subf %mul3A_742, %sub3A_756 : vector<16xf32>
        %bitcast3A_758 = vector.bitcast %sub3A_757 : vector<16xf32> to vector<16xi32>
        %add3A_759 = arith.constant 32767 : i32
        %add3A_760 = vector.broadcast %add3A_759 : i32 to vector<16xi32>
        %add3A_761 = arith.addi %bitcast3A_758, %add3A_760 : vector<16xi32>
        %shift_right_logical3A_762 = arith.constant 16 : i32
        %shift_right_logical3A_763 = vector.broadcast %shift_right_logical3A_762 : i32 to vector<16xi32>
        %shift_right_logical3A_764 = arith.shrui %bitcast3A_758, %shift_right_logical3A_763 : vector<16xi32>
        %and3A_765 = arith.constant 1 : i32
        %and3A_766 = vector.broadcast %and3A_765 : i32 to vector<16xi32>
        %and3A_767 = arith.andi %shift_right_logical3A_764, %and3A_766 : vector<16xi32>
        %add3A_768 = arith.addi %add3A_761, %and3A_767 : vector<16xi32>
        %and3A_769 = arith.constant -65536 : i32
        %and3A_770 = vector.broadcast %and3A_769 : i32 to vector<16xi32>
        %and3A_771 = arith.andi %add3A_768, %and3A_770 : vector<16xi32>
        %bitcast3A_772 = vector.bitcast %and3A_771 : vector<16xi32> to vector<16xf32>
        %mul3A_773 = arith.constant 8.000000e+00 : f32
        %mul3A_774 = vector.broadcast %mul3A_773 : f32 to vector<16xf32>
        %mul3A_775 = arith.mulf %bitcast3A_772, %mul3A_774 : vector<16xf32>
        %sub3A_776 = arith.subf %gather3A_709, %gather3A_685 : vector<16xf32>
        %bitcast3A_777 = vector.bitcast %sub3A_776 : vector<16xf32> to vector<16xi32>
        %add3A_778 = arith.constant 32767 : i32
        %add3A_779 = vector.broadcast %add3A_778 : i32 to vector<16xi32>
        %add3A_780 = arith.addi %bitcast3A_777, %add3A_779 : vector<16xi32>
        %shift_right_logical3A_781 = arith.constant 16 : i32
        %shift_right_logical3A_782 = vector.broadcast %shift_right_logical3A_781 : i32 to vector<16xi32>
        %shift_right_logical3A_783 = arith.shrui %bitcast3A_777, %shift_right_logical3A_782 : vector<16xi32>
        %and3A_784 = arith.constant 1 : i32
        %and3A_785 = vector.broadcast %and3A_784 : i32 to vector<16xi32>
        %and3A_786 = arith.andi %shift_right_logical3A_783, %and3A_785 : vector<16xi32>
        %add3A_787 = arith.addi %add3A_780, %and3A_786 : vector<16xi32>
        %and3A_788 = arith.constant -65536 : i32
        %and3A_789 = vector.broadcast %and3A_788 : i32 to vector<16xi32>
        %and3A_790 = arith.andi %add3A_787, %and3A_789 : vector<16xi32>
        %bitcast3A_791 = vector.bitcast %and3A_790 : vector<16xi32> to vector<16xf32>
        %mul3A_792 = arith.constant 1.250000e-01 : f32
        %mul3A_793 = vector.broadcast %mul3A_792 : f32 to vector<16xf32>
        %mul3A_794 = arith.mulf %bitcast3A_791, %mul3A_793 : vector<16xf32>
        %gt3A_795 = arith.constant 5.000000e-01 : f32
        %gt3A_796 = vector.broadcast %gt3A_795 : f32 to vector<16xf32>
        %gt3A_797 = arith.cmpf ogt, %mul3A_794, %gt3A_796 : vector<16xf32>
        %jit3A_798 = arith.constant 1.000000e+00 : f32
        %jit3A_799 = arith.constant 0.000000e+00 : f32
        %broadcast_in_dim3A_800 = vector.broadcast %jit3A_798 : f32 to vector<16xf32>
        %broadcast_in_dim3A_801 = vector.broadcast %jit3A_799 : f32 to vector<16xf32>
        %select_n3A_802 = arith.select %gt3A_797, %broadcast_in_dim3A_800, %broadcast_in_dim3A_801 : vector<16xi1>, vector<16xf32>
        %lt3A_803 = arith.constant -5.000000e-01 : f32
        %lt3A_804 = vector.broadcast %lt3A_803 : f32 to vector<16xf32>
        %lt3A_805 = arith.cmpf olt, %mul3A_794, %lt3A_804 : vector<16xf32>
        %jit3A_806 = arith.constant 1.000000e+00 : f32
        %jit3A_807 = arith.constant 0.000000e+00 : f32
        %broadcast_in_dim3A_808 = vector.broadcast %jit3A_806 : f32 to vector<16xf32>
        %broadcast_in_dim3A_809 = vector.broadcast %jit3A_807 : f32 to vector<16xf32>
        %select_n3A_810 = arith.select %lt3A_805, %broadcast_in_dim3A_808, %broadcast_in_dim3A_809 : vector<16xi1>, vector<16xf32>
        %sub3A_811 = arith.subf %select_n3A_802, %select_n3A_810 : vector<16xf32>
        %sub3A_812 = arith.subf %mul3A_794, %sub3A_811 : vector<16xf32>
        %bitcast3A_813 = vector.bitcast %sub3A_812 : vector<16xf32> to vector<16xi32>
        %add3A_814 = arith.constant 32767 : i32
        %add3A_815 = vector.broadcast %add3A_814 : i32 to vector<16xi32>
        %add3A_816 = arith.addi %bitcast3A_813, %add3A_815 : vector<16xi32>
        %shift_right_logical3A_817 = arith.constant 16 : i32
        %shift_right_logical3A_818 = vector.broadcast %shift_right_logical3A_817 : i32 to vector<16xi32>
        %shift_right_logical3A_819 = arith.shrui %bitcast3A_813, %shift_right_logical3A_818 : vector<16xi32>
        %and3A_820 = arith.constant 1 : i32
        %and3A_821 = vector.broadcast %and3A_820 : i32 to vector<16xi32>
        %and3A_822 = arith.andi %shift_right_logical3A_819, %and3A_821 : vector<16xi32>
        %add3A_823 = arith.addi %add3A_816, %and3A_822 : vector<16xi32>
        %and3A_824 = arith.constant -65536 : i32
        %and3A_825 = vector.broadcast %and3A_824 : i32 to vector<16xi32>
        %and3A_826 = arith.andi %add3A_823, %and3A_825 : vector<16xi32>
        %bitcast3A_827 = vector.bitcast %and3A_826 : vector<16xi32> to vector<16xf32>
        %mul3A_828 = arith.constant 8.000000e+00 : f32
        %mul3A_829 = vector.broadcast %mul3A_828 : f32 to vector<16xf32>
        %mul3A_830 = arith.mulf %bitcast3A_827, %mul3A_829 : vector<16xf32>
        %sub3A_831 = arith.subf %gather3A_712, %gather3A_688 : vector<16xf32>
        %bitcast3A_832 = vector.bitcast %sub3A_831 : vector<16xf32> to vector<16xi32>
        %add3A_833 = arith.constant 32767 : i32
        %add3A_834 = vector.broadcast %add3A_833 : i32 to vector<16xi32>
        %add3A_835 = arith.addi %bitcast3A_832, %add3A_834 : vector<16xi32>
        %shift_right_logical3A_836 = arith.constant 16 : i32
        %shift_right_logical3A_837 = vector.broadcast %shift_right_logical3A_836 : i32 to vector<16xi32>
        %shift_right_logical3A_838 = arith.shrui %bitcast3A_832, %shift_right_logical3A_837 : vector<16xi32>
        %and3A_839 = arith.constant 1 : i32
        %and3A_840 = vector.broadcast %and3A_839 : i32 to vector<16xi32>
        %and3A_841 = arith.andi %shift_right_logical3A_838, %and3A_840 : vector<16xi32>
        %add3A_842 = arith.addi %add3A_835, %and3A_841 : vector<16xi32>
        %and3A_843 = arith.constant -65536 : i32
        %and3A_844 = vector.broadcast %and3A_843 : i32 to vector<16xi32>
        %and3A_845 = arith.andi %add3A_842, %and3A_844 : vector<16xi32>
        %bitcast3A_846 = vector.bitcast %and3A_845 : vector<16xi32> to vector<16xf32>
        %mul3A_847 = arith.constant 1.250000e-01 : f32
        %mul3A_848 = vector.broadcast %mul3A_847 : f32 to vector<16xf32>
        %mul3A_849 = arith.mulf %bitcast3A_846, %mul3A_848 : vector<16xf32>
        %gt3A_850 = arith.constant 5.000000e-01 : f32
        %gt3A_851 = vector.broadcast %gt3A_850 : f32 to vector<16xf32>
        %gt3A_852 = arith.cmpf ogt, %mul3A_849, %gt3A_851 : vector<16xf32>
        %jit3A_853 = arith.constant 1.000000e+00 : f32
        %jit3A_854 = arith.constant 0.000000e+00 : f32
        %broadcast_in_dim3A_855 = vector.broadcast %jit3A_853 : f32 to vector<16xf32>
        %broadcast_in_dim3A_856 = vector.broadcast %jit3A_854 : f32 to vector<16xf32>
        %select_n3A_857 = arith.select %gt3A_852, %broadcast_in_dim3A_855, %broadcast_in_dim3A_856 : vector<16xi1>, vector<16xf32>
        %lt3A_858 = arith.constant -5.000000e-01 : f32
        %lt3A_859 = vector.broadcast %lt3A_858 : f32 to vector<16xf32>
        %lt3A_860 = arith.cmpf olt, %mul3A_849, %lt3A_859 : vector<16xf32>
        %jit3A_861 = arith.constant 1.000000e+00 : f32
        %jit3A_862 = arith.constant 0.000000e+00 : f32
        %broadcast_in_dim3A_863 = vector.broadcast %jit3A_861 : f32 to vector<16xf32>
        %broadcast_in_dim3A_864 = vector.broadcast %jit3A_862 : f32 to vector<16xf32>
        %select_n3A_865 = arith.select %lt3A_860, %broadcast_in_dim3A_863, %broadcast_in_dim3A_864 : vector<16xi1>, vector<16xf32>
        %sub3A_866 = arith.subf %select_n3A_857, %select_n3A_865 : vector<16xf32>
        %sub3A_867 = arith.subf %mul3A_849, %sub3A_866 : vector<16xf32>
        %bitcast3A_868 = vector.bitcast %sub3A_867 : vector<16xf32> to vector<16xi32>
        %add3A_869 = arith.constant 32767 : i32
        %add3A_870 = vector.broadcast %add3A_869 : i32 to vector<16xi32>
        %add3A_871 = arith.addi %bitcast3A_868, %add3A_870 : vector<16xi32>
        %shift_right_logical3A_872 = arith.constant 16 : i32
        %shift_right_logical3A_873 = vector.broadcast %shift_right_logical3A_872 : i32 to vector<16xi32>
        %shift_right_logical3A_874 = arith.shrui %bitcast3A_868, %shift_right_logical3A_873 : vector<16xi32>
        %and3A_875 = arith.constant 1 : i32
        %and3A_876 = vector.broadcast %and3A_875 : i32 to vector<16xi32>
        %and3A_877 = arith.andi %shift_right_logical3A_874, %and3A_876 : vector<16xi32>
        %add3A_878 = arith.addi %add3A_871, %and3A_877 : vector<16xi32>
        %and3A_879 = arith.constant -65536 : i32
        %and3A_880 = vector.broadcast %and3A_879 : i32 to vector<16xi32>
        %and3A_881 = arith.andi %add3A_878, %and3A_880 : vector<16xi32>
        %bitcast3A_882 = vector.bitcast %and3A_881 : vector<16xi32> to vector<16xf32>
        %mul3A_883 = arith.constant 8.000000e+00 : f32
        %mul3A_884 = vector.broadcast %mul3A_883 : f32 to vector<16xf32>
        %mul3A_885 = arith.mulf %bitcast3A_882, %mul3A_884 : vector<16xf32>
        %mul3A_886 = arith.mulf %mul3A_775, %mul3A_775 : vector<16xf32>
        %mul3A_887 = arith.mulf %mul3A_830, %mul3A_830 : vector<16xf32>
        %add3A_888 = arith.addf %mul3A_886, %mul3A_887 : vector<16xf32>
        %mul3A_889 = arith.mulf %mul3A_885, %mul3A_885 : vector<16xf32>
        %add3A_890 = arith.addf %add3A_888, %mul3A_889 : vector<16xf32>
        %add3A_891 = arith.constant 9.99999996E-13 : f32
        %add3A_892 = vector.broadcast %add3A_891 : f32 to vector<16xf32>
        %add3A_893 = arith.addf %add3A_890, %add3A_892 : vector<16xf32>
        %le3A = arith.constant 1.000000e+00 : f32
        %le3A_894 = vector.broadcast %le3A : f32 to vector<16xf32>
        %le3A_895 = arith.cmpf ole, %add3A_893, %le3A_894 : vector<16xf32>
        %gt3A_896 = arith.constant 9.99999993E-9 : f32
        %gt3A_897 = vector.broadcast %gt3A_896 : f32 to vector<16xf32>
        %gt3A_898 = arith.cmpf ogt, %add3A_893, %gt3A_897 : vector<16xf32>
        %and3A_899 = arith.andi %le3A_895, %gt3A_898 : vector<16xi1>
        %ne3A = arith.cmpi ne, %get3A_676, %get3A_680 : vector<16xi32>
        %and3A_900 = arith.andi %and3A_899, %ne3A : vector<16xi1>
        %jit3A_901 = arith.constant 1.000000e+00 : f32
        %jit3A_902 = arith.constant 0.000000e+00 : f32
        %broadcast_in_dim3A_903 = vector.broadcast %jit3A_901 : f32 to vector<16xf32>
        %broadcast_in_dim3A_904 = vector.broadcast %jit3A_902 : f32 to vector<16xf32>
        %select_n3A_905 = arith.select %and3A_900, %broadcast_in_dim3A_903, %broadcast_in_dim3A_904 : vector<16xi1>, vector<16xf32>
        %bitcast3A_906 = vector.bitcast %add3A_893 : vector<16xf32> to vector<16xi32>
        %shift_right_logical3A_907 = arith.constant 1 : i32
        %shift_right_logical3A_908 = vector.broadcast %shift_right_logical3A_907 : i32 to vector<16xi32>
        %shift_right_logical3A_909 = arith.shrui %bitcast3A_906, %shift_right_logical3A_908 : vector<16xi32>
        %sub3A_910 = arith.constant 1597463007 : i32
        %sub3A_911 = vector.broadcast %sub3A_910 : i32 to vector<16xi32>
        %sub3A_912 = arith.subi %sub3A_911, %shift_right_logical3A_909 : vector<16xi32>
        %bitcast3A_913 = vector.bitcast %sub3A_912 : vector<16xi32> to vector<16xf32>
        %mul3A_914 = arith.constant 5.000000e-01 : f32
        %mul3A_915 = vector.broadcast %mul3A_914 : f32 to vector<16xf32>
        %mul3A_916 = arith.mulf %mul3A_915, %add3A_893 : vector<16xf32>
        %mul3A_917 = arith.mulf %mul3A_916, %bitcast3A_913 : vector<16xf32>
        %mul3A_918 = arith.mulf %mul3A_917, %bitcast3A_913 : vector<16xf32>
        %sub3A_919 = arith.constant 1.500000e+00 : f32
        %sub3A_920 = vector.broadcast %sub3A_919 : f32 to vector<16xf32>
        %sub3A_921 = arith.subf %sub3A_920, %mul3A_918 : vector<16xf32>
        %mul3A_922 = arith.mulf %bitcast3A_913, %sub3A_921 : vector<16xf32>
        %mul3A_923 = arith.constant 5.000000e-01 : f32
        %mul3A_924 = vector.broadcast %mul3A_923 : f32 to vector<16xf32>
        %mul3A_925 = arith.mulf %mul3A_924, %add3A_893 : vector<16xf32>
        %mul3A_926 = arith.mulf %mul3A_925, %mul3A_922 : vector<16xf32>
        %mul3A_927 = arith.mulf %mul3A_926, %mul3A_922 : vector<16xf32>
        %sub3A_928 = arith.constant 1.500000e+00 : f32
        %sub3A_929 = vector.broadcast %sub3A_928 : f32 to vector<16xf32>
        %sub3A_930 = arith.subf %sub3A_929, %mul3A_927 : vector<16xf32>
        %mul3A_931 = arith.mulf %mul3A_922, %sub3A_930 : vector<16xf32>
        %mul3A_932 = arith.constant 5.000000e-01 : f32
        %mul3A_933 = vector.broadcast %mul3A_932 : f32 to vector<16xf32>
        %mul3A_934 = arith.mulf %mul3A_933, %add3A_893 : vector<16xf32>
        %mul3A_935 = arith.mulf %mul3A_934, %mul3A_931 : vector<16xf32>
        %mul3A_936 = arith.mulf %mul3A_935, %mul3A_931 : vector<16xf32>
        %sub3A_937 = arith.constant 1.500000e+00 : f32
        %sub3A_938 = vector.broadcast %sub3A_937 : f32 to vector<16xf32>
        %sub3A_939 = arith.subf %sub3A_938, %mul3A_936 : vector<16xf32>
        %mul3A_940 = arith.mulf %mul3A_931, %sub3A_939 : vector<16xf32>
        %mul3A_941 = arith.mulf %mul3A_940, %mul3A_940 : vector<16xf32>
        %mul3A_942 = arith.mulf %mul3A_941, %mul3A_940 : vector<16xf32>
        %mul3A_943 = arith.mulf %mul3A_942, %mul3A_941 : vector<16xf32>
        %mul3A_944 = arith.mulf %add3A_893, %mul3A_940 : vector<16xf32>
        %mul3A_945 = arith.mulf %mul3A_775, %gather3A_694 : vector<16xf32>
        %mul3A_946 = arith.mulf %mul3A_830, %gather3A_697 : vector<16xf32>
        %add3A_947 = arith.addf %mul3A_945, %mul3A_946 : vector<16xf32>
        %mul3A_948 = arith.mulf %mul3A_885, %gather3A_700 : vector<16xf32>
        %add3A_949 = arith.addf %add3A_947, %mul3A_948 : vector<16xf32>
        %mul3A_950 = arith.mulf %mul3A_775, %gather3A_718 : vector<16xf32>
        %mul3A_951 = arith.mulf %mul3A_830, %gather3A_721 : vector<16xf32>
        %add3A_952 = arith.addf %mul3A_950, %mul3A_951 : vector<16xf32>
        %mul3A_953 = arith.mulf %mul3A_885, %gather3A_724 : vector<16xf32>
        %add3A_954 = arith.addf %add3A_952, %mul3A_953 : vector<16xf32>
        %mul3A_955 = arith.mulf %gather3A_694, %gather3A_718 : vector<16xf32>
        %mul3A_956 = arith.mulf %gather3A_697, %gather3A_721 : vector<16xf32>
        %add3A_957 = arith.addf %mul3A_955, %mul3A_956 : vector<16xf32>
        %mul3A_958 = arith.mulf %gather3A_700, %gather3A_724 : vector<16xf32>
        %add3A_959 = arith.addf %add3A_957, %mul3A_958 : vector<16xf32>
        %mul3A_960 = arith.mulf %gather3A_715, %gather3A_691 : vector<16xf32>
        %mul3A_961 = arith.mulf %mul3A_960, %mul3A_940 : vector<16xf32>
        %mul3A_962 = arith.mulf %gather3A_715, %add3A_949 : vector<16xf32>
        %mul3A_963 = arith.mulf %gather3A_691, %add3A_954 : vector<16xf32>
        %sub3A_964 = arith.subf %mul3A_962, %mul3A_963 : vector<16xf32>
        %mul3A_965 = arith.mulf %sub3A_964, %mul3A_942 : vector<16xf32>
        %add3A_966 = arith.addf %mul3A_961, %mul3A_965 : vector<16xf32>
        %mul3A_967 = arith.constant 3.000000e+00 : f32
        %mul3A_968 = vector.broadcast %mul3A_967 : f32 to vector<16xf32>
        %mul3A_969 = arith.mulf %mul3A_968, %add3A_954 : vector<16xf32>
        %mul3A_970 = arith.mulf %mul3A_969, %add3A_949 : vector<16xf32>
        %mul3A_971 = arith.mulf %mul3A_970, %mul3A_943 : vector<16xf32>
        %add3A_972 = arith.addf %add3A_966, %mul3A_971 : vector<16xf32>
        %mul3A_973 = arith.mulf %add3A_959, %mul3A_942 : vector<16xf32>
        %sub3A_974 = arith.subf %add3A_972, %mul3A_973 : vector<16xf32>
        %mul3A_975 = arith.mulf %gather3A_703, %gather3A_727 : vector<16xf32>
        %bitcast3A_976 = vector.bitcast %mul3A_975 : vector<16xf32> to vector<16xi32>
        %shift_right_logical3A_977 = arith.constant 1 : i32
        %shift_right_logical3A_978 = vector.broadcast %shift_right_logical3A_977 : i32 to vector<16xi32>
        %shift_right_logical3A_979 = arith.shrui %bitcast3A_976, %shift_right_logical3A_978 : vector<16xi32>
        %sub3A_980 = arith.constant 1597463007 : i32
        %sub3A_981 = vector.broadcast %sub3A_980 : i32 to vector<16xi32>
        %sub3A_982 = arith.subi %sub3A_981, %shift_right_logical3A_979 : vector<16xi32>
        %bitcast3A_983 = vector.bitcast %sub3A_982 : vector<16xi32> to vector<16xf32>
        %mul3A_984 = arith.constant 5.000000e-01 : f32
        %mul3A_985 = vector.broadcast %mul3A_984 : f32 to vector<16xf32>
        %mul3A_986 = arith.mulf %mul3A_985, %mul3A_975 : vector<16xf32>
        %mul3A_987 = arith.mulf %mul3A_986, %bitcast3A_983 : vector<16xf32>
        %mul3A_988 = arith.mulf %mul3A_987, %bitcast3A_983 : vector<16xf32>
        %sub3A_989 = arith.constant 1.500000e+00 : f32
        %sub3A_990 = vector.broadcast %sub3A_989 : f32 to vector<16xf32>
        %sub3A_991 = arith.subf %sub3A_990, %mul3A_988 : vector<16xf32>
        %mul3A_992 = arith.mulf %bitcast3A_983, %sub3A_991 : vector<16xf32>
        %mul3A_993 = arith.constant 5.000000e-01 : f32
        %mul3A_994 = vector.broadcast %mul3A_993 : f32 to vector<16xf32>
        %mul3A_995 = arith.mulf %mul3A_994, %mul3A_975 : vector<16xf32>
        %mul3A_996 = arith.mulf %mul3A_995, %mul3A_992 : vector<16xf32>
        %mul3A_997 = arith.mulf %mul3A_996, %mul3A_992 : vector<16xf32>
        %sub3A_998 = arith.constant 1.500000e+00 : f32
        %sub3A_999 = vector.broadcast %sub3A_998 : f32 to vector<16xf32>
        %sub3A_1000 = arith.subf %sub3A_999, %mul3A_997 : vector<16xf32>
        %mul3A_1001 = arith.mulf %mul3A_992, %sub3A_1000 : vector<16xf32>
        %mul3A_1002 = arith.constant 5.000000e-01 : f32
        %mul3A_1003 = vector.broadcast %mul3A_1002 : f32 to vector<16xf32>
        %mul3A_1004 = arith.mulf %mul3A_1003, %mul3A_975 : vector<16xf32>
        %mul3A_1005 = arith.mulf %mul3A_1004, %mul3A_1001 : vector<16xf32>
        %mul3A_1006 = arith.mulf %mul3A_1005, %mul3A_1001 : vector<16xf32>
        %sub3A_1007 = arith.constant 1.500000e+00 : f32
        %sub3A_1008 = vector.broadcast %sub3A_1007 : f32 to vector<16xf32>
        %sub3A_1009 = arith.subf %sub3A_1008, %mul3A_1006 : vector<16xf32>
        %mul3A_1010 = arith.mulf %mul3A_1001, %sub3A_1009 : vector<16xf32>
        %mul3A_1011 = arith.constant 3.900000e-01 : f32
        %mul3A_1012 = vector.broadcast %mul3A_1011 : f32 to vector<16xf32>
        %mul3A_1013 = arith.mulf %mul3A_1012, %add3A_893 : vector<16xf32>
        %mul3A_1014 = arith.mulf %mul3A_1013, %mul3A_944 : vector<16xf32>
        %mul3A_1015 = arith.mulf %mul3A_1014, %mul3A_1010 : vector<16xf32>
        %neg3A = arith.constant 0.000000e+00 : f32
        %neg3A_1016 = vector.broadcast %neg3A : f32 to vector<16xf32>
        %neg3A_1017 = arith.subf %neg3A_1016, %mul3A_1015 : vector<16xf32>
        %exp3A = math.exp %neg3A_1017 : vector<16xf32>
        %sub3A_1018 = arith.constant 1.000000e+00 : f32
        %sub3A_1019 = vector.broadcast %sub3A_1018 : f32 to vector<16xf32>
        %sub3A_1020 = arith.subf %sub3A_1019, %exp3A : vector<16xf32>
        %add3A_1021 = arith.constant 1.000000e+00 : f32
        %add3A_1022 = vector.broadcast %add3A_1021 : f32 to vector<16xf32>
        %add3A_1023 = arith.addf %add3A_1022, %mul3A_1015 : vector<16xf32>
        %mul3A_1024 = arith.mulf %add3A_1023, %exp3A : vector<16xf32>
        %sub3A_1025 = arith.constant 1.000000e+00 : f32
        %sub3A_1026 = vector.broadcast %sub3A_1025 : f32 to vector<16xf32>
        %sub3A_1027 = arith.subf %sub3A_1026, %mul3A_1024 : vector<16xf32>
        %mul3A_1028 = arith.constant -138.935455 : f32
        %mul3A_1029 = vector.broadcast %mul3A_1028 : f32 to vector<16xf32>
        %mul3A_1030 = arith.mulf %mul3A_1029, %select_n3A_905 : vector<16xf32>
        %mul3A_1031 = arith.mulf %sub3A_1020, %mul3A_942 : vector<16xf32>
        %mul3A_1032 = arith.mulf %mul3A_1030, %mul3A_1031 : vector<16xf32>
        %mul3A_1033 = arith.constant 3.000000e+00 : f32
        %mul3A_1034 = vector.broadcast %mul3A_1033 : f32 to vector<16xf32>
        %mul3A_1035 = arith.mulf %mul3A_1034, %sub3A_1027 : vector<16xf32>
        %mul3A_1036 = arith.mulf %mul3A_1035, %add3A_949 : vector<16xf32>
        %mul3A_1037 = arith.mulf %mul3A_1036, %mul3A_943 : vector<16xf32>
        %mul3A_1038 = arith.mulf %mul3A_1030, %mul3A_1037 : vector<16xf32>
        %mul3A_1039 = arith.mulf %mul3A_1032, %gather3A_691 : vector<16xf32>
        %sub3A_1040 = arith.subf %mul3A_1038, %mul3A_1039 : vector<16xf32>
        %mul3A_1041 = arith.constant 3.000000e+00 : f32
        %mul3A_1042 = vector.broadcast %mul3A_1041 : f32 to vector<16xf32>
        %mul3A_1043 = arith.mulf %mul3A_1042, %sub3A_1027 : vector<16xf32>
        %mul3A_1044 = arith.mulf %mul3A_1043, %add3A_954 : vector<16xf32>
        %mul3A_1045 = arith.mulf %mul3A_1044, %mul3A_943 : vector<16xf32>
        %mul3A_1046 = arith.mulf %mul3A_1030, %mul3A_1045 : vector<16xf32>
        %mul3A_1047 = arith.mulf %mul3A_1032, %gather3A_715 : vector<16xf32>
        %add3A_1048 = arith.addf %mul3A_1046, %mul3A_1047 : vector<16xf32>
        %broadcast_in_dim3A_1049 = arith.constant 0 : i32
        %broadcast_in_dim3A_1050 = vector.broadcast %broadcast_in_dim3A_1049 : i32 to vector<16xi32>
        %mul3A_1051 = arith.mulf %sub3A_1040, %mul3A_775 : vector<16xf32>
        %mul3A_1052 = arith.mulf %mul3A_1032, %gather3A_694 : vector<16xf32>
        %sub3A_1053 = arith.subf %mul3A_1051, %mul3A_1052 : vector<16xf32>
        tpu.vector_store_idx %arg22[%add3A_672, %broadcast_in_dim3A_1050], %sub3A_1053 : memref<128x8xf32, #tpu.memory_space<vmem>>[vector<16xi32>, vector<16xi32>], vector<16xf32>,
        %broadcast_in_dim3A_1054 = arith.constant 1 : i32
        %broadcast_in_dim3A_1055 = vector.broadcast %broadcast_in_dim3A_1054 : i32 to vector<16xi32>
        %mul3A_1056 = arith.mulf %sub3A_1040, %mul3A_830 : vector<16xf32>
        %mul3A_1057 = arith.mulf %mul3A_1032, %gather3A_697 : vector<16xf32>
        %sub3A_1058 = arith.subf %mul3A_1056, %mul3A_1057 : vector<16xf32>
        tpu.vector_store_idx %arg22[%add3A_672, %broadcast_in_dim3A_1055], %sub3A_1058 : memref<128x8xf32, #tpu.memory_space<vmem>>[vector<16xi32>, vector<16xi32>], vector<16xf32>,
        %broadcast_in_dim3A_1059 = arith.constant 2 : i32
        %broadcast_in_dim3A_1060 = vector.broadcast %broadcast_in_dim3A_1059 : i32 to vector<16xi32>
        %mul3A_1061 = arith.mulf %sub3A_1040, %mul3A_885 : vector<16xf32>
        %mul3A_1062 = arith.mulf %mul3A_1032, %gather3A_700 : vector<16xf32>
        %sub3A_1063 = arith.subf %mul3A_1061, %mul3A_1062 : vector<16xf32>
        tpu.vector_store_idx %arg22[%add3A_672, %broadcast_in_dim3A_1060], %sub3A_1063 : memref<128x8xf32, #tpu.memory_space<vmem>>[vector<16xi32>, vector<16xi32>], vector<16xf32>,
        %broadcast_in_dim3A_1064 = arith.constant 0 : i32
        %broadcast_in_dim3A_1065 = vector.broadcast %broadcast_in_dim3A_1064 : i32 to vector<16xi32>
        %mul3A_1066 = arith.mulf %add3A_1048, %mul3A_775 : vector<16xf32>
        %mul3A_1067 = arith.mulf %mul3A_1032, %gather3A_718 : vector<16xf32>
        %sub3A_1068 = arith.subf %mul3A_1066, %mul3A_1067 : vector<16xf32>
        tpu.vector_store_idx %arg20[%add3A_672, %broadcast_in_dim3A_1065], %sub3A_1068 : memref<128x8xf32, #tpu.memory_space<vmem>>[vector<16xi32>, vector<16xi32>], vector<16xf32>,
        %broadcast_in_dim3A_1069 = arith.constant 1 : i32
        %broadcast_in_dim3A_1070 = vector.broadcast %broadcast_in_dim3A_1069 : i32 to vector<16xi32>
        %mul3A_1071 = arith.mulf %add3A_1048, %mul3A_830 : vector<16xf32>
        %mul3A_1072 = arith.mulf %mul3A_1032, %gather3A_721 : vector<16xf32>
        %sub3A_1073 = arith.subf %mul3A_1071, %mul3A_1072 : vector<16xf32>
        tpu.vector_store_idx %arg20[%add3A_672, %broadcast_in_dim3A_1070], %sub3A_1073 : memref<128x8xf32, #tpu.memory_space<vmem>>[vector<16xi32>, vector<16xi32>], vector<16xf32>,
        %broadcast_in_dim3A_1074 = arith.constant 2 : i32
        %broadcast_in_dim3A_1075 = vector.broadcast %broadcast_in_dim3A_1074 : i32 to vector<16xi32>
        %mul3A_1076 = arith.mulf %add3A_1048, %mul3A_885 : vector<16xf32>
        %mul3A_1077 = arith.mulf %mul3A_1032, %gather3A_724 : vector<16xf32>
        %sub3A_1078 = arith.subf %mul3A_1076, %mul3A_1077 : vector<16xf32>
        tpu.vector_store_idx %arg20[%add3A_672, %broadcast_in_dim3A_1075], %sub3A_1078 : memref<128x8xf32, #tpu.memory_space<vmem>>[vector<16xi32>, vector<16xi32>], vector<16xf32>,
        %mul3A_1079 = arith.mulf %sub3A_974, %select_n3A_905 : vector<16xf32>
        %mul3A_1080 = arith.constant 2 : i32
        %mul3A_1081 = arith.muli %mul3A_1080, %scan3A_662 : i32
        %add3A_1082 = arith.constant 1 : i32
        %add3A_1083 = arith.addi %mul3A_1081, %add3A_1082 : i32
        %mul3A_1084 = arith.constant 16 : i32
        %mul3A_1085 = arith.muli %add3A_1083, %mul3A_1084 : i32
        %add3A_1086 = vector.broadcast %mul3A_1085 : i32 to vector<16xi32>
        %add3A_1087 = arith.addi %iota3A, %add3A_1086 : vector<16xi32>
        %mul3A_1088 = arith.constant 16 : i32
        %mul3A_1089 = arith.muli %add3A_1083, %mul3A_1088 : i32
        %get3A_1090 = arith.index_cast %mul3A_1089 : i32 to index
        %get3A_1091 = tpu.vector_load %arg10[%get3A_1090] {strides = array<i32>} : memref<128xi32, #tpu.memory_space<vmem>>, vector<16xi32>,
        %mul3A_1092 = arith.constant 16 : i32
        %mul3A_1093 = arith.muli %add3A_1083, %mul3A_1092 : i32
        %get3A_1094 = arith.index_cast %mul3A_1093 : i32 to index
        %get3A_1095 = tpu.vector_load %arg14[%get3A_1094] {strides = array<i32>} : memref<128xi32, #tpu.memory_space<vmem>>, vector<16xi32>,
        %broadcast_in_dim3A_1096 = arith.constant 0 : i32
        %broadcast_in_dim3A_1097 = vector.broadcast %broadcast_in_dim3A_1096 : i32 to vector<16xi32>
        %gather3A_1098 = tpu.vector_load_idx %arg16[%add3A_1087, %broadcast_in_dim3A_1097] : memref<128x8xf32, #tpu.memory_space<vmem>>[vector<16xi32>, vector<16xi32>], vector<16xf32>,
        %broadcast_in_dim3A_1099 = arith.constant 1 : i32
        %broadcast_in_dim3A_1100 = vector.broadcast %broadcast_in_dim3A_1099 : i32 to vector<16xi32>
        %gather3A_1101 = tpu.vector_load_idx %arg16[%add3A_1087, %broadcast_in_dim3A_1100] : memref<128x8xf32, #tpu.memory_space<vmem>>[vector<16xi32>, vector<16xi32>], vector<16xf32>,
        %broadcast_in_dim3A_1102 = arith.constant 2 : i32
        %broadcast_in_dim3A_1103 = vector.broadcast %broadcast_in_dim3A_1102 : i32 to vector<16xi32>
        %gather3A_1104 = tpu.vector_load_idx %arg16[%add3A_1087, %broadcast_in_dim3A_1103] : memref<128x8xf32, #tpu.memory_space<vmem>>[vector<16xi32>, vector<16xi32>], vector<16xf32>,
        %broadcast_in_dim3A_1105 = arith.constant 3 : i32
        %broadcast_in_dim3A_1106 = vector.broadcast %broadcast_in_dim3A_1105 : i32 to vector<16xi32>
        %gather3A_1107 = tpu.vector_load_idx %arg16[%add3A_1087, %broadcast_in_dim3A_1106] : memref<128x8xf32, #tpu.memory_space<vmem>>[vector<16xi32>, vector<16xi32>], vector<16xf32>,
        %broadcast_in_dim3A_1108 = arith.constant 4 : i32
        %broadcast_in_dim3A_1109 = vector.broadcast %broadcast_in_dim3A_1108 : i32 to vector<16xi32>
        %gather3A_1110 = tpu.vector_load_idx %arg16[%add3A_1087, %broadcast_in_dim3A_1109] : memref<128x8xf32, #tpu.memory_space<vmem>>[vector<16xi32>, vector<16xi32>], vector<16xf32>,
        %broadcast_in_dim3A_1111 = arith.constant 5 : i32
        %broadcast_in_dim3A_1112 = vector.broadcast %broadcast_in_dim3A_1111 : i32 to vector<16xi32>
        %gather3A_1113 = tpu.vector_load_idx %arg16[%add3A_1087, %broadcast_in_dim3A_1112] : memref<128x8xf32, #tpu.memory_space<vmem>>[vector<16xi32>, vector<16xi32>], vector<16xf32>,
        %broadcast_in_dim3A_1114 = arith.constant 6 : i32
        %broadcast_in_dim3A_1115 = vector.broadcast %broadcast_in_dim3A_1114 : i32 to vector<16xi32>
        %gather3A_1116 = tpu.vector_load_idx %arg16[%add3A_1087, %broadcast_in_dim3A_1115] : memref<128x8xf32, #tpu.memory_space<vmem>>[vector<16xi32>, vector<16xi32>], vector<16xf32>,
        %broadcast_in_dim3A_1117 = arith.constant 7 : i32
        %broadcast_in_dim3A_1118 = vector.broadcast %broadcast_in_dim3A_1117 : i32 to vector<16xi32>
        %gather3A_1119 = tpu.vector_load_idx %arg16[%add3A_1087, %broadcast_in_dim3A_1118] : memref<128x8xf32, #tpu.memory_space<vmem>>[vector<16xi32>, vector<16xi32>], vector<16xf32>,
        %broadcast_in_dim3A_1120 = arith.constant 0 : i32
        %broadcast_in_dim3A_1121 = vector.broadcast %broadcast_in_dim3A_1120 : i32 to vector<16xi32>
        %gather3A_1122 = tpu.vector_load_idx %arg18[%add3A_1087, %broadcast_in_dim3A_1121] : memref<128x8xf32, #tpu.memory_space<vmem>>[vector<16xi32>, vector<16xi32>], vector<16xf32>,
        %broadcast_in_dim3A_1123 = arith.constant 1 : i32
        %broadcast_in_dim3A_1124 = vector.broadcast %broadcast_in_dim3A_1123 : i32 to vector<16xi32>
        %gather3A_1125 = tpu.vector_load_idx %arg18[%add3A_1087, %broadcast_in_dim3A_1124] : memref<128x8xf32, #tpu.memory_space<vmem>>[vector<16xi32>, vector<16xi32>], vector<16xf32>,
        %broadcast_in_dim3A_1126 = arith.constant 2 : i32
        %broadcast_in_dim3A_1127 = vector.broadcast %broadcast_in_dim3A_1126 : i32 to vector<16xi32>
        %gather3A_1128 = tpu.vector_load_idx %arg18[%add3A_1087, %broadcast_in_dim3A_1127] : memref<128x8xf32, #tpu.memory_space<vmem>>[vector<16xi32>, vector<16xi32>], vector<16xf32>,
        %broadcast_in_dim3A_1129 = arith.constant 3 : i32
        %broadcast_in_dim3A_1130 = vector.broadcast %broadcast_in_dim3A_1129 : i32 to vector<16xi32>
        %gather3A_1131 = tpu.vector_load_idx %arg18[%add3A_1087, %broadcast_in_dim3A_1130] : memref<128x8xf32, #tpu.memory_space<vmem>>[vector<16xi32>, vector<16xi32>], vector<16xf32>,
        %broadcast_in_dim3A_1132 = arith.constant 4 : i32
        %broadcast_in_dim3A_1133 = vector.broadcast %broadcast_in_dim3A_1132 : i32 to vector<16xi32>
        %gather3A_1134 = tpu.vector_load_idx %arg18[%add3A_1087, %broadcast_in_dim3A_1133] : memref<128x8xf32, #tpu.memory_space<vmem>>[vector<16xi32>, vector<16xi32>], vector<16xf32>,
        %broadcast_in_dim3A_1135 = arith.constant 5 : i32
        %broadcast_in_dim3A_1136 = vector.broadcast %broadcast_in_dim3A_1135 : i32 to vector<16xi32>
        %gather3A_1137 = tpu.vector_load_idx %arg18[%add3A_1087, %broadcast_in_dim3A_1136] : memref<128x8xf32, #tpu.memory_space<vmem>>[vector<16xi32>, vector<16xi32>], vector<16xf32>,
        %broadcast_in_dim3A_1138 = arith.constant 6 : i32
        %broadcast_in_dim3A_1139 = vector.broadcast %broadcast_in_dim3A_1138 : i32 to vector<16xi32>
        %gather3A_1140 = tpu.vector_load_idx %arg18[%add3A_1087, %broadcast_in_dim3A_1139] : memref<128x8xf32, #tpu.memory_space<vmem>>[vector<16xi32>, vector<16xi32>], vector<16xf32>,
        %broadcast_in_dim3A_1141 = arith.constant 7 : i32
        %broadcast_in_dim3A_1142 = vector.broadcast %broadcast_in_dim3A_1141 : i32 to vector<16xi32>
        %gather3A_1143 = tpu.vector_load_idx %arg18[%add3A_1087, %broadcast_in_dim3A_1142] : memref<128x8xf32, #tpu.memory_space<vmem>>[vector<16xi32>, vector<16xi32>], vector<16xf32>,
        %sub3A_1144 = arith.subf %gather3A_1122, %gather3A_1098 : vector<16xf32>
        %bitcast3A_1145 = vector.bitcast %sub3A_1144 : vector<16xf32> to vector<16xi32>
        %add3A_1146 = arith.constant 32767 : i32
        %add3A_1147 = vector.broadcast %add3A_1146 : i32 to vector<16xi32>
        %add3A_1148 = arith.addi %bitcast3A_1145, %add3A_1147 : vector<16xi32>
        %shift_right_logical3A_1149 = arith.constant 16 : i32
        %shift_right_logical3A_1150 = vector.broadcast %shift_right_logical3A_1149 : i32 to vector<16xi32>
        %shift_right_logical3A_1151 = arith.shrui %bitcast3A_1145, %shift_right_logical3A_1150 : vector<16xi32>
        %and3A_1152 = arith.constant 1 : i32
        %and3A_1153 = vector.broadcast %and3A_1152 : i32 to vector<16xi32>
        %and3A_1154 = arith.andi %shift_right_logical3A_1151, %and3A_1153 : vector<16xi32>
        %add3A_1155 = arith.addi %add3A_1148, %and3A_1154 : vector<16xi32>
        %and3A_1156 = arith.constant -65536 : i32
        %and3A_1157 = vector.broadcast %and3A_1156 : i32 to vector<16xi32>
        %and3A_1158 = arith.andi %add3A_1155, %and3A_1157 : vector<16xi32>
        %bitcast3A_1159 = vector.bitcast %and3A_1158 : vector<16xi32> to vector<16xf32>
        %mul3A_1160 = arith.constant 1.250000e-01 : f32
        %mul3A_1161 = vector.broadcast %mul3A_1160 : f32 to vector<16xf32>
        %mul3A_1162 = arith.mulf %bitcast3A_1159, %mul3A_1161 : vector<16xf32>
        %gt3A_1163 = arith.constant 5.000000e-01 : f32
        %gt3A_1164 = vector.broadcast %gt3A_1163 : f32 to vector<16xf32>
        %gt3A_1165 = arith.cmpf ogt, %mul3A_1162, %gt3A_1164 : vector<16xf32>
        %jit3A_1166 = arith.constant 1.000000e+00 : f32
        %jit3A_1167 = arith.constant 0.000000e+00 : f32
        %broadcast_in_dim3A_1168 = vector.broadcast %jit3A_1166 : f32 to vector<16xf32>
        %broadcast_in_dim3A_1169 = vector.broadcast %jit3A_1167 : f32 to vector<16xf32>
        %select_n3A_1170 = arith.select %gt3A_1165, %broadcast_in_dim3A_1168, %broadcast_in_dim3A_1169 : vector<16xi1>, vector<16xf32>
        %lt3A_1171 = arith.constant -5.000000e-01 : f32
        %lt3A_1172 = vector.broadcast %lt3A_1171 : f32 to vector<16xf32>
        %lt3A_1173 = arith.cmpf olt, %mul3A_1162, %lt3A_1172 : vector<16xf32>
        %jit3A_1174 = arith.constant 1.000000e+00 : f32
        %jit3A_1175 = arith.constant 0.000000e+00 : f32
        %broadcast_in_dim3A_1176 = vector.broadcast %jit3A_1174 : f32 to vector<16xf32>
        %broadcast_in_dim3A_1177 = vector.broadcast %jit3A_1175 : f32 to vector<16xf32>
        %select_n3A_1178 = arith.select %lt3A_1173, %broadcast_in_dim3A_1176, %broadcast_in_dim3A_1177 : vector<16xi1>, vector<16xf32>
        %sub3A_1179 = arith.subf %select_n3A_1170, %select_n3A_1178 : vector<16xf32>
        %sub3A_1180 = arith.subf %mul3A_1162, %sub3A_1179 : vector<16xf32>
        %bitcast3A_1181 = vector.bitcast %sub3A_1180 : vector<16xf32> to vector<16xi32>
        %add3A_1182 = arith.constant 32767 : i32
        %add3A_1183 = vector.broadcast %add3A_1182 : i32 to vector<16xi32>
        %add3A_1184 = arith.addi %bitcast3A_1181, %add3A_1183 : vector<16xi32>
        %shift_right_logical3A_1185 = arith.constant 16 : i32
        %shift_right_logical3A_1186 = vector.broadcast %shift_right_logical3A_1185 : i32 to vector<16xi32>
        %shift_right_logical3A_1187 = arith.shrui %bitcast3A_1181, %shift_right_logical3A_1186 : vector<16xi32>
        %and3A_1188 = arith.constant 1 : i32
        %and3A_1189 = vector.broadcast %and3A_1188 : i32 to vector<16xi32>
        %and3A_1190 = arith.andi %shift_right_logical3A_1187, %and3A_1189 : vector<16xi32>
        %add3A_1191 = arith.addi %add3A_1184, %and3A_1190 : vector<16xi32>
        %and3A_1192 = arith.constant -65536 : i32
        %and3A_1193 = vector.broadcast %and3A_1192 : i32 to vector<16xi32>
        %and3A_1194 = arith.andi %add3A_1191, %and3A_1193 : vector<16xi32>
        %bitcast3A_1195 = vector.bitcast %and3A_1194 : vector<16xi32> to vector<16xf32>
        %mul3A_1196 = arith.constant 8.000000e+00 : f32
        %mul3A_1197 = vector.broadcast %mul3A_1196 : f32 to vector<16xf32>
        %mul3A_1198 = arith.mulf %bitcast3A_1195, %mul3A_1197 : vector<16xf32>
        %sub3A_1199 = arith.subf %gather3A_1125, %gather3A_1101 : vector<16xf32>
        %bitcast3A_1200 = vector.bitcast %sub3A_1199 : vector<16xf32> to vector<16xi32>
        %add3A_1201 = arith.constant 32767 : i32
        %add3A_1202 = vector.broadcast %add3A_1201 : i32 to vector<16xi32>
        %add3A_1203 = arith.addi %bitcast3A_1200, %add3A_1202 : vector<16xi32>
        %shift_right_logical3A_1204 = arith.constant 16 : i32
        %shift_right_logical3A_1205 = vector.broadcast %shift_right_logical3A_1204 : i32 to vector<16xi32>
        %shift_right_logical3A_1206 = arith.shrui %bitcast3A_1200, %shift_right_logical3A_1205 : vector<16xi32>
        %and3A_1207 = arith.constant 1 : i32
        %and3A_1208 = vector.broadcast %and3A_1207 : i32 to vector<16xi32>
        %and3A_1209 = arith.andi %shift_right_logical3A_1206, %and3A_1208 : vector<16xi32>
        %add3A_1210 = arith.addi %add3A_1203, %and3A_1209 : vector<16xi32>
        %and3A_1211 = arith.constant -65536 : i32
        %and3A_1212 = vector.broadcast %and3A_1211 : i32 to vector<16xi32>
        %and3A_1213 = arith.andi %add3A_1210, %and3A_1212 : vector<16xi32>
        %bitcast3A_1214 = vector.bitcast %and3A_1213 : vector<16xi32> to vector<16xf32>
        %mul3A_1215 = arith.constant 1.250000e-01 : f32
        %mul3A_1216 = vector.broadcast %mul3A_1215 : f32 to vector<16xf32>
        %mul3A_1217 = arith.mulf %bitcast3A_1214, %mul3A_1216 : vector<16xf32>
        %gt3A_1218 = arith.constant 5.000000e-01 : f32
        %gt3A_1219 = vector.broadcast %gt3A_1218 : f32 to vector<16xf32>
        %gt3A_1220 = arith.cmpf ogt, %mul3A_1217, %gt3A_1219 : vector<16xf32>
        %jit3A_1221 = arith.constant 1.000000e+00 : f32
        %jit3A_1222 = arith.constant 0.000000e+00 : f32
        %broadcast_in_dim3A_1223 = vector.broadcast %jit3A_1221 : f32 to vector<16xf32>
        %broadcast_in_dim3A_1224 = vector.broadcast %jit3A_1222 : f32 to vector<16xf32>
        %select_n3A_1225 = arith.select %gt3A_1220, %broadcast_in_dim3A_1223, %broadcast_in_dim3A_1224 : vector<16xi1>, vector<16xf32>
        %lt3A_1226 = arith.constant -5.000000e-01 : f32
        %lt3A_1227 = vector.broadcast %lt3A_1226 : f32 to vector<16xf32>
        %lt3A_1228 = arith.cmpf olt, %mul3A_1217, %lt3A_1227 : vector<16xf32>
        %jit3A_1229 = arith.constant 1.000000e+00 : f32
        %jit3A_1230 = arith.constant 0.000000e+00 : f32
        %broadcast_in_dim3A_1231 = vector.broadcast %jit3A_1229 : f32 to vector<16xf32>
        %broadcast_in_dim3A_1232 = vector.broadcast %jit3A_1230 : f32 to vector<16xf32>
        %select_n3A_1233 = arith.select %lt3A_1228, %broadcast_in_dim3A_1231, %broadcast_in_dim3A_1232 : vector<16xi1>, vector<16xf32>
        %sub3A_1234 = arith.subf %select_n3A_1225, %select_n3A_1233 : vector<16xf32>
        %sub3A_1235 = arith.subf %mul3A_1217, %sub3A_1234 : vector<16xf32>
        %bitcast3A_1236 = vector.bitcast %sub3A_1235 : vector<16xf32> to vector<16xi32>
        %add3A_1237 = arith.constant 32767 : i32
        %add3A_1238 = vector.broadcast %add3A_1237 : i32 to vector<16xi32>
        %add3A_1239 = arith.addi %bitcast3A_1236, %add3A_1238 : vector<16xi32>
        %shift_right_logical3A_1240 = arith.constant 16 : i32
        %shift_right_logical3A_1241 = vector.broadcast %shift_right_logical3A_1240 : i32 to vector<16xi32>
        %shift_right_logical3A_1242 = arith.shrui %bitcast3A_1236, %shift_right_logical3A_1241 : vector<16xi32>
        %and3A_1243 = arith.constant 1 : i32
        %and3A_1244 = vector.broadcast %and3A_1243 : i32 to vector<16xi32>
        %and3A_1245 = arith.andi %shift_right_logical3A_1242, %and3A_1244 : vector<16xi32>
        %add3A_1246 = arith.addi %add3A_1239, %and3A_1245 : vector<16xi32>
        %and3A_1247 = arith.constant -65536 : i32
        %and3A_1248 = vector.broadcast %and3A_1247 : i32 to vector<16xi32>
        %and3A_1249 = arith.andi %add3A_1246, %and3A_1248 : vector<16xi32>
        %bitcast3A_1250 = vector.bitcast %and3A_1249 : vector<16xi32> to vector<16xf32>
        %mul3A_1251 = arith.constant 8.000000e+00 : f32
        %mul3A_1252 = vector.broadcast %mul3A_1251 : f32 to vector<16xf32>
        %mul3A_1253 = arith.mulf %bitcast3A_1250, %mul3A_1252 : vector<16xf32>
        %sub3A_1254 = arith.subf %gather3A_1128, %gather3A_1104 : vector<16xf32>
        %bitcast3A_1255 = vector.bitcast %sub3A_1254 : vector<16xf32> to vector<16xi32>
        %add3A_1256 = arith.constant 32767 : i32
        %add3A_1257 = vector.broadcast %add3A_1256 : i32 to vector<16xi32>
        %add3A_1258 = arith.addi %bitcast3A_1255, %add3A_1257 : vector<16xi32>
        %shift_right_logical3A_1259 = arith.constant 16 : i32
        %shift_right_logical3A_1260 = vector.broadcast %shift_right_logical3A_1259 : i32 to vector<16xi32>
        %shift_right_logical3A_1261 = arith.shrui %bitcast3A_1255, %shift_right_logical3A_1260 : vector<16xi32>
        %and3A_1262 = arith.constant 1 : i32
        %and3A_1263 = vector.broadcast %and3A_1262 : i32 to vector<16xi32>
        %and3A_1264 = arith.andi %shift_right_logical3A_1261, %and3A_1263 : vector<16xi32>
        %add3A_1265 = arith.addi %add3A_1258, %and3A_1264 : vector<16xi32>
        %and3A_1266 = arith.constant -65536 : i32
        %and3A_1267 = vector.broadcast %and3A_1266 : i32 to vector<16xi32>
        %and3A_1268 = arith.andi %add3A_1265, %and3A_1267 : vector<16xi32>
        %bitcast3A_1269 = vector.bitcast %and3A_1268 : vector<16xi32> to vector<16xf32>
        %mul3A_1270 = arith.constant 1.250000e-01 : f32
        %mul3A_1271 = vector.broadcast %mul3A_1270 : f32 to vector<16xf32>
        %mul3A_1272 = arith.mulf %bitcast3A_1269, %mul3A_1271 : vector<16xf32>
        %gt3A_1273 = arith.constant 5.000000e-01 : f32
        %gt3A_1274 = vector.broadcast %gt3A_1273 : f32 to vector<16xf32>
        %gt3A_1275 = arith.cmpf ogt, %mul3A_1272, %gt3A_1274 : vector<16xf32>
        %jit3A_1276 = arith.constant 1.000000e+00 : f32
        %jit3A_1277 = arith.constant 0.000000e+00 : f32
        %broadcast_in_dim3A_1278 = vector.broadcast %jit3A_1276 : f32 to vector<16xf32>
        %broadcast_in_dim3A_1279 = vector.broadcast %jit3A_1277 : f32 to vector<16xf32>
        %select_n3A_1280 = arith.select %gt3A_1275, %broadcast_in_dim3A_1278, %broadcast_in_dim3A_1279 : vector<16xi1>, vector<16xf32>
        %lt3A_1281 = arith.constant -5.000000e-01 : f32
        %lt3A_1282 = vector.broadcast %lt3A_1281 : f32 to vector<16xf32>
        %lt3A_1283 = arith.cmpf olt, %mul3A_1272, %lt3A_1282 : vector<16xf32>
        %jit3A_1284 = arith.constant 1.000000e+00 : f32
        %jit3A_1285 = arith.constant 0.000000e+00 : f32
        %broadcast_in_dim3A_1286 = vector.broadcast %jit3A_1284 : f32 to vector<16xf32>
        %broadcast_in_dim3A_1287 = vector.broadcast %jit3A_1285 : f32 to vector<16xf32>
        %select_n3A_1288 = arith.select %lt3A_1283, %broadcast_in_dim3A_1286, %broadcast_in_dim3A_1287 : vector<16xi1>, vector<16xf32>
        %sub3A_1289 = arith.subf %select_n3A_1280, %select_n3A_1288 : vector<16xf32>
        %sub3A_1290 = arith.subf %mul3A_1272, %sub3A_1289 : vector<16xf32>
        %bitcast3A_1291 = vector.bitcast %sub3A_1290 : vector<16xf32> to vector<16xi32>
        %add3A_1292 = arith.constant 32767 : i32
        %add3A_1293 = vector.broadcast %add3A_1292 : i32 to vector<16xi32>
        %add3A_1294 = arith.addi %bitcast3A_1291, %add3A_1293 : vector<16xi32>
        %shift_right_logical3A_1295 = arith.constant 16 : i32
        %shift_right_logical3A_1296 = vector.broadcast %shift_right_logical3A_1295 : i32 to vector<16xi32>
        %shift_right_logical3A_1297 = arith.shrui %bitcast3A_1291, %shift_right_logical3A_1296 : vector<16xi32>
        %and3A_1298 = arith.constant 1 : i32
        %and3A_1299 = vector.broadcast %and3A_1298 : i32 to vector<16xi32>
        %and3A_1300 = arith.andi %shift_right_logical3A_1297, %and3A_1299 : vector<16xi32>
        %add3A_1301 = arith.addi %add3A_1294, %and3A_1300 : vector<16xi32>
        %and3A_1302 = arith.constant -65536 : i32
        %and3A_1303 = vector.broadcast %and3A_1302 : i32 to vector<16xi32>
        %and3A_1304 = arith.andi %add3A_1301, %and3A_1303 : vector<16xi32>
        %bitcast3A_1305 = vector.bitcast %and3A_1304 : vector<16xi32> to vector<16xf32>
        %mul3A_1306 = arith.constant 8.000000e+00 : f32
        %mul3A_1307 = vector.broadcast %mul3A_1306 : f32 to vector<16xf32>
        %mul3A_1308 = arith.mulf %bitcast3A_1305, %mul3A_1307 : vector<16xf32>
        %mul3A_1309 = arith.mulf %mul3A_1198, %mul3A_1198 : vector<16xf32>
        %mul3A_1310 = arith.mulf %mul3A_1253, %mul3A_1253 : vector<16xf32>
        %add3A_1311 = arith.addf %mul3A_1309, %mul3A_1310 : vector<16xf32>
        %mul3A_1312 = arith.mulf %mul3A_1308, %mul3A_1308 : vector<16xf32>
        %add3A_1313 = arith.addf %add3A_1311, %mul3A_1312 : vector<16xf32>
        %add3A_1314 = arith.constant 9.99999996E-13 : f32
        %add3A_1315 = vector.broadcast %add3A_1314 : f32 to vector<16xf32>
        %add3A_1316 = arith.addf %add3A_1313, %add3A_1315 : vector<16xf32>
        %le3A_1317 = arith.constant 1.000000e+00 : f32
        %le3A_1318 = vector.broadcast %le3A_1317 : f32 to vector<16xf32>
        %le3A_1319 = arith.cmpf ole, %add3A_1316, %le3A_1318 : vector<16xf32>
        %gt3A_1320 = arith.constant 9.99999993E-9 : f32
        %gt3A_1321 = vector.broadcast %gt3A_1320 : f32 to vector<16xf32>
        %gt3A_1322 = arith.cmpf ogt, %add3A_1316, %gt3A_1321 : vector<16xf32>
        %and3A_1323 = arith.andi %le3A_1319, %gt3A_1322 : vector<16xi1>
        %ne3A_1324 = arith.cmpi ne, %get3A_1091, %get3A_1095 : vector<16xi32>
        %and3A_1325 = arith.andi %and3A_1323, %ne3A_1324 : vector<16xi1>
        %jit3A_1326 = arith.constant 1.000000e+00 : f32
        %jit3A_1327 = arith.constant 0.000000e+00 : f32
        %broadcast_in_dim3A_1328 = vector.broadcast %jit3A_1326 : f32 to vector<16xf32>
        %broadcast_in_dim3A_1329 = vector.broadcast %jit3A_1327 : f32 to vector<16xf32>
        %select_n3A_1330 = arith.select %and3A_1325, %broadcast_in_dim3A_1328, %broadcast_in_dim3A_1329 : vector<16xi1>, vector<16xf32>
        %bitcast3A_1331 = vector.bitcast %add3A_1316 : vector<16xf32> to vector<16xi32>
        %shift_right_logical3A_1332 = arith.constant 1 : i32
        %shift_right_logical3A_1333 = vector.broadcast %shift_right_logical3A_1332 : i32 to vector<16xi32>
        %shift_right_logical3A_1334 = arith.shrui %bitcast3A_1331, %shift_right_logical3A_1333 : vector<16xi32>
        %sub3A_1335 = arith.constant 1597463007 : i32
        %sub3A_1336 = vector.broadcast %sub3A_1335 : i32 to vector<16xi32>
        %sub3A_1337 = arith.subi %sub3A_1336, %shift_right_logical3A_1334 : vector<16xi32>
        %bitcast3A_1338 = vector.bitcast %sub3A_1337 : vector<16xi32> to vector<16xf32>
        %mul3A_1339 = arith.constant 5.000000e-01 : f32
        %mul3A_1340 = vector.broadcast %mul3A_1339 : f32 to vector<16xf32>
        %mul3A_1341 = arith.mulf %mul3A_1340, %add3A_1316 : vector<16xf32>
        %mul3A_1342 = arith.mulf %mul3A_1341, %bitcast3A_1338 : vector<16xf32>
        %mul3A_1343 = arith.mulf %mul3A_1342, %bitcast3A_1338 : vector<16xf32>
        %sub3A_1344 = arith.constant 1.500000e+00 : f32
        %sub3A_1345 = vector.broadcast %sub3A_1344 : f32 to vector<16xf32>
        %sub3A_1346 = arith.subf %sub3A_1345, %mul3A_1343 : vector<16xf32>
        %mul3A_1347 = arith.mulf %bitcast3A_1338, %sub3A_1346 : vector<16xf32>
        %mul3A_1348 = arith.constant 5.000000e-01 : f32
        %mul3A_1349 = vector.broadcast %mul3A_1348 : f32 to vector<16xf32>
        %mul3A_1350 = arith.mulf %mul3A_1349, %add3A_1316 : vector<16xf32>
        %mul3A_1351 = arith.mulf %mul3A_1350, %mul3A_1347 : vector<16xf32>
        %mul3A_1352 = arith.mulf %mul3A_1351, %mul3A_1347 : vector<16xf32>
        %sub3A_1353 = arith.constant 1.500000e+00 : f32
        %sub3A_1354 = vector.broadcast %sub3A_1353 : f32 to vector<16xf32>
        %sub3A_1355 = arith.subf %sub3A_1354, %mul3A_1352 : vector<16xf32>
        %mul3A_1356 = arith.mulf %mul3A_1347, %sub3A_1355 : vector<16xf32>
        %mul3A_1357 = arith.constant 5.000000e-01 : f32
        %mul3A_1358 = vector.broadcast %mul3A_1357 : f32 to vector<16xf32>
        %mul3A_1359 = arith.mulf %mul3A_1358, %add3A_1316 : vector<16xf32>
        %mul3A_1360 = arith.mulf %mul3A_1359, %mul3A_1356 : vector<16xf32>
        %mul3A_1361 = arith.mulf %mul3A_1360, %mul3A_1356 : vector<16xf32>
        %sub3A_1362 = arith.constant 1.500000e+00 : f32
        %sub3A_1363 = vector.broadcast %sub3A_1362 : f32 to vector<16xf32>
        %sub3A_1364 = arith.subf %sub3A_1363, %mul3A_1361 : vector<16xf32>
        %mul3A_1365 = arith.mulf %mul3A_1356, %sub3A_1364 : vector<16xf32>
        %mul3A_1366 = arith.mulf %mul3A_1365, %mul3A_1365 : vector<16xf32>
        %mul3A_1367 = arith.mulf %mul3A_1366, %mul3A_1365 : vector<16xf32>
        %mul3A_1368 = arith.mulf %mul3A_1367, %mul3A_1366 : vector<16xf32>
        %mul3A_1369 = arith.mulf %add3A_1316, %mul3A_1365 : vector<16xf32>
        %mul3A_1370 = arith.mulf %mul3A_1198, %gather3A_1110 : vector<16xf32>
        %mul3A_1371 = arith.mulf %mul3A_1253, %gather3A_1113 : vector<16xf32>
        %add3A_1372 = arith.addf %mul3A_1370, %mul3A_1371 : vector<16xf32>
        %mul3A_1373 = arith.mulf %mul3A_1308, %gather3A_1116 : vector<16xf32>
        %add3A_1374 = arith.addf %add3A_1372, %mul3A_1373 : vector<16xf32>
        %mul3A_1375 = arith.mulf %mul3A_1198, %gather3A_1134 : vector<16xf32>
        %mul3A_1376 = arith.mulf %mul3A_1253, %gather3A_1137 : vector<16xf32>
        %add3A_1377 = arith.addf %mul3A_1375, %mul3A_1376 : vector<16xf32>
        %mul3A_1378 = arith.mulf %mul3A_1308, %gather3A_1140 : vector<16xf32>
        %add3A_1379 = arith.addf %add3A_1377, %mul3A_1378 : vector<16xf32>
        %mul3A_1380 = arith.mulf %gather3A_1110, %gather3A_1134 : vector<16xf32>
        %mul3A_1381 = arith.mulf %gather3A_1113, %gather3A_1137 : vector<16xf32>
        %add3A_1382 = arith.addf %mul3A_1380, %mul3A_1381 : vector<16xf32>
        %mul3A_1383 = arith.mulf %gather3A_1116, %gather3A_1140 : vector<16xf32>
        %add3A_1384 = arith.addf %add3A_1382, %mul3A_1383 : vector<16xf32>
        %mul3A_1385 = arith.mulf %gather3A_1131, %gather3A_1107 : vector<16xf32>
        %mul3A_1386 = arith.mulf %mul3A_1385, %mul3A_1365 : vector<16xf32>
        %mul3A_1387 = arith.mulf %gather3A_1131, %add3A_1374 : vector<16xf32>
        %mul3A_1388 = arith.mulf %gather3A_1107, %add3A_1379 : vector<16xf32>
        %sub3A_1389 = arith.subf %mul3A_1387, %mul3A_1388 : vector<16xf32>
        %mul3A_1390 = arith.mulf %sub3A_1389, %mul3A_1367 : vector<16xf32>
        %add3A_1391 = arith.addf %mul3A_1386, %mul3A_1390 : vector<16xf32>
        %mul3A_1392 = arith.constant 3.000000e+00 : f32
        %mul3A_1393 = vector.broadcast %mul3A_1392 : f32 to vector<16xf32>
        %mul3A_1394 = arith.mulf %mul3A_1393, %add3A_1379 : vector<16xf32>
        %mul3A_1395 = arith.mulf %mul3A_1394, %add3A_1374 : vector<16xf32>
        %mul3A_1396 = arith.mulf %mul3A_1395, %mul3A_1368 : vector<16xf32>
        %add3A_1397 = arith.addf %add3A_1391, %mul3A_1396 : vector<16xf32>
        %mul3A_1398 = arith.mulf %add3A_1384, %mul3A_1367 : vector<16xf32>
        %sub3A_1399 = arith.subf %add3A_1397, %mul3A_1398 : vector<16xf32>
        %mul3A_1400 = arith.mulf %gather3A_1119, %gather3A_1143 : vector<16xf32>
        %bitcast3A_1401 = vector.bitcast %mul3A_1400 : vector<16xf32> to vector<16xi32>
        %shift_right_logical3A_1402 = arith.constant 1 : i32
        %shift_right_logical3A_1403 = vector.broadcast %shift_right_logical3A_1402 : i32 to vector<16xi32>
        %shift_right_logical3A_1404 = arith.shrui %bitcast3A_1401, %shift_right_logical3A_1403 : vector<16xi32>
        %sub3A_1405 = arith.constant 1597463007 : i32
        %sub3A_1406 = vector.broadcast %sub3A_1405 : i32 to vector<16xi32>
        %sub3A_1407 = arith.subi %sub3A_1406, %shift_right_logical3A_1404 : vector<16xi32>
        %bitcast3A_1408 = vector.bitcast %sub3A_1407 : vector<16xi32> to vector<16xf32>
        %mul3A_1409 = arith.constant 5.000000e-01 : f32
        %mul3A_1410 = vector.broadcast %mul3A_1409 : f32 to vector<16xf32>
        %mul3A_1411 = arith.mulf %mul3A_1410, %mul3A_1400 : vector<16xf32>
        %mul3A_1412 = arith.mulf %mul3A_1411, %bitcast3A_1408 : vector<16xf32>
        %mul3A_1413 = arith.mulf %mul3A_1412, %bitcast3A_1408 : vector<16xf32>
        %sub3A_1414 = arith.constant 1.500000e+00 : f32
        %sub3A_1415 = vector.broadcast %sub3A_1414 : f32 to vector<16xf32>
        %sub3A_1416 = arith.subf %sub3A_1415, %mul3A_1413 : vector<16xf32>
        %mul3A_1417 = arith.mulf %bitcast3A_1408, %sub3A_1416 : vector<16xf32>
        %mul3A_1418 = arith.constant 5.000000e-01 : f32
        %mul3A_1419 = vector.broadcast %mul3A_1418 : f32 to vector<16xf32>
        %mul3A_1420 = arith.mulf %mul3A_1419, %mul3A_1400 : vector<16xf32>
        %mul3A_1421 = arith.mulf %mul3A_1420, %mul3A_1417 : vector<16xf32>
        %mul3A_1422 = arith.mulf %mul3A_1421, %mul3A_1417 : vector<16xf32>
        %sub3A_1423 = arith.constant 1.500000e+00 : f32
        %sub3A_1424 = vector.broadcast %sub3A_1423 : f32 to vector<16xf32>
        %sub3A_1425 = arith.subf %sub3A_1424, %mul3A_1422 : vector<16xf32>
        %mul3A_1426 = arith.mulf %mul3A_1417, %sub3A_1425 : vector<16xf32>
        %mul3A_1427 = arith.constant 5.000000e-01 : f32
        %mul3A_1428 = vector.broadcast %mul3A_1427 : f32 to vector<16xf32>
        %mul3A_1429 = arith.mulf %mul3A_1428, %mul3A_1400 : vector<16xf32>
        %mul3A_1430 = arith.mulf %mul3A_1429, %mul3A_1426 : vector<16xf32>
        %mul3A_1431 = arith.mulf %mul3A_1430, %mul3A_1426 : vector<16xf32>
        %sub3A_1432 = arith.constant 1.500000e+00 : f32
        %sub3A_1433 = vector.broadcast %sub3A_1432 : f32 to vector<16xf32>
        %sub3A_1434 = arith.subf %sub3A_1433, %mul3A_1431 : vector<16xf32>
        %mul3A_1435 = arith.mulf %mul3A_1426, %sub3A_1434 : vector<16xf32>
        %mul3A_1436 = arith.constant 3.900000e-01 : f32
        %mul3A_1437 = vector.broadcast %mul3A_1436 : f32 to vector<16xf32>
        %mul3A_1438 = arith.mulf %mul3A_1437, %add3A_1316 : vector<16xf32>
        %mul3A_1439 = arith.mulf %mul3A_1438, %mul3A_1369 : vector<16xf32>
        %mul3A_1440 = arith.mulf %mul3A_1439, %mul3A_1435 : vector<16xf32>
        %neg3A_1441 = arith.constant 0.000000e+00 : f32
        %neg3A_1442 = vector.broadcast %neg3A_1441 : f32 to vector<16xf32>
        %neg3A_1443 = arith.subf %neg3A_1442, %mul3A_1440 : vector<16xf32>
        %exp3A_1444 = math.exp %neg3A_1443 : vector<16xf32>
        %sub3A_1445 = arith.constant 1.000000e+00 : f32
        %sub3A_1446 = vector.broadcast %sub3A_1445 : f32 to vector<16xf32>
        %sub3A_1447 = arith.subf %sub3A_1446, %exp3A_1444 : vector<16xf32>
        %add3A_1448 = arith.constant 1.000000e+00 : f32
        %add3A_1449 = vector.broadcast %add3A_1448 : f32 to vector<16xf32>
        %add3A_1450 = arith.addf %add3A_1449, %mul3A_1440 : vector<16xf32>
        %mul3A_1451 = arith.mulf %add3A_1450, %exp3A_1444 : vector<16xf32>
        %sub3A_1452 = arith.constant 1.000000e+00 : f32
        %sub3A_1453 = vector.broadcast %sub3A_1452 : f32 to vector<16xf32>
        %sub3A_1454 = arith.subf %sub3A_1453, %mul3A_1451 : vector<16xf32>
        %mul3A_1455 = arith.constant -138.935455 : f32
        %mul3A_1456 = vector.broadcast %mul3A_1455 : f32 to vector<16xf32>
        %mul3A_1457 = arith.mulf %mul3A_1456, %select_n3A_1330 : vector<16xf32>
        %mul3A_1458 = arith.mulf %sub3A_1447, %mul3A_1367 : vector<16xf32>
        %mul3A_1459 = arith.mulf %mul3A_1457, %mul3A_1458 : vector<16xf32>
        %mul3A_1460 = arith.constant 3.000000e+00 : f32
        %mul3A_1461 = vector.broadcast %mul3A_1460 : f32 to vector<16xf32>
        %mul3A_1462 = arith.mulf %mul3A_1461, %sub3A_1454 : vector<16xf32>
        %mul3A_1463 = arith.mulf %mul3A_1462, %add3A_1374 : vector<16xf32>
        %mul3A_1464 = arith.mulf %mul3A_1463, %mul3A_1368 : vector<16xf32>
        %mul3A_1465 = arith.mulf %mul3A_1457, %mul3A_1464 : vector<16xf32>
        %mul3A_1466 = arith.mulf %mul3A_1459, %gather3A_1107 : vector<16xf32>
        %sub3A_1467 = arith.subf %mul3A_1465, %mul3A_1466 : vector<16xf32>
        %mul3A_1468 = arith.constant 3.000000e+00 : f32
        %mul3A_1469 = vector.broadcast %mul3A_1468 : f32 to vector<16xf32>
        %mul3A_1470 = arith.mulf %mul3A_1469, %sub3A_1454 : vector<16xf32>
        %mul3A_1471 = arith.mulf %mul3A_1470, %add3A_1379 : vector<16xf32>
        %mul3A_1472 = arith.mulf %mul3A_1471, %mul3A_1368 : vector<16xf32>
        %mul3A_1473 = arith.mulf %mul3A_1457, %mul3A_1472 : vector<16xf32>
        %mul3A_1474 = arith.mulf %mul3A_1459, %gather3A_1131 : vector<16xf32>
        %add3A_1475 = arith.addf %mul3A_1473, %mul3A_1474 : vector<16xf32>
        %broadcast_in_dim3A_1476 = arith.constant 0 : i32
        %broadcast_in_dim3A_1477 = vector.broadcast %broadcast_in_dim3A_1476 : i32 to vector<16xi32>
        %mul3A_1478 = arith.mulf %sub3A_1467, %mul3A_1198 : vector<16xf32>
        %mul3A_1479 = arith.mulf %mul3A_1459, %gather3A_1110 : vector<16xf32>
        %sub3A_1480 = arith.subf %mul3A_1478, %mul3A_1479 : vector<16xf32>
        tpu.vector_store_idx %arg22[%add3A_1087, %broadcast_in_dim3A_1477], %sub3A_1480 : memref<128x8xf32, #tpu.memory_space<vmem>>[vector<16xi32>, vector<16xi32>], vector<16xf32>,
        %broadcast_in_dim3A_1481 = arith.constant 1 : i32
        %broadcast_in_dim3A_1482 = vector.broadcast %broadcast_in_dim3A_1481 : i32 to vector<16xi32>
        %mul3A_1483 = arith.mulf %sub3A_1467, %mul3A_1253 : vector<16xf32>
        %mul3A_1484 = arith.mulf %mul3A_1459, %gather3A_1113 : vector<16xf32>
        %sub3A_1485 = arith.subf %mul3A_1483, %mul3A_1484 : vector<16xf32>
        tpu.vector_store_idx %arg22[%add3A_1087, %broadcast_in_dim3A_1482], %sub3A_1485 : memref<128x8xf32, #tpu.memory_space<vmem>>[vector<16xi32>, vector<16xi32>], vector<16xf32>,
        %broadcast_in_dim3A_1486 = arith.constant 2 : i32
        %broadcast_in_dim3A_1487 = vector.broadcast %broadcast_in_dim3A_1486 : i32 to vector<16xi32>
        %mul3A_1488 = arith.mulf %sub3A_1467, %mul3A_1308 : vector<16xf32>
        %mul3A_1489 = arith.mulf %mul3A_1459, %gather3A_1116 : vector<16xf32>
        %sub3A_1490 = arith.subf %mul3A_1488, %mul3A_1489 : vector<16xf32>
        tpu.vector_store_idx %arg22[%add3A_1087, %broadcast_in_dim3A_1487], %sub3A_1490 : memref<128x8xf32, #tpu.memory_space<vmem>>[vector<16xi32>, vector<16xi32>], vector<16xf32>,
        %broadcast_in_dim3A_1491 = arith.constant 0 : i32
        %broadcast_in_dim3A_1492 = vector.broadcast %broadcast_in_dim3A_1491 : i32 to vector<16xi32>
        %mul3A_1493 = arith.mulf %add3A_1475, %mul3A_1198 : vector<16xf32>
        %mul3A_1494 = arith.mulf %mul3A_1459, %gather3A_1134 : vector<16xf32>
        %sub3A_1495 = arith.subf %mul3A_1493, %mul3A_1494 : vector<16xf32>
        tpu.vector_store_idx %arg20[%add3A_1087, %broadcast_in_dim3A_1492], %sub3A_1495 : memref<128x8xf32, #tpu.memory_space<vmem>>[vector<16xi32>, vector<16xi32>], vector<16xf32>,
        %broadcast_in_dim3A_1496 = arith.constant 1 : i32
        %broadcast_in_dim3A_1497 = vector.broadcast %broadcast_in_dim3A_1496 : i32 to vector<16xi32>
        %mul3A_1498 = arith.mulf %add3A_1475, %mul3A_1253 : vector<16xf32>
        %mul3A_1499 = arith.mulf %mul3A_1459, %gather3A_1137 : vector<16xf32>
        %sub3A_1500 = arith.subf %mul3A_1498, %mul3A_1499 : vector<16xf32>
        tpu.vector_store_idx %arg20[%add3A_1087, %broadcast_in_dim3A_1497], %sub3A_1500 : memref<128x8xf32, #tpu.memory_space<vmem>>[vector<16xi32>, vector<16xi32>], vector<16xf32>,
        %broadcast_in_dim3A_1501 = arith.constant 2 : i32
        %broadcast_in_dim3A_1502 = vector.broadcast %broadcast_in_dim3A_1501 : i32 to vector<16xi32>
        %mul3A_1503 = arith.mulf %add3A_1475, %mul3A_1308 : vector<16xf32>
        %mul3A_1504 = arith.mulf %mul3A_1459, %gather3A_1140 : vector<16xf32>
        %sub3A_1505 = arith.subf %mul3A_1503, %mul3A_1504 : vector<16xf32>
        tpu.vector_store_idx %arg20[%add3A_1087, %broadcast_in_dim3A_1502], %sub3A_1505 : memref<128x8xf32, #tpu.memory_space<vmem>>[vector<16xi32>, vector<16xi32>], vector<16xf32>,
        %mul3A_1506 = arith.mulf %sub3A_1399, %select_n3A_1330 : vector<16xf32>
        %sub3A_1507 = arith.subf %mul3A_1079, %scan3A_664 : vector<16xf32>
        %add3A_1508 = arith.addf %scan3A_663, %sub3A_1507 : vector<16xf32>
        %sub3A_1509 = arith.subf %add3A_1508, %scan3A_663 : vector<16xf32>
        %sub3A_1510 = arith.subf %sub3A_1509, %sub3A_1507 : vector<16xf32>
        %sub3A_1511 = arith.subf %mul3A_1506, %scan3A_666 : vector<16xf32>
        %add3A_1512 = arith.addf %scan3A_665, %sub3A_1511 : vector<16xf32>
        %sub3A_1513 = arith.subf %add3A_1512, %scan3A_665 : vector<16xf32>
        %sub3A_1514 = arith.subf %sub3A_1513, %sub3A_1511 : vector<16xf32>
        scf.yield %add3A_1508, %sub3A_1510, %add3A_1512, %sub3A_1514 : vector<16xf32>, vector<16xf32>, vector<16xf32>, vector<16xf32>
      }
      %scan3A_590 = arith.constant 4 : i32
      %swap3A_591 = arith.constant 0 : index
      %swap3A_592 = tpu.vector_load %arg24[%swap3A_591] {strides = array<i32>} : memref<16xf32, #tpu.memory_space<vmem>>, vector<16xf32>,
      tpu.vector_store %arg24[%swap3A_591], %scan3A_589#0 {strides = array<i32>} : memref<16xf32, #tpu.memory_space<vmem>>, vector<16xf32>,
      %swap3A_593 = arith.constant 0 : index
      %swap3A_594 = tpu.vector_load %arg25[%swap3A_593] {strides = array<i32>} : memref<16xf32, #tpu.memory_space<vmem>>, vector<16xf32>,
      tpu.vector_store %arg25[%swap3A_593], %scan3A_589#1 {strides = array<i32>} : memref<16xf32, #tpu.memory_space<vmem>>, vector<16xf32>,
      %swap3A_595 = arith.constant 0 : index
      %swap3A_596 = tpu.vector_load %arg26[%swap3A_595] {strides = array<i32>} : memref<16xf32, #tpu.memory_space<vmem>>, vector<16xf32>,
      tpu.vector_store %arg26[%swap3A_595], %scan3A_589#2 {strides = array<i32>} : memref<16xf32, #tpu.memory_space<vmem>>, vector<16xf32>,
      %swap3A_597 = arith.constant 0 : index
      %swap3A_598 = tpu.vector_load %arg27[%swap3A_597] {strides = array<i32>} : memref<16xf32, #tpu.memory_space<vmem>>, vector<16xf32>,
      tpu.vector_store %arg27[%swap3A_597], %scan3A_589#3 {strides = array<i32>} : memref<16xf32, #tpu.memory_space<vmem>>, vector<16xf32>,
      %dma_start3A_599 = arith.constant 0 : i32
      %dma_start3A_600 = arith.constant 0 : i32
      %dma_start3A_601 = tpu.memref_slice %arg29[%dma_start3A_599, %dma_start3A_600] : memref<50048x8xf32, #tpu.memory_space<vmem_shared>> -> memref<50048x8xf32, #tpu.memory_space<vmem_shared>>
      tpu.enqueue_indirect_dma source(%arg22 : memref<128x8xf32, #tpu.memory_space<vmem>>) target(%dma_start3A_601 : memref<50048x8xf32, #tpu.memory_space<vmem_shared>>) offsets(%arg14 : memref<128xi32, #tpu.memory_space<vmem>>) semaphore(%arg36 : memref<!tpu.dma_semaphore, #tpu.memory_space<semaphore_mem>>) {add = true}
      %dma_start3A_602 = arith.constant 0 : i32
      %dma_start3A_603 = arith.constant 0 : i32
      %dma_start3A_604 = tpu.memref_slice %arg29[%dma_start3A_602, %dma_start3A_603] : memref<50048x8xf32, #tpu.memory_space<vmem_shared>> -> memref<50048x8xf32, #tpu.memory_space<vmem_shared>>
      tpu.enqueue_indirect_dma source(%arg20 : memref<128x8xf32, #tpu.memory_space<vmem>>) target(%dma_start3A_604 : memref<50048x8xf32, #tpu.memory_space<vmem_shared>>) offsets(%arg10 : memref<128xi32, #tpu.memory_space<vmem>>) semaphore(%arg36 : memref<!tpu.dma_semaphore, #tpu.memory_space<semaphore_mem>>) {add = true}
      %mul3A_605 = arith.constant 4 : i32
      %mul3A_606 = arith.muli %mul3A_605, %scan3A_437 : i32
      %add3A_607 = arith.constant 3 : i32
      %add3A_608 = arith.addi %mul3A_606, %add3A_607 : i32
      %dma_wait3A_609 = arith.constant 0 : i32
      %dma_wait3A_610 = arith.constant 0 : i32
      %dma_wait3A_611 = tpu.memref_slice %arg4[%dma_wait3A_609, %dma_wait3A_610] : memref<50048x8xf32, #tpu.memory_space<hbm>> -> memref<50048x8xf32, #tpu.memory_space<hbm>>
      tpu.wait_indirect_dma semaphore(%arg35 : memref<!tpu.dma_semaphore, #tpu.memory_space<semaphore_mem>>) src(%dma_wait3A_611 : memref<50048x8xf32, #tpu.memory_space<hbm>>) dst(%arg17 : memref<128x8xf32, #tpu.memory_space<vmem>>)
      %dma_wait3A_612 = arith.constant 0 : i32
      %dma_wait3A_613 = arith.constant 0 : i32
      %dma_wait3A_614 = tpu.memref_slice %arg4[%dma_wait3A_612, %dma_wait3A_613] : memref<50048x8xf32, #tpu.memory_space<hbm>> -> memref<50048x8xf32, #tpu.memory_space<hbm>>
      tpu.wait_indirect_dma semaphore(%arg35 : memref<!tpu.dma_semaphore, #tpu.memory_space<semaphore_mem>>) src(%dma_wait3A_614 : memref<50048x8xf32, #tpu.memory_space<hbm>>) dst(%arg19 : memref<128x8xf32, #tpu.memory_space<vmem>>)
      %ge3A_615 = arith.constant 2 : i32
      %ge3A_616 = arith.cmpi sge, %add3A_608, %ge3A_615 : i32
      %convert_element_type3A_617 = arith.extui %ge3A_616 : i1 to i32
      %cond3A_618 = arith.constant 0 : i32
      %cond3A_619 = arith.cmpi ne, %convert_element_type3A_617, %cond3A_618 : i32
      scf.if %cond3A_619 {
        %dma_wait3A_662 = arith.constant 0 : i32
        %dma_wait3A_663 = arith.constant 0 : i32
        %dma_wait3A_664 = tpu.memref_slice %arg29[%dma_wait3A_662, %dma_wait3A_663] : memref<50048x8xf32, #tpu.memory_space<vmem_shared>> -> memref<50048x8xf32, #tpu.memory_space<vmem_shared>>
        tpu.wait_indirect_dma semaphore(%arg37 : memref<!tpu.dma_semaphore, #tpu.memory_space<semaphore_mem>>) src(%arg23 : memref<128x8xf32, #tpu.memory_space<vmem>>) dst(%dma_wait3A_664 : memref<50048x8xf32, #tpu.memory_space<vmem_shared>>)
        %dma_wait3A_665 = arith.constant 0 : i32
        %dma_wait3A_666 = arith.constant 0 : i32
        %dma_wait3A_667 = tpu.memref_slice %arg29[%dma_wait3A_665, %dma_wait3A_666] : memref<50048x8xf32, #tpu.memory_space<vmem_shared>> -> memref<50048x8xf32, #tpu.memory_space<vmem_shared>>
        tpu.wait_indirect_dma semaphore(%arg37 : memref<!tpu.dma_semaphore, #tpu.memory_space<semaphore_mem>>) src(%arg21 : memref<128x8xf32, #tpu.memory_space<vmem>>) dst(%dma_wait3A_667 : memref<50048x8xf32, #tpu.memory_space<vmem_shared>>)
      } else {
      }
      %add3A_620 = arith.constant 2 : i32
      %add3A_621 = arith.addi %add3A_608, %add3A_620 : i32
      %lt3A_622 = arith.constant 392 : i32
      %lt3A_623 = arith.cmpi slt, %add3A_621, %lt3A_622 : i32
      %convert_element_type3A_624 = arith.extui %lt3A_623 : i1 to i32
      %cond3A_625 = arith.constant 0 : i32
      %cond3A_626 = arith.cmpi ne, %convert_element_type3A_624, %cond3A_625 : i32
      scf.if %cond3A_626 {
        %add3A_662 = arith.constant 2 : i32
        %add3A_663 = arith.addi %add3A_608, %add3A_662 : i32
        %mul3A_664 = arith.constant 128 : i32
        %mul3A_665 = arith.muli %add3A_663, %mul3A_664 : i32
        %add3A_666 = arith.addi %mul3A_3, %mul3A_665 : i32
        %dma_start3A_667 = tpu.memref_slice %arg2[%add3A_666] : memref<1605632xi32, #tpu.memory_space<hbm>> -> memref<128xi32, #tpu.memory_space<hbm>>
        %dma_start3A_668 = tpu.memref_slice %arg2[%add3A_666] : memref<1605632xi32, #tpu.memory_space<hbm>> -> memref<128xi32, #tpu.memory_space<hbm>>
        tpu.enqueue_dma source(%dma_start3A_668 : memref<128xi32, #tpu.memory_space<hbm>>) target(%arg9 : memref<128xi32, #tpu.memory_space<vmem>>) target_semaphore(%arg31 : memref<!tpu.dma_semaphore, #tpu.memory_space<semaphore_mem>>)
        %dma_start3A_669 = tpu.memref_slice %arg3[%add3A_666] : memref<1605632xi32, #tpu.memory_space<hbm>> -> memref<128xi32, #tpu.memory_space<hbm>>
        %dma_start3A_670 = tpu.memref_slice %arg3[%add3A_666] : memref<1605632xi32, #tpu.memory_space<hbm>> -> memref<128xi32, #tpu.memory_space<hbm>>
        tpu.enqueue_dma source(%dma_start3A_670 : memref<128xi32, #tpu.memory_space<hbm>>) target(%arg13 : memref<128xi32, #tpu.memory_space<vmem>>) target_semaphore(%arg31 : memref<!tpu.dma_semaphore, #tpu.memory_space<semaphore_mem>>)
      } else {
      }
      %add3A_627 = arith.constant 1 : i32
      %add3A_628 = arith.addi %add3A_608, %add3A_627 : i32
      %lt3A_629 = arith.constant 392 : i32
      %lt3A_630 = arith.cmpi slt, %add3A_628, %lt3A_629 : i32
      %convert_element_type3A_631 = arith.extui %lt3A_630 : i1 to i32
      %cond3A_632 = arith.constant 0 : i32
      %cond3A_633 = arith.cmpi ne, %convert_element_type3A_631, %cond3A_632 : i32
      scf.if %cond3A_633 {
        %add3A_662 = arith.constant 1 : i32
        %add3A_663 = arith.addi %add3A_608, %add3A_662 : i32
        %mul3A_664 = arith.constant 128 : i32
        %mul3A_665 = arith.muli %add3A_663, %mul3A_664 : i32
        %add3A_666 = arith.addi %mul3A_3, %mul3A_665 : i32
        %dma_wait3A_667 = tpu.memref_slice %arg2[%add3A_666] : memref<1605632xi32, #tpu.memory_space<hbm>> -> memref<128xi32, #tpu.memory_space<hbm>>
        %dma_wait3A_668 = tpu.memref_slice %arg2[%add3A_666] : memref<1605632xi32, #tpu.memory_space<hbm>> -> memref<128xi32, #tpu.memory_space<hbm>>
        tpu.wait_dma2 semaphore(%arg30 : memref<!tpu.dma_semaphore, #tpu.memory_space<semaphore_mem>>) src(%dma_wait3A_668 : memref<128xi32, #tpu.memory_space<hbm>>) dst(%arg8 : memref<128xi32, #tpu.memory_space<vmem>>)
        %dma_wait3A_669 = tpu.memref_slice %arg3[%add3A_666] : memref<1605632xi32, #tpu.memory_space<hbm>> -> memref<128xi32, #tpu.memory_space<hbm>>
        %dma_wait3A_670 = tpu.memref_slice %arg3[%add3A_666] : memref<1605632xi32, #tpu.memory_space<hbm>> -> memref<128xi32, #tpu.memory_space<hbm>>
        tpu.wait_dma2 semaphore(%arg30 : memref<!tpu.dma_semaphore, #tpu.memory_space<semaphore_mem>>) src(%dma_wait3A_670 : memref<128xi32, #tpu.memory_space<hbm>>) dst(%arg12 : memref<128xi32, #tpu.memory_space<vmem>>)
        %dma_start3A_671 = arith.constant 0 : i32
        %dma_start3A_672 = arith.constant 0 : i32
        %dma_start3A_673 = tpu.memref_slice %arg4[%dma_start3A_671, %dma_start3A_672] : memref<50048x8xf32, #tpu.memory_space<hbm>> -> memref<50048x8xf32, #tpu.memory_space<hbm>>
        tpu.enqueue_indirect_dma source(%dma_start3A_673 : memref<50048x8xf32, #tpu.memory_space<hbm>>) target(%arg16 : memref<128x8xf32, #tpu.memory_space<vmem>>) offsets(%arg8 : memref<128xi32, #tpu.memory_space<vmem>>) semaphore(%arg34 : memref<!tpu.dma_semaphore, #tpu.memory_space<semaphore_mem>>)
        %dma_start3A_674 = arith.constant 0 : i32
        %dma_start3A_675 = arith.constant 0 : i32
        %dma_start3A_676 = tpu.memref_slice %arg4[%dma_start3A_674, %dma_start3A_675] : memref<50048x8xf32, #tpu.memory_space<hbm>> -> memref<50048x8xf32, #tpu.memory_space<hbm>>
        tpu.enqueue_indirect_dma source(%dma_start3A_676 : memref<50048x8xf32, #tpu.memory_space<hbm>>) target(%arg18 : memref<128x8xf32, #tpu.memory_space<vmem>>) offsets(%arg12 : memref<128xi32, #tpu.memory_space<vmem>>) semaphore(%arg34 : memref<!tpu.dma_semaphore, #tpu.memory_space<semaphore_mem>>)
      } else {
      }
      %get3A_634 = arith.constant 0 : index
      %get3A_635 = tpu.vector_load %arg24[%get3A_634] {strides = array<i32>} : memref<16xf32, #tpu.memory_space<vmem>>, vector<16xf32>,
      %get3A_636 = arith.constant 0 : index
      %get3A_637 = tpu.vector_load %arg25[%get3A_636] {strides = array<i32>} : memref<16xf32, #tpu.memory_space<vmem>>, vector<16xf32>,
      %get3A_638 = arith.constant 0 : index
      %get3A_639 = tpu.vector_load %arg26[%get3A_638] {strides = array<i32>} : memref<16xf32, #tpu.memory_space<vmem>>, vector<16xf32>,
      %get3A_640 = arith.constant 0 : index
      %get3A_641 = tpu.vector_load %arg27[%get3A_640] {strides = array<i32>} : memref<16xf32, #tpu.memory_space<vmem>>, vector<16xf32>,
      %scan3A_642 = arith.constant 0 : i32
      %scan3A_643 = arith.constant 4 : i32
      %scan3A_644 = arith.addi %scan3A_642, %scan3A_643 : i32
      %scan3A_645 = arith.constant 1 : i32
      %scan3A_646:4 = scf.for %scan3A_662 = %scan3A_642 to %scan3A_644 step %scan3A_645 iter_args(%scan3A_663 = %get3A_635, %scan3A_664 = %get3A_637, %scan3A_665 = %get3A_639, %scan3A_666 = %get3A_641) -> (vector<16xf32>, vector<16xf32>, vector<16xf32>, vector<16xf32>)  : i32 {
        %mul3A_667 = arith.constant 2 : i32
        %mul3A_668 = arith.muli %mul3A_667, %scan3A_662 : i32
        %mul3A_669 = arith.constant 16 : i32
        %mul3A_670 = arith.muli %mul3A_668, %mul3A_669 : i32
        %add3A_671 = vector.broadcast %mul3A_670 : i32 to vector<16xi32>
        %add3A_672 = arith.addi %iota3A, %add3A_671 : vector<16xi32>
        %mul3A_673 = arith.constant 16 : i32
        %mul3A_674 = arith.muli %mul3A_668, %mul3A_673 : i32
        %get3A_675 = arith.index_cast %mul3A_674 : i32 to index
        %get3A_676 = tpu.vector_load %arg11[%get3A_675] {strides = array<i32>} : memref<128xi32, #tpu.memory_space<vmem>>, vector<16xi32>,
        %mul3A_677 = arith.constant 16 : i32
        %mul3A_678 = arith.muli %mul3A_668, %mul3A_677 : i32
        %get3A_679 = arith.index_cast %mul3A_678 : i32 to index
        %get3A_680 = tpu.vector_load %arg15[%get3A_679] {strides = array<i32>} : memref<128xi32, #tpu.memory_space<vmem>>, vector<16xi32>,
        %broadcast_in_dim3A_681 = arith.constant 0 : i32
        %broadcast_in_dim3A_682 = vector.broadcast %broadcast_in_dim3A_681 : i32 to vector<16xi32>
        %gather3A = tpu.vector_load_idx %arg17[%add3A_672, %broadcast_in_dim3A_682] : memref<128x8xf32, #tpu.memory_space<vmem>>[vector<16xi32>, vector<16xi32>], vector<16xf32>,
        %broadcast_in_dim3A_683 = arith.constant 1 : i32
        %broadcast_in_dim3A_684 = vector.broadcast %broadcast_in_dim3A_683 : i32 to vector<16xi32>
        %gather3A_685 = tpu.vector_load_idx %arg17[%add3A_672, %broadcast_in_dim3A_684] : memref<128x8xf32, #tpu.memory_space<vmem>>[vector<16xi32>, vector<16xi32>], vector<16xf32>,
        %broadcast_in_dim3A_686 = arith.constant 2 : i32
        %broadcast_in_dim3A_687 = vector.broadcast %broadcast_in_dim3A_686 : i32 to vector<16xi32>
        %gather3A_688 = tpu.vector_load_idx %arg17[%add3A_672, %broadcast_in_dim3A_687] : memref<128x8xf32, #tpu.memory_space<vmem>>[vector<16xi32>, vector<16xi32>], vector<16xf32>,
        %broadcast_in_dim3A_689 = arith.constant 3 : i32
        %broadcast_in_dim3A_690 = vector.broadcast %broadcast_in_dim3A_689 : i32 to vector<16xi32>
        %gather3A_691 = tpu.vector_load_idx %arg17[%add3A_672, %broadcast_in_dim3A_690] : memref<128x8xf32, #tpu.memory_space<vmem>>[vector<16xi32>, vector<16xi32>], vector<16xf32>,
        %broadcast_in_dim3A_692 = arith.constant 4 : i32
        %broadcast_in_dim3A_693 = vector.broadcast %broadcast_in_dim3A_692 : i32 to vector<16xi32>
        %gather3A_694 = tpu.vector_load_idx %arg17[%add3A_672, %broadcast_in_dim3A_693] : memref<128x8xf32, #tpu.memory_space<vmem>>[vector<16xi32>, vector<16xi32>], vector<16xf32>,
        %broadcast_in_dim3A_695 = arith.constant 5 : i32
        %broadcast_in_dim3A_696 = vector.broadcast %broadcast_in_dim3A_695 : i32 to vector<16xi32>
        %gather3A_697 = tpu.vector_load_idx %arg17[%add3A_672, %broadcast_in_dim3A_696] : memref<128x8xf32, #tpu.memory_space<vmem>>[vector<16xi32>, vector<16xi32>], vector<16xf32>,
        %broadcast_in_dim3A_698 = arith.constant 6 : i32
        %broadcast_in_dim3A_699 = vector.broadcast %broadcast_in_dim3A_698 : i32 to vector<16xi32>
        %gather3A_700 = tpu.vector_load_idx %arg17[%add3A_672, %broadcast_in_dim3A_699] : memref<128x8xf32, #tpu.memory_space<vmem>>[vector<16xi32>, vector<16xi32>], vector<16xf32>,
        %broadcast_in_dim3A_701 = arith.constant 7 : i32
        %broadcast_in_dim3A_702 = vector.broadcast %broadcast_in_dim3A_701 : i32 to vector<16xi32>
        %gather3A_703 = tpu.vector_load_idx %arg17[%add3A_672, %broadcast_in_dim3A_702] : memref<128x8xf32, #tpu.memory_space<vmem>>[vector<16xi32>, vector<16xi32>], vector<16xf32>,
        %broadcast_in_dim3A_704 = arith.constant 0 : i32
        %broadcast_in_dim3A_705 = vector.broadcast %broadcast_in_dim3A_704 : i32 to vector<16xi32>
        %gather3A_706 = tpu.vector_load_idx %arg19[%add3A_672, %broadcast_in_dim3A_705] : memref<128x8xf32, #tpu.memory_space<vmem>>[vector<16xi32>, vector<16xi32>], vector<16xf32>,
        %broadcast_in_dim3A_707 = arith.constant 1 : i32
        %broadcast_in_dim3A_708 = vector.broadcast %broadcast_in_dim3A_707 : i32 to vector<16xi32>
        %gather3A_709 = tpu.vector_load_idx %arg19[%add3A_672, %broadcast_in_dim3A_708] : memref<128x8xf32, #tpu.memory_space<vmem>>[vector<16xi32>, vector<16xi32>], vector<16xf32>,
        %broadcast_in_dim3A_710 = arith.constant 2 : i32
        %broadcast_in_dim3A_711 = vector.broadcast %broadcast_in_dim3A_710 : i32 to vector<16xi32>
        %gather3A_712 = tpu.vector_load_idx %arg19[%add3A_672, %broadcast_in_dim3A_711] : memref<128x8xf32, #tpu.memory_space<vmem>>[vector<16xi32>, vector<16xi32>], vector<16xf32>,
        %broadcast_in_dim3A_713 = arith.constant 3 : i32
        %broadcast_in_dim3A_714 = vector.broadcast %broadcast_in_dim3A_713 : i32 to vector<16xi32>
        %gather3A_715 = tpu.vector_load_idx %arg19[%add3A_672, %broadcast_in_dim3A_714] : memref<128x8xf32, #tpu.memory_space<vmem>>[vector<16xi32>, vector<16xi32>], vector<16xf32>,
        %broadcast_in_dim3A_716 = arith.constant 4 : i32
        %broadcast_in_dim3A_717 = vector.broadcast %broadcast_in_dim3A_716 : i32 to vector<16xi32>
        %gather3A_718 = tpu.vector_load_idx %arg19[%add3A_672, %broadcast_in_dim3A_717] : memref<128x8xf32, #tpu.memory_space<vmem>>[vector<16xi32>, vector<16xi32>], vector<16xf32>,
        %broadcast_in_dim3A_719 = arith.constant 5 : i32
        %broadcast_in_dim3A_720 = vector.broadcast %broadcast_in_dim3A_719 : i32 to vector<16xi32>
        %gather3A_721 = tpu.vector_load_idx %arg19[%add3A_672, %broadcast_in_dim3A_720] : memref<128x8xf32, #tpu.memory_space<vmem>>[vector<16xi32>, vector<16xi32>], vector<16xf32>,
        %broadcast_in_dim3A_722 = arith.constant 6 : i32
        %broadcast_in_dim3A_723 = vector.broadcast %broadcast_in_dim3A_722 : i32 to vector<16xi32>
        %gather3A_724 = tpu.vector_load_idx %arg19[%add3A_672, %broadcast_in_dim3A_723] : memref<128x8xf32, #tpu.memory_space<vmem>>[vector<16xi32>, vector<16xi32>], vector<16xf32>,
        %broadcast_in_dim3A_725 = arith.constant 7 : i32
        %broadcast_in_dim3A_726 = vector.broadcast %broadcast_in_dim3A_725 : i32 to vector<16xi32>
        %gather3A_727 = tpu.vector_load_idx %arg19[%add3A_672, %broadcast_in_dim3A_726] : memref<128x8xf32, #tpu.memory_space<vmem>>[vector<16xi32>, vector<16xi32>], vector<16xf32>,
        %sub3A = arith.subf %gather3A_706, %gather3A : vector<16xf32>
        %bitcast3A = vector.bitcast %sub3A : vector<16xf32> to vector<16xi32>
        %add3A_728 = arith.constant 32767 : i32
        %add3A_729 = vector.broadcast %add3A_728 : i32 to vector<16xi32>
        %add3A_730 = arith.addi %bitcast3A, %add3A_729 : vector<16xi32>
        %shift_right_logical3A = arith.constant 16 : i32
        %shift_right_logical3A_731 = vector.broadcast %shift_right_logical3A : i32 to vector<16xi32>
        %shift_right_logical3A_732 = arith.shrui %bitcast3A, %shift_right_logical3A_731 : vector<16xi32>
        %and3A = arith.constant 1 : i32
        %and3A_733 = vector.broadcast %and3A : i32 to vector<16xi32>
        %and3A_734 = arith.andi %shift_right_logical3A_732, %and3A_733 : vector<16xi32>
        %add3A_735 = arith.addi %add3A_730, %and3A_734 : vector<16xi32>
        %and3A_736 = arith.constant -65536 : i32
        %and3A_737 = vector.broadcast %and3A_736 : i32 to vector<16xi32>
        %and3A_738 = arith.andi %add3A_735, %and3A_737 : vector<16xi32>
        %bitcast3A_739 = vector.bitcast %and3A_738 : vector<16xi32> to vector<16xf32>
        %mul3A_740 = arith.constant 1.250000e-01 : f32
        %mul3A_741 = vector.broadcast %mul3A_740 : f32 to vector<16xf32>
        %mul3A_742 = arith.mulf %bitcast3A_739, %mul3A_741 : vector<16xf32>
        %gt3A = arith.constant 5.000000e-01 : f32
        %gt3A_743 = vector.broadcast %gt3A : f32 to vector<16xf32>
        %gt3A_744 = arith.cmpf ogt, %mul3A_742, %gt3A_743 : vector<16xf32>
        %jit3A = arith.constant 1.000000e+00 : f32
        %jit3A_745 = arith.constant 0.000000e+00 : f32
        %broadcast_in_dim3A_746 = vector.broadcast %jit3A : f32 to vector<16xf32>
        %broadcast_in_dim3A_747 = vector.broadcast %jit3A_745 : f32 to vector<16xf32>
        %select_n3A = arith.select %gt3A_744, %broadcast_in_dim3A_746, %broadcast_in_dim3A_747 : vector<16xi1>, vector<16xf32>
        %lt3A_748 = arith.constant -5.000000e-01 : f32
        %lt3A_749 = vector.broadcast %lt3A_748 : f32 to vector<16xf32>
        %lt3A_750 = arith.cmpf olt, %mul3A_742, %lt3A_749 : vector<16xf32>
        %jit3A_751 = arith.constant 1.000000e+00 : f32
        %jit3A_752 = arith.constant 0.000000e+00 : f32
        %broadcast_in_dim3A_753 = vector.broadcast %jit3A_751 : f32 to vector<16xf32>
        %broadcast_in_dim3A_754 = vector.broadcast %jit3A_752 : f32 to vector<16xf32>
        %select_n3A_755 = arith.select %lt3A_750, %broadcast_in_dim3A_753, %broadcast_in_dim3A_754 : vector<16xi1>, vector<16xf32>
        %sub3A_756 = arith.subf %select_n3A, %select_n3A_755 : vector<16xf32>
        %sub3A_757 = arith.subf %mul3A_742, %sub3A_756 : vector<16xf32>
        %bitcast3A_758 = vector.bitcast %sub3A_757 : vector<16xf32> to vector<16xi32>
        %add3A_759 = arith.constant 32767 : i32
        %add3A_760 = vector.broadcast %add3A_759 : i32 to vector<16xi32>
        %add3A_761 = arith.addi %bitcast3A_758, %add3A_760 : vector<16xi32>
        %shift_right_logical3A_762 = arith.constant 16 : i32
        %shift_right_logical3A_763 = vector.broadcast %shift_right_logical3A_762 : i32 to vector<16xi32>
        %shift_right_logical3A_764 = arith.shrui %bitcast3A_758, %shift_right_logical3A_763 : vector<16xi32>
        %and3A_765 = arith.constant 1 : i32
        %and3A_766 = vector.broadcast %and3A_765 : i32 to vector<16xi32>
        %and3A_767 = arith.andi %shift_right_logical3A_764, %and3A_766 : vector<16xi32>
        %add3A_768 = arith.addi %add3A_761, %and3A_767 : vector<16xi32>
        %and3A_769 = arith.constant -65536 : i32
        %and3A_770 = vector.broadcast %and3A_769 : i32 to vector<16xi32>
        %and3A_771 = arith.andi %add3A_768, %and3A_770 : vector<16xi32>
        %bitcast3A_772 = vector.bitcast %and3A_771 : vector<16xi32> to vector<16xf32>
        %mul3A_773 = arith.constant 8.000000e+00 : f32
        %mul3A_774 = vector.broadcast %mul3A_773 : f32 to vector<16xf32>
        %mul3A_775 = arith.mulf %bitcast3A_772, %mul3A_774 : vector<16xf32>
        %sub3A_776 = arith.subf %gather3A_709, %gather3A_685 : vector<16xf32>
        %bitcast3A_777 = vector.bitcast %sub3A_776 : vector<16xf32> to vector<16xi32>
        %add3A_778 = arith.constant 32767 : i32
        %add3A_779 = vector.broadcast %add3A_778 : i32 to vector<16xi32>
        %add3A_780 = arith.addi %bitcast3A_777, %add3A_779 : vector<16xi32>
        %shift_right_logical3A_781 = arith.constant 16 : i32
        %shift_right_logical3A_782 = vector.broadcast %shift_right_logical3A_781 : i32 to vector<16xi32>
        %shift_right_logical3A_783 = arith.shrui %bitcast3A_777, %shift_right_logical3A_782 : vector<16xi32>
        %and3A_784 = arith.constant 1 : i32
        %and3A_785 = vector.broadcast %and3A_784 : i32 to vector<16xi32>
        %and3A_786 = arith.andi %shift_right_logical3A_783, %and3A_785 : vector<16xi32>
        %add3A_787 = arith.addi %add3A_780, %and3A_786 : vector<16xi32>
        %and3A_788 = arith.constant -65536 : i32
        %and3A_789 = vector.broadcast %and3A_788 : i32 to vector<16xi32>
        %and3A_790 = arith.andi %add3A_787, %and3A_789 : vector<16xi32>
        %bitcast3A_791 = vector.bitcast %and3A_790 : vector<16xi32> to vector<16xf32>
        %mul3A_792 = arith.constant 1.250000e-01 : f32
        %mul3A_793 = vector.broadcast %mul3A_792 : f32 to vector<16xf32>
        %mul3A_794 = arith.mulf %bitcast3A_791, %mul3A_793 : vector<16xf32>
        %gt3A_795 = arith.constant 5.000000e-01 : f32
        %gt3A_796 = vector.broadcast %gt3A_795 : f32 to vector<16xf32>
        %gt3A_797 = arith.cmpf ogt, %mul3A_794, %gt3A_796 : vector<16xf32>
        %jit3A_798 = arith.constant 1.000000e+00 : f32
        %jit3A_799 = arith.constant 0.000000e+00 : f32
        %broadcast_in_dim3A_800 = vector.broadcast %jit3A_798 : f32 to vector<16xf32>
        %broadcast_in_dim3A_801 = vector.broadcast %jit3A_799 : f32 to vector<16xf32>
        %select_n3A_802 = arith.select %gt3A_797, %broadcast_in_dim3A_800, %broadcast_in_dim3A_801 : vector<16xi1>, vector<16xf32>
        %lt3A_803 = arith.constant -5.000000e-01 : f32
        %lt3A_804 = vector.broadcast %lt3A_803 : f32 to vector<16xf32>
        %lt3A_805 = arith.cmpf olt, %mul3A_794, %lt3A_804 : vector<16xf32>
        %jit3A_806 = arith.constant 1.000000e+00 : f32
        %jit3A_807 = arith.constant 0.000000e+00 : f32
        %broadcast_in_dim3A_808 = vector.broadcast %jit3A_806 : f32 to vector<16xf32>
        %broadcast_in_dim3A_809 = vector.broadcast %jit3A_807 : f32 to vector<16xf32>
        %select_n3A_810 = arith.select %lt3A_805, %broadcast_in_dim3A_808, %broadcast_in_dim3A_809 : vector<16xi1>, vector<16xf32>
        %sub3A_811 = arith.subf %select_n3A_802, %select_n3A_810 : vector<16xf32>
        %sub3A_812 = arith.subf %mul3A_794, %sub3A_811 : vector<16xf32>
        %bitcast3A_813 = vector.bitcast %sub3A_812 : vector<16xf32> to vector<16xi32>
        %add3A_814 = arith.constant 32767 : i32
        %add3A_815 = vector.broadcast %add3A_814 : i32 to vector<16xi32>
        %add3A_816 = arith.addi %bitcast3A_813, %add3A_815 : vector<16xi32>
        %shift_right_logical3A_817 = arith.constant 16 : i32
        %shift_right_logical3A_818 = vector.broadcast %shift_right_logical3A_817 : i32 to vector<16xi32>
        %shift_right_logical3A_819 = arith.shrui %bitcast3A_813, %shift_right_logical3A_818 : vector<16xi32>
        %and3A_820 = arith.constant 1 : i32
        %and3A_821 = vector.broadcast %and3A_820 : i32 to vector<16xi32>
        %and3A_822 = arith.andi %shift_right_logical3A_819, %and3A_821 : vector<16xi32>
        %add3A_823 = arith.addi %add3A_816, %and3A_822 : vector<16xi32>
        %and3A_824 = arith.constant -65536 : i32
        %and3A_825 = vector.broadcast %and3A_824 : i32 to vector<16xi32>
        %and3A_826 = arith.andi %add3A_823, %and3A_825 : vector<16xi32>
        %bitcast3A_827 = vector.bitcast %and3A_826 : vector<16xi32> to vector<16xf32>
        %mul3A_828 = arith.constant 8.000000e+00 : f32
        %mul3A_829 = vector.broadcast %mul3A_828 : f32 to vector<16xf32>
        %mul3A_830 = arith.mulf %bitcast3A_827, %mul3A_829 : vector<16xf32>
        %sub3A_831 = arith.subf %gather3A_712, %gather3A_688 : vector<16xf32>
        %bitcast3A_832 = vector.bitcast %sub3A_831 : vector<16xf32> to vector<16xi32>
        %add3A_833 = arith.constant 32767 : i32
        %add3A_834 = vector.broadcast %add3A_833 : i32 to vector<16xi32>
        %add3A_835 = arith.addi %bitcast3A_832, %add3A_834 : vector<16xi32>
        %shift_right_logical3A_836 = arith.constant 16 : i32
        %shift_right_logical3A_837 = vector.broadcast %shift_right_logical3A_836 : i32 to vector<16xi32>
        %shift_right_logical3A_838 = arith.shrui %bitcast3A_832, %shift_right_logical3A_837 : vector<16xi32>
        %and3A_839 = arith.constant 1 : i32
        %and3A_840 = vector.broadcast %and3A_839 : i32 to vector<16xi32>
        %and3A_841 = arith.andi %shift_right_logical3A_838, %and3A_840 : vector<16xi32>
        %add3A_842 = arith.addi %add3A_835, %and3A_841 : vector<16xi32>
        %and3A_843 = arith.constant -65536 : i32
        %and3A_844 = vector.broadcast %and3A_843 : i32 to vector<16xi32>
        %and3A_845 = arith.andi %add3A_842, %and3A_844 : vector<16xi32>
        %bitcast3A_846 = vector.bitcast %and3A_845 : vector<16xi32> to vector<16xf32>
        %mul3A_847 = arith.constant 1.250000e-01 : f32
        %mul3A_848 = vector.broadcast %mul3A_847 : f32 to vector<16xf32>
        %mul3A_849 = arith.mulf %bitcast3A_846, %mul3A_848 : vector<16xf32>
        %gt3A_850 = arith.constant 5.000000e-01 : f32
        %gt3A_851 = vector.broadcast %gt3A_850 : f32 to vector<16xf32>
        %gt3A_852 = arith.cmpf ogt, %mul3A_849, %gt3A_851 : vector<16xf32>
        %jit3A_853 = arith.constant 1.000000e+00 : f32
        %jit3A_854 = arith.constant 0.000000e+00 : f32
        %broadcast_in_dim3A_855 = vector.broadcast %jit3A_853 : f32 to vector<16xf32>
        %broadcast_in_dim3A_856 = vector.broadcast %jit3A_854 : f32 to vector<16xf32>
        %select_n3A_857 = arith.select %gt3A_852, %broadcast_in_dim3A_855, %broadcast_in_dim3A_856 : vector<16xi1>, vector<16xf32>
        %lt3A_858 = arith.constant -5.000000e-01 : f32
        %lt3A_859 = vector.broadcast %lt3A_858 : f32 to vector<16xf32>
        %lt3A_860 = arith.cmpf olt, %mul3A_849, %lt3A_859 : vector<16xf32>
        %jit3A_861 = arith.constant 1.000000e+00 : f32
        %jit3A_862 = arith.constant 0.000000e+00 : f32
        %broadcast_in_dim3A_863 = vector.broadcast %jit3A_861 : f32 to vector<16xf32>
        %broadcast_in_dim3A_864 = vector.broadcast %jit3A_862 : f32 to vector<16xf32>
        %select_n3A_865 = arith.select %lt3A_860, %broadcast_in_dim3A_863, %broadcast_in_dim3A_864 : vector<16xi1>, vector<16xf32>
        %sub3A_866 = arith.subf %select_n3A_857, %select_n3A_865 : vector<16xf32>
        %sub3A_867 = arith.subf %mul3A_849, %sub3A_866 : vector<16xf32>
        %bitcast3A_868 = vector.bitcast %sub3A_867 : vector<16xf32> to vector<16xi32>
        %add3A_869 = arith.constant 32767 : i32
        %add3A_870 = vector.broadcast %add3A_869 : i32 to vector<16xi32>
        %add3A_871 = arith.addi %bitcast3A_868, %add3A_870 : vector<16xi32>
        %shift_right_logical3A_872 = arith.constant 16 : i32
        %shift_right_logical3A_873 = vector.broadcast %shift_right_logical3A_872 : i32 to vector<16xi32>
        %shift_right_logical3A_874 = arith.shrui %bitcast3A_868, %shift_right_logical3A_873 : vector<16xi32>
        %and3A_875 = arith.constant 1 : i32
        %and3A_876 = vector.broadcast %and3A_875 : i32 to vector<16xi32>
        %and3A_877 = arith.andi %shift_right_logical3A_874, %and3A_876 : vector<16xi32>
        %add3A_878 = arith.addi %add3A_871, %and3A_877 : vector<16xi32>
        %and3A_879 = arith.constant -65536 : i32
        %and3A_880 = vector.broadcast %and3A_879 : i32 to vector<16xi32>
        %and3A_881 = arith.andi %add3A_878, %and3A_880 : vector<16xi32>
        %bitcast3A_882 = vector.bitcast %and3A_881 : vector<16xi32> to vector<16xf32>
        %mul3A_883 = arith.constant 8.000000e+00 : f32
        %mul3A_884 = vector.broadcast %mul3A_883 : f32 to vector<16xf32>
        %mul3A_885 = arith.mulf %bitcast3A_882, %mul3A_884 : vector<16xf32>
        %mul3A_886 = arith.mulf %mul3A_775, %mul3A_775 : vector<16xf32>
        %mul3A_887 = arith.mulf %mul3A_830, %mul3A_830 : vector<16xf32>
        %add3A_888 = arith.addf %mul3A_886, %mul3A_887 : vector<16xf32>
        %mul3A_889 = arith.mulf %mul3A_885, %mul3A_885 : vector<16xf32>
        %add3A_890 = arith.addf %add3A_888, %mul3A_889 : vector<16xf32>
        %add3A_891 = arith.constant 9.99999996E-13 : f32
        %add3A_892 = vector.broadcast %add3A_891 : f32 to vector<16xf32>
        %add3A_893 = arith.addf %add3A_890, %add3A_892 : vector<16xf32>
        %le3A = arith.constant 1.000000e+00 : f32
        %le3A_894 = vector.broadcast %le3A : f32 to vector<16xf32>
        %le3A_895 = arith.cmpf ole, %add3A_893, %le3A_894 : vector<16xf32>
        %gt3A_896 = arith.constant 9.99999993E-9 : f32
        %gt3A_897 = vector.broadcast %gt3A_896 : f32 to vector<16xf32>
        %gt3A_898 = arith.cmpf ogt, %add3A_893, %gt3A_897 : vector<16xf32>
        %and3A_899 = arith.andi %le3A_895, %gt3A_898 : vector<16xi1>
        %ne3A = arith.cmpi ne, %get3A_676, %get3A_680 : vector<16xi32>
        %and3A_900 = arith.andi %and3A_899, %ne3A : vector<16xi1>
        %jit3A_901 = arith.constant 1.000000e+00 : f32
        %jit3A_902 = arith.constant 0.000000e+00 : f32
        %broadcast_in_dim3A_903 = vector.broadcast %jit3A_901 : f32 to vector<16xf32>
        %broadcast_in_dim3A_904 = vector.broadcast %jit3A_902 : f32 to vector<16xf32>
        %select_n3A_905 = arith.select %and3A_900, %broadcast_in_dim3A_903, %broadcast_in_dim3A_904 : vector<16xi1>, vector<16xf32>
        %bitcast3A_906 = vector.bitcast %add3A_893 : vector<16xf32> to vector<16xi32>
        %shift_right_logical3A_907 = arith.constant 1 : i32
        %shift_right_logical3A_908 = vector.broadcast %shift_right_logical3A_907 : i32 to vector<16xi32>
        %shift_right_logical3A_909 = arith.shrui %bitcast3A_906, %shift_right_logical3A_908 : vector<16xi32>
        %sub3A_910 = arith.constant 1597463007 : i32
        %sub3A_911 = vector.broadcast %sub3A_910 : i32 to vector<16xi32>
        %sub3A_912 = arith.subi %sub3A_911, %shift_right_logical3A_909 : vector<16xi32>
        %bitcast3A_913 = vector.bitcast %sub3A_912 : vector<16xi32> to vector<16xf32>
        %mul3A_914 = arith.constant 5.000000e-01 : f32
        %mul3A_915 = vector.broadcast %mul3A_914 : f32 to vector<16xf32>
        %mul3A_916 = arith.mulf %mul3A_915, %add3A_893 : vector<16xf32>
        %mul3A_917 = arith.mulf %mul3A_916, %bitcast3A_913 : vector<16xf32>
        %mul3A_918 = arith.mulf %mul3A_917, %bitcast3A_913 : vector<16xf32>
        %sub3A_919 = arith.constant 1.500000e+00 : f32
        %sub3A_920 = vector.broadcast %sub3A_919 : f32 to vector<16xf32>
        %sub3A_921 = arith.subf %sub3A_920, %mul3A_918 : vector<16xf32>
        %mul3A_922 = arith.mulf %bitcast3A_913, %sub3A_921 : vector<16xf32>
        %mul3A_923 = arith.constant 5.000000e-01 : f32
        %mul3A_924 = vector.broadcast %mul3A_923 : f32 to vector<16xf32>
        %mul3A_925 = arith.mulf %mul3A_924, %add3A_893 : vector<16xf32>
        %mul3A_926 = arith.mulf %mul3A_925, %mul3A_922 : vector<16xf32>
        %mul3A_927 = arith.mulf %mul3A_926, %mul3A_922 : vector<16xf32>
        %sub3A_928 = arith.constant 1.500000e+00 : f32
        %sub3A_929 = vector.broadcast %sub3A_928 : f32 to vector<16xf32>
        %sub3A_930 = arith.subf %sub3A_929, %mul3A_927 : vector<16xf32>
        %mul3A_931 = arith.mulf %mul3A_922, %sub3A_930 : vector<16xf32>
        %mul3A_932 = arith.constant 5.000000e-01 : f32
        %mul3A_933 = vector.broadcast %mul3A_932 : f32 to vector<16xf32>
        %mul3A_934 = arith.mulf %mul3A_933, %add3A_893 : vector<16xf32>
        %mul3A_935 = arith.mulf %mul3A_934, %mul3A_931 : vector<16xf32>
        %mul3A_936 = arith.mulf %mul3A_935, %mul3A_931 : vector<16xf32>
        %sub3A_937 = arith.constant 1.500000e+00 : f32
        %sub3A_938 = vector.broadcast %sub3A_937 : f32 to vector<16xf32>
        %sub3A_939 = arith.subf %sub3A_938, %mul3A_936 : vector<16xf32>
        %mul3A_940 = arith.mulf %mul3A_931, %sub3A_939 : vector<16xf32>
        %mul3A_941 = arith.mulf %mul3A_940, %mul3A_940 : vector<16xf32>
        %mul3A_942 = arith.mulf %mul3A_941, %mul3A_940 : vector<16xf32>
        %mul3A_943 = arith.mulf %mul3A_942, %mul3A_941 : vector<16xf32>
        %mul3A_944 = arith.mulf %add3A_893, %mul3A_940 : vector<16xf32>
        %mul3A_945 = arith.mulf %mul3A_775, %gather3A_694 : vector<16xf32>
        %mul3A_946 = arith.mulf %mul3A_830, %gather3A_697 : vector<16xf32>
        %add3A_947 = arith.addf %mul3A_945, %mul3A_946 : vector<16xf32>
        %mul3A_948 = arith.mulf %mul3A_885, %gather3A_700 : vector<16xf32>
        %add3A_949 = arith.addf %add3A_947, %mul3A_948 : vector<16xf32>
        %mul3A_950 = arith.mulf %mul3A_775, %gather3A_718 : vector<16xf32>
        %mul3A_951 = arith.mulf %mul3A_830, %gather3A_721 : vector<16xf32>
        %add3A_952 = arith.addf %mul3A_950, %mul3A_951 : vector<16xf32>
        %mul3A_953 = arith.mulf %mul3A_885, %gather3A_724 : vector<16xf32>
        %add3A_954 = arith.addf %add3A_952, %mul3A_953 : vector<16xf32>
        %mul3A_955 = arith.mulf %gather3A_694, %gather3A_718 : vector<16xf32>
        %mul3A_956 = arith.mulf %gather3A_697, %gather3A_721 : vector<16xf32>
        %add3A_957 = arith.addf %mul3A_955, %mul3A_956 : vector<16xf32>
        %mul3A_958 = arith.mulf %gather3A_700, %gather3A_724 : vector<16xf32>
        %add3A_959 = arith.addf %add3A_957, %mul3A_958 : vector<16xf32>
        %mul3A_960 = arith.mulf %gather3A_715, %gather3A_691 : vector<16xf32>
        %mul3A_961 = arith.mulf %mul3A_960, %mul3A_940 : vector<16xf32>
        %mul3A_962 = arith.mulf %gather3A_715, %add3A_949 : vector<16xf32>
        %mul3A_963 = arith.mulf %gather3A_691, %add3A_954 : vector<16xf32>
        %sub3A_964 = arith.subf %mul3A_962, %mul3A_963 : vector<16xf32>
        %mul3A_965 = arith.mulf %sub3A_964, %mul3A_942 : vector<16xf32>
        %add3A_966 = arith.addf %mul3A_961, %mul3A_965 : vector<16xf32>
        %mul3A_967 = arith.constant 3.000000e+00 : f32
        %mul3A_968 = vector.broadcast %mul3A_967 : f32 to vector<16xf32>
        %mul3A_969 = arith.mulf %mul3A_968, %add3A_954 : vector<16xf32>
        %mul3A_970 = arith.mulf %mul3A_969, %add3A_949 : vector<16xf32>
        %mul3A_971 = arith.mulf %mul3A_970, %mul3A_943 : vector<16xf32>
        %add3A_972 = arith.addf %add3A_966, %mul3A_971 : vector<16xf32>
        %mul3A_973 = arith.mulf %add3A_959, %mul3A_942 : vector<16xf32>
        %sub3A_974 = arith.subf %add3A_972, %mul3A_973 : vector<16xf32>
        %mul3A_975 = arith.mulf %gather3A_703, %gather3A_727 : vector<16xf32>
        %bitcast3A_976 = vector.bitcast %mul3A_975 : vector<16xf32> to vector<16xi32>
        %shift_right_logical3A_977 = arith.constant 1 : i32
        %shift_right_logical3A_978 = vector.broadcast %shift_right_logical3A_977 : i32 to vector<16xi32>
        %shift_right_logical3A_979 = arith.shrui %bitcast3A_976, %shift_right_logical3A_978 : vector<16xi32>
        %sub3A_980 = arith.constant 1597463007 : i32
        %sub3A_981 = vector.broadcast %sub3A_980 : i32 to vector<16xi32>
        %sub3A_982 = arith.subi %sub3A_981, %shift_right_logical3A_979 : vector<16xi32>
        %bitcast3A_983 = vector.bitcast %sub3A_982 : vector<16xi32> to vector<16xf32>
        %mul3A_984 = arith.constant 5.000000e-01 : f32
        %mul3A_985 = vector.broadcast %mul3A_984 : f32 to vector<16xf32>
        %mul3A_986 = arith.mulf %mul3A_985, %mul3A_975 : vector<16xf32>
        %mul3A_987 = arith.mulf %mul3A_986, %bitcast3A_983 : vector<16xf32>
        %mul3A_988 = arith.mulf %mul3A_987, %bitcast3A_983 : vector<16xf32>
        %sub3A_989 = arith.constant 1.500000e+00 : f32
        %sub3A_990 = vector.broadcast %sub3A_989 : f32 to vector<16xf32>
        %sub3A_991 = arith.subf %sub3A_990, %mul3A_988 : vector<16xf32>
        %mul3A_992 = arith.mulf %bitcast3A_983, %sub3A_991 : vector<16xf32>
        %mul3A_993 = arith.constant 5.000000e-01 : f32
        %mul3A_994 = vector.broadcast %mul3A_993 : f32 to vector<16xf32>
        %mul3A_995 = arith.mulf %mul3A_994, %mul3A_975 : vector<16xf32>
        %mul3A_996 = arith.mulf %mul3A_995, %mul3A_992 : vector<16xf32>
        %mul3A_997 = arith.mulf %mul3A_996, %mul3A_992 : vector<16xf32>
        %sub3A_998 = arith.constant 1.500000e+00 : f32
        %sub3A_999 = vector.broadcast %sub3A_998 : f32 to vector<16xf32>
        %sub3A_1000 = arith.subf %sub3A_999, %mul3A_997 : vector<16xf32>
        %mul3A_1001 = arith.mulf %mul3A_992, %sub3A_1000 : vector<16xf32>
        %mul3A_1002 = arith.constant 5.000000e-01 : f32
        %mul3A_1003 = vector.broadcast %mul3A_1002 : f32 to vector<16xf32>
        %mul3A_1004 = arith.mulf %mul3A_1003, %mul3A_975 : vector<16xf32>
        %mul3A_1005 = arith.mulf %mul3A_1004, %mul3A_1001 : vector<16xf32>
        %mul3A_1006 = arith.mulf %mul3A_1005, %mul3A_1001 : vector<16xf32>
        %sub3A_1007 = arith.constant 1.500000e+00 : f32
        %sub3A_1008 = vector.broadcast %sub3A_1007 : f32 to vector<16xf32>
        %sub3A_1009 = arith.subf %sub3A_1008, %mul3A_1006 : vector<16xf32>
        %mul3A_1010 = arith.mulf %mul3A_1001, %sub3A_1009 : vector<16xf32>
        %mul3A_1011 = arith.constant 3.900000e-01 : f32
        %mul3A_1012 = vector.broadcast %mul3A_1011 : f32 to vector<16xf32>
        %mul3A_1013 = arith.mulf %mul3A_1012, %add3A_893 : vector<16xf32>
        %mul3A_1014 = arith.mulf %mul3A_1013, %mul3A_944 : vector<16xf32>
        %mul3A_1015 = arith.mulf %mul3A_1014, %mul3A_1010 : vector<16xf32>
        %neg3A = arith.constant 0.000000e+00 : f32
        %neg3A_1016 = vector.broadcast %neg3A : f32 to vector<16xf32>
        %neg3A_1017 = arith.subf %neg3A_1016, %mul3A_1015 : vector<16xf32>
        %exp3A = math.exp %neg3A_1017 : vector<16xf32>
        %sub3A_1018 = arith.constant 1.000000e+00 : f32
        %sub3A_1019 = vector.broadcast %sub3A_1018 : f32 to vector<16xf32>
        %sub3A_1020 = arith.subf %sub3A_1019, %exp3A : vector<16xf32>
        %add3A_1021 = arith.constant 1.000000e+00 : f32
        %add3A_1022 = vector.broadcast %add3A_1021 : f32 to vector<16xf32>
        %add3A_1023 = arith.addf %add3A_1022, %mul3A_1015 : vector<16xf32>
        %mul3A_1024 = arith.mulf %add3A_1023, %exp3A : vector<16xf32>
        %sub3A_1025 = arith.constant 1.000000e+00 : f32
        %sub3A_1026 = vector.broadcast %sub3A_1025 : f32 to vector<16xf32>
        %sub3A_1027 = arith.subf %sub3A_1026, %mul3A_1024 : vector<16xf32>
        %mul3A_1028 = arith.constant -138.935455 : f32
        %mul3A_1029 = vector.broadcast %mul3A_1028 : f32 to vector<16xf32>
        %mul3A_1030 = arith.mulf %mul3A_1029, %select_n3A_905 : vector<16xf32>
        %mul3A_1031 = arith.mulf %sub3A_1020, %mul3A_942 : vector<16xf32>
        %mul3A_1032 = arith.mulf %mul3A_1030, %mul3A_1031 : vector<16xf32>
        %mul3A_1033 = arith.constant 3.000000e+00 : f32
        %mul3A_1034 = vector.broadcast %mul3A_1033 : f32 to vector<16xf32>
        %mul3A_1035 = arith.mulf %mul3A_1034, %sub3A_1027 : vector<16xf32>
        %mul3A_1036 = arith.mulf %mul3A_1035, %add3A_949 : vector<16xf32>
        %mul3A_1037 = arith.mulf %mul3A_1036, %mul3A_943 : vector<16xf32>
        %mul3A_1038 = arith.mulf %mul3A_1030, %mul3A_1037 : vector<16xf32>
        %mul3A_1039 = arith.mulf %mul3A_1032, %gather3A_691 : vector<16xf32>
        %sub3A_1040 = arith.subf %mul3A_1038, %mul3A_1039 : vector<16xf32>
        %mul3A_1041 = arith.constant 3.000000e+00 : f32
        %mul3A_1042 = vector.broadcast %mul3A_1041 : f32 to vector<16xf32>
        %mul3A_1043 = arith.mulf %mul3A_1042, %sub3A_1027 : vector<16xf32>
        %mul3A_1044 = arith.mulf %mul3A_1043, %add3A_954 : vector<16xf32>
        %mul3A_1045 = arith.mulf %mul3A_1044, %mul3A_943 : vector<16xf32>
        %mul3A_1046 = arith.mulf %mul3A_1030, %mul3A_1045 : vector<16xf32>
        %mul3A_1047 = arith.mulf %mul3A_1032, %gather3A_715 : vector<16xf32>
        %add3A_1048 = arith.addf %mul3A_1046, %mul3A_1047 : vector<16xf32>
        %broadcast_in_dim3A_1049 = arith.constant 0 : i32
        %broadcast_in_dim3A_1050 = vector.broadcast %broadcast_in_dim3A_1049 : i32 to vector<16xi32>
        %mul3A_1051 = arith.mulf %sub3A_1040, %mul3A_775 : vector<16xf32>
        %mul3A_1052 = arith.mulf %mul3A_1032, %gather3A_694 : vector<16xf32>
        %sub3A_1053 = arith.subf %mul3A_1051, %mul3A_1052 : vector<16xf32>
        tpu.vector_store_idx %arg23[%add3A_672, %broadcast_in_dim3A_1050], %sub3A_1053 : memref<128x8xf32, #tpu.memory_space<vmem>>[vector<16xi32>, vector<16xi32>], vector<16xf32>,
        %broadcast_in_dim3A_1054 = arith.constant 1 : i32
        %broadcast_in_dim3A_1055 = vector.broadcast %broadcast_in_dim3A_1054 : i32 to vector<16xi32>
        %mul3A_1056 = arith.mulf %sub3A_1040, %mul3A_830 : vector<16xf32>
        %mul3A_1057 = arith.mulf %mul3A_1032, %gather3A_697 : vector<16xf32>
        %sub3A_1058 = arith.subf %mul3A_1056, %mul3A_1057 : vector<16xf32>
        tpu.vector_store_idx %arg23[%add3A_672, %broadcast_in_dim3A_1055], %sub3A_1058 : memref<128x8xf32, #tpu.memory_space<vmem>>[vector<16xi32>, vector<16xi32>], vector<16xf32>,
        %broadcast_in_dim3A_1059 = arith.constant 2 : i32
        %broadcast_in_dim3A_1060 = vector.broadcast %broadcast_in_dim3A_1059 : i32 to vector<16xi32>
        %mul3A_1061 = arith.mulf %sub3A_1040, %mul3A_885 : vector<16xf32>
        %mul3A_1062 = arith.mulf %mul3A_1032, %gather3A_700 : vector<16xf32>
        %sub3A_1063 = arith.subf %mul3A_1061, %mul3A_1062 : vector<16xf32>
        tpu.vector_store_idx %arg23[%add3A_672, %broadcast_in_dim3A_1060], %sub3A_1063 : memref<128x8xf32, #tpu.memory_space<vmem>>[vector<16xi32>, vector<16xi32>], vector<16xf32>,
        %broadcast_in_dim3A_1064 = arith.constant 0 : i32
        %broadcast_in_dim3A_1065 = vector.broadcast %broadcast_in_dim3A_1064 : i32 to vector<16xi32>
        %mul3A_1066 = arith.mulf %add3A_1048, %mul3A_775 : vector<16xf32>
        %mul3A_1067 = arith.mulf %mul3A_1032, %gather3A_718 : vector<16xf32>
        %sub3A_1068 = arith.subf %mul3A_1066, %mul3A_1067 : vector<16xf32>
        tpu.vector_store_idx %arg21[%add3A_672, %broadcast_in_dim3A_1065], %sub3A_1068 : memref<128x8xf32, #tpu.memory_space<vmem>>[vector<16xi32>, vector<16xi32>], vector<16xf32>,
        %broadcast_in_dim3A_1069 = arith.constant 1 : i32
        %broadcast_in_dim3A_1070 = vector.broadcast %broadcast_in_dim3A_1069 : i32 to vector<16xi32>
        %mul3A_1071 = arith.mulf %add3A_1048, %mul3A_830 : vector<16xf32>
        %mul3A_1072 = arith.mulf %mul3A_1032, %gather3A_721 : vector<16xf32>
        %sub3A_1073 = arith.subf %mul3A_1071, %mul3A_1072 : vector<16xf32>
        tpu.vector_store_idx %arg21[%add3A_672, %broadcast_in_dim3A_1070], %sub3A_1073 : memref<128x8xf32, #tpu.memory_space<vmem>>[vector<16xi32>, vector<16xi32>], vector<16xf32>,
        %broadcast_in_dim3A_1074 = arith.constant 2 : i32
        %broadcast_in_dim3A_1075 = vector.broadcast %broadcast_in_dim3A_1074 : i32 to vector<16xi32>
        %mul3A_1076 = arith.mulf %add3A_1048, %mul3A_885 : vector<16xf32>
        %mul3A_1077 = arith.mulf %mul3A_1032, %gather3A_724 : vector<16xf32>
        %sub3A_1078 = arith.subf %mul3A_1076, %mul3A_1077 : vector<16xf32>
        tpu.vector_store_idx %arg21[%add3A_672, %broadcast_in_dim3A_1075], %sub3A_1078 : memref<128x8xf32, #tpu.memory_space<vmem>>[vector<16xi32>, vector<16xi32>], vector<16xf32>,
        %mul3A_1079 = arith.mulf %sub3A_974, %select_n3A_905 : vector<16xf32>
        %mul3A_1080 = arith.constant 2 : i32
        %mul3A_1081 = arith.muli %mul3A_1080, %scan3A_662 : i32
        %add3A_1082 = arith.constant 1 : i32
        %add3A_1083 = arith.addi %mul3A_1081, %add3A_1082 : i32
        %mul3A_1084 = arith.constant 16 : i32
        %mul3A_1085 = arith.muli %add3A_1083, %mul3A_1084 : i32
        %add3A_1086 = vector.broadcast %mul3A_1085 : i32 to vector<16xi32>
        %add3A_1087 = arith.addi %iota3A, %add3A_1086 : vector<16xi32>
        %mul3A_1088 = arith.constant 16 : i32
        %mul3A_1089 = arith.muli %add3A_1083, %mul3A_1088 : i32
        %get3A_1090 = arith.index_cast %mul3A_1089 : i32 to index
        %get3A_1091 = tpu.vector_load %arg11[%get3A_1090] {strides = array<i32>} : memref<128xi32, #tpu.memory_space<vmem>>, vector<16xi32>,
        %mul3A_1092 = arith.constant 16 : i32
        %mul3A_1093 = arith.muli %add3A_1083, %mul3A_1092 : i32
        %get3A_1094 = arith.index_cast %mul3A_1093 : i32 to index
        %get3A_1095 = tpu.vector_load %arg15[%get3A_1094] {strides = array<i32>} : memref<128xi32, #tpu.memory_space<vmem>>, vector<16xi32>,
        %broadcast_in_dim3A_1096 = arith.constant 0 : i32
        %broadcast_in_dim3A_1097 = vector.broadcast %broadcast_in_dim3A_1096 : i32 to vector<16xi32>
        %gather3A_1098 = tpu.vector_load_idx %arg17[%add3A_1087, %broadcast_in_dim3A_1097] : memref<128x8xf32, #tpu.memory_space<vmem>>[vector<16xi32>, vector<16xi32>], vector<16xf32>,
        %broadcast_in_dim3A_1099 = arith.constant 1 : i32
        %broadcast_in_dim3A_1100 = vector.broadcast %broadcast_in_dim3A_1099 : i32 to vector<16xi32>
        %gather3A_1101 = tpu.vector_load_idx %arg17[%add3A_1087, %broadcast_in_dim3A_1100] : memref<128x8xf32, #tpu.memory_space<vmem>>[vector<16xi32>, vector<16xi32>], vector<16xf32>,
        %broadcast_in_dim3A_1102 = arith.constant 2 : i32
        %broadcast_in_dim3A_1103 = vector.broadcast %broadcast_in_dim3A_1102 : i32 to vector<16xi32>
        %gather3A_1104 = tpu.vector_load_idx %arg17[%add3A_1087, %broadcast_in_dim3A_1103] : memref<128x8xf32, #tpu.memory_space<vmem>>[vector<16xi32>, vector<16xi32>], vector<16xf32>,
        %broadcast_in_dim3A_1105 = arith.constant 3 : i32
        %broadcast_in_dim3A_1106 = vector.broadcast %broadcast_in_dim3A_1105 : i32 to vector<16xi32>
        %gather3A_1107 = tpu.vector_load_idx %arg17[%add3A_1087, %broadcast_in_dim3A_1106] : memref<128x8xf32, #tpu.memory_space<vmem>>[vector<16xi32>, vector<16xi32>], vector<16xf32>,
        %broadcast_in_dim3A_1108 = arith.constant 4 : i32
        %broadcast_in_dim3A_1109 = vector.broadcast %broadcast_in_dim3A_1108 : i32 to vector<16xi32>
        %gather3A_1110 = tpu.vector_load_idx %arg17[%add3A_1087, %broadcast_in_dim3A_1109] : memref<128x8xf32, #tpu.memory_space<vmem>>[vector<16xi32>, vector<16xi32>], vector<16xf32>,
        %broadcast_in_dim3A_1111 = arith.constant 5 : i32
        %broadcast_in_dim3A_1112 = vector.broadcast %broadcast_in_dim3A_1111 : i32 to vector<16xi32>
        %gather3A_1113 = tpu.vector_load_idx %arg17[%add3A_1087, %broadcast_in_dim3A_1112] : memref<128x8xf32, #tpu.memory_space<vmem>>[vector<16xi32>, vector<16xi32>], vector<16xf32>,
        %broadcast_in_dim3A_1114 = arith.constant 6 : i32
        %broadcast_in_dim3A_1115 = vector.broadcast %broadcast_in_dim3A_1114 : i32 to vector<16xi32>
        %gather3A_1116 = tpu.vector_load_idx %arg17[%add3A_1087, %broadcast_in_dim3A_1115] : memref<128x8xf32, #tpu.memory_space<vmem>>[vector<16xi32>, vector<16xi32>], vector<16xf32>,
        %broadcast_in_dim3A_1117 = arith.constant 7 : i32
        %broadcast_in_dim3A_1118 = vector.broadcast %broadcast_in_dim3A_1117 : i32 to vector<16xi32>
        %gather3A_1119 = tpu.vector_load_idx %arg17[%add3A_1087, %broadcast_in_dim3A_1118] : memref<128x8xf32, #tpu.memory_space<vmem>>[vector<16xi32>, vector<16xi32>], vector<16xf32>,
        %broadcast_in_dim3A_1120 = arith.constant 0 : i32
        %broadcast_in_dim3A_1121 = vector.broadcast %broadcast_in_dim3A_1120 : i32 to vector<16xi32>
        %gather3A_1122 = tpu.vector_load_idx %arg19[%add3A_1087, %broadcast_in_dim3A_1121] : memref<128x8xf32, #tpu.memory_space<vmem>>[vector<16xi32>, vector<16xi32>], vector<16xf32>,
        %broadcast_in_dim3A_1123 = arith.constant 1 : i32
        %broadcast_in_dim3A_1124 = vector.broadcast %broadcast_in_dim3A_1123 : i32 to vector<16xi32>
        %gather3A_1125 = tpu.vector_load_idx %arg19[%add3A_1087, %broadcast_in_dim3A_1124] : memref<128x8xf32, #tpu.memory_space<vmem>>[vector<16xi32>, vector<16xi32>], vector<16xf32>,
        %broadcast_in_dim3A_1126 = arith.constant 2 : i32
        %broadcast_in_dim3A_1127 = vector.broadcast %broadcast_in_dim3A_1126 : i32 to vector<16xi32>
        %gather3A_1128 = tpu.vector_load_idx %arg19[%add3A_1087, %broadcast_in_dim3A_1127] : memref<128x8xf32, #tpu.memory_space<vmem>>[vector<16xi32>, vector<16xi32>], vector<16xf32>,
        %broadcast_in_dim3A_1129 = arith.constant 3 : i32
        %broadcast_in_dim3A_1130 = vector.broadcast %broadcast_in_dim3A_1129 : i32 to vector<16xi32>
        %gather3A_1131 = tpu.vector_load_idx %arg19[%add3A_1087, %broadcast_in_dim3A_1130] : memref<128x8xf32, #tpu.memory_space<vmem>>[vector<16xi32>, vector<16xi32>], vector<16xf32>,
        %broadcast_in_dim3A_1132 = arith.constant 4 : i32
        %broadcast_in_dim3A_1133 = vector.broadcast %broadcast_in_dim3A_1132 : i32 to vector<16xi32>
        %gather3A_1134 = tpu.vector_load_idx %arg19[%add3A_1087, %broadcast_in_dim3A_1133] : memref<128x8xf32, #tpu.memory_space<vmem>>[vector<16xi32>, vector<16xi32>], vector<16xf32>,
        %broadcast_in_dim3A_1135 = arith.constant 5 : i32
        %broadcast_in_dim3A_1136 = vector.broadcast %broadcast_in_dim3A_1135 : i32 to vector<16xi32>
        %gather3A_1137 = tpu.vector_load_idx %arg19[%add3A_1087, %broadcast_in_dim3A_1136] : memref<128x8xf32, #tpu.memory_space<vmem>>[vector<16xi32>, vector<16xi32>], vector<16xf32>,
        %broadcast_in_dim3A_1138 = arith.constant 6 : i32
        %broadcast_in_dim3A_1139 = vector.broadcast %broadcast_in_dim3A_1138 : i32 to vector<16xi32>
        %gather3A_1140 = tpu.vector_load_idx %arg19[%add3A_1087, %broadcast_in_dim3A_1139] : memref<128x8xf32, #tpu.memory_space<vmem>>[vector<16xi32>, vector<16xi32>], vector<16xf32>,
        %broadcast_in_dim3A_1141 = arith.constant 7 : i32
        %broadcast_in_dim3A_1142 = vector.broadcast %broadcast_in_dim3A_1141 : i32 to vector<16xi32>
        %gather3A_1143 = tpu.vector_load_idx %arg19[%add3A_1087, %broadcast_in_dim3A_1142] : memref<128x8xf32, #tpu.memory_space<vmem>>[vector<16xi32>, vector<16xi32>], vector<16xf32>,
        %sub3A_1144 = arith.subf %gather3A_1122, %gather3A_1098 : vector<16xf32>
        %bitcast3A_1145 = vector.bitcast %sub3A_1144 : vector<16xf32> to vector<16xi32>
        %add3A_1146 = arith.constant 32767 : i32
        %add3A_1147 = vector.broadcast %add3A_1146 : i32 to vector<16xi32>
        %add3A_1148 = arith.addi %bitcast3A_1145, %add3A_1147 : vector<16xi32>
        %shift_right_logical3A_1149 = arith.constant 16 : i32
        %shift_right_logical3A_1150 = vector.broadcast %shift_right_logical3A_1149 : i32 to vector<16xi32>
        %shift_right_logical3A_1151 = arith.shrui %bitcast3A_1145, %shift_right_logical3A_1150 : vector<16xi32>
        %and3A_1152 = arith.constant 1 : i32
        %and3A_1153 = vector.broadcast %and3A_1152 : i32 to vector<16xi32>
        %and3A_1154 = arith.andi %shift_right_logical3A_1151, %and3A_1153 : vector<16xi32>
        %add3A_1155 = arith.addi %add3A_1148, %and3A_1154 : vector<16xi32>
        %and3A_1156 = arith.constant -65536 : i32
        %and3A_1157 = vector.broadcast %and3A_1156 : i32 to vector<16xi32>
        %and3A_1158 = arith.andi %add3A_1155, %and3A_1157 : vector<16xi32>
        %bitcast3A_1159 = vector.bitcast %and3A_1158 : vector<16xi32> to vector<16xf32>
        %mul3A_1160 = arith.constant 1.250000e-01 : f32
        %mul3A_1161 = vector.broadcast %mul3A_1160 : f32 to vector<16xf32>
        %mul3A_1162 = arith.mulf %bitcast3A_1159, %mul3A_1161 : vector<16xf32>
        %gt3A_1163 = arith.constant 5.000000e-01 : f32
        %gt3A_1164 = vector.broadcast %gt3A_1163 : f32 to vector<16xf32>
        %gt3A_1165 = arith.cmpf ogt, %mul3A_1162, %gt3A_1164 : vector<16xf32>
        %jit3A_1166 = arith.constant 1.000000e+00 : f32
        %jit3A_1167 = arith.constant 0.000000e+00 : f32
        %broadcast_in_dim3A_1168 = vector.broadcast %jit3A_1166 : f32 to vector<16xf32>
        %broadcast_in_dim3A_1169 = vector.broadcast %jit3A_1167 : f32 to vector<16xf32>
        %select_n3A_1170 = arith.select %gt3A_1165, %broadcast_in_dim3A_1168, %broadcast_in_dim3A_1169 : vector<16xi1>, vector<16xf32>
        %lt3A_1171 = arith.constant -5.000000e-01 : f32
        %lt3A_1172 = vector.broadcast %lt3A_1171 : f32 to vector<16xf32>
        %lt3A_1173 = arith.cmpf olt, %mul3A_1162, %lt3A_1172 : vector<16xf32>
        %jit3A_1174 = arith.constant 1.000000e+00 : f32
        %jit3A_1175 = arith.constant 0.000000e+00 : f32
        %broadcast_in_dim3A_1176 = vector.broadcast %jit3A_1174 : f32 to vector<16xf32>
        %broadcast_in_dim3A_1177 = vector.broadcast %jit3A_1175 : f32 to vector<16xf32>
        %select_n3A_1178 = arith.select %lt3A_1173, %broadcast_in_dim3A_1176, %broadcast_in_dim3A_1177 : vector<16xi1>, vector<16xf32>
        %sub3A_1179 = arith.subf %select_n3A_1170, %select_n3A_1178 : vector<16xf32>
        %sub3A_1180 = arith.subf %mul3A_1162, %sub3A_1179 : vector<16xf32>
        %bitcast3A_1181 = vector.bitcast %sub3A_1180 : vector<16xf32> to vector<16xi32>
        %add3A_1182 = arith.constant 32767 : i32
        %add3A_1183 = vector.broadcast %add3A_1182 : i32 to vector<16xi32>
        %add3A_1184 = arith.addi %bitcast3A_1181, %add3A_1183 : vector<16xi32>
        %shift_right_logical3A_1185 = arith.constant 16 : i32
        %shift_right_logical3A_1186 = vector.broadcast %shift_right_logical3A_1185 : i32 to vector<16xi32>
        %shift_right_logical3A_1187 = arith.shrui %bitcast3A_1181, %shift_right_logical3A_1186 : vector<16xi32>
        %and3A_1188 = arith.constant 1 : i32
        %and3A_1189 = vector.broadcast %and3A_1188 : i32 to vector<16xi32>
        %and3A_1190 = arith.andi %shift_right_logical3A_1187, %and3A_1189 : vector<16xi32>
        %add3A_1191 = arith.addi %add3A_1184, %and3A_1190 : vector<16xi32>
        %and3A_1192 = arith.constant -65536 : i32
        %and3A_1193 = vector.broadcast %and3A_1192 : i32 to vector<16xi32>
        %and3A_1194 = arith.andi %add3A_1191, %and3A_1193 : vector<16xi32>
        %bitcast3A_1195 = vector.bitcast %and3A_1194 : vector<16xi32> to vector<16xf32>
        %mul3A_1196 = arith.constant 8.000000e+00 : f32
        %mul3A_1197 = vector.broadcast %mul3A_1196 : f32 to vector<16xf32>
        %mul3A_1198 = arith.mulf %bitcast3A_1195, %mul3A_1197 : vector<16xf32>
        %sub3A_1199 = arith.subf %gather3A_1125, %gather3A_1101 : vector<16xf32>
        %bitcast3A_1200 = vector.bitcast %sub3A_1199 : vector<16xf32> to vector<16xi32>
        %add3A_1201 = arith.constant 32767 : i32
        %add3A_1202 = vector.broadcast %add3A_1201 : i32 to vector<16xi32>
        %add3A_1203 = arith.addi %bitcast3A_1200, %add3A_1202 : vector<16xi32>
        %shift_right_logical3A_1204 = arith.constant 16 : i32
        %shift_right_logical3A_1205 = vector.broadcast %shift_right_logical3A_1204 : i32 to vector<16xi32>
        %shift_right_logical3A_1206 = arith.shrui %bitcast3A_1200, %shift_right_logical3A_1205 : vector<16xi32>
        %and3A_1207 = arith.constant 1 : i32
        %and3A_1208 = vector.broadcast %and3A_1207 : i32 to vector<16xi32>
        %and3A_1209 = arith.andi %shift_right_logical3A_1206, %and3A_1208 : vector<16xi32>
        %add3A_1210 = arith.addi %add3A_1203, %and3A_1209 : vector<16xi32>
        %and3A_1211 = arith.constant -65536 : i32
        %and3A_1212 = vector.broadcast %and3A_1211 : i32 to vector<16xi32>
        %and3A_1213 = arith.andi %add3A_1210, %and3A_1212 : vector<16xi32>
        %bitcast3A_1214 = vector.bitcast %and3A_1213 : vector<16xi32> to vector<16xf32>
        %mul3A_1215 = arith.constant 1.250000e-01 : f32
        %mul3A_1216 = vector.broadcast %mul3A_1215 : f32 to vector<16xf32>
        %mul3A_1217 = arith.mulf %bitcast3A_1214, %mul3A_1216 : vector<16xf32>
        %gt3A_1218 = arith.constant 5.000000e-01 : f32
        %gt3A_1219 = vector.broadcast %gt3A_1218 : f32 to vector<16xf32>
        %gt3A_1220 = arith.cmpf ogt, %mul3A_1217, %gt3A_1219 : vector<16xf32>
        %jit3A_1221 = arith.constant 1.000000e+00 : f32
        %jit3A_1222 = arith.constant 0.000000e+00 : f32
        %broadcast_in_dim3A_1223 = vector.broadcast %jit3A_1221 : f32 to vector<16xf32>
        %broadcast_in_dim3A_1224 = vector.broadcast %jit3A_1222 : f32 to vector<16xf32>
        %select_n3A_1225 = arith.select %gt3A_1220, %broadcast_in_dim3A_1223, %broadcast_in_dim3A_1224 : vector<16xi1>, vector<16xf32>
        %lt3A_1226 = arith.constant -5.000000e-01 : f32
        %lt3A_1227 = vector.broadcast %lt3A_1226 : f32 to vector<16xf32>
        %lt3A_1228 = arith.cmpf olt, %mul3A_1217, %lt3A_1227 : vector<16xf32>
        %jit3A_1229 = arith.constant 1.000000e+00 : f32
        %jit3A_1230 = arith.constant 0.000000e+00 : f32
        %broadcast_in_dim3A_1231 = vector.broadcast %jit3A_1229 : f32 to vector<16xf32>
        %broadcast_in_dim3A_1232 = vector.broadcast %jit3A_1230 : f32 to vector<16xf32>
        %select_n3A_1233 = arith.select %lt3A_1228, %broadcast_in_dim3A_1231, %broadcast_in_dim3A_1232 : vector<16xi1>, vector<16xf32>
        %sub3A_1234 = arith.subf %select_n3A_1225, %select_n3A_1233 : vector<16xf32>
        %sub3A_1235 = arith.subf %mul3A_1217, %sub3A_1234 : vector<16xf32>
        %bitcast3A_1236 = vector.bitcast %sub3A_1235 : vector<16xf32> to vector<16xi32>
        %add3A_1237 = arith.constant 32767 : i32
        %add3A_1238 = vector.broadcast %add3A_1237 : i32 to vector<16xi32>
        %add3A_1239 = arith.addi %bitcast3A_1236, %add3A_1238 : vector<16xi32>
        %shift_right_logical3A_1240 = arith.constant 16 : i32
        %shift_right_logical3A_1241 = vector.broadcast %shift_right_logical3A_1240 : i32 to vector<16xi32>
        %shift_right_logical3A_1242 = arith.shrui %bitcast3A_1236, %shift_right_logical3A_1241 : vector<16xi32>
        %and3A_1243 = arith.constant 1 : i32
        %and3A_1244 = vector.broadcast %and3A_1243 : i32 to vector<16xi32>
        %and3A_1245 = arith.andi %shift_right_logical3A_1242, %and3A_1244 : vector<16xi32>
        %add3A_1246 = arith.addi %add3A_1239, %and3A_1245 : vector<16xi32>
        %and3A_1247 = arith.constant -65536 : i32
        %and3A_1248 = vector.broadcast %and3A_1247 : i32 to vector<16xi32>
        %and3A_1249 = arith.andi %add3A_1246, %and3A_1248 : vector<16xi32>
        %bitcast3A_1250 = vector.bitcast %and3A_1249 : vector<16xi32> to vector<16xf32>
        %mul3A_1251 = arith.constant 8.000000e+00 : f32
        %mul3A_1252 = vector.broadcast %mul3A_1251 : f32 to vector<16xf32>
        %mul3A_1253 = arith.mulf %bitcast3A_1250, %mul3A_1252 : vector<16xf32>
        %sub3A_1254 = arith.subf %gather3A_1128, %gather3A_1104 : vector<16xf32>
        %bitcast3A_1255 = vector.bitcast %sub3A_1254 : vector<16xf32> to vector<16xi32>
        %add3A_1256 = arith.constant 32767 : i32
        %add3A_1257 = vector.broadcast %add3A_1256 : i32 to vector<16xi32>
        %add3A_1258 = arith.addi %bitcast3A_1255, %add3A_1257 : vector<16xi32>
        %shift_right_logical3A_1259 = arith.constant 16 : i32
        %shift_right_logical3A_1260 = vector.broadcast %shift_right_logical3A_1259 : i32 to vector<16xi32>
        %shift_right_logical3A_1261 = arith.shrui %bitcast3A_1255, %shift_right_logical3A_1260 : vector<16xi32>
        %and3A_1262 = arith.constant 1 : i32
        %and3A_1263 = vector.broadcast %and3A_1262 : i32 to vector<16xi32>
        %and3A_1264 = arith.andi %shift_right_logical3A_1261, %and3A_1263 : vector<16xi32>
        %add3A_1265 = arith.addi %add3A_1258, %and3A_1264 : vector<16xi32>
        %and3A_1266 = arith.constant -65536 : i32
        %and3A_1267 = vector.broadcast %and3A_1266 : i32 to vector<16xi32>
        %and3A_1268 = arith.andi %add3A_1265, %and3A_1267 : vector<16xi32>
        %bitcast3A_1269 = vector.bitcast %and3A_1268 : vector<16xi32> to vector<16xf32>
        %mul3A_1270 = arith.constant 1.250000e-01 : f32
        %mul3A_1271 = vector.broadcast %mul3A_1270 : f32 to vector<16xf32>
        %mul3A_1272 = arith.mulf %bitcast3A_1269, %mul3A_1271 : vector<16xf32>
        %gt3A_1273 = arith.constant 5.000000e-01 : f32
        %gt3A_1274 = vector.broadcast %gt3A_1273 : f32 to vector<16xf32>
        %gt3A_1275 = arith.cmpf ogt, %mul3A_1272, %gt3A_1274 : vector<16xf32>
        %jit3A_1276 = arith.constant 1.000000e+00 : f32
        %jit3A_1277 = arith.constant 0.000000e+00 : f32
        %broadcast_in_dim3A_1278 = vector.broadcast %jit3A_1276 : f32 to vector<16xf32>
        %broadcast_in_dim3A_1279 = vector.broadcast %jit3A_1277 : f32 to vector<16xf32>
        %select_n3A_1280 = arith.select %gt3A_1275, %broadcast_in_dim3A_1278, %broadcast_in_dim3A_1279 : vector<16xi1>, vector<16xf32>
        %lt3A_1281 = arith.constant -5.000000e-01 : f32
        %lt3A_1282 = vector.broadcast %lt3A_1281 : f32 to vector<16xf32>
        %lt3A_1283 = arith.cmpf olt, %mul3A_1272, %lt3A_1282 : vector<16xf32>
        %jit3A_1284 = arith.constant 1.000000e+00 : f32
        %jit3A_1285 = arith.constant 0.000000e+00 : f32
        %broadcast_in_dim3A_1286 = vector.broadcast %jit3A_1284 : f32 to vector<16xf32>
        %broadcast_in_dim3A_1287 = vector.broadcast %jit3A_1285 : f32 to vector<16xf32>
        %select_n3A_1288 = arith.select %lt3A_1283, %broadcast_in_dim3A_1286, %broadcast_in_dim3A_1287 : vector<16xi1>, vector<16xf32>
        %sub3A_1289 = arith.subf %select_n3A_1280, %select_n3A_1288 : vector<16xf32>
        %sub3A_1290 = arith.subf %mul3A_1272, %sub3A_1289 : vector<16xf32>
        %bitcast3A_1291 = vector.bitcast %sub3A_1290 : vector<16xf32> to vector<16xi32>
        %add3A_1292 = arith.constant 32767 : i32
        %add3A_1293 = vector.broadcast %add3A_1292 : i32 to vector<16xi32>
        %add3A_1294 = arith.addi %bitcast3A_1291, %add3A_1293 : vector<16xi32>
        %shift_right_logical3A_1295 = arith.constant 16 : i32
        %shift_right_logical3A_1296 = vector.broadcast %shift_right_logical3A_1295 : i32 to vector<16xi32>
        %shift_right_logical3A_1297 = arith.shrui %bitcast3A_1291, %shift_right_logical3A_1296 : vector<16xi32>
        %and3A_1298 = arith.constant 1 : i32
        %and3A_1299 = vector.broadcast %and3A_1298 : i32 to vector<16xi32>
        %and3A_1300 = arith.andi %shift_right_logical3A_1297, %and3A_1299 : vector<16xi32>
        %add3A_1301 = arith.addi %add3A_1294, %and3A_1300 : vector<16xi32>
        %and3A_1302 = arith.constant -65536 : i32
        %and3A_1303 = vector.broadcast %and3A_1302 : i32 to vector<16xi32>
        %and3A_1304 = arith.andi %add3A_1301, %and3A_1303 : vector<16xi32>
        %bitcast3A_1305 = vector.bitcast %and3A_1304 : vector<16xi32> to vector<16xf32>
        %mul3A_1306 = arith.constant 8.000000e+00 : f32
        %mul3A_1307 = vector.broadcast %mul3A_1306 : f32 to vector<16xf32>
        %mul3A_1308 = arith.mulf %bitcast3A_1305, %mul3A_1307 : vector<16xf32>
        %mul3A_1309 = arith.mulf %mul3A_1198, %mul3A_1198 : vector<16xf32>
        %mul3A_1310 = arith.mulf %mul3A_1253, %mul3A_1253 : vector<16xf32>
        %add3A_1311 = arith.addf %mul3A_1309, %mul3A_1310 : vector<16xf32>
        %mul3A_1312 = arith.mulf %mul3A_1308, %mul3A_1308 : vector<16xf32>
        %add3A_1313 = arith.addf %add3A_1311, %mul3A_1312 : vector<16xf32>
        %add3A_1314 = arith.constant 9.99999996E-13 : f32
        %add3A_1315 = vector.broadcast %add3A_1314 : f32 to vector<16xf32>
        %add3A_1316 = arith.addf %add3A_1313, %add3A_1315 : vector<16xf32>
        %le3A_1317 = arith.constant 1.000000e+00 : f32
        %le3A_1318 = vector.broadcast %le3A_1317 : f32 to vector<16xf32>
        %le3A_1319 = arith.cmpf ole, %add3A_1316, %le3A_1318 : vector<16xf32>
        %gt3A_1320 = arith.constant 9.99999993E-9 : f32
        %gt3A_1321 = vector.broadcast %gt3A_1320 : f32 to vector<16xf32>
        %gt3A_1322 = arith.cmpf ogt, %add3A_1316, %gt3A_1321 : vector<16xf32>
        %and3A_1323 = arith.andi %le3A_1319, %gt3A_1322 : vector<16xi1>
        %ne3A_1324 = arith.cmpi ne, %get3A_1091, %get3A_1095 : vector<16xi32>
        %and3A_1325 = arith.andi %and3A_1323, %ne3A_1324 : vector<16xi1>
        %jit3A_1326 = arith.constant 1.000000e+00 : f32
        %jit3A_1327 = arith.constant 0.000000e+00 : f32
        %broadcast_in_dim3A_1328 = vector.broadcast %jit3A_1326 : f32 to vector<16xf32>
        %broadcast_in_dim3A_1329 = vector.broadcast %jit3A_1327 : f32 to vector<16xf32>
        %select_n3A_1330 = arith.select %and3A_1325, %broadcast_in_dim3A_1328, %broadcast_in_dim3A_1329 : vector<16xi1>, vector<16xf32>
        %bitcast3A_1331 = vector.bitcast %add3A_1316 : vector<16xf32> to vector<16xi32>
        %shift_right_logical3A_1332 = arith.constant 1 : i32
        %shift_right_logical3A_1333 = vector.broadcast %shift_right_logical3A_1332 : i32 to vector<16xi32>
        %shift_right_logical3A_1334 = arith.shrui %bitcast3A_1331, %shift_right_logical3A_1333 : vector<16xi32>
        %sub3A_1335 = arith.constant 1597463007 : i32
        %sub3A_1336 = vector.broadcast %sub3A_1335 : i32 to vector<16xi32>
        %sub3A_1337 = arith.subi %sub3A_1336, %shift_right_logical3A_1334 : vector<16xi32>
        %bitcast3A_1338 = vector.bitcast %sub3A_1337 : vector<16xi32> to vector<16xf32>
        %mul3A_1339 = arith.constant 5.000000e-01 : f32
        %mul3A_1340 = vector.broadcast %mul3A_1339 : f32 to vector<16xf32>
        %mul3A_1341 = arith.mulf %mul3A_1340, %add3A_1316 : vector<16xf32>
        %mul3A_1342 = arith.mulf %mul3A_1341, %bitcast3A_1338 : vector<16xf32>
        %mul3A_1343 = arith.mulf %mul3A_1342, %bitcast3A_1338 : vector<16xf32>
        %sub3A_1344 = arith.constant 1.500000e+00 : f32
        %sub3A_1345 = vector.broadcast %sub3A_1344 : f32 to vector<16xf32>
        %sub3A_1346 = arith.subf %sub3A_1345, %mul3A_1343 : vector<16xf32>
        %mul3A_1347 = arith.mulf %bitcast3A_1338, %sub3A_1346 : vector<16xf32>
        %mul3A_1348 = arith.constant 5.000000e-01 : f32
        %mul3A_1349 = vector.broadcast %mul3A_1348 : f32 to vector<16xf32>
        %mul3A_1350 = arith.mulf %mul3A_1349, %add3A_1316 : vector<16xf32>
        %mul3A_1351 = arith.mulf %mul3A_1350, %mul3A_1347 : vector<16xf32>
        %mul3A_1352 = arith.mulf %mul3A_1351, %mul3A_1347 : vector<16xf32>
        %sub3A_1353 = arith.constant 1.500000e+00 : f32
        %sub3A_1354 = vector.broadcast %sub3A_1353 : f32 to vector<16xf32>
        %sub3A_1355 = arith.subf %sub3A_1354, %mul3A_1352 : vector<16xf32>
        %mul3A_1356 = arith.mulf %mul3A_1347, %sub3A_1355 : vector<16xf32>
        %mul3A_1357 = arith.constant 5.000000e-01 : f32
        %mul3A_1358 = vector.broadcast %mul3A_1357 : f32 to vector<16xf32>
        %mul3A_1359 = arith.mulf %mul3A_1358, %add3A_1316 : vector<16xf32>
        %mul3A_1360 = arith.mulf %mul3A_1359, %mul3A_1356 : vector<16xf32>
        %mul3A_1361 = arith.mulf %mul3A_1360, %mul3A_1356 : vector<16xf32>
        %sub3A_1362 = arith.constant 1.500000e+00 : f32
        %sub3A_1363 = vector.broadcast %sub3A_1362 : f32 to vector<16xf32>
        %sub3A_1364 = arith.subf %sub3A_1363, %mul3A_1361 : vector<16xf32>
        %mul3A_1365 = arith.mulf %mul3A_1356, %sub3A_1364 : vector<16xf32>
        %mul3A_1366 = arith.mulf %mul3A_1365, %mul3A_1365 : vector<16xf32>
        %mul3A_1367 = arith.mulf %mul3A_1366, %mul3A_1365 : vector<16xf32>
        %mul3A_1368 = arith.mulf %mul3A_1367, %mul3A_1366 : vector<16xf32>
        %mul3A_1369 = arith.mulf %add3A_1316, %mul3A_1365 : vector<16xf32>
        %mul3A_1370 = arith.mulf %mul3A_1198, %gather3A_1110 : vector<16xf32>
        %mul3A_1371 = arith.mulf %mul3A_1253, %gather3A_1113 : vector<16xf32>
        %add3A_1372 = arith.addf %mul3A_1370, %mul3A_1371 : vector<16xf32>
        %mul3A_1373 = arith.mulf %mul3A_1308, %gather3A_1116 : vector<16xf32>
        %add3A_1374 = arith.addf %add3A_1372, %mul3A_1373 : vector<16xf32>
        %mul3A_1375 = arith.mulf %mul3A_1198, %gather3A_1134 : vector<16xf32>
        %mul3A_1376 = arith.mulf %mul3A_1253, %gather3A_1137 : vector<16xf32>
        %add3A_1377 = arith.addf %mul3A_1375, %mul3A_1376 : vector<16xf32>
        %mul3A_1378 = arith.mulf %mul3A_1308, %gather3A_1140 : vector<16xf32>
        %add3A_1379 = arith.addf %add3A_1377, %mul3A_1378 : vector<16xf32>
        %mul3A_1380 = arith.mulf %gather3A_1110, %gather3A_1134 : vector<16xf32>
        %mul3A_1381 = arith.mulf %gather3A_1113, %gather3A_1137 : vector<16xf32>
        %add3A_1382 = arith.addf %mul3A_1380, %mul3A_1381 : vector<16xf32>
        %mul3A_1383 = arith.mulf %gather3A_1116, %gather3A_1140 : vector<16xf32>
        %add3A_1384 = arith.addf %add3A_1382, %mul3A_1383 : vector<16xf32>
        %mul3A_1385 = arith.mulf %gather3A_1131, %gather3A_1107 : vector<16xf32>
        %mul3A_1386 = arith.mulf %mul3A_1385, %mul3A_1365 : vector<16xf32>
        %mul3A_1387 = arith.mulf %gather3A_1131, %add3A_1374 : vector<16xf32>
        %mul3A_1388 = arith.mulf %gather3A_1107, %add3A_1379 : vector<16xf32>
        %sub3A_1389 = arith.subf %mul3A_1387, %mul3A_1388 : vector<16xf32>
        %mul3A_1390 = arith.mulf %sub3A_1389, %mul3A_1367 : vector<16xf32>
        %add3A_1391 = arith.addf %mul3A_1386, %mul3A_1390 : vector<16xf32>
        %mul3A_1392 = arith.constant 3.000000e+00 : f32
        %mul3A_1393 = vector.broadcast %mul3A_1392 : f32 to vector<16xf32>
        %mul3A_1394 = arith.mulf %mul3A_1393, %add3A_1379 : vector<16xf32>
        %mul3A_1395 = arith.mulf %mul3A_1394, %add3A_1374 : vector<16xf32>
        %mul3A_1396 = arith.mulf %mul3A_1395, %mul3A_1368 : vector<16xf32>
        %add3A_1397 = arith.addf %add3A_1391, %mul3A_1396 : vector<16xf32>
        %mul3A_1398 = arith.mulf %add3A_1384, %mul3A_1367 : vector<16xf32>
        %sub3A_1399 = arith.subf %add3A_1397, %mul3A_1398 : vector<16xf32>
        %mul3A_1400 = arith.mulf %gather3A_1119, %gather3A_1143 : vector<16xf32>
        %bitcast3A_1401 = vector.bitcast %mul3A_1400 : vector<16xf32> to vector<16xi32>
        %shift_right_logical3A_1402 = arith.constant 1 : i32
        %shift_right_logical3A_1403 = vector.broadcast %shift_right_logical3A_1402 : i32 to vector<16xi32>
        %shift_right_logical3A_1404 = arith.shrui %bitcast3A_1401, %shift_right_logical3A_1403 : vector<16xi32>
        %sub3A_1405 = arith.constant 1597463007 : i32
        %sub3A_1406 = vector.broadcast %sub3A_1405 : i32 to vector<16xi32>
        %sub3A_1407 = arith.subi %sub3A_1406, %shift_right_logical3A_1404 : vector<16xi32>
        %bitcast3A_1408 = vector.bitcast %sub3A_1407 : vector<16xi32> to vector<16xf32>
        %mul3A_1409 = arith.constant 5.000000e-01 : f32
        %mul3A_1410 = vector.broadcast %mul3A_1409 : f32 to vector<16xf32>
        %mul3A_1411 = arith.mulf %mul3A_1410, %mul3A_1400 : vector<16xf32>
        %mul3A_1412 = arith.mulf %mul3A_1411, %bitcast3A_1408 : vector<16xf32>
        %mul3A_1413 = arith.mulf %mul3A_1412, %bitcast3A_1408 : vector<16xf32>
        %sub3A_1414 = arith.constant 1.500000e+00 : f32
        %sub3A_1415 = vector.broadcast %sub3A_1414 : f32 to vector<16xf32>
        %sub3A_1416 = arith.subf %sub3A_1415, %mul3A_1413 : vector<16xf32>
        %mul3A_1417 = arith.mulf %bitcast3A_1408, %sub3A_1416 : vector<16xf32>
        %mul3A_1418 = arith.constant 5.000000e-01 : f32
        %mul3A_1419 = vector.broadcast %mul3A_1418 : f32 to vector<16xf32>
        %mul3A_1420 = arith.mulf %mul3A_1419, %mul3A_1400 : vector<16xf32>
        %mul3A_1421 = arith.mulf %mul3A_1420, %mul3A_1417 : vector<16xf32>
        %mul3A_1422 = arith.mulf %mul3A_1421, %mul3A_1417 : vector<16xf32>
        %sub3A_1423 = arith.constant 1.500000e+00 : f32
        %sub3A_1424 = vector.broadcast %sub3A_1423 : f32 to vector<16xf32>
        %sub3A_1425 = arith.subf %sub3A_1424, %mul3A_1422 : vector<16xf32>
        %mul3A_1426 = arith.mulf %mul3A_1417, %sub3A_1425 : vector<16xf32>
        %mul3A_1427 = arith.constant 5.000000e-01 : f32
        %mul3A_1428 = vector.broadcast %mul3A_1427 : f32 to vector<16xf32>
        %mul3A_1429 = arith.mulf %mul3A_1428, %mul3A_1400 : vector<16xf32>
        %mul3A_1430 = arith.mulf %mul3A_1429, %mul3A_1426 : vector<16xf32>
        %mul3A_1431 = arith.mulf %mul3A_1430, %mul3A_1426 : vector<16xf32>
        %sub3A_1432 = arith.constant 1.500000e+00 : f32
        %sub3A_1433 = vector.broadcast %sub3A_1432 : f32 to vector<16xf32>
        %sub3A_1434 = arith.subf %sub3A_1433, %mul3A_1431 : vector<16xf32>
        %mul3A_1435 = arith.mulf %mul3A_1426, %sub3A_1434 : vector<16xf32>
        %mul3A_1436 = arith.constant 3.900000e-01 : f32
        %mul3A_1437 = vector.broadcast %mul3A_1436 : f32 to vector<16xf32>
        %mul3A_1438 = arith.mulf %mul3A_1437, %add3A_1316 : vector<16xf32>
        %mul3A_1439 = arith.mulf %mul3A_1438, %mul3A_1369 : vector<16xf32>
        %mul3A_1440 = arith.mulf %mul3A_1439, %mul3A_1435 : vector<16xf32>
        %neg3A_1441 = arith.constant 0.000000e+00 : f32
        %neg3A_1442 = vector.broadcast %neg3A_1441 : f32 to vector<16xf32>
        %neg3A_1443 = arith.subf %neg3A_1442, %mul3A_1440 : vector<16xf32>
        %exp3A_1444 = math.exp %neg3A_1443 : vector<16xf32>
        %sub3A_1445 = arith.constant 1.000000e+00 : f32
        %sub3A_1446 = vector.broadcast %sub3A_1445 : f32 to vector<16xf32>
        %sub3A_1447 = arith.subf %sub3A_1446, %exp3A_1444 : vector<16xf32>
        %add3A_1448 = arith.constant 1.000000e+00 : f32
        %add3A_1449 = vector.broadcast %add3A_1448 : f32 to vector<16xf32>
        %add3A_1450 = arith.addf %add3A_1449, %mul3A_1440 : vector<16xf32>
        %mul3A_1451 = arith.mulf %add3A_1450, %exp3A_1444 : vector<16xf32>
        %sub3A_1452 = arith.constant 1.000000e+00 : f32
        %sub3A_1453 = vector.broadcast %sub3A_1452 : f32 to vector<16xf32>
        %sub3A_1454 = arith.subf %sub3A_1453, %mul3A_1451 : vector<16xf32>
        %mul3A_1455 = arith.constant -138.935455 : f32
        %mul3A_1456 = vector.broadcast %mul3A_1455 : f32 to vector<16xf32>
        %mul3A_1457 = arith.mulf %mul3A_1456, %select_n3A_1330 : vector<16xf32>
        %mul3A_1458 = arith.mulf %sub3A_1447, %mul3A_1367 : vector<16xf32>
        %mul3A_1459 = arith.mulf %mul3A_1457, %mul3A_1458 : vector<16xf32>
        %mul3A_1460 = arith.constant 3.000000e+00 : f32
        %mul3A_1461 = vector.broadcast %mul3A_1460 : f32 to vector<16xf32>
        %mul3A_1462 = arith.mulf %mul3A_1461, %sub3A_1454 : vector<16xf32>
        %mul3A_1463 = arith.mulf %mul3A_1462, %add3A_1374 : vector<16xf32>
        %mul3A_1464 = arith.mulf %mul3A_1463, %mul3A_1368 : vector<16xf32>
        %mul3A_1465 = arith.mulf %mul3A_1457, %mul3A_1464 : vector<16xf32>
        %mul3A_1466 = arith.mulf %mul3A_1459, %gather3A_1107 : vector<16xf32>
        %sub3A_1467 = arith.subf %mul3A_1465, %mul3A_1466 : vector<16xf32>
        %mul3A_1468 = arith.constant 3.000000e+00 : f32
        %mul3A_1469 = vector.broadcast %mul3A_1468 : f32 to vector<16xf32>
        %mul3A_1470 = arith.mulf %mul3A_1469, %sub3A_1454 : vector<16xf32>
        %mul3A_1471 = arith.mulf %mul3A_1470, %add3A_1379 : vector<16xf32>
        %mul3A_1472 = arith.mulf %mul3A_1471, %mul3A_1368 : vector<16xf32>
        %mul3A_1473 = arith.mulf %mul3A_1457, %mul3A_1472 : vector<16xf32>
        %mul3A_1474 = arith.mulf %mul3A_1459, %gather3A_1131 : vector<16xf32>
        %add3A_1475 = arith.addf %mul3A_1473, %mul3A_1474 : vector<16xf32>
        %broadcast_in_dim3A_1476 = arith.constant 0 : i32
        %broadcast_in_dim3A_1477 = vector.broadcast %broadcast_in_dim3A_1476 : i32 to vector<16xi32>
        %mul3A_1478 = arith.mulf %sub3A_1467, %mul3A_1198 : vector<16xf32>
        %mul3A_1479 = arith.mulf %mul3A_1459, %gather3A_1110 : vector<16xf32>
        %sub3A_1480 = arith.subf %mul3A_1478, %mul3A_1479 : vector<16xf32>
        tpu.vector_store_idx %arg23[%add3A_1087, %broadcast_in_dim3A_1477], %sub3A_1480 : memref<128x8xf32, #tpu.memory_space<vmem>>[vector<16xi32>, vector<16xi32>], vector<16xf32>,
        %broadcast_in_dim3A_1481 = arith.constant 1 : i32
        %broadcast_in_dim3A_1482 = vector.broadcast %broadcast_in_dim3A_1481 : i32 to vector<16xi32>
        %mul3A_1483 = arith.mulf %sub3A_1467, %mul3A_1253 : vector<16xf32>
        %mul3A_1484 = arith.mulf %mul3A_1459, %gather3A_1113 : vector<16xf32>
        %sub3A_1485 = arith.subf %mul3A_1483, %mul3A_1484 : vector<16xf32>
        tpu.vector_store_idx %arg23[%add3A_1087, %broadcast_in_dim3A_1482], %sub3A_1485 : memref<128x8xf32, #tpu.memory_space<vmem>>[vector<16xi32>, vector<16xi32>], vector<16xf32>,
        %broadcast_in_dim3A_1486 = arith.constant 2 : i32
        %broadcast_in_dim3A_1487 = vector.broadcast %broadcast_in_dim3A_1486 : i32 to vector<16xi32>
        %mul3A_1488 = arith.mulf %sub3A_1467, %mul3A_1308 : vector<16xf32>
        %mul3A_1489 = arith.mulf %mul3A_1459, %gather3A_1116 : vector<16xf32>
        %sub3A_1490 = arith.subf %mul3A_1488, %mul3A_1489 : vector<16xf32>
        tpu.vector_store_idx %arg23[%add3A_1087, %broadcast_in_dim3A_1487], %sub3A_1490 : memref<128x8xf32, #tpu.memory_space<vmem>>[vector<16xi32>, vector<16xi32>], vector<16xf32>,
        %broadcast_in_dim3A_1491 = arith.constant 0 : i32
        %broadcast_in_dim3A_1492 = vector.broadcast %broadcast_in_dim3A_1491 : i32 to vector<16xi32>
        %mul3A_1493 = arith.mulf %add3A_1475, %mul3A_1198 : vector<16xf32>
        %mul3A_1494 = arith.mulf %mul3A_1459, %gather3A_1134 : vector<16xf32>
        %sub3A_1495 = arith.subf %mul3A_1493, %mul3A_1494 : vector<16xf32>
        tpu.vector_store_idx %arg21[%add3A_1087, %broadcast_in_dim3A_1492], %sub3A_1495 : memref<128x8xf32, #tpu.memory_space<vmem>>[vector<16xi32>, vector<16xi32>], vector<16xf32>,
        %broadcast_in_dim3A_1496 = arith.constant 1 : i32
        %broadcast_in_dim3A_1497 = vector.broadcast %broadcast_in_dim3A_1496 : i32 to vector<16xi32>
        %mul3A_1498 = arith.mulf %add3A_1475, %mul3A_1253 : vector<16xf32>
        %mul3A_1499 = arith.mulf %mul3A_1459, %gather3A_1137 : vector<16xf32>
        %sub3A_1500 = arith.subf %mul3A_1498, %mul3A_1499 : vector<16xf32>
        tpu.vector_store_idx %arg21[%add3A_1087, %broadcast_in_dim3A_1497], %sub3A_1500 : memref<128x8xf32, #tpu.memory_space<vmem>>[vector<16xi32>, vector<16xi32>], vector<16xf32>,
        %broadcast_in_dim3A_1501 = arith.constant 2 : i32
        %broadcast_in_dim3A_1502 = vector.broadcast %broadcast_in_dim3A_1501 : i32 to vector<16xi32>
        %mul3A_1503 = arith.mulf %add3A_1475, %mul3A_1308 : vector<16xf32>
        %mul3A_1504 = arith.mulf %mul3A_1459, %gather3A_1140 : vector<16xf32>
        %sub3A_1505 = arith.subf %mul3A_1503, %mul3A_1504 : vector<16xf32>
        tpu.vector_store_idx %arg21[%add3A_1087, %broadcast_in_dim3A_1502], %sub3A_1505 : memref<128x8xf32, #tpu.memory_space<vmem>>[vector<16xi32>, vector<16xi32>], vector<16xf32>,
        %mul3A_1506 = arith.mulf %sub3A_1399, %select_n3A_1330 : vector<16xf32>
        %sub3A_1507 = arith.subf %mul3A_1079, %scan3A_664 : vector<16xf32>
        %add3A_1508 = arith.addf %scan3A_663, %sub3A_1507 : vector<16xf32>
        %sub3A_1509 = arith.subf %add3A_1508, %scan3A_663 : vector<16xf32>
        %sub3A_1510 = arith.subf %sub3A_1509, %sub3A_1507 : vector<16xf32>
        %sub3A_1511 = arith.subf %mul3A_1506, %scan3A_666 : vector<16xf32>
        %add3A_1512 = arith.addf %scan3A_665, %sub3A_1511 : vector<16xf32>
        %sub3A_1513 = arith.subf %add3A_1512, %scan3A_665 : vector<16xf32>
        %sub3A_1514 = arith.subf %sub3A_1513, %sub3A_1511 : vector<16xf32>
        scf.yield %add3A_1508, %sub3A_1510, %add3A_1512, %sub3A_1514 : vector<16xf32>, vector<16xf32>, vector<16xf32>, vector<16xf32>
      }
      %scan3A_647 = arith.constant 4 : i32
      %swap3A_648 = arith.constant 0 : index
      %swap3A_649 = tpu.vector_load %arg24[%swap3A_648] {strides = array<i32>} : memref<16xf32, #tpu.memory_space<vmem>>, vector<16xf32>,
      tpu.vector_store %arg24[%swap3A_648], %scan3A_646#0 {strides = array<i32>} : memref<16xf32, #tpu.memory_space<vmem>>, vector<16xf32>,
      %swap3A_650 = arith.constant 0 : index
      %swap3A_651 = tpu.vector_load %arg25[%swap3A_650] {strides = array<i32>} : memref<16xf32, #tpu.memory_space<vmem>>, vector<16xf32>,
      tpu.vector_store %arg25[%swap3A_650], %scan3A_646#1 {strides = array<i32>} : memref<16xf32, #tpu.memory_space<vmem>>, vector<16xf32>,
      %swap3A_652 = arith.constant 0 : index
      %swap3A_653 = tpu.vector_load %arg26[%swap3A_652] {strides = array<i32>} : memref<16xf32, #tpu.memory_space<vmem>>, vector<16xf32>,
      tpu.vector_store %arg26[%swap3A_652], %scan3A_646#2 {strides = array<i32>} : memref<16xf32, #tpu.memory_space<vmem>>, vector<16xf32>,
      %swap3A_654 = arith.constant 0 : index
      %swap3A_655 = tpu.vector_load %arg27[%swap3A_654] {strides = array<i32>} : memref<16xf32, #tpu.memory_space<vmem>>, vector<16xf32>,
      tpu.vector_store %arg27[%swap3A_654], %scan3A_646#3 {strides = array<i32>} : memref<16xf32, #tpu.memory_space<vmem>>, vector<16xf32>,
      %dma_start3A_656 = arith.constant 0 : i32
      %dma_start3A_657 = arith.constant 0 : i32
      %dma_start3A_658 = tpu.memref_slice %arg29[%dma_start3A_656, %dma_start3A_657] : memref<50048x8xf32, #tpu.memory_space<vmem_shared>> -> memref<50048x8xf32, #tpu.memory_space<vmem_shared>>
      tpu.enqueue_indirect_dma source(%arg23 : memref<128x8xf32, #tpu.memory_space<vmem>>) target(%dma_start3A_658 : memref<50048x8xf32, #tpu.memory_space<vmem_shared>>) offsets(%arg15 : memref<128xi32, #tpu.memory_space<vmem>>) semaphore(%arg37 : memref<!tpu.dma_semaphore, #tpu.memory_space<semaphore_mem>>) {add = true}
      %dma_start3A_659 = arith.constant 0 : i32
      %dma_start3A_660 = arith.constant 0 : i32
      %dma_start3A_661 = tpu.memref_slice %arg29[%dma_start3A_659, %dma_start3A_660] : memref<50048x8xf32, #tpu.memory_space<vmem_shared>> -> memref<50048x8xf32, #tpu.memory_space<vmem_shared>>
      tpu.enqueue_indirect_dma source(%arg21 : memref<128x8xf32, #tpu.memory_space<vmem>>) target(%dma_start3A_661 : memref<50048x8xf32, #tpu.memory_space<vmem_shared>>) offsets(%arg11 : memref<128xi32, #tpu.memory_space<vmem>>) semaphore(%arg37 : memref<!tpu.dma_semaphore, #tpu.memory_space<semaphore_mem>>) {add = true}
    }
    %scan3A_407 = arith.constant 98 : i32
    %dma_wait3A_408 = arith.constant 0 : i32
    %dma_wait3A_409 = arith.constant 0 : i32
    %dma_wait3A_410 = tpu.memref_slice %arg29[%dma_wait3A_408, %dma_wait3A_409] : memref<50048x8xf32, #tpu.memory_space<vmem_shared>> -> memref<50048x8xf32, #tpu.memory_space<vmem_shared>>
    tpu.wait_indirect_dma semaphore(%arg36 : memref<!tpu.dma_semaphore, #tpu.memory_space<semaphore_mem>>) src(%arg22 : memref<128x8xf32, #tpu.memory_space<vmem>>) dst(%dma_wait3A_410 : memref<50048x8xf32, #tpu.memory_space<vmem_shared>>)
    %dma_wait3A_411 = arith.constant 0 : i32
    %dma_wait3A_412 = arith.constant 0 : i32
    %dma_wait3A_413 = tpu.memref_slice %arg29[%dma_wait3A_411, %dma_wait3A_412] : memref<50048x8xf32, #tpu.memory_space<vmem_shared>> -> memref<50048x8xf32, #tpu.memory_space<vmem_shared>>
    tpu.wait_indirect_dma semaphore(%arg36 : memref<!tpu.dma_semaphore, #tpu.memory_space<semaphore_mem>>) src(%arg20 : memref<128x8xf32, #tpu.memory_space<vmem>>) dst(%dma_wait3A_413 : memref<50048x8xf32, #tpu.memory_space<vmem_shared>>)
    %dma_wait3A_414 = arith.constant 0 : i32
    %dma_wait3A_415 = arith.constant 0 : i32
    %dma_wait3A_416 = tpu.memref_slice %arg29[%dma_wait3A_414, %dma_wait3A_415] : memref<50048x8xf32, #tpu.memory_space<vmem_shared>> -> memref<50048x8xf32, #tpu.memory_space<vmem_shared>>
    tpu.wait_indirect_dma semaphore(%arg37 : memref<!tpu.dma_semaphore, #tpu.memory_space<semaphore_mem>>) src(%arg23 : memref<128x8xf32, #tpu.memory_space<vmem>>) dst(%dma_wait3A_416 : memref<50048x8xf32, #tpu.memory_space<vmem_shared>>)
    %dma_wait3A_417 = arith.constant 0 : i32
    %dma_wait3A_418 = arith.constant 0 : i32
    %dma_wait3A_419 = tpu.memref_slice %arg29[%dma_wait3A_417, %dma_wait3A_418] : memref<50048x8xf32, #tpu.memory_space<vmem_shared>> -> memref<50048x8xf32, #tpu.memory_space<vmem_shared>>
    tpu.wait_indirect_dma semaphore(%arg37 : memref<!tpu.dma_semaphore, #tpu.memory_space<semaphore_mem>>) src(%arg21 : memref<128x8xf32, #tpu.memory_space<vmem>>) dst(%dma_wait3A_419 : memref<50048x8xf32, #tpu.memory_space<vmem_shared>>)
    %barrier3A_420 = arith.constant 0 : index
    tpu.barrier barrier_id(%barrier3A_420)
    %mul3A_421 = arith.constant 3128 : i32
    %mul3A_422 = arith.muli %arg1, %mul3A_421 : i32
    "tpu.region"() ({
      %run_scoped3A = tpu.sem_alloc : memref<!tpu.dma_semaphore, #tpu.memory_space<semaphore_mem>>
      %dma_start3A_437 = arith.constant 0 : i32
      %dma_start3A_438 = tpu.memref_slice %arg29[%mul3A_422, %dma_start3A_437] : memref<50048x8xf32, #tpu.memory_space<vmem_shared>> -> memref<3128x8xf32, #tpu.memory_space<vmem_shared>>
      %dma_start3A_439 = arith.constant 0 : i32
      %dma_start3A_440 = tpu.memref_slice %arg29[%mul3A_422, %dma_start3A_439] : memref<50048x8xf32, #tpu.memory_space<vmem_shared>> -> memref<3128x8xf32, #tpu.memory_space<vmem_shared>>
      tpu.enqueue_dma source(%dma_start3A_440 : memref<3128x8xf32, #tpu.memory_space<vmem_shared>>) target(%arg28 : memref<3128x8xf32, #tpu.memory_space<vmem>>) target_semaphore(%run_scoped3A : memref<!tpu.dma_semaphore, #tpu.memory_space<semaphore_mem>>)
      %dma_wait3A_441 = arith.constant 0 : i32
      %dma_wait3A_442 = tpu.memref_slice %arg29[%mul3A_422, %dma_wait3A_441] : memref<50048x8xf32, #tpu.memory_space<vmem_shared>> -> memref<3128x8xf32, #tpu.memory_space<vmem_shared>>
      %dma_wait3A_443 = arith.constant 0 : i32
      %dma_wait3A_444 = tpu.memref_slice %arg29[%mul3A_422, %dma_wait3A_443] : memref<50048x8xf32, #tpu.memory_space<vmem_shared>> -> memref<3128x8xf32, #tpu.memory_space<vmem_shared>>
      tpu.wait_dma2 semaphore(%run_scoped3A : memref<!tpu.dma_semaphore, #tpu.memory_space<semaphore_mem>>) src(%dma_wait3A_444 : memref<3128x8xf32, #tpu.memory_space<vmem_shared>>) dst(%arg28 : memref<3128x8xf32, #tpu.memory_space<vmem>>)
      tpu.yield
    }) : () -> ()
    %mul3A_423 = arith.constant 50048 : i32
    %mul3A_424 = arith.muli %arg0, %mul3A_423 : i32
    %mul3A_425 = arith.constant 3128 : i32
    %mul3A_426 = arith.muli %arg1, %mul3A_425 : i32
    %add3A_427 = arith.addi %mul3A_424, %mul3A_426 : i32
    "tpu.region"() ({
      %run_scoped3A = tpu.sem_alloc : memref<!tpu.dma_semaphore, #tpu.memory_space<semaphore_mem>>
      %dma_start3A_437 = arith.constant 0 : i32
      %dma_start3A_438 = tpu.memref_slice %arg6[%add3A_427, %dma_start3A_437] : memref<100096x8xf32, #tpu.memory_space<hbm>> -> memref<3128x8xf32, #tpu.memory_space<hbm>>
      %dma_start3A_439 = arith.constant 0 : i32
      %dma_start3A_440 = tpu.memref_slice %arg6[%add3A_427, %dma_start3A_439] : memref<100096x8xf32, #tpu.memory_space<hbm>> -> memref<3128x8xf32, #tpu.memory_space<hbm>>
      tpu.enqueue_dma source(%arg28 : memref<3128x8xf32, #tpu.memory_space<vmem>>) target(%dma_start3A_440 : memref<3128x8xf32, #tpu.memory_space<hbm>>) target_semaphore(%run_scoped3A : memref<!tpu.dma_semaphore, #tpu.memory_space<semaphore_mem>>)
      %dma_wait3A_441 = arith.constant 0 : i32
      %dma_wait3A_442 = tpu.memref_slice %arg6[%add3A_427, %dma_wait3A_441] : memref<100096x8xf32, #tpu.memory_space<hbm>> -> memref<3128x8xf32, #tpu.memory_space<hbm>>
      %dma_wait3A_443 = arith.constant 0 : i32
      %dma_wait3A_444 = tpu.memref_slice %arg6[%add3A_427, %dma_wait3A_443] : memref<100096x8xf32, #tpu.memory_space<hbm>> -> memref<3128x8xf32, #tpu.memory_space<hbm>>
      tpu.wait_dma2 semaphore(%run_scoped3A : memref<!tpu.dma_semaphore, #tpu.memory_space<semaphore_mem>>) src(%arg28 : memref<3128x8xf32, #tpu.memory_space<vmem>>) dst(%dma_wait3A_444 : memref<3128x8xf32, #tpu.memory_space<hbm>>)
      tpu.yield
    }) : () -> ()
    %get3A = arith.constant 0 : index
    %get3A_428 = tpu.vector_load %arg24[%get3A] {strides = array<i32>} : memref<16xf32, #tpu.memory_space<vmem>>, vector<16xf32>,
    %get3A_429 = arith.constant 0 : index
    %get3A_430 = tpu.vector_load %arg26[%get3A_429] {strides = array<i32>} : memref<16xf32, #tpu.memory_space<vmem>>, vector<16xf32>,
    %add3A_431 = arith.addf %get3A_428, %get3A_430 : vector<16xf32>
    %mul3A_432 = arith.constant 138.935455 : f32
    %mul3A_433 = vector.broadcast %mul3A_432 : f32 to vector<16xf32>
    %mul3A_434 = arith.mulf %add3A_431, %mul3A_433 : vector<16xf32>
    %swap3A_435 = arith.constant 0 : index
    %swap3A_436 = tpu.vector_load %arg25[%swap3A_435] {strides = array<i32>} : memref<16xf32, #tpu.memory_space<vmem>>, vector<16xf32>,
    tpu.vector_store %arg25[%swap3A_435], %mul3A_434 {strides = array<i32>} : memref<16xf32, #tpu.memory_space<vmem>>, vector<16xf32>,
    "tpu.region"() ({
      %run_scoped3A = tpu.sem_alloc : memref<!tpu.dma_semaphore, #tpu.memory_space<semaphore_mem>>
      %dma_start3A_437 = arith.constant 0 : i32
      %dma_start3A_438 = tpu.memref_slice %arg7[%add3A, %dma_start3A_437] : memref<32x16xf32, #tpu.memory_space<hbm>> -> memref<1x16xf32, #tpu.memory_space<hbm>>
      %dma_start3A_439 = tpu.memref_squeeze %dma_start3A_438 : memref<1x16xf32, #tpu.memory_space<hbm>> -> memref<16xf32, #tpu.memory_space<hbm>>
      %dma_start3A_440 = arith.constant 0 : i32
      %dma_start3A_441 = tpu.memref_slice %arg7[%add3A, %dma_start3A_440] : memref<32x16xf32, #tpu.memory_space<hbm>> -> memref<1x16xf32, #tpu.memory_space<hbm>>
      %dma_start3A_442 = tpu.memref_squeeze %dma_start3A_441 : memref<1x16xf32, #tpu.memory_space<hbm>> -> memref<16xf32, #tpu.memory_space<hbm>>
      tpu.enqueue_dma source(%arg25 : memref<16xf32, #tpu.memory_space<vmem>>) target(%dma_start3A_442 : memref<16xf32, #tpu.memory_space<hbm>>) target_semaphore(%run_scoped3A : memref<!tpu.dma_semaphore, #tpu.memory_space<semaphore_mem>>)
      %dma_wait3A_443 = arith.constant 0 : i32
      %dma_wait3A_444 = tpu.memref_slice %arg7[%add3A, %dma_wait3A_443] : memref<32x16xf32, #tpu.memory_space<hbm>> -> memref<1x16xf32, #tpu.memory_space<hbm>>
      %dma_wait3A_445 = tpu.memref_squeeze %dma_wait3A_444 : memref<1x16xf32, #tpu.memory_space<hbm>> -> memref<16xf32, #tpu.memory_space<hbm>>
      %dma_wait3A_446 = arith.constant 0 : i32
      %dma_wait3A_447 = tpu.memref_slice %arg7[%add3A, %dma_wait3A_446] : memref<32x16xf32, #tpu.memory_space<hbm>> -> memref<1x16xf32, #tpu.memory_space<hbm>>
      %dma_wait3A_448 = tpu.memref_squeeze %dma_wait3A_447 : memref<1x16xf32, #tpu.memory_space<hbm>> -> memref<16xf32, #tpu.memory_space<hbm>>
      tpu.wait_dma2 semaphore(%run_scoped3A : memref<!tpu.dma_semaphore, #tpu.memory_space<semaphore_mem>>) src(%arg25 : memref<16xf32, #tpu.memory_space<vmem>>) dst(%dma_wait3A_448 : memref<16xf32, #tpu.memory_space<hbm>>)
      tpu.yield
    }) : () -> ()
    return
  }
}

</mosaic_0001>

<sc_bundles>
// kernel: kernel.3.cloned.1.call-start
scs
__scs_entry_jumppad:
0x0: {  	(pc) =	sbr.rel $0x88, $3  }
0x1: {  	(tag) =	ssettag $0x0;
	lr =	simm.s32 $0x1  }
0x2: {  	[smem:$0x3F9C] =	sst lr;
	_ =	strace $0xD0000000  }
0x3: {  	_ = 	snop  }
0x4: {  	_ = 	snop  }
0x5: {  	_ = 	snop  }
0x6: {  	_ = 	snop  }
0x7: {  	_ = 	snop  }
__scs_overlays_trampoline_lowered:
0x8: {  	[smem:$0x3FAB] =	sst s0  }
0x9: {  	[smem:$0x3FAC] =	sst s1  }
0xa: {  	[smem:$0x3FAD] =	sst s2  }
0xb: {  	[smem:$0x3FAE] =	sst s3  }
0xc: {  	[smem:$0x3FAF] =	sst s4  }
0xd: {  	[smem:$0x3FB0] =	sst s5  }
0xe: {  	[smem:$0x3FB1] =	sst s6  }
0xf: {  	[smem:$0x3FB2] =	sst s7  }
0x10: {  	[smem:$0x3FB3] =	sst s8  }
0x11: {  	[smem:$0x3FB4] =	sst s9;
	s0 =	simm.s32 @!p0 $0x0  }
0x12: {  	s1 =	sld [smem:$0x3F9A];
	s0 =	simm.s32 @p0 $0x1  }
0x13: {  	[smem:$0x3FB5] =	sst s0;
	s0 =	simm.s32 @!p1 $0x0  }
0x14: {  	s2 =	sld [smem:$0x3F99];
	s0 =	simm.s32 @p1 $0x1  }
0x15: {  	[smem:$0x3FB6] =	sst s0;
	s0 =	simm.s32 @!p2 $0x0  }
0x16: {  	s3 =	sld [smem:$0x3FDB];
	s0 =	simm.s32 @p2 $0x1  }
0x17: {  	s4 =	simm.s32 $0x1BF5;
	[smem:$0x3FB8] =	sst s0  }
0x18: {  	s0 =	sld [smem:$0x3F9B];
	_ =	swait.ge [sflag:s4], $0x0  }
0x19: {  	s7 =	sld [smem:$0x3F9C]  }
0x1a: {  	s8 =	sadd.s32 $0xFFFFE003, lr  }
0x1b: {  	s9 =	sadd.s32 $0xFFFFFEF7, lr;
	s5 =	simm.s32 $0xFFFFFFFF;
	p2 =	slt.u32 s8, $0xFFFFF086  }
0x1c: {  	p1 =	slt.u32 s9, $0xF7A;
	s5 =	simm.s32 @!p2 $0x0  }
0x1d: {  	s5 =	simm.s32 @p1 $0x1;
	p0 =	seq.s32 s7, s2  }
0x1e: {  	s7 =	smul.u32 @!p0 $0xF7A, s2;
	p2 =	seq.s32 @!p0 s5, $0x0  }
0x1f: {  	s9 =	smul.u32 $0xF7A, s1;
	s8 =	simm.s32 @!p0 $0x1BF5;
	p2 =	por !p2, p0  }
0x20: {  	[sflag:s8] =	ssyncset.s32 @!p0 $0xFFFFF086;
	s6 =	sadd.s32 @!p0 s3, s7;
	s7 =	simm.s32 @!p0 $0x108  }
0x21: {  	s3 =	sadd.s32 s3, s9;
	s6 =	sadd.s32 @!p0 $0x88, s6;
	s7 =	simm.s32 @p2 $0x1082  }
0x22: {  	[simem:s7], [sflag:s8] =	dma.local @!p0 [hbm:s6], $0xF7A  }
0x23: {  	s9 =	sor.u32 $0xD0000000, s2;
	s6 =	simm.s32 $0x108;
	_ =	swait.ge @!p0 [sflag:s8], $0x0  }
0x24: {  	s3 =	sadd.s32 $0x88, s3;
	s6 =	simm.s32 @!p1 $0x1082;
	[sflag:s4] =	ssyncset.s32 $0xFFFFF086  }
0x25: {  	[simem:s6], [sflag:s4] =	dma.local [hbm:s3], $0xF7A  }
0x26: {  	[smem:$0x3F9C] =	sst s1;
	(tag) =	ssettag s2;
	_ =	strace s9  }
0x27: {  	s1 =	sld [smem:$0x3FAC]  }
0x28: {  	s2 =	sld [smem:$0x3FAD]  }
0x29: {  	s4 =	sld [smem:$0x3FAF]  }
0x2a: {  	p0 =	seq.s32 s5, $0x0;
	s5 =	sld [smem:$0x3FB0]  }
0x2b: {  	s6 =	sld [smem:$0x3FB1]  }
0x2c: {  	s7 =	sld [smem:$0x3FB2]  }
0x2d: {  	s3 =	simm.s32 $0x108;
	s8 =	sld [smem:$0x3FB3]  }
0x2e: {  	s3 =	simm.s32 @!p0 $0x1082;
	s9 =	sld [smem:$0x3FB4]  }
0x2f: {  	lr =	sadd.s32 s0, s3;
	s0 =	sld [smem:$0x3FAB]  }
0x30: {  	s3 =	sld [smem:$0x3FAE]  }
0x31: {  	[smem:$0x3FB7] =	sst s10  }
0x32: {  	s10 =	sld [smem:$0x3FB5];
	_ =	sdelay $0x3  }
0x33: {  	p0 =	seq.s32 s10, $0x1;
	s10 =	sld [smem:$0x3FB7];
	_ =	sdelay $0x3  }
0x34: {  	[smem:$0x3FB7] =	sst s10  }
0x35: {  	s10 =	sld [smem:$0x3FB6];
	_ =	sdelay $0x3  }
0x36: {  	p1 =	seq.s32 s10, $0x1;
	s10 =	sld [smem:$0x3FB7];
	_ =	sdelay $0x3  }
0x37: {  	[smem:$0x3FB7] =	sst s10  }
0x38: {  	s10 =	sld [smem:$0x3FB8]  }
0x39: {  	_ = 	snop;
	(pc) =	sbr.ind lr, $3  }
0x3a: {  	_ = 	snop  }
0x3b: {  	_ = 	snop  }
0x3c: {  	p2 =	seq.s32 s10, $0x1;
	s10 =	sld [smem:$0x3FB7]  }
0x3d: {  	_ =	shalt  }
0x3e: {  	_ =	shalt  }
0x3f: {  	_ =	shalt  }
0x40: {  	_ =	shalt  }
0x41: {  	_ =	shalt  }
0x42: {  	_ =	shalt  }
0x43: {  	_ =	shalt  }
0x44: {  	_ =	shalt  }
0x45: {  	_ =	shalt  }
0x46: {  	_ =	shalt  }
0x47: {  	_ =	shalt  }
0x48: {  	_ =	shalt  }
0x49: {  	_ =	shalt  }
0x4a: {  	_ =	shalt  }
0x4b: {  	_ =	shalt  }
0x4c: {  	_ =	shalt  }
0x4d: {  	_ =	shalt  }
0x4e: {  	_ =	shalt  }
0x4f: {  	_ =	shalt  }
0x50: {  	_ =	shalt  }
0x51: {  	_ =	shalt  }
0x52: {  	_ =	shalt  }
0x53: {  	_ =	shalt  }
0x54: {  	_ =	shalt  }
0x55: {  	_ =	shalt  }
0x56: {  	_ =	shalt  }
0x57: {  	_ =	shalt  }
0x58: {  	_ =	shalt  }
0x59: {  	_ =	shalt  }
0x5a: {  	_ =	shalt  }
0x5b: {  	_ =	shalt  }
0x5c: {  	_ =	shalt  }
0x5d: {  	_ =	shalt  }
0x5e: {  	_ =	shalt  }
0x5f: {  	_ =	shalt  }
0x60: {  	_ =	shalt  }
0x61: {  	_ =	shalt  }
0x62: {  	_ =	shalt  }
0x63: {  	_ =	shalt  }
0x64: {  	_ =	shalt  }
0x65: {  	_ =	shalt  }
0x66: {  	_ =	shalt  }
0x67: {  	_ =	shalt  }
0x68: {  	_ =	shalt  }
0x69: {  	_ =	shalt  }
0x6a: {  	_ =	shalt  }
0x6b: {  	_ =	shalt  }
0x6c: {  	_ =	shalt  }
0x6d: {  	_ =	shalt  }
0x6e: {  	_ =	shalt  }
0x6f: {  	_ =	shalt  }
0x70: {  	_ =	shalt  }
0x71: {  	_ =	shalt  }
0x72: {  	_ =	shalt  }
0x73: {  	_ =	shalt  }
0x74: {  	_ =	shalt  }
0x75: {  	_ =	shalt  }
0x76: {  	_ =	shalt  }
0x77: {  	_ =	shalt  }
0x78: {  	_ =	shalt  }
0x79: {  	_ =	shalt  }
0x7a: {  	_ =	shalt  }
0x7b: {  	_ =	shalt  }
0x7c: {  	_ =	shalt  }
0x7d: {  	_ =	shalt  }
0x7e: {  	_ =	shalt  }
0x7f: {  	_ =	shalt  }
0x80: {  	_ =	shalt  }
0x81: {  	_ =	shalt  }
0x82: {  	_ =	shalt  }
0x83: {  	_ =	shalt  }
0x84: {  	_ =	shalt  }
0x85: {  	_ =	shalt  }
0x86: {  	_ =	shalt  }
0x87: {  	_ =	shalt  }
.Lfunc_end0:
.L_simem_size_0:
called_computation_lowered:
.L_overlay_start_0:
0x88: {  	s2 =	sld [smem:$0x3FD9]  }
0x89: {  	s3 =	sld [smem:$0x3FFE];
	_ =	sdelay $0x1  }
0x8a: {  	s1 =	srdreg.scid  }
0x8b: {  	s0 =	sand.u32 $0x1, s1  }
0x8c: {  	s14 =	sshll.u32 s0, $0xA;
	s2 =	sadd.s32 s3, s2  }
0x8d: {  	s2 =	sadd.s32 s2, s14  }
0x8e: {  	[smem:$0x3FC3] =	sst s2  }
0x8f: {  	_ = 	snop  }
0x90: {  	s2 =	sld [smem:$0x3FD0];
	_ =	sdelay $0x2  }
0x91: {  	s15 =	simm.s32 $0xA;
	s4 =	simm.s32 $0x10  }
0x92: {  	[smem:s4], [sflag:s15] =	dma.local [hbm:s2], $0x1  }
0x93: {  	_ =	swait.eq [sflag:s15], $0x1  }
0x94: {  	[sflag:s15] =	ssyncset.done $0x0  }
0x95: {  	[sflag:s15] =	ssyncadd.s32 $0xFFFFFFFF  }
0x96: {  	s16 =	sld [smem:$0x11];
	(tm) =	ssettm $0x1  }
0x97: {  	s17 =	sld [smem:$0x3FFB];
	_ =	sdelay $0x3  }
0x98: {  	_ =	strace s17  }
0x99: {  	s3 =	sld [smem:$0x3FFC];
	_ =	sdelay $0x3  }
0x9a: {  	_ =	strace s3  }
0x9b: {  	s3 =	sld [smem:$0x3FFD];
	_ =	sdelay $0x3  }
0x9c: {  	_ =	strace s3  }
0x9d: {  	_ =	strace $0x8FFFFFFF  }
0x9e: {  	s18 =	sld [smem:$0x3FDB];
	_ =	sdelay $0x1  }
0x9f: {  	s19 =	simm.s32 $_scs_section_size  }
0xa0: {  	s5 =	simm.s32 $_size__tile_overlayer_lowered;
	s6 =	simm.s32 $_tile_overlayer_lowered  }
0xa1: {  	s22 =	simm.s32 $0x1BFF;
	s21 =	sshll.u32 s6, $0x1;
	s3 =	sadd.s32 s19, s18  }
0xa2: {  	s7 =	simm.s32 $0x0;
	s20 =	sshll.u32 s5, $0x1;
	s5 =	sadd.s32 s21, s3  }
0xa3: {  	[timem:s7], [sflag:s22] =	dma.local [hbm:s5], s20  }
0xa4: {  	_ =	swait.ge [sflag:s22], s20  }
0xa5: {  	s4 =	ssub.s32 $0x0, s20;
	[sflag:s22] =	ssyncset.done $0x0  }
0xa6: {  	[sflag:s22] =	ssyncadd.s32 s4;
	_ =	sdelay $0x1  }
0xa7: {  	s23 =	simm.s32 $0x1B8B  }
0xa8: {  	_ =	swait.ge [sflag:s23], $0x1  }
0xa9: {  	[sflag:s23] =	ssyncset.done $0x0  }
0xaa: {  	s25 =	simm.s32 $0x1B8E;
	s24 =	sld [smem:$0x3FFE];
	[sflag:s23] =	ssyncadd.s32 $0xFFFFFFFF  }
0xab: {  	s26 =	simm.s32 $execute0_lowered;
	[smem:$0x3FD2] =	sst s25  }
0xac: {  	s5 =	sshll.u32 s26, $0x1;
	_ =	strace $0x80000046;
	[dreg:$0x1] =	wrdreg $0xFFFFFFFF  }
0xad: {  	s28 =	simm.s32 $_size_execute0_lowered;
	s3 =	sadd.s32 s3, s5;
	[dreg:$0x0] =	wrdreg $0x0  }
0xae: {  	s5 =	sshll.u32 s28, $0x1;
	[dreg:$0x2] =	wrdreg s3  }
0xaf: {  	[dreg:$0x3] =	wrdreg s5  }
0xb0: {  	[dreg:$0x4] =	wrdreg $0xC0  }
0xb1: {  	_ =	task [dreg:s7], $0x5FFFF  }
0xb2: {  	[dreg:$0x1] =	wrdreg $0xFFFFFFFF  }
0xb3: {  	[dreg:$0x0] =	wrdreg $0x60  }
0xb4: {  	[dreg:$0x2] =	wrdreg s24  }
0xb5: {  	[dreg:$0x3] =	wrdreg s16  }
0xb6: {  	[dreg:$0x4] =	wrdreg $0x86000  }
0xb7: {  	[dreg:$0x5] =	wrdreg $0x9  }
0xb8: {  	_ =	task.clear_ibuf [dreg:s7], $0x6FFFF;
	_ =	strace $0x90000046  }
0xb9: {  	s29 =	simm.s32 $0x9;
	_ =	strace $0x80000048  }
0xba: {  	_ =	swait.ge [sflag:s29], $0x1  }
0xbb: {  	[sflag:s29] =	ssyncadd.s32 $0xFFFFFFFF  }
0xbc: {  	_ =	strace $0x90000048  }
0xbd: {  	_ =	sfence  }
0xbe: {  	s30 =	sld [smem:$0x0];
	_ =	sdelay $0x2  }
0xbf: {  	s31 =	sshll.u32 s1, $0xD;
	s1 =	sshrl.u32 s1, $0x2  }
0xc0: {  	s3 =	sand.u32 $0x4000, s31;
	s1 =	sadd.s32 s1, s30  }
0xc1: {  	s0 =	sor.u32 s3, s0;
	s1 =	sshll.u32 s1, $0x11  }
0xc2: {  	s0 =	sor.u32 s1, s0  }
0xc3: {  	s0 =	sadd.s32 $0x8F2B, s0  }
0xc4: {  	[sflag:s0] =	ssyncadd.remote.s32 $0x1  }
0xc5: {  	_ =	sfence.sel $0xFFFF  }
0xc6: {  	[dreg:$0x0] =	wrdreg $0xFFFFFFFF;
	(pc) =	sbr.abs _section_cstart, $3  }
0xc7: {  	[dreg:$0x1] =	wrdreg $0xFFFFFFFF  }
0xc8: {  	_ =	task.clear_ibuf [dreg:s7], $0x2FFFF;
	_ =	strace $0x9FFFFFFF  }
0xc9: {  	(tm) =	ssettm $0x7FFFFFFF  }
tec
execute0_lowered:
.L_overlay_start_1:
0x0: {  	(tag) =	ssettag $0x1  }
0x1: {  	s1 =	rddreg [dreg:$0x0]  }
0x2: {  	s4 =	rddreg [dreg:$0x2]  }
0x3: {  	s13 =	simm.s32 $0x0;
	s9 =	stileid.u32;
	s0 =	srdreg.scid  }
0x4: {  	s15 =	simm.s32 $0x2440;
	s16 =	simm.s32 $0x9;
	s28 =	simm.s32 $0x80  }
0x5: {  	s29 =	simm.s32 $0x280;
	s31 =	simm.s32 $0x400;
	s11 =	simm.s32 $0x800  }
0x6: {  	s12 =	simm.s32 $0x1000;
	s17 =	simm.s32 $0x6;
	s30 =	simm.s32 $0x4  }
0x7: {  	v0 =	vlaneseq.u32;
	[smem:$0x7FF] =	sst s13;
	s0 =	sand.u32 $0x1, s0;
	s3 =	smul.u32 $0xC38, s9  }
0x8: {  	s2 =	sshll.u32 s9, $0x1;
	s6 =	sadd.s32 $0x31000, s1;
	s9 =	smul.u32 $0x18700, s9;
	v0 =	vmul.u32 $0x8, v0  }
0x9: {  	s2 =	sor.u32 s0, s2;
	s8 =	ssub.s32 $0x2, s0;
	s0 =	smul.u32 $0xC380, s0  }
0xa: {  	s7 =	sadd.s32 $0x62000, s1;
	_ =	strace $0x80000047;
	s5 =	smul.u32 $0xC400, s2;
	v2 =	vor.u32 $0x3, v0  }
0xb: {  	s2 =	sshll.u32 s2, $0x1;
	s3 =	sadd.s32 s3, s1;
	s9 =	sshrl.u32 s9, $0x2;
	[tilespmem:$0x1FF00] =	vst v2;
	v2 =	vor.u32 $0x4, v0  }
0xc: {  	s10 =	sshrl.u32 s8, $0x1;
	s2 =	sadd.s32 s2, s1;
	s14 =	sadd.s32 s9, s4;
	[tilespmem:$0x1FF10] =	vst v2;
	v2 =	vor.u32 $0x5, v0  }
0xd: {  	s8 =	ssub.s32 s8, s10;
	s22 =	sor.u32 $0x100, s5;
	[dreg:$0x4] =	wrdreg s14;
	[tilespmem:$0x1FF20] =	vst v2;
	v2 =	vor.u32 $0x6, v0  }
0xe: {  	s0 =	sadd.s32 s0, s3;
	s23 =	sor.u32 $0x180, s5;
	[dreg:$0x9] =	wrdreg s22;
	[tilespmem:$0x1FF30] =	vst v2;
	v2 =	vor.u32 $0x7, v0  }
0xf: {  	v18 =	vor.u32 $0x184, v0;
	v19 =	vor.u32 $0x185, v0;
	s3 =	simm.s32 $0x100;
	s24 =	sor.u32 $0x200, s5;
	[dreg:$0xa] =	wrdreg s23;
	[tilespmem:$0x1FF40] =	vst v2;
	v2 =	vor.u32 $0x83, v0  }
0x10: {  	v20 =	vor.u32 $0x186, v0;
	v21 =	vor.u32 $0x187, v0;
	s18 =	sshrl.u32 s5, $0x3;
	s5 =	sor.u32 $0x280, s5;
	[dreg:$0xb] =	wrdreg s24;
	[tilespmem:$0x1FF50] =	vst v2;
	v2 =	vor.u32 $0x84, v0  }
0x11: {  	v22 =	vor.u32 $0x203, v0;
	v23 =	vor.u32 $0x204, v0;
	s0 =	sadd.s32 $0x6E600, s0;
	s25 =	sadd.s32 $0x6E400, s2;
	[dreg:$0xc] =	wrdreg s5;
	[tilespmem:$0x1FF60] =	vst v2;
	v2 =	vor.u32 $0x85, v0  }
0x12: {  	v24 =	vor.u32 $0x205, v0;
	v25 =	vor.u32 $0x206, v0;
	s26 =	smax.u32 s8, $0x1;
	s2 =	simm.s32 $0x5;
	[dreg:$0xd] =	wrdreg s0;
	[tilespmem:$0x1FF70] =	vst v2;
	v2 =	vor.u32 $0x86, v0  }
0x13: {  	v26 =	vor.u32 $0x207, v0;
	v27 =	vor.u32 $0x283, v0;
	s8 =	simm.s32 $0x3;
	s19 =	sadd.s32 s6, s18;
	[dreg:$0xe] =	wrdreg s25;
	[tilespmem:$0x1FF80] =	vst v2;
	v2 =	vor.u32 $0x87, v0  }
0x14: {  	v28 =	vor.u32 $0x284, v0;
	v29 =	vor.u32 $0x285, v0;
	s20 =	sor.u32 $0x10, s18;
	s10 =	sadd.s32 s1, s18;
	[dreg:$0xf] =	wrdreg s26;
	[tilespmem:$0x1FF90] =	vst v2;
	v2 =	vor.u32 $0x103, v0  }
0x15: {  	v1 =	vimm.f32 $0.0e+00;
	v30 =	vor.u32 $0x286, v0;
	s22 =	simm.s32 $0x1800;
	s23 =	simm.s32 $0x2000;
	s0 =	simm.s32 $0xC00;
	[tilespmem:$0x1FFA0] =	vst v2;
	v2 =	vor.u32 $0x104, v0  }
0x16: {  	v31 =	vor.u32 $0x287, v0;
	v32 =	vor.u32 $0x303, v0;
	s18 =	simm.s32 $0x180;
	s24 =	simm.s32 $0x7;
	[dreg:$0x5] =	wrdreg s19;
	[tilespmem:$0x1FFB0] =	vst v2;
	v2 =	vor.u32 $0x105, v0  }
0x17: {  	v33 =	vor.u32 $0x304, v0;
	v34 =	vor.u32 $0x305, v0;
	s25 =	simm.s32 $0x8;
	s26 =	simm.s32 $0x0;
	[dreg:$0x6] =	wrdreg s10;
	[tilespmem:$0x1FFC0] =	vst v2;
	v2 =	vor.u32 $0x106, v0  }
0x18: {  	v35 =	vor.u32 $0x306, v0;
	v36 =	vor.u32 $0x307, v0;
	s21 =	sadd.s32 s6, s20;
	s9 =	sadd.s32 s1, s20;
	s20 =	simm.s32 $0x1400;
	[tilespmem:$0x1FFD0] =	vst v2;
	v2 =	vor.u32 $0x107, v0  }
0x19: {  	v37 =	vor.u32 $0x383, v0;
	v38 =	vor.u32 $0x384, v0;
	s10 =	simm.s32 $0x2;
	s19 =	simm.s32 $0x380;
	[dreg:$0x7] =	wrdreg s21;
	[tilespmem:$0x1FFE0] =	vst v2;
	v2 =	vor.u32 $0x183, v0  }
0x1a: {  	v39 =	vor.u32 $0x385, v0;
	v40 =	vor.u32 $0x386, v0;
	v41 =	vor.u32 $0x387, v0;
	[dreg:$0x8] =	wrdreg s9;
	s21 =	simm.s32 $0x1C00;
	s9 =	simm.s32 $0x300;
	[tilespmem:$0x1FFF0] =	vst v2  }
.LBB2_1:
0x1b: {  	v2 =	vld [tilespmem:$0x1FF00];
	_ =	sdelay $0x1  }
0x1c: {  	v3 =	vld [tilespmem:$0x1FF10];
	_ =	sdelay $0x1  }
0x1d: {  	[tilespmem:$0x2400] =	vst v1;
	v4 =	vld [tilespmem:$0x1FF20]  }
0x1e: {  	[tilespmem:$0x2410] =	vst v1  }
0x1f: {  	[tilespmem:$0x2420] =	vst v1;
	v5 =	vld [tilespmem:$0x1FF30]  }
0x20: {  	[tilespmem:$0x2430] =	vst v1  }
0x21: {  	v6 =	vld [tilespmem:$0x1FF40];
	[tilespmem:v2+s20+$0x0] =	vst.idx.msk $0xffff, v1  }
0x22: {  	[tilespmem:v2+s21+$0x0] =	vst.idx.msk $0xffff, v1  }
0x23: {  	v7 =	vld [tilespmem:$0x1FF50];
	[tilespmem:v3+s20+$0x0] =	vst.idx.msk $0xffff, v1  }
0x24: {  	[tilespmem:v3+s21+$0x0] =	vst.idx.msk $0xffff, v1  }
0x25: {  	v8 =	vld [tilespmem:$0x1FF60];
	[tilespmem:v4+s20+$0x0] =	vst.idx.msk $0xffff, v1  }
0x26: {  	[tilespmem:v4+s21+$0x0] =	vst.idx.msk $0xffff, v1  }
0x27: {  	v9 =	vld [tilespmem:$0x1FF70];
	[tilespmem:v5+s20+$0x0] =	vst.idx.msk $0xffff, v1  }
0x28: {  	[tilespmem:v5+s21+$0x0] =	vst.idx.msk $0xffff, v1  }
0x29: {  	v10 =	vld [tilespmem:$0x1FF80];
	[tilespmem:v6+s20+$0x0] =	vst.idx.msk $0xffff, v1  }
0x2a: {  	[tilespmem:v6+s21+$0x0] =	vst.idx.msk $0xffff, v1  }
0x2b: {  	v11 =	vld [tilespmem:$0x1FF90];
	[tilespmem:v7+s20+$0x0] =	vst.idx.msk $0xffff, v1  }
0x2c: {  	[tilespmem:v7+s21+$0x0] =	vst.idx.msk $0xffff, v1  }
0x2d: {  	v12 =	vld [tilespmem:$0x1FFA0];
	[tilespmem:v8+s20+$0x0] =	vst.idx.msk $0xffff, v1  }
0x2e: {  	[tilespmem:v8+s21+$0x0] =	vst.idx.msk $0xffff, v1  }
0x2f: {  	v13 =	vld [tilespmem:$0x1FFB0];
	[tilespmem:v9+s20+$0x0] =	vst.idx.msk $0xffff, v1  }
0x30: {  	[tilespmem:v9+s21+$0x0] =	vst.idx.msk $0xffff, v1  }
0x31: {  	v14 =	vld [tilespmem:$0x1FFC0];
	[tilespmem:v10+s20+$0x0] =	vst.idx.msk $0xffff, v1  }
0x32: {  	[tilespmem:v10+s21+$0x0] =	vst.idx.msk $0xffff, v1  }
0x33: {  	v15 =	vld [tilespmem:$0x1FFD0];
	[tilespmem:v11+s20+$0x0] =	vst.idx.msk $0xffff, v1  }
0x34: {  	[tilespmem:v11+s21+$0x0] =	vst.idx.msk $0xffff, v1  }
0x35: {  	v16 =	vld [tilespmem:$0x1FFE0];
	[tilespmem:v12+s20+$0x0] =	vst.idx.msk $0xffff, v1  }
0x36: {  	[tilespmem:v12+s21+$0x0] =	vst.idx.msk $0xffff, v1  }
0x37: {  	v17 =	vld [tilespmem:$0x1FFF0];
	[tilespmem:v13+s20+$0x0] =	vst.idx.msk $0xffff, v1  }
0x38: {  	[tilespmem:v13+s21+$0x0] =	vst.idx.msk $0xffff, v1  }
0x39: {  	[tilespmem:v14+s20+$0x0] =	vst.idx.msk $0xffff, v1  }
0x3a: {  	[tilespmem:v14+s21+$0x0] =	vst.idx.msk $0xffff, v1  }
0x3b: {  	[tilespmem:v15+s20+$0x0] =	vst.idx.msk $0xffff, v1  }
0x3c: {  	[tilespmem:v15+s21+$0x0] =	vst.idx.msk $0xffff, v1  }
0x3d: {  	[tilespmem:v16+s20+$0x0] =	vst.idx.msk $0xffff, v1  }
0x3e: {  	[tilespmem:v16+s21+$0x0] =	vst.idx.msk $0xffff, v1  }
0x3f: {  	[tilespmem:v17+s20+$0x0] =	vst.idx.msk $0xffff, v1  }
0x40: {  	[tilespmem:v17+s21+$0x0] =	vst.idx.msk $0xffff, v1  }
0x41: {  	[tilespmem:v18+s20+$0x0] =	vst.idx.msk $0xffff, v1  }
0x42: {  	[tilespmem:v18+s21+$0x0] =	vst.idx.msk $0xffff, v1  }
0x43: {  	[tilespmem:v19+s20+$0x0] =	vst.idx.msk $0xffff, v1  }
0x44: {  	[tilespmem:v19+s21+$0x0] =	vst.idx.msk $0xffff, v1  }
0x45: {  	[tilespmem:v20+s20+$0x0] =	vst.idx.msk $0xffff, v1  }
0x46: {  	[tilespmem:v20+s21+$0x0] =	vst.idx.msk $0xffff, v1  }
0x47: {  	[tilespmem:v21+s20+$0x0] =	vst.idx.msk $0xffff, v1  }
0x48: {  	[tilespmem:v21+s21+$0x0] =	vst.idx.msk $0xffff, v1  }
0x49: {  	[tilespmem:v22+s20+$0x0] =	vst.idx.msk $0xffff, v1  }
0x4a: {  	[tilespmem:v22+s21+$0x0] =	vst.idx.msk $0xffff, v1  }
0x4b: {  	[tilespmem:v23+s20+$0x0] =	vst.idx.msk $0xffff, v1  }
0x4c: {  	[tilespmem:v23+s21+$0x0] =	vst.idx.msk $0xffff, v1  }
0x4d: {  	[tilespmem:v24+s20+$0x0] =	vst.idx.msk $0xffff, v1  }
0x4e: {  	[tilespmem:v24+s21+$0x0] =	vst.idx.msk $0xffff, v1  }
0x4f: {  	[tilespmem:v25+s20+$0x0] =	vst.idx.msk $0xffff, v1  }
0x50: {  	[tilespmem:v25+s21+$0x0] =	vst.idx.msk $0xffff, v1  }
0x51: {  	[tilespmem:v26+s20+$0x0] =	vst.idx.msk $0xffff, v1  }
0x52: {  	[tilespmem:v26+s21+$0x0] =	vst.idx.msk $0xffff, v1  }
0x53: {  	[tilespmem:v27+s20+$0x0] =	vst.idx.msk $0xffff, v1  }
0x54: {  	[tilespmem:v27+s21+$0x0] =	vst.idx.msk $0xffff, v1  }
0x55: {  	[tilespmem:v28+s20+$0x0] =	vst.idx.msk $0xffff, v1  }
0x56: {  	[tilespmem:v28+s21+$0x0] =	vst.idx.msk $0xffff, v1  }
0x57: {  	[tilespmem:v29+s20+$0x0] =	vst.idx.msk $0xffff, v1  }
0x58: {  	[tilespmem:v29+s21+$0x0] =	vst.idx.msk $0xffff, v1  }
0x59: {  	[tilespmem:v30+s20+$0x0] =	vst.idx.msk $0xffff, v1  }
0x5a: {  	[tilespmem:v30+s21+$0x0] =	vst.idx.msk $0xffff, v1  }
0x5b: {  	[tilespmem:v31+s20+$0x0] =	vst.idx.msk $0xffff, v1  }
0x5c: {  	[tilespmem:v31+s21+$0x0] =	vst.idx.msk $0xffff, v1  }
0x5d: {  	[tilespmem:v32+s20+$0x0] =	vst.idx.msk $0xffff, v1  }
0x5e: {  	[tilespmem:v32+s21+$0x0] =	vst.idx.msk $0xffff, v1  }
0x5f: {  	[tilespmem:v33+s20+$0x0] =	vst.idx.msk $0xffff, v1  }
0x60: {  	[tilespmem:v33+s21+$0x0] =	vst.idx.msk $0xffff, v1  }
0x61: {  	[tilespmem:v34+s20+$0x0] =	vst.idx.msk $0xffff, v1  }
0x62: {  	[tilespmem:v34+s21+$0x0] =	vst.idx.msk $0xffff, v1  }
0x63: {  	[tilespmem:v35+s20+$0x0] =	vst.idx.msk $0xffff, v1  }
0x64: {  	[tilespmem:v35+s21+$0x0] =	vst.idx.msk $0xffff, v1  }
0x65: {  	[tilespmem:v36+s20+$0x0] =	vst.idx.msk $0xffff, v1  }
0x66: {  	[tilespmem:v36+s21+$0x0] =	vst.idx.msk $0xffff, v1  }
0x67: {  	[tilespmem:v37+s20+$0x0] =	vst.idx.msk $0xffff, v1  }
0x68: {  	[tilespmem:v37+s21+$0x0] =	vst.idx.msk $0xffff, v1  }
0x69: {  	[tilespmem:v38+s20+$0x0] =	vst.idx.msk $0xffff, v1  }
0x6a: {  	[tilespmem:v38+s21+$0x0] =	vst.idx.msk $0xffff, v1  }
0x6b: {  	[tilespmem:v39+s20+$0x0] =	vst.idx.msk $0xffff, v1  }
0x6c: {  	[tilespmem:v39+s21+$0x0] =	vst.idx.msk $0xffff, v1  }
0x6d: {  	[tilespmem:v40+s20+$0x0] =	vst.idx.msk $0xffff, v1  }
0x6e: {  	[tilespmem:v40+s21+$0x0] =	vst.idx.msk $0xffff, v1  }
0x6f: {  	[tilespmem:v41+s20+$0x0] =	vst.idx.msk $0xffff, v1  }
0x70: {  	[tilespmem:v41+s21+$0x0] =	vst.idx.msk $0xffff, v1  }
0x71: {  	[tilespmem:v2+s22+$0x0] =	vst.idx.msk $0xffff, v1  }
0x72: {  	[tilespmem:v2+s23+$0x0] =	vst.idx.msk $0xffff, v1  }
0x73: {  	[tilespmem:v3+s22+$0x0] =	vst.idx.msk $0xffff, v1  }
0x74: {  	[tilespmem:v3+s23+$0x0] =	vst.idx.msk $0xffff, v1  }
0x75: {  	[tilespmem:v4+s22+$0x0] =	vst.idx.msk $0xffff, v1  }
0x76: {  	[tilespmem:v4+s23+$0x0] =	vst.idx.msk $0xffff, v1  }
0x77: {  	[tilespmem:v5+s22+$0x0] =	vst.idx.msk $0xffff, v1  }
0x78: {  	[tilespmem:v5+s23+$0x0] =	vst.idx.msk $0xffff, v1  }
0x79: {  	[tilespmem:v6+s22+$0x0] =	vst.idx.msk $0xffff, v1  }
0x7a: {  	[tilespmem:v6+s23+$0x0] =	vst.idx.msk $0xffff, v1  }
0x7b: {  	[tilespmem:v7+s22+$0x0] =	vst.idx.msk $0xffff, v1  }
0x7c: {  	[tilespmem:v7+s23+$0x0] =	vst.idx.msk $0xffff, v1  }
0x7d: {  	[tilespmem:v8+s22+$0x0] =	vst.idx.msk $0xffff, v1  }
0x7e: {  	[tilespmem:v8+s23+$0x0] =	vst.idx.msk $0xffff, v1  }
0x7f: {  	[tilespmem:v9+s22+$0x0] =	vst.idx.msk $0xffff, v1  }
0x80: {  	[tilespmem:v9+s23+$0x0] =	vst.idx.msk $0xffff, v1  }
0x81: {  	[tilespmem:v10+s22+$0x0] =	vst.idx.msk $0xffff, v1  }
0x82: {  	[tilespmem:v10+s23+$0x0] =	vst.idx.msk $0xffff, v1  }
0x83: {  	[tilespmem:v11+s22+$0x0] =	vst.idx.msk $0xffff, v1  }
0x84: {  	[tilespmem:v11+s23+$0x0] =	vst.idx.msk $0xffff, v1  }
0x85: {  	[tilespmem:v12+s22+$0x0] =	vst.idx.msk $0xffff, v1  }
0x86: {  	[tilespmem:v12+s23+$0x0] =	vst.idx.msk $0xffff, v1  }
0x87: {  	[tilespmem:v13+s22+$0x0] =	vst.idx.msk $0xffff, v1  }
0x88: {  	[tilespmem:v13+s23+$0x0] =	vst.idx.msk $0xffff, v1  }
0x89: {  	[tilespmem:v14+s22+$0x0] =	vst.idx.msk $0xffff, v1  }
0x8a: {  	[tilespmem:v14+s23+$0x0] =	vst.idx.msk $0xffff, v1  }
0x8b: {  	[tilespmem:v15+s22+$0x0] =	vst.idx.msk $0xffff, v1  }
0x8c: {  	[tilespmem:v15+s23+$0x0] =	vst.idx.msk $0xffff, v1  }
0x8d: {  	[tilespmem:v16+s22+$0x0] =	vst.idx.msk $0xffff, v1  }
0x8e: {  	[tilespmem:v16+s23+$0x0] =	vst.idx.msk $0xffff, v1  }
0x8f: {  	[tilespmem:v17+s22+$0x0] =	vst.idx.msk $0xffff, v1  }
0x90: {  	[tilespmem:v17+s23+$0x0] =	vst.idx.msk $0xffff, v1  }
0x91: {  	[tilespmem:v18+s22+$0x0] =	vst.idx.msk $0xffff, v1  }
0x92: {  	[tilespmem:v18+s23+$0x0] =	vst.idx.msk $0xffff, v1  }
0x93: {  	[tilespmem:v19+s22+$0x0] =	vst.idx.msk $0xffff, v1  }
0x94: {  	[tilespmem:v19+s23+$0x0] =	vst.idx.msk $0xffff, v1  }
0x95: {  	[tilespmem:v20+s22+$0x0] =	vst.idx.msk $0xffff, v1  }
0x96: {  	[tilespmem:v20+s23+$0x0] =	vst.idx.msk $0xffff, v1  }
0x97: {  	[tilespmem:v21+s22+$0x0] =	vst.idx.msk $0xffff, v1  }
0x98: {  	[tilespmem:v21+s23+$0x0] =	vst.idx.msk $0xffff, v1  }
0x99: {  	[tilespmem:v22+s22+$0x0] =	vst.idx.msk $0xffff, v1  }
0x9a: {  	[tilespmem:v22+s23+$0x0] =	vst.idx.msk $0xffff, v1  }
0x9b: {  	[tilespmem:v23+s22+$0x0] =	vst.idx.msk $0xffff, v1  }
0x9c: {  	[tilespmem:v23+s23+$0x0] =	vst.idx.msk $0xffff, v1  }
0x9d: {  	[tilespmem:v24+s22+$0x0] =	vst.idx.msk $0xffff, v1  }
0x9e: {  	[tilespmem:v24+s23+$0x0] =	vst.idx.msk $0xffff, v1  }
0x9f: {  	[tilespmem:v25+s22+$0x0] =	vst.idx.msk $0xffff, v1  }
0xa0: {  	[tilespmem:v25+s23+$0x0] =	vst.idx.msk $0xffff, v1  }
0xa1: {  	[tilespmem:v26+s22+$0x0] =	vst.idx.msk $0xffff, v1  }
0xa2: {  	[tilespmem:v26+s23+$0x0] =	vst.idx.msk $0xffff, v1  }
0xa3: {  	[tilespmem:v27+s22+$0x0] =	vst.idx.msk $0xffff, v1  }
0xa4: {  	[tilespmem:v27+s23+$0x0] =	vst.idx.msk $0xffff, v1  }
0xa5: {  	[tilespmem:v28+s22+$0x0] =	vst.idx.msk $0xffff, v1  }
0xa6: {  	[tilespmem:v28+s23+$0x0] =	vst.idx.msk $0xffff, v1  }
0xa7: {  	[tilespmem:v29+s22+$0x0] =	vst.idx.msk $0xffff, v1  }
0xa8: {  	[tilespmem:v29+s23+$0x0] =	vst.idx.msk $0xffff, v1  }
0xa9: {  	[tilespmem:v30+s22+$0x0] =	vst.idx.msk $0xffff, v1  }
0xaa: {  	[tilespmem:v30+s23+$0x0] =	vst.idx.msk $0xffff, v1  }
0xab: {  	[tilespmem:v31+s22+$0x0] =	vst.idx.msk $0xffff, v1  }
0xac: {  	[tilespmem:v31+s23+$0x0] =	vst.idx.msk $0xffff, v1  }
0xad: {  	[tilespmem:v32+s22+$0x0] =	vst.idx.msk $0xffff, v1  }
0xae: {  	[tilespmem:v32+s23+$0x0] =	vst.idx.msk $0xffff, v1  }
0xaf: {  	[tilespmem:v33+s22+$0x0] =	vst.idx.msk $0xffff, v1  }
0xb0: {  	[tilespmem:v33+s23+$0x0] =	vst.idx.msk $0xffff, v1  }
0xb1: {  	[tilespmem:v34+s22+$0x0] =	vst.idx.msk $0xffff, v1  }
0xb2: {  	[tilespmem:v34+s23+$0x0] =	vst.idx.msk $0xffff, v1  }
0xb3: {  	[tilespmem:v35+s22+$0x0] =	vst.idx.msk $0xffff, v1  }
0xb4: {  	[tilespmem:v35+s23+$0x0] =	vst.idx.msk $0xffff, v1  }
0xb5: {  	[tilespmem:v36+s22+$0x0] =	vst.idx.msk $0xffff, v1  }
0xb6: {  	[tilespmem:v36+s23+$0x0] =	vst.idx.msk $0xffff, v1  }
0xb7: {  	[tilespmem:v37+s22+$0x0] =	vst.idx.msk $0xffff, v1  }
0xb8: {  	[tilespmem:v37+s23+$0x0] =	vst.idx.msk $0xffff, v1  }
0xb9: {  	[tilespmem:v38+s22+$0x0] =	vst.idx.msk $0xffff, v1  }
0xba: {  	[tilespmem:v38+s23+$0x0] =	vst.idx.msk $0xffff, v1  }
0xbb: {  	[tilespmem:v39+s22+$0x0] =	vst.idx.msk $0xffff, v1  }
0xbc: {  	[tilespmem:v39+s23+$0x0] =	vst.idx.msk $0xffff, v1  }
0xbd: {  	[tilespmem:v40+s22+$0x0] =	vst.idx.msk $0xffff, v1  }
0xbe: {  	[tilespmem:v40+s23+$0x0] =	vst.idx.msk $0xffff, v1  }
0xbf: {  	[dreg:$0x10] =	wrdreg s26;
	[tilespmem:v41+s22+$0x0] =	vst.idx.msk $0xffff, v1  }
0xc0: {  	s5 =	rddreg [dreg:$0x1];
	[tilespmem:v41+s23+$0x0] =	vst.idx.msk $0xffff, v1  }
0xc1: {  	[tilespmem:s15], [sflag:$0x9] =	stream.linear.gather [hbm4b:s5+s13], $0x61C0, $0x38;
	[tilespmem:$0xE7C0] =	vst v63  }
0xc2: {  	_ =	swait.ge [sflag:s16], $0x61C0  }
0xc3: {  	[sflag:s16] =	ssyncset.done $0x0  }
0xc4: {  	[sflag:s16] =	ssyncadd.s32 $0xFFFF9E40  }
0xc5: {  	[spmem:s14] =	stream.linear.scatter [tilespmem:s15], [sflag:$0x9], $0x61C0, $0x38;
	[tilespmem:$0xE7C0] =	vst v63  }
0xc6: {  	_ =	swait.ge [sflag:s16], $0x61C0  }
0xc7: {  	[sflag:s16] =	ssyncset.done $0x0  }
0xc8: {  	[sflag:s16] =	ssyncadd.s32 $0xFFFF9E40  }
0xc9: {  	[bflag:$0x0] =	sbarrier.arrive $0xFFFF  }
0xca: {  	s16 =	rddreg [dreg:$0x5]  }
0xcb: {  	[tilespmem:s13], [sflag:$0x1] =	stream.linear.gather [hbm4b:s16+s13], $0x80, $0x38;
	[tilespmem:$0xE7C0] =	vst v63  }
0xcc: {  	s14 =	simm.s32 $0x200;
	s26 =	rddreg [dreg:$0x6]  }
0xcd: {  	[tilespmem:s14], [sflag:$0x1] =	stream.linear.gather [hbm4b:s26+s13], $0x80, $0x38;
	[tilespmem:$0xE7C0] =	vst v63  }
0xce: {  	s15 =	rddreg [dreg:$0x7]  }
0xcf: {  	[tilespmem:s28], [sflag:$0x2] =	stream.linear.gather [hbm4b:s15+s13], $0x80, $0x38;
	[tilespmem:$0xE7C0] =	vst v63  }
0xd0: {  	s16 =	rddreg [dreg:$0x8];
	s26 =	simm.s32 $0x1  }
0xd1: {  	[tilespmem:s29], [sflag:$0x2] =	stream.linear.gather [hbm4b:s16+s13], $0x80, $0x38;
	[tilespmem:$0xE7C0] =	vst v63  }
0xd2: {  	_ =	swait.ge [sflag:s26], $0x80  }
0xd3: {  	[sflag:s26] =	ssyncset.done $0x0  }
0xd4: {  	[sflag:s26] =	ssyncadd.s32 $0xFFFFFF80  }
0xd5: {  	_ =	swait.ge [sflag:s26], $0x80  }
0xd6: {  	[sflag:s26] =	ssyncset.done $0x0  }
0xd7: {  	[sflag:s26] =	ssyncadd.s32 $0xFFFFFF80  }
0xd8: {  	[tilespmem:s31], [sflag:$0x5] =	stream.indirect.gather [hbm4b:s7+s28], $0x8, s13, s28, $0xb8;
	[tilespmem:$0xE7C0] =	vst v63  }
0xd9: {  	s26 =	simm.s32 $0x0  }
0xda: {  	[tilespmem:s0], [sflag:$0x5] =	stream.indirect.gather [hbm4b:s7+s28], $0x8, s14, s28, $0xb8;
	[tilespmem:$0xE7C0] =	vst v63  }
.LBB2_2:
0xdb: {  	_ =	swait.ge [sflag:s2], $0x400  }
0xdc: {  	[sflag:s2] =	ssyncset.done $0x0  }
0xdd: {  	[sflag:s2] =	ssyncadd.s32 $0xFFFFFC00  }
0xde: {  	_ =	swait.ge [sflag:s2], $0x400  }
0xdf: {  	p0 =	seq.s32 s26, $0x0;
	[sflag:s2] =	ssyncset.done $0x0  }
0xe0: {  	s13 =	simm.s32 @!p0 $0x7;
	[sflag:s2] =	ssyncadd.s32 $0xFFFFFC00  }
0xe1: {  	_ =	swait.ge @!p0 [sflag:s13], $0x400  }
0xe2: {  	[sflag:s13] =	ssyncset.done @!p0 $0x0  }
0xe3: {  	[sflag:s13] =	ssyncadd.s32 @!p0 $0xFFFFFC00  }
0xe4: {  	_ =	swait.ge @!p0 [sflag:s13], $0x400  }
0xe5: {  	s5 =	sshll.u32 s26, $0x9;
	s14 =	rddreg [dreg:$0x9]  }
0xe6: {  	s14 =	sadd.s32 s5, s14  }
0xe7: {  	[sflag:s13] =	ssyncset.done @!p0 $0x0;
	s14 =	sshrl.u32 s14, $0x3  }
0xe8: {  	[sflag:s13] =	ssyncadd.s32 @!p0 $0xFFFFFC00;
	s13 =	simm.s32 $0x0;
	s15 =	sadd.s32 s6, s14  }
0xe9: {  	[tilespmem:s3], [sflag:$0x3] =	stream.linear.gather [hbm4b:s15+s13], $0x80, $0x38;
	[tilespmem:$0xE7C0] =	vst v63  }
0xea: {  	s14 =	sadd.s32 s1, s14  }
0xeb: {  	[tilespmem:s9], [sflag:$0x3] =	stream.linear.gather [hbm4b:s14+s13], $0x80, $0x38;
	[tilespmem:$0xE7C0] =	vst v63  }
0xec: {  	_ =	swait.ge [sflag:s10], $0x80  }
0xed: {  	[sflag:s10] =	ssyncset.done $0x0  }
0xee: {  	[sflag:s10] =	ssyncadd.s32 $0xFFFFFF80  }
0xef: {  	_ =	swait.ge [sflag:s10], $0x80  }
0xf0: {  	[sflag:s10] =	ssyncset.done $0x0  }
0xf1: {  	[sflag:s10] =	ssyncadd.s32 $0xFFFFFF80  }
0xf2: {  	[tilespmem:s11], [sflag:$0x6] =	stream.indirect.gather [hbm4b:s7+s28], $0x8, s28, s28, $0xb8;
	[tilespmem:$0xE7C0] =	vst v63  }
0xf3: {  	_ = 	snop  }
0xf4: {  	[tilespmem:s12], [sflag:$0x6] =	stream.indirect.gather [hbm4b:s7+s28], $0x8, s29, s28, $0xb8;
	[tilespmem:$0xE7C0] =	vst v63  }
0xf5: {  	v43 =	vld [tilespmem:$0x2400]  }
0xf6: {  	v44 =	vld [tilespmem:$0x2410]  }
0xf7: {  	v42 =	vld [tilespmem:$0x2420]  }
0xf8: {  	s15 =	simm.s32 $0x210;
	s14 =	simm.s32 $0x10;
	v45 =	vld [tilespmem:$0x2430]  }
.LBB2_3:
0xf9: {  	v2 =	vmov s13  }
0xfa: {  	v2 =	vshll.u32 v2, $0x3  }
0xfb: {  	v49 =	vor.u32 v0, v2;
	_ =	sdelay $0x1  }
0xfc: {  	v50 =	vor.u32 $0x1, v49;
	_ =	sdelay $0x1  }
0xfd: {  	v58 =	vor.u32 $0x2, v49  }
0xfe: {  	v2 =	vld.idx.msk [tilespmem:v49+s31+$0x0], $0xffff  }
0xff: {  	v3 =	vld.idx.msk [tilespmem:v49+s0+$0x0], $0xffff  }
0x100: {  	v46 =	vld.idx.msk [tilespmem:v50+s31+$0x0], $0xffff  }
0x101: {  	v47 =	vld.idx.msk [tilespmem:v50+s0+$0x0], $0xffff  }
0x102: {  	v48 =	vld.idx.msk [tilespmem:v58+s31+$0x0], $0xffff  }
0x103: {  	v51 =	vld.idx.msk [tilespmem:v58+s0+$0x0], $0xffff;
	_ =	sdelay $0x1  }
0x104: {  	v2 =	vsub.f32 v3, v2;
	_ =	sdelay $0x1  }
0x105: {  	v46 =	vsub.f32 v47, v46;
	v3 =	vshrl.u32 v2, $0x10  }
0x106: {  	v62 =	vsub.f32 v51, v48;
	v3 =	vand.u32 $0x1, v3  }
0x107: {  	v2 =	vadd.s32 v3, v2;
	v3 =	vshrl.u32 v46, $0x10  }
0x108: {  	v63 =	vshrl.u32 v62, $0x10;
	v2 =	vadd.s32 $0x7FFF, v2;
	v3 =	vand.u32 $0x1, v3  }
0x109: {  	v2 =	vand.u32 $0xFFFF0000, v2;
	v3 =	vadd.s32 v3, v46;
	v46 =	vand.u32 $0x1, v63  }
0x10a: {  	v2 =	vmul.f32 $1.250000000e-01, v2;
	v3 =	vadd.s32 $0x7FFF, v3;
	v46 =	vadd.s32 v46, v62  }
0x10b: {  	v3 =	vand.u32 $0xFFFF0000, v3;
	v46 =	vadd.s32 $0x7FFF, v46  }
0x10c: {  	vm0 =	vgt.f32 v2, $5.000000000e-01;
	v3 =	vmul.f32 $1.250000000e-01, v3;
	vm12 =	vlt.f32 v2, $-5.000000000e-01  }
0x10d: {  	v46 =	vand.u32 $0xFFFF0000, v46;
	v5 =	vsel vm0, $0x3F800000, v1;
	v6 =	vsel vm12, $0x3F800000, v1  }
0x10e: {  	v46 =	vmul.f32 $1.250000000e-01, v46;
	vm13 =	vgt.f32 v3, $5.000000000e-01;
	vm14 =	vlt.f32 v3, $-5.000000000e-01  }
0x10f: {  	v47 =	vsub.f32 v5, v6;
	v7 =	vsel vm13, $0x3F800000, v1;
	v8 =	vsel vm14, $0x3F800000, v1  }
0x110: {  	vm15 =	vgt.f32 v46, $5.000000000e-01;
	vm1 =	vlt.f32 v46, $-5.000000000e-01;
	v48 =	vsub.f32 v7, v8  }
0x111: {  	v9 =	vsel vm15, $0x3F800000, v1;
	v52 =	vsel vm1, $0x3F800000, v1;
	v2 =	vsub.f32 v2, v47  }
0x112: {  	v51 =	vsub.f32 v9, v52;
	v3 =	vsub.f32 v3, v48  }
0x113: {  	v47 =	vshrl.u32 v2, $0x10  }
0x114: {  	v46 =	vsub.f32 v46, v51;
	v47 =	vand.u32 $0x1, v47;
	v48 =	vshrl.u32 v3, $0x10  }
0x115: {  	v2 =	vadd.s32 v47, v2;
	v48 =	vand.u32 $0x1, v48  }
0x116: {  	v51 =	vshrl.u32 v46, $0x10;
	v2 =	vadd.s32 $0x7FFF, v2;
	v3 =	vadd.s32 v48, v3  }
0x117: {  	v10 =	vand.u32 $0x1, v51;
	v2 =	vand.u32 $0xFFFF0000, v2;
	v3 =	vadd.s32 $0x7FFF, v3  }
0x118: {  	v46 =	vadd.s32 v10, v46;
	v2 =	vmul.f32 $8.000000000e+00, v2;
	v3 =	vand.u32 $0xFFFF0000, v3  }
0x119: {  	v46 =	vadd.s32 $0x7FFF, v46;
	v3 =	vmul.f32 $8.000000000e+00, v3  }
0x11a: {  	v11 =	vor.u32 $0x7, v49;
	v46 =	vand.u32 $0xFFFF0000, v46;
	v12 =	vmul.f32 v2, v2  }
0x11b: {  	v48 =	vmul.f32 $8.000000000e+00, v46;
	v13 =	vmul.f32 v3, v3;
	_ =	sdelay $0x1  }
0x11c: {  	v14 =	vmul.f32 v48, v48;
	v46 =	vadd.f32 v13, v12;
	_ =	sdelay $0x1  }
0x11d: {  	v15 =	vld.idx.msk [tilespmem:v11+s31+$0x0], $0xffff;
	v46 =	vadd.f32 v14, v46  }
0x11e: {  	v47 =	vld.idx.msk [tilespmem:v11+s0+$0x0], $0xffff  }
0x11f: {  	v46 =	vadd.f32 $9.999999960e-13, v46;
	_ =	sdelay $0x1  }
0x120: {  	v56 =	vshrl.u32 v46, $0x1;
	v53 =	vmul.f32 $5.000000000e-01, v46  }
0x121: {  	v51 =	vsub.s32 $0x5F3759DF, v56  }
0x122: {  	v47 =	vmul.f32 v47, v15;
	v54 =	vmul.f32 v51, v53;
	_ =	sdelay $0x1  }
0x123: {  	v59 =	vshrl.u32 v47, $0x1;
	v47 =	vmul.f32 $5.000000000e-01, v47;
	v57 =	vmul.f32 v51, v54  }
0x124: {  	v54 =	vsub.s32 $0x5F3759DF, v59  }
0x125: {  	v55 =	vmul.f32 v54, v47;
	v52 =	vsub.f32 $1.500000000e+00, v57;
	_ =	sdelay $0x1  }
0x126: {  	v60 =	vmul.f32 v54, v55;
	v51 =	vmul.f32 v51, v52;
	_ =	sdelay $0x1  }
0x127: {  	v52 =	vsub.f32 $1.500000000e+00, v60;
	v61 =	vmul.f32 v51, v53;
	_ =	sdelay $0x1  }
0x128: {  	v52 =	vmul.f32 v54, v52;
	v55 =	vmul.f32 v61, v51;
	_ =	sdelay $0x1  }
0x129: {  	v63 =	vmul.f32 v52, v47;
	v62 =	vsub.f32 $1.500000000e+00, v55;
	_ =	sdelay $0x1  }
0x12a: {  	v4 =	vmul.f32 v63, v52;
	v51 =	vmul.f32 v62, v51;
	_ =	sdelay $0x1  }
0x12b: {  	v54 =	vsub.f32 $1.500000000e+00, v4;
	v53 =	vmul.f32 v51, v53;
	_ =	sdelay $0x1  }
0x12c: {  	v52 =	vmul.f32 v54, v52;
	v53 =	vmul.f32 v53, v51;
	_ =	sdelay $0x1  }
0x12d: {  	v47 =	vmul.f32 v52, v47;
	v53 =	vsub.f32 $1.500000000e+00, v53;
	_ =	sdelay $0x1  }
0x12e: {  	v47 =	vmul.f32 v47, v52;
	v51 =	vmul.f32 v53, v51;
	_ =	sdelay $0x1  }
0x12f: {  	v5 =	vmul.f32 $3.899999860e-01, v46;
	v47 =	vsub.f32 $1.500000000e+00, v47;
	v53 =	vmul.f32 v51, v46;
	_ =	sdelay $0x1  }
0x130: {  	v47 =	vmul.f32 v47, v52;
	v6 =	vmul.f32 v53, v5;
	_ =	sdelay $0x1  }
0x131: {  	v47 =	vmul.f32 v6, v47;
	_ =	sdelay $0x1  }
0x132: {  	v7 =	vor.u32 $0x4, v49;
	v52 =	vsub.f32 $0.0e+00, v47;
	_ =	sdelay $0x1  }
0x133: {  	v52 =	vmul.f32 $1.442695020e+00, v52;
	_ =	sdelay $0x1  }
0x134: {  	v57 =	vor.u32 $0x5, v49;
	(erf) = vpow2.f32 v52  }
0x135: {  	v56 =	vld.idx.msk [tilespmem:v7+s0+$0x0], $0xffff  }
0x136: {  	v59 =	vor.u32 $0x6, v49;
	v60 =	vld [tilespmem:s14+$0xFFFFFFF0]  }
0x137: {  	v61 =	vld [tilespmem:s15+$0xFFFFFFF0]  }
0x138: {  	v54 =	vld.idx.msk [tilespmem:v7+s31+$0x0], $0xffff  }
0x139: {  	v53 =	vld.idx.msk [tilespmem:v57+s31+$0x0], $0xffff  }
0x13a: {  	v55 =	vld.idx.msk [tilespmem:v57+s0+$0x0], $0xffff  }
0x13b: {  	vm4 =	vle.f32 v46, $1.000000000e+00;
	vm5 =	vgt.f32 v46, $9.999999930e-09;
	v52 =	vld.idx.msk [tilespmem:v59+s31+$0x0], $0xffff  }
0x13c: {  	vm0 =	vmand vm4, vm5;
	v12 =	vmul.f32 v2, v56;
	v8 =	vadd.f32 $1.000000000e+00, v47;
	v59 =	vld.idx.msk [tilespmem:v59+s0+$0x0], $0xffff  }
0x13d: {  	v62 =	vor.u32 $0x3, v49;
	v4 =	vmul.f32 v2, v54;
	v63 =	vmul.f32 v51, v51;
	v5 =	vpop (erf)  }
0x13e: {  	vm6 =	vne.s32 v60, v61;
	v9 =	vmul.f32 v3, v53;
	v46 =	vmul.f32 v5, v8  }
0x13f: {  	vm0 =	vmand vm6, vm0;
	v6 =	vmul.f32 v3, v55;
	v47 =	vmul.f32 v63, v51  }
0x140: {  	v4 =	vadd.f32 v9, v4;
	v10 =	vmul.f32 v48, v52;
	v11 =	vsub.f32 $1.000000000e+00, v46  }
0x141: {  	v6 =	vadd.f32 v6, v12;
	v15 =	vmul.f32 v48, v59;
	v13 =	vsub.f32 $1.000000000e+00, v5  }
0x142: {  	v61 =	vld.idx.msk [tilespmem:v62+s31+$0x0], $0xffff;
	v60 =	vadd.f32 v10, v4;
	v46 =	vsel vm0, $0x3F800000, v1;
	v14 =	vmul.f32 $3.000000000e+00, v11  }
0x143: {  	v4 =	vmul.f32 v13, v47;
	v7 =	vmul.f32 $-1.389354550e+02, v46  }
0x144: {  	v62 =	vld.idx.msk [tilespmem:v62+s0+$0x0], $0xffff;
	v57 =	vmul.f32 v47, v63;
	v63 =	vadd.f32 v15, v6;
	v8 =	vmul.f32 v14, v60  }
0x145: {  	v4 =	vmul.f32 v4, v7  }
0x146: {  	v5 =	vmul.f32 v14, v63;
	v11 =	vmul.f32 v8, v57  }
0x147: {  	v12 =	vmul.f32 v4, v61  }
0x148: {  	v5 =	vmul.f32 v5, v57;
	v6 =	vmul.f32 v11, v7  }
0x149: {  	v13 =	vmul.f32 v4, v62  }
0x14a: {  	v9 =	vmul.f32 v4, v54;
	v5 =	vmul.f32 v5, v7;
	v6 =	vsub.f32 v6, v12  }
0x14b: {  	v10 =	vmul.f32 v4, v53;
	v15 =	vmul.f32 v4, v56  }
0x14c: {  	s16 =	sadd.s32 $0x10, s13;
	v11 =	vmul.f32 v4, v52;
	v5 =	vadd.f32 v5, v13;
	v8 =	vmul.f32 v6, v2  }
0x14d: {  	v12 =	vmov s16;
	v13 =	vmul.f32 v4, v55;
	v14 =	vmul.f32 v6, v3  }
0x14e: {  	v4 =	vmul.f32 v4, v59;
	v6 =	vmul.f32 v6, v48;
	v8 =	vsub.f32 v8, v9  }
0x14f: {  	v2 =	vmul.f32 v5, v2;
	v3 =	vmul.f32 v5, v3;
	v7 =	vsub.f32 v14, v10  }
0x150: {  	v5 =	vmul.f32 v5, v48;
	v6 =	vsub.f32 v6, v11;
	[tilespmem:v49+s21+$0x0] =	vst.idx.msk $0xffff, v8;
	v8 =	vshll.u32 v12, $0x3  }
0x151: {  	v2 =	vsub.f32 v2, v15;
	[tilespmem:v50+s21+$0x0] =	vst.idx.msk $0xffff, v7;
	v48 =	vor.u32 v0, v8  }
0x152: {  	v3 =	vsub.f32 v3, v13;
	[tilespmem:v58+s21+$0x0] =	vst.idx.msk $0xffff, v6  }
0x153: {  	[tilespmem:v49+s20+$0x0] =	vst.idx.msk $0xffff, v2;
	v2 =	vsub.f32 v5, v4;
	v49 =	vor.u32 $0x1, v48  }
0x154: {  	[tilespmem:v50+s20+$0x0] =	vst.idx.msk $0xffff, v3  }
0x155: {  	v50 =	vor.u32 $0x2, v48;
	[tilespmem:v58+s20+$0x0] =	vst.idx.msk $0xffff, v2  }
0x156: {  	v2 =	vld.idx.msk [tilespmem:v48+s31+$0x0], $0xffff  }
0x157: {  	v3 =	vld.idx.msk [tilespmem:v48+s0+$0x0], $0xffff  }
0x158: {  	v14 =	vld.idx.msk [tilespmem:v49+s31+$0x0], $0xffff  }
0x159: {  	v15 =	vld.idx.msk [tilespmem:v49+s0+$0x0], $0xffff  }
0x15a: {  	v6 =	vld.idx.msk [tilespmem:v50+s31+$0x0], $0xffff  }
0x15b: {  	v58 =	vld.idx.msk [tilespmem:v50+s0+$0x0], $0xffff  }
0x15c: {  	v2 =	vsub.f32 v3, v2;
	_ =	sdelay $0x1  }
0x15d: {  	v3 =	vshrl.u32 v2, $0x10;
	v4 =	vsub.f32 v15, v14  }
0x15e: {  	v3 =	vand.u32 $0x1, v3  }
0x15f: {  	v9 =	vsub.f32 v58, v6;
	v2 =	vadd.s32 v3, v2;
	v3 =	vshrl.u32 v4, $0x10  }
0x160: {  	v2 =	vadd.s32 $0x7FFF, v2;
	v3 =	vand.u32 $0x1, v3  }
0x161: {  	v10 =	vshrl.u32 v9, $0x10;
	v2 =	vand.u32 $0xFFFF0000, v2;
	v3 =	vadd.s32 v3, v4  }
0x162: {  	v4 =	vand.u32 $0x1, v10;
	v2 =	vmul.f32 $1.250000000e-01, v2;
	v3 =	vadd.s32 $0x7FFF, v3  }
0x163: {  	v4 =	vadd.s32 v4, v9;
	v3 =	vand.u32 $0xFFFF0000, v3  }
0x164: {  	v4 =	vadd.s32 $0x7FFF, v4;
	vm7 =	vgt.f32 v2, $5.000000000e-01;
	v3 =	vmul.f32 $1.250000000e-01, v3  }
0x165: {  	vm8 =	vlt.f32 v2, $-5.000000000e-01;
	v4 =	vand.u32 $0xFFFF0000, v4;
	v11 =	vsel vm7, $0x3F800000, v1  }
0x166: {  	v12 =	vsel vm8, $0x3F800000, v1;
	v4 =	vmul.f32 $1.250000000e-01, v4;
	vm9 =	vgt.f32 v3, $5.000000000e-01  }
0x167: {  	v5 =	vsub.f32 v11, v12;
	vm10 =	vlt.f32 v3, $-5.000000000e-01;
	v13 =	vsel vm9, $0x3F800000, v1  }
0x168: {  	v14 =	vsel vm10, $0x3F800000, v1;
	vm11 =	vgt.f32 v4, $5.000000000e-01;
	vm12 =	vlt.f32 v4, $-5.000000000e-01  }
0x169: {  	v6 =	vsub.f32 v13, v14;
	v15 =	vsel vm11, $0x3F800000, v1;
	v58 =	vsel vm12, $0x3F800000, v1  }
0x16a: {  	v7 =	vsub.f32 v15, v58  }
0x16b: {  	v2 =	vsub.f32 v2, v5;
	v3 =	vsub.f32 v3, v6  }
0x16c: {  	v4 =	vsub.f32 v4, v7  }
0x16d: {  	v11 =	vor.u32 $0x7, v48;
	v5 =	vshrl.u32 v2, $0x10;
	v6 =	vshrl.u32 v3, $0x10  }
0x16e: {  	v5 =	vand.u32 $0x1, v5;
	v6 =	vand.u32 $0x1, v6;
	v7 =	vshrl.u32 v4, $0x10  }
0x16f: {  	v2 =	vadd.s32 v5, v2;
	v3 =	vadd.s32 v6, v3;
	v9 =	vand.u32 $0x1, v7  }
0x170: {  	v2 =	vadd.s32 $0x7FFF, v2;
	v3 =	vadd.s32 $0x7FFF, v3;
	v4 =	vadd.s32 v9, v4  }
0x171: {  	v2 =	vand.u32 $0xFFFF0000, v2;
	v10 =	vand.u32 $0xFFFF0000, v3;
	v4 =	vadd.s32 $0x7FFF, v4  }
0x172: {  	v3 =	vmul.f32 $8.000000000e+00, v2;
	v2 =	vmul.f32 $8.000000000e+00, v10;
	v4 =	vand.u32 $0xFFFF0000, v4  }
0x173: {  	v58 =	vmul.f32 $8.000000000e+00, v4  }
0x174: {  	v12 =	vmul.f32 v3, v3;
	v13 =	vmul.f32 v2, v2;
	_ =	sdelay $0x1  }
0x175: {  	v14 =	vmul.f32 v58, v58;
	v4 =	vadd.f32 v13, v12  }
0x176: {  	v15 =	vld.idx.msk [tilespmem:v11+s31+$0x0], $0xffff  }
0x177: {  	v5 =	vld.idx.msk [tilespmem:v11+s0+$0x0], $0xffff;
	v4 =	vadd.f32 v14, v4;
	_ =	sdelay $0x1  }
0x178: {  	v4 =	vadd.f32 $9.999999960e-13, v4;
	_ =	sdelay $0x1  }
0x179: {  	v12 =	vshrl.u32 v4, $0x1;
	v8 =	vmul.f32 $5.000000000e-01, v4  }
0x17a: {  	v5 =	vmul.f32 v5, v15;
	v6 =	vsub.s32 $0x5F3759DF, v12  }
0x17b: {  	v13 =	vmul.f32 v6, v8  }
0x17c: {  	v15 =	vshrl.u32 v5, $0x1;
	v5 =	vmul.f32 $5.000000000e-01, v5  }
0x17d: {  	v9 =	vsub.s32 $0x5F3759DF, v15;
	v14 =	vmul.f32 v6, v13  }
0x17e: {  	v12 =	vmul.f32 v9, v5  }
0x17f: {  	v7 =	vsub.f32 $1.500000000e+00, v14  }
0x180: {  	v13 =	vmul.f32 v9, v12  }
0x181: {  	v6 =	vmul.f32 v6, v7  }
0x182: {  	v7 =	vsub.f32 $1.500000000e+00, v13  }
0x183: {  	v14 =	vmul.f32 v6, v8  }
0x184: {  	v7 =	vmul.f32 v9, v7  }
0x185: {  	v10 =	vmul.f32 v14, v6  }
0x186: {  	v12 =	vmul.f32 v7, v5  }
0x187: {  	v15 =	vsub.f32 $1.500000000e+00, v10  }
0x188: {  	v13 =	vmul.f32 v12, v7  }
0x189: {  	v6 =	vmul.f32 v15, v6  }
0x18a: {  	v9 =	vsub.f32 $1.500000000e+00, v13  }
0x18b: {  	v8 =	vmul.f32 v6, v8  }
0x18c: {  	v7 =	vmul.f32 v9, v7  }
0x18d: {  	v8 =	vmul.f32 v8, v6  }
0x18e: {  	v5 =	vmul.f32 v7, v5  }
0x18f: {  	v8 =	vsub.f32 $1.500000000e+00, v8  }
0x190: {  	v5 =	vmul.f32 v5, v7  }
0x191: {  	v6 =	vmul.f32 v8, v6  }
0x192: {  	v5 =	vsub.f32 $1.500000000e+00, v5  }
0x193: {  	v14 =	vmul.f32 $3.899999860e-01, v4;
	v8 =	vmul.f32 v6, v4  }
0x194: {  	v5 =	vmul.f32 v5, v7;
	v7 =	vor.u32 $0x4, v48  }
0x195: {  	v15 =	vmul.f32 v8, v14;
	_ =	sdelay $0x1  }
0x196: {  	v8 =	vor.u32 $0x3, v48;
	v5 =	vmul.f32 v15, v5  }
0x197: {  	v16 =	vmul.f32 v63, v61;
	v11 =	vld [tilespmem:s14+$0x0];
	v13 =	vmul.f32 v60, v62  }
0x198: {  	v9 =	vor.u32 $0x5, v48;
	v17 =	vld.idx.msk [tilespmem:v7+s31+$0x0], $0xffff;
	v10 =	vsub.f32 $0.0e+00, v5  }
0x199: {  	v13 =	vsub.f32 v13, v16;
	v7 =	vld.idx.msk [tilespmem:v7+s0+$0x0], $0xffff  }
0x19a: {  	v53 =	vmul.f32 v55, v53;
	v12 =	vld [tilespmem:s15+$0x0];
	v15 =	vor.u32 $0x6, v48;
	v10 =	vmul.f32 $1.442695020e+00, v10  }
0x19b: {  	vm13 =	vle.f32 v4, $1.000000000e+00;
	v16 =	vmul.f32 v59, v52;
	v13 =	vmul.f32 v47, v13;
	v14 =	vld.idx.msk [tilespmem:v8+s31+$0x0], $0xffff  }
0x19c: {  	vm14 =	vgt.f32 v4, $9.999999930e-09;
	v4 =	vld.idx.msk [tilespmem:v8+s0+$0x0], $0xffff;
	v8 =	vmul.f32 v6, v6;
	(erf) = vpow2.f32 v10  }
0x19d: {  	v10 =	vmul.f32 v56, v54;
	v54 =	vmul.f32 $3.000000000e+00, v63;
	v56 =	vld.idx.msk [tilespmem:v9+s31+$0x0], $0xffff  }
0x19e: {  	vm0 =	vmand vm13, vm14;
	v63 =	vmul.f32 v62, v61;
	v9 =	vld.idx.msk [tilespmem:v9+s0+$0x0], $0xffff;
	v62 =	vmul.f32 v3, v7  }
0x19f: {  	v55 =	vmul.f32 v7, v17;
	v59 =	vmul.f32 v54, v60;
	v10 =	vadd.f32 v53, v10;
	v53 =	vld.idx.msk [tilespmem:v15+s31+$0x0], $0xffff  }
0x1a0: {  	vm15 =	vne.s32 v11, v12;
	v51 =	vmul.f32 v51, v63;
	v15 =	vld.idx.msk [tilespmem:v15+s0+$0x0], $0xffff;
	v60 =	vmul.f32 v3, v17  }
0x1a1: {  	vm0 =	vmand vm15, vm0;
	v12 =	vmul.f32 v4, v14;
	v52 =	vmul.f32 v57, v59  }
0x1a2: {  	v5 =	vadd.f32 $1.000000000e+00, v5;
	v57 =	vmul.f32 v8, v6;
	v61 =	vmul.f32 v2, v56  }
0x1a3: {  	v6 =	vmul.f32 v6, v12;
	v10 =	vadd.f32 v16, v10;
	v63 =	vmul.f32 v2, v9  }
0x1a4: {  	v13 =	vadd.f32 v13, v51;
	v11 =	vadd.f32 v61, v60;
	v60 =	vmul.f32 v58, v53  }
0x1a5: {  	v8 =	vmul.f32 v57, v8;
	v54 =	vadd.f32 v63, v62;
	v61 =	vmul.f32 v58, v15  }
0x1a6: {  	v13 =	vadd.f32 v52, v13;
	v10 =	vmul.f32 v47, v10;
	v59 =	vpop (erf);
	v11 =	vadd.f32 v60, v11  }
0x1a7: {  	v54 =	vadd.f32 v61, v54;
	v60 =	vsel vm0, $0x3F800000, v1;
	v5 =	vmul.f32 v59, v5  }
0x1a8: {  	v10 =	vsub.f32 v13, v10;
	v59 =	vsub.f32 $1.000000000e+00, v59;
	v63 =	vmul.f32 $-1.389354550e+02, v60  }
0x1a9: {  	v12 =	vmul.f32 v11, v4;
	v61 =	vmul.f32 v54, v14;
	v5 =	vsub.f32 $1.000000000e+00, v5  }
0x1aa: {  	v10 =	vmul.f32 v10, v46;
	v16 =	vmul.f32 v59, v57  }
0x1ab: {  	v62 =	vmul.f32 $3.000000000e+00, v54;
	v12 =	vsub.f32 v12, v61;
	v5 =	vmul.f32 $3.000000000e+00, v5  }
0x1ac: {  	v61 =	vmul.f32 v9, v56;
	v16 =	vmul.f32 v16, v63  }
0x1ad: {  	v12 =	vmul.f32 v57, v12;
	v59 =	vmul.f32 v5, v11  }
0x1ae: {  	v11 =	vmul.f32 v62, v11;
	v62 =	vmul.f32 v15, v53  }
0x1af: {  	v14 =	vmul.f32 v16, v14;
	v5 =	vmul.f32 v5, v54  }
0x1b0: {  	v55 =	vadd.f32 v61, v55;
	v54 =	vmul.f32 v16, v17;
	v51 =	vmul.f32 v59, v8  }
0x1b1: {  	v4 =	vmul.f32 v16, v4;
	v6 =	vadd.f32 v12, v6;
	v11 =	vmul.f32 v8, v11  }
0x1b2: {  	v61 =	vadd.f32 v62, v55;
	v5 =	vmul.f32 v5, v8;
	v51 =	vmul.f32 v51, v63  }
0x1b3: {  	v56 =	vmul.f32 v16, v56;
	v7 =	vmul.f32 v16, v7;
	v6 =	vadd.f32 v11, v6  }
0x1b4: {  	v5 =	vmul.f32 v5, v63;
	v62 =	vsub.f32 v51, v14;
	v51 =	vmul.f32 v57, v61  }
0x1b5: {  	v9 =	vmul.f32 v16, v9;
	v59 =	vmul.f32 v16, v53  }
0x1b6: {  	v4 =	vadd.f32 v5, v4;
	v52 =	vmul.f32 v62, v3;
	v6 =	vsub.f32 v6, v51  }
0x1b7: {  	v55 =	vmul.f32 v62, v2;
	v57 =	vmul.f32 v62, v58  }
0x1b8: {  	v10 =	vsub.f32 v10, v44;
	v3 =	vmul.f32 v4, v3;
	v6 =	vmul.f32 v6, v60  }
0x1b9: {  	v2 =	vmul.f32 v4, v2;
	v4 =	vmul.f32 v4, v58;
	v8 =	vsub.f32 v52, v54  }
0x1ba: {  	v62 =	vmul.f32 v16, v15;
	v5 =	vsub.f32 v55, v56;
	v6 =	vsub.f32 v6, v45  }
0x1bb: {  	p1 =	sne.s32 s13, $0x60;
	v61 =	vmov v42;
	v3 =	vsub.f32 v3, v7;
	[tilespmem:v48+s21+$0x0] =	vst.idx.msk $0xffff, v8;
	v8 =	vsub.f32 v57, v59  }
.Ltmp0:
0x1bc: {  	v60 =	vmov v43;
	v43 =	vadd.f32 v10, v43;
	[tilespmem:v49+s21+$0x0] =	vst.idx.msk $0xffff, v5;
	v42 =	vadd.f32 v6, v42;
	(pc) =	sbr.rel @p1 .LBB2_3-.Ltmp0, $4  }
0x1bd: {  	v2 =	vsub.f32 v2, v9;
	v4 =	vsub.f32 v4, v62;
	[tilespmem:v50+s21+$0x0] =	vst.idx.msk $0xffff, v8  }
0x1be: {  	[tilespmem:v48+s20+$0x0] =	vst.idx.msk $0xffff, v3;
	v3 =	vsub.f32 v43, v60;
	v63 =	vsub.f32 v42, v61  }
0x1bf: {  	[tilespmem:v49+s20+$0x0] =	vst.idx.msk $0xffff, v2  }
0x1c0: {  	s13 =	sadd.s32 $0x20, s13;
	s14 =	sadd.s32 $0x20, s14;
	s15 =	sadd.s32 $0x20, s15;
	[tilespmem:v50+s20+$0x0] =	vst.idx.msk $0xffff, v4;
	v44 =	vsub.f32 v3, v10;
	v45 =	vsub.f32 v63, v6  }
0x1c1: {  	[tilespmem:$0x2400] =	vst v43  }
0x1c2: {  	[tilespmem:$0x2420] =	vst v42  }
0x1c3: {  	[tilespmem:$0x2410] =	vst v44  }
0x1c4: {  	s13 =	simm.s32 $0x200;
	[tilespmem:$0x2430] =	vst v45  }
0x1c5: {  	[spmem:s4] =	stream.indirect.scatter.add.f32 [tilespmem:s21], [sflag:$0x7], $0x8, s13, s28, $0xb8;
	[tilespmem:$0xE7C0] =	vst v63  }
0x1c6: {  	s16 =	simm.s32 $0x0  }
0x1c7: {  	[spmem:s4] =	stream.indirect.scatter.add.f32 [tilespmem:s20], [sflag:$0x7], $0x8, s16, s28, $0xb8;
	[tilespmem:$0xE7C0] =	vst v63  }
0x1c8: {  	_ =	swait.ge [sflag:s17], $0x400  }
0x1c9: {  	[sflag:s17] =	ssyncset.done $0x0  }
0x1ca: {  	[sflag:s17] =	ssyncadd.s32 $0xFFFFFC00  }
0x1cb: {  	_ =	swait.ge [sflag:s17], $0x400  }
0x1cc: {  	[sflag:s17] =	ssyncset.done $0x0  }
0x1cd: {  	s13 =	simm.s32 @!p0 $0x8;
	[sflag:s17] =	ssyncadd.s32 $0xFFFFFC00  }
0x1ce: {  	_ =	swait.ge @!p0 [sflag:s13], $0x400  }
0x1cf: {  	[sflag:s13] =	ssyncset.done @!p0 $0x0  }
0x1d0: {  	[sflag:s13] =	ssyncadd.s32 @!p0 $0xFFFFFC00  }
0x1d1: {  	_ =	swait.ge @!p0 [sflag:s13], $0x400  }
0x1d2: {  	s14 =	rddreg [dreg:$0xa]  }
0x1d3: {  	s14 =	sadd.s32 s5, s14  }
0x1d4: {  	[sflag:s13] =	ssyncset.done @!p0 $0x0;
	s14 =	sshrl.u32 s14, $0x3  }
0x1d5: {  	[sflag:s13] =	ssyncadd.s32 @!p0 $0xFFFFFC00;
	s13 =	simm.s32 $0x0;
	s15 =	sadd.s32 s6, s14  }
0x1d6: {  	[tilespmem:s18], [sflag:$0x4] =	stream.linear.gather [hbm4b:s15+s13], $0x80, $0x38;
	[tilespmem:$0xE7C0] =	vst v63  }
0x1d7: {  	s14 =	sadd.s32 s1, s14  }
0x1d8: {  	[tilespmem:s19], [sflag:$0x4] =	stream.linear.gather [hbm4b:s14+s13], $0x80, $0x38;
	[tilespmem:$0xE7C0] =	vst v63  }
0x1d9: {  	_ =	swait.ge [sflag:s8], $0x80  }
0x1da: {  	[sflag:s8] =	ssyncset.done $0x0  }
0x1db: {  	[sflag:s8] =	ssyncadd.s32 $0xFFFFFF80  }
0x1dc: {  	_ =	swait.ge [sflag:s8], $0x80  }
0x1dd: {  	[sflag:s8] =	ssyncset.done $0x0  }
0x1de: {  	[sflag:s8] =	ssyncadd.s32 $0xFFFFFF80  }
0x1df: {  	[tilespmem:s31], [sflag:$0x5] =	stream.indirect.gather [hbm4b:s7+s28], $0x8, s3, s28, $0xb8;
	[tilespmem:$0xE7C0] =	vst v63  }
0x1e0: {  	_ = 	snop  }
0x1e1: {  	[tilespmem:s0], [sflag:$0x5] =	stream.indirect.gather [hbm4b:s7+s28], $0x8, s9, s28, $0xb8;
	[tilespmem:$0xE7C0] =	vst v63  }
0x1e2: {  	v43 =	vld [tilespmem:$0x2400]  }
0x1e3: {  	v44 =	vld [tilespmem:$0x2410]  }
0x1e4: {  	v42 =	vld [tilespmem:$0x2420]  }
0x1e5: {  	s15 =	simm.s32 $0x290;
	s14 =	simm.s32 $0x90;
	v45 =	vld [tilespmem:$0x2430]  }
.LBB2_5:
0x1e6: {  	v2 =	vmov s13  }
0x1e7: {  	v2 =	vshll.u32 v2, $0x3  }
0x1e8: {  	v49 =	vor.u32 v0, v2;
	_ =	sdelay $0x1  }
0x1e9: {  	v50 =	vor.u32 $0x1, v49;
	_ =	sdelay $0x1  }
0x1ea: {  	v58 =	vor.u32 $0x2, v49  }
0x1eb: {  	v2 =	vld.idx.msk [tilespmem:v49+s11+$0x0], $0xffff  }
0x1ec: {  	v3 =	vld.idx.msk [tilespmem:v49+s12+$0x0], $0xffff  }
0x1ed: {  	v4 =	vld.idx.msk [tilespmem:v50+s11+$0x0], $0xffff  }
0x1ee: {  	v5 =	vld.idx.msk [tilespmem:v50+s12+$0x0], $0xffff  }
0x1ef: {  	v6 =	vld.idx.msk [tilespmem:v58+s11+$0x0], $0xffff  }
0x1f0: {  	v7 =	vld.idx.msk [tilespmem:v58+s12+$0x0], $0xffff;
	_ =	sdelay $0x1  }
0x1f1: {  	v2 =	vsub.f32 v3, v2;
	_ =	sdelay $0x1  }
0x1f2: {  	v4 =	vsub.f32 v5, v4;
	v3 =	vshrl.u32 v2, $0x10  }
0x1f3: {  	v56 =	vsub.f32 v7, v6;
	v3 =	vand.u32 $0x1, v3  }
0x1f4: {  	v2 =	vadd.s32 v3, v2;
	v3 =	vshrl.u32 v4, $0x10  }
0x1f5: {  	v57 =	vshrl.u32 v56, $0x10;
	v2 =	vadd.s32 $0x7FFF, v2;
	v3 =	vand.u32 $0x1, v3  }
0x1f6: {  	v2 =	vand.u32 $0xFFFF0000, v2;
	v3 =	vadd.s32 v3, v4;
	v4 =	vand.u32 $0x1, v57  }
0x1f7: {  	v2 =	vmul.f32 $1.250000000e-01, v2;
	v3 =	vadd.s32 $0x7FFF, v3;
	v4 =	vadd.s32 v4, v56  }
0x1f8: {  	v3 =	vand.u32 $0xFFFF0000, v3;
	v4 =	vadd.s32 $0x7FFF, v4  }
0x1f9: {  	vm0 =	vgt.f32 v2, $5.000000000e-01;
	v3 =	vmul.f32 $1.250000000e-01, v3;
	vm12 =	vlt.f32 v2, $-5.000000000e-01  }
0x1fa: {  	v4 =	vand.u32 $0xFFFF0000, v4;
	v59 =	vsel vm0, $0x3F800000, v1;
	v60 =	vsel vm12, $0x3F800000, v1  }
0x1fb: {  	v4 =	vmul.f32 $1.250000000e-01, v4;
	vm13 =	vgt.f32 v3, $5.000000000e-01;
	vm14 =	vlt.f32 v3, $-5.000000000e-01  }
0x1fc: {  	v5 =	vsub.f32 v59, v60;
	v61 =	vsel vm13, $0x3F800000, v1;
	v62 =	vsel vm14, $0x3F800000, v1  }
0x1fd: {  	vm15 =	vgt.f32 v4, $5.000000000e-01;
	vm1 =	vlt.f32 v4, $-5.000000000e-01;
	v6 =	vsub.f32 v61, v62  }
0x1fe: {  	v63 =	vsel vm15, $0x3F800000, v1;
	v8 =	vsel vm1, $0x3F800000, v1;
	v2 =	vsub.f32 v2, v5  }
0x1ff: {  	v7 =	vsub.f32 v63, v8;
	v3 =	vsub.f32 v3, v6  }
0x200: {  	v5 =	vshrl.u32 v2, $0x10  }
0x201: {  	v4 =	vsub.f32 v4, v7;
	v5 =	vand.u32 $0x1, v5;
	v6 =	vshrl.u32 v3, $0x10  }
0x202: {  	v2 =	vadd.s32 v5, v2;
	v6 =	vand.u32 $0x1, v6  }
0x203: {  	v7 =	vshrl.u32 v4, $0x10;
	v2 =	vadd.s32 $0x7FFF, v2;
	v3 =	vadd.s32 v6, v3  }
0x204: {  	v11 =	vand.u32 $0x1, v7;
	v2 =	vand.u32 $0xFFFF0000, v2;
	v3 =	vadd.s32 $0x7FFF, v3  }
0x205: {  	v4 =	vadd.s32 v11, v4;
	v2 =	vmul.f32 $8.000000000e+00, v2;
	v3 =	vand.u32 $0xFFFF0000, v3  }
0x206: {  	v4 =	vadd.s32 $0x7FFF, v4;
	v3 =	vmul.f32 $8.000000000e+00, v3  }
0x207: {  	v12 =	vor.u32 $0x7, v49;
	v4 =	vand.u32 $0xFFFF0000, v4;
	v13 =	vmul.f32 v2, v2  }
0x208: {  	v4 =	vmul.f32 $8.000000000e+00, v4;
	v14 =	vmul.f32 v3, v3;
	_ =	sdelay $0x1  }
0x209: {  	v15 =	vmul.f32 v4, v4;
	v6 =	vadd.f32 v14, v13;
	_ =	sdelay $0x1  }
0x20a: {  	v46 =	vld.idx.msk [tilespmem:v12+s11+$0x0], $0xffff;
	v6 =	vadd.f32 v15, v6  }
0x20b: {  	v5 =	vld.idx.msk [tilespmem:v12+s12+$0x0], $0xffff  }
0x20c: {  	v6 =	vadd.f32 $9.999999960e-13, v6;
	_ =	sdelay $0x1  }
0x20d: {  	v47 =	vshrl.u32 v6, $0x1;
	v9 =	vmul.f32 $5.000000000e-01, v6  }
0x20e: {  	v7 =	vsub.s32 $0x5F3759DF, v47  }
0x20f: {  	v5 =	vmul.f32 v5, v46;
	v10 =	vmul.f32 v7, v9;
	_ =	sdelay $0x1  }
0x210: {  	v51 =	vshrl.u32 v5, $0x1;
	v5 =	vmul.f32 $5.000000000e-01, v5;
	v48 =	vmul.f32 v7, v10  }
0x211: {  	v10 =	vsub.s32 $0x5F3759DF, v51  }
0x212: {  	v11 =	vmul.f32 v10, v5;
	v8 =	vsub.f32 $1.500000000e+00, v48;
	_ =	sdelay $0x1  }
0x213: {  	v52 =	vmul.f32 v10, v11;
	v7 =	vmul.f32 v7, v8;
	_ =	sdelay $0x1  }
0x214: {  	v8 =	vsub.f32 $1.500000000e+00, v52;
	v53 =	vmul.f32 v7, v9;
	_ =	sdelay $0x1  }
0x215: {  	v8 =	vmul.f32 v10, v8;
	v11 =	vmul.f32 v53, v7;
	_ =	sdelay $0x1  }
0x216: {  	v55 =	vmul.f32 v8, v5;
	v54 =	vsub.f32 $1.500000000e+00, v11;
	_ =	sdelay $0x1  }
0x217: {  	v56 =	vmul.f32 v55, v8;
	v7 =	vmul.f32 v54, v7;
	_ =	sdelay $0x1  }
0x218: {  	v10 =	vsub.f32 $1.500000000e+00, v56;
	v9 =	vmul.f32 v7, v9;
	_ =	sdelay $0x1  }
0x219: {  	v8 =	vmul.f32 v10, v8;
	v9 =	vmul.f32 v9, v7;
	_ =	sdelay $0x1  }
0x21a: {  	v5 =	vmul.f32 v8, v5;
	v9 =	vsub.f32 $1.500000000e+00, v9;
	_ =	sdelay $0x1  }
0x21b: {  	v5 =	vmul.f32 v5, v8;
	v51 =	vmul.f32 v9, v7;
	_ =	sdelay $0x1  }
0x21c: {  	v57 =	vmul.f32 $3.899999860e-01, v6;
	v5 =	vsub.f32 $1.500000000e+00, v5;
	v7 =	vmul.f32 v51, v6;
	_ =	sdelay $0x1  }
0x21d: {  	v5 =	vmul.f32 v5, v8;
	v7 =	vmul.f32 v7, v57;
	_ =	sdelay $0x1  }
0x21e: {  	v5 =	vmul.f32 v7, v5;
	_ =	sdelay $0x1  }
0x21f: {  	v7 =	vsub.f32 $0.0e+00, v5;
	_ =	sdelay $0x1  }
0x220: {  	v60 =	vor.u32 $0x5, v49;
	v7 =	vmul.f32 $1.442695020e+00, v7  }
0x221: {  	v59 =	vor.u32 $0x4, v49  }
0x222: {  	v61 =	vor.u32 $0x6, v49;
	(erf) = vpow2.f32 v7  }
0x223: {  	v62 =	vld [tilespmem:s14+$0xFFFFFFF0]  }
0x224: {  	v63 =	vld [tilespmem:s15+$0xFFFFFFF0]  }
0x225: {  	v53 =	vld.idx.msk [tilespmem:v60+s11+$0x0], $0xffff  }
0x226: {  	v54 =	vld.idx.msk [tilespmem:v59+s11+$0x0], $0xffff  }
0x227: {  	v52 =	vld.idx.msk [tilespmem:v61+s11+$0x0], $0xffff  }
0x228: {  	v56 =	vld.idx.msk [tilespmem:v59+s12+$0x0], $0xffff  }
0x229: {  	v12 =	vor.u32 $0x3, v49;
	vm6 =	vne.s32 v62, v63;
	vm4 =	vle.f32 v6, $1.000000000e+00;
	v55 =	vld.idx.msk [tilespmem:v60+s12+$0x0], $0xffff  }
0x22a: {  	vm5 =	vgt.f32 v6, $9.999999930e-09;
	v15 =	vmul.f32 v51, v51;
	v5 =	vadd.f32 $1.000000000e+00, v5  }
0x22b: {  	vm0 =	vmand vm4, vm5;
	v59 =	vld.idx.msk [tilespmem:v61+s12+$0x0], $0xffff;
	v11 =	vmul.f32 v3, v53;
	v46 =	vmul.f32 v2, v54;
	v48 =	vpop (erf)  }
0x22c: {  	vm0 =	vmand vm6, vm0;
	v47 =	vmul.f32 v15, v51;
	v5 =	vmul.f32 v48, v5  }
0x22d: {  	v13 =	vmul.f32 v4, v52;
	v14 =	vmul.f32 v2, v56;
	v6 =	vadd.f32 v11, v46  }
0x22e: {  	v57 =	vmul.f32 v47, v15;
	v15 =	vmul.f32 v3, v55;
	v5 =	vsub.f32 $1.000000000e+00, v5  }
0x22f: {  	v46 =	vsel vm0, $0x3F800000, v1;
	v60 =	vadd.f32 v13, v6;
	v48 =	vsub.f32 $1.000000000e+00, v48  }
0x230: {  	v61 =	vld.idx.msk [tilespmem:v12+s11+$0x0], $0xffff;
	v13 =	vadd.f32 v15, v14;
	v14 =	vmul.f32 v4, v59;
	v5 =	vmul.f32 $3.000000000e+00, v5  }
0x231: {  	v15 =	vmul.f32 $-1.389354550e+02, v46;
	v6 =	vmul.f32 v48, v47  }
0x232: {  	v63 =	vadd.f32 v14, v13;
	v48 =	vmul.f32 v5, v60  }
0x233: {  	v62 =	vld.idx.msk [tilespmem:v12+s12+$0x0], $0xffff;
	v6 =	vmul.f32 v6, v15  }
0x234: {  	v5 =	vmul.f32 v5, v63;
	v13 =	vmul.f32 v48, v57  }
0x235: {  	v14 =	vmul.f32 v6, v61  }
0x236: {  	v5 =	vmul.f32 v5, v57;
	v7 =	vmul.f32 v13, v15  }
0x237: {  	v10 =	vmul.f32 v6, v54;
	v11 =	vmul.f32 v6, v53  }
0x238: {  	v5 =	vmul.f32 v5, v15;
	v15 =	vmul.f32 v6, v62;
	v7 =	vsub.f32 v7, v14  }
0x239: {  	v12 =	vmul.f32 v6, v55;
	v48 =	vmul.f32 v6, v52  }
0x23a: {  	v13 =	vmul.f32 v6, v59;
	v5 =	vadd.f32 v5, v15;
	v9 =	vmul.f32 v7, v2  }
0x23b: {  	v8 =	vmul.f32 v7, v3;
	v7 =	vmul.f32 v7, v4  }
0x23c: {  	s16 =	sadd.s32 $0x10, s13;
	v15 =	vmul.f32 v6, v56;
	v2 =	vmul.f32 v5, v2;
	v9 =	vsub.f32 v9, v10  }
0x23d: {  	v8 =	vsub.f32 v8, v11;
	v7 =	vsub.f32 v7, v48;
	v48 =	vmov s16  }
0x23e: {  	v3 =	vmul.f32 v5, v3;
	v4 =	vmul.f32 v5, v4;
	[tilespmem:v49+s23+$0x0] =	vst.idx.msk $0xffff, v9;
	v9 =	vshll.u32 v48, $0x3  }
0x23f: {  	v2 =	vsub.f32 v2, v15;
	[tilespmem:v50+s23+$0x0] =	vst.idx.msk $0xffff, v8;
	v48 =	vor.u32 v0, v9  }
0x240: {  	v3 =	vsub.f32 v3, v12;
	[tilespmem:v58+s23+$0x0] =	vst.idx.msk $0xffff, v7  }
0x241: {  	[tilespmem:v49+s22+$0x0] =	vst.idx.msk $0xffff, v2;
	v2 =	vsub.f32 v4, v13;
	v49 =	vor.u32 $0x1, v48  }
0x242: {  	[tilespmem:v50+s22+$0x0] =	vst.idx.msk $0xffff, v3  }
0x243: {  	v50 =	vor.u32 $0x2, v48;
	[tilespmem:v58+s22+$0x0] =	vst.idx.msk $0xffff, v2  }
0x244: {  	v2 =	vld.idx.msk [tilespmem:v48+s11+$0x0], $0xffff  }
0x245: {  	v3 =	vld.idx.msk [tilespmem:v48+s12+$0x0], $0xffff  }
0x246: {  	v14 =	vld.idx.msk [tilespmem:v49+s11+$0x0], $0xffff  }
0x247: {  	v15 =	vld.idx.msk [tilespmem:v49+s12+$0x0], $0xffff  }
0x248: {  	v58 =	vld.idx.msk [tilespmem:v50+s11+$0x0], $0xffff  }
0x249: {  	v7 =	vld.idx.msk [tilespmem:v50+s12+$0x0], $0xffff  }
0x24a: {  	v2 =	vsub.f32 v3, v2;
	_ =	sdelay $0x1  }
0x24b: {  	v3 =	vshrl.u32 v2, $0x10;
	v4 =	vsub.f32 v15, v14  }
0x24c: {  	v3 =	vand.u32 $0x1, v3  }
0x24d: {  	v9 =	vsub.f32 v7, v58;
	v2 =	vadd.s32 v3, v2;
	v3 =	vshrl.u32 v4, $0x10  }
0x24e: {  	v2 =	vadd.s32 $0x7FFF, v2;
	v3 =	vand.u32 $0x1, v3  }
0x24f: {  	v10 =	vshrl.u32 v9, $0x10;
	v2 =	vand.u32 $0xFFFF0000, v2;
	v3 =	vadd.s32 v3, v4  }
0x250: {  	v4 =	vand.u32 $0x1, v10;
	v2 =	vmul.f32 $1.250000000e-01, v2;
	v3 =	vadd.s32 $0x7FFF, v3  }
0x251: {  	v4 =	vadd.s32 v4, v9;
	v3 =	vand.u32 $0xFFFF0000, v3  }
0x252: {  	v4 =	vadd.s32 $0x7FFF, v4;
	vm7 =	vgt.f32 v2, $5.000000000e-01;
	v3 =	vmul.f32 $1.250000000e-01, v3  }
0x253: {  	vm8 =	vlt.f32 v2, $-5.000000000e-01;
	v4 =	vand.u32 $0xFFFF0000, v4;
	v11 =	vsel vm7, $0x3F800000, v1  }
0x254: {  	v12 =	vsel vm8, $0x3F800000, v1;
	v4 =	vmul.f32 $1.250000000e-01, v4;
	vm9 =	vgt.f32 v3, $5.000000000e-01  }
0x255: {  	v5 =	vsub.f32 v11, v12;
	vm10 =	vlt.f32 v3, $-5.000000000e-01;
	v13 =	vsel vm9, $0x3F800000, v1  }
0x256: {  	v14 =	vsel vm10, $0x3F800000, v1;
	vm11 =	vgt.f32 v4, $5.000000000e-01;
	vm12 =	vlt.f32 v4, $-5.000000000e-01  }
0x257: {  	v6 =	vsub.f32 v13, v14;
	v15 =	vsel vm11, $0x3F800000, v1;
	v58 =	vsel vm12, $0x3F800000, v1  }
0x258: {  	v7 =	vsub.f32 v15, v58  }
0x259: {  	v2 =	vsub.f32 v2, v5;
	v3 =	vsub.f32 v3, v6  }
0x25a: {  	v4 =	vsub.f32 v4, v7  }
0x25b: {  	v11 =	vor.u32 $0x7, v48;
	v5 =	vshrl.u32 v2, $0x10;
	v6 =	vshrl.u32 v3, $0x10  }
0x25c: {  	v5 =	vand.u32 $0x1, v5;
	v6 =	vand.u32 $0x1, v6;
	v7 =	vshrl.u32 v4, $0x10  }
0x25d: {  	v2 =	vadd.s32 v5, v2;
	v3 =	vadd.s32 v6, v3;
	v9 =	vand.u32 $0x1, v7  }
0x25e: {  	v2 =	vadd.s32 $0x7FFF, v2;
	v3 =	vadd.s32 $0x7FFF, v3;
	v4 =	vadd.s32 v9, v4  }
0x25f: {  	v2 =	vand.u32 $0xFFFF0000, v2;
	v10 =	vand.u32 $0xFFFF0000, v3;
	v4 =	vadd.s32 $0x7FFF, v4  }
0x260: {  	v3 =	vmul.f32 $8.000000000e+00, v2;
	v2 =	vmul.f32 $8.000000000e+00, v10;
	v4 =	vand.u32 $0xFFFF0000, v4  }
0x261: {  	v58 =	vmul.f32 $8.000000000e+00, v4  }
0x262: {  	v12 =	vmul.f32 v3, v3;
	v13 =	vmul.f32 v2, v2;
	_ =	sdelay $0x1  }
0x263: {  	v14 =	vmul.f32 v58, v58;
	v4 =	vadd.f32 v13, v12  }
0x264: {  	v15 =	vld.idx.msk [tilespmem:v11+s11+$0x0], $0xffff  }
0x265: {  	v5 =	vld.idx.msk [tilespmem:v11+s12+$0x0], $0xffff;
	v4 =	vadd.f32 v14, v4;
	_ =	sdelay $0x1  }
0x266: {  	v4 =	vadd.f32 $9.999999960e-13, v4;
	_ =	sdelay $0x1  }
0x267: {  	v12 =	vshrl.u32 v4, $0x1;
	v8 =	vmul.f32 $5.000000000e-01, v4  }
0x268: {  	v5 =	vmul.f32 v5, v15;
	v6 =	vsub.s32 $0x5F3759DF, v12  }
0x269: {  	v13 =	vmul.f32 v6, v8  }
0x26a: {  	v15 =	vshrl.u32 v5, $0x1;
	v5 =	vmul.f32 $5.000000000e-01, v5  }
0x26b: {  	v9 =	vsub.s32 $0x5F3759DF, v15;
	v14 =	vmul.f32 v6, v13  }
0x26c: {  	v12 =	vmul.f32 v9, v5  }
0x26d: {  	v7 =	vsub.f32 $1.500000000e+00, v14  }
0x26e: {  	v13 =	vmul.f32 v9, v12  }
0x26f: {  	v6 =	vmul.f32 v6, v7  }
0x270: {  	v7 =	vsub.f32 $1.500000000e+00, v13  }
0x271: {  	v14 =	vmul.f32 v6, v8  }
0x272: {  	v7 =	vmul.f32 v9, v7  }
0x273: {  	v10 =	vmul.f32 v14, v6  }
0x274: {  	v12 =	vmul.f32 v7, v5  }
0x275: {  	v15 =	vsub.f32 $1.500000000e+00, v10  }
0x276: {  	v13 =	vmul.f32 v12, v7  }
0x277: {  	v6 =	vmul.f32 v15, v6  }
0x278: {  	v9 =	vsub.f32 $1.500000000e+00, v13  }
0x279: {  	v8 =	vmul.f32 v6, v8  }
0x27a: {  	v7 =	vmul.f32 v9, v7  }
0x27b: {  	v8 =	vmul.f32 v8, v6  }
0x27c: {  	v5 =	vmul.f32 v7, v5  }
0x27d: {  	v8 =	vsub.f32 $1.500000000e+00, v8  }
0x27e: {  	v5 =	vmul.f32 v5, v7  }
0x27f: {  	v6 =	vmul.f32 v8, v6  }
0x280: {  	v5 =	vsub.f32 $1.500000000e+00, v5  }
0x281: {  	v14 =	vmul.f32 $3.899999860e-01, v4;
	v8 =	vmul.f32 v6, v4  }
0x282: {  	v5 =	vmul.f32 v5, v7;
	v7 =	vor.u32 $0x4, v48  }
0x283: {  	v15 =	vmul.f32 v8, v14;
	_ =	sdelay $0x1  }
0x284: {  	v8 =	vor.u32 $0x3, v48;
	v5 =	vmul.f32 v15, v5  }
0x285: {  	v16 =	vmul.f32 v63, v61;
	v11 =	vld [tilespmem:s14+$0x0];
	v13 =	vmul.f32 v60, v62  }
0x286: {  	v9 =	vor.u32 $0x5, v48;
	v17 =	vld.idx.msk [tilespmem:v7+s11+$0x0], $0xffff;
	v10 =	vsub.f32 $0.0e+00, v5  }
0x287: {  	v13 =	vsub.f32 v13, v16;
	v7 =	vld.idx.msk [tilespmem:v7+s12+$0x0], $0xffff  }
0x288: {  	v53 =	vmul.f32 v55, v53;
	v12 =	vld [tilespmem:s15+$0x0];
	v15 =	vor.u32 $0x6, v48;
	v10 =	vmul.f32 $1.442695020e+00, v10  }
0x289: {  	vm13 =	vle.f32 v4, $1.000000000e+00;
	v16 =	vmul.f32 v59, v52;
	v13 =	vmul.f32 v47, v13;
	v14 =	vld.idx.msk [tilespmem:v8+s11+$0x0], $0xffff  }
0x28a: {  	vm14 =	vgt.f32 v4, $9.999999930e-09;
	v4 =	vld.idx.msk [tilespmem:v8+s12+$0x0], $0xffff;
	v8 =	vmul.f32 v6, v6;
	(erf) = vpow2.f32 v10  }
0x28b: {  	v10 =	vmul.f32 v56, v54;
	v54 =	vmul.f32 $3.000000000e+00, v63;
	v56 =	vld.idx.msk [tilespmem:v9+s11+$0x0], $0xffff  }
0x28c: {  	vm0 =	vmand vm13, vm14;
	v63 =	vmul.f32 v62, v61;
	v9 =	vld.idx.msk [tilespmem:v9+s12+$0x0], $0xffff;
	v62 =	vmul.f32 v3, v7  }
0x28d: {  	v55 =	vmul.f32 v7, v17;
	v59 =	vmul.f32 v54, v60;
	v10 =	vadd.f32 v53, v10;
	v53 =	vld.idx.msk [tilespmem:v15+s11+$0x0], $0xffff  }
0x28e: {  	vm15 =	vne.s32 v11, v12;
	v51 =	vmul.f32 v51, v63;
	v15 =	vld.idx.msk [tilespmem:v15+s12+$0x0], $0xffff;
	v60 =	vmul.f32 v3, v17  }
0x28f: {  	vm0 =	vmand vm15, vm0;
	v12 =	vmul.f32 v4, v14;
	v52 =	vmul.f32 v57, v59  }
0x290: {  	v5 =	vadd.f32 $1.000000000e+00, v5;
	v57 =	vmul.f32 v8, v6;
	v61 =	vmul.f32 v2, v56  }
0x291: {  	v6 =	vmul.f32 v6, v12;
	v10 =	vadd.f32 v16, v10;
	v63 =	vmul.f32 v2, v9  }
0x292: {  	v13 =	vadd.f32 v13, v51;
	v11 =	vadd.f32 v61, v60;
	v60 =	vmul.f32 v58, v53  }
0x293: {  	v8 =	vmul.f32 v57, v8;
	v54 =	vadd.f32 v63, v62;
	v61 =	vmul.f32 v58, v15  }
0x294: {  	v13 =	vadd.f32 v52, v13;
	v10 =	vmul.f32 v47, v10;
	v59 =	vpop (erf);
	v11 =	vadd.f32 v60, v11  }
0x295: {  	v54 =	vadd.f32 v61, v54;
	v60 =	vsel vm0, $0x3F800000, v1;
	v5 =	vmul.f32 v59, v5  }
0x296: {  	v10 =	vsub.f32 v13, v10;
	v59 =	vsub.f32 $1.000000000e+00, v59;
	v63 =	vmul.f32 $-1.389354550e+02, v60  }
0x297: {  	v12 =	vmul.f32 v11, v4;
	v61 =	vmul.f32 v54, v14;
	v5 =	vsub.f32 $1.000000000e+00, v5  }
0x298: {  	v10 =	vmul.f32 v10, v46;
	v16 =	vmul.f32 v59, v57  }
0x299: {  	v62 =	vmul.f32 $3.000000000e+00, v54;
	v12 =	vsub.f32 v12, v61;
	v5 =	vmul.f32 $3.000000000e+00, v5  }
0x29a: {  	v61 =	vmul.f32 v9, v56;
	v16 =	vmul.f32 v16, v63  }
0x29b: {  	v12 =	vmul.f32 v57, v12;
	v59 =	vmul.f32 v5, v11  }
0x29c: {  	v11 =	vmul.f32 v62, v11;
	v62 =	vmul.f32 v15, v53  }
0x29d: {  	v14 =	vmul.f32 v16, v14;
	v5 =	vmul.f32 v5, v54  }
0x29e: {  	v55 =	vadd.f32 v61, v55;
	v54 =	vmul.f32 v16, v17;
	v51 =	vmul.f32 v59, v8  }
0x29f: {  	v4 =	vmul.f32 v16, v4;
	v6 =	vadd.f32 v12, v6;
	v11 =	vmul.f32 v8, v11  }
0x2a0: {  	v61 =	vadd.f32 v62, v55;
	v5 =	vmul.f32 v5, v8;
	v51 =	vmul.f32 v51, v63  }
0x2a1: {  	v56 =	vmul.f32 v16, v56;
	v7 =	vmul.f32 v16, v7;
	v6 =	vadd.f32 v11, v6  }
0x2a2: {  	v5 =	vmul.f32 v5, v63;
	v62 =	vsub.f32 v51, v14;
	v51 =	vmul.f32 v57, v61  }
0x2a3: {  	v9 =	vmul.f32 v16, v9;
	v59 =	vmul.f32 v16, v53  }
0x2a4: {  	v4 =	vadd.f32 v5, v4;
	v52 =	vmul.f32 v62, v3;
	v6 =	vsub.f32 v6, v51  }
0x2a5: {  	v55 =	vmul.f32 v62, v2;
	v57 =	vmul.f32 v62, v58  }
0x2a6: {  	v10 =	vsub.f32 v10, v44;
	v3 =	vmul.f32 v4, v3;
	v6 =	vmul.f32 v6, v60  }
0x2a7: {  	v2 =	vmul.f32 v4, v2;
	v4 =	vmul.f32 v4, v58;
	v8 =	vsub.f32 v52, v54  }
0x2a8: {  	v62 =	vmul.f32 v16, v15;
	v5 =	vsub.f32 v55, v56;
	v6 =	vsub.f32 v6, v45  }
0x2a9: {  	p0 =	sne.s32 s13, $0x60;
	v61 =	vmov v42;
	v3 =	vsub.f32 v3, v7;
	[tilespmem:v48+s23+$0x0] =	vst.idx.msk $0xffff, v8;
	v8 =	vsub.f32 v57, v59  }
.Ltmp1:
0x2aa: {  	v60 =	vmov v43;
	v43 =	vadd.f32 v10, v43;
	[tilespmem:v49+s23+$0x0] =	vst.idx.msk $0xffff, v5;
	v42 =	vadd.f32 v6, v42;
	(pc) =	sbr.rel @p0 .LBB2_5-.Ltmp1, $4  }
0x2ab: {  	v2 =	vsub.f32 v2, v9;
	v4 =	vsub.f32 v4, v62;
	[tilespmem:v50+s23+$0x0] =	vst.idx.msk $0xffff, v8  }
0x2ac: {  	[tilespmem:v48+s22+$0x0] =	vst.idx.msk $0xffff, v3;
	v3 =	vsub.f32 v43, v60;
	v63 =	vsub.f32 v42, v61  }
0x2ad: {  	[tilespmem:v49+s22+$0x0] =	vst.idx.msk $0xffff, v2  }
0x2ae: {  	s13 =	sadd.s32 $0x20, s13;
	s14 =	sadd.s32 $0x20, s14;
	s15 =	sadd.s32 $0x20, s15;
	[tilespmem:v50+s22+$0x0] =	vst.idx.msk $0xffff, v4;
	v44 =	vsub.f32 v3, v10;
	v45 =	vsub.f32 v63, v6  }
0x2af: {  	[tilespmem:$0x2400] =	vst v43  }
0x2b0: {  	[tilespmem:$0x2420] =	vst v42  }
0x2b1: {  	[tilespmem:$0x2410] =	vst v44  }
0x2b2: {  	[tilespmem:$0x2430] =	vst v45  }
0x2b3: {  	[spmem:s4] =	stream.indirect.scatter.add.f32 [tilespmem:s23], [sflag:$0x8], $0x8, s29, s28, $0xb8;
	[tilespmem:$0xE7C0] =	vst v63  }
0x2b4: {  	_ = 	snop  }
0x2b5: {  	[spmem:s4] =	stream.indirect.scatter.add.f32 [tilespmem:s22], [sflag:$0x8], $0x8, s28, s28, $0xb8;
	[tilespmem:$0xE7C0] =	vst v63  }
0x2b6: {  	_ =	swait.ge [sflag:s2], $0x400  }
0x2b7: {  	[sflag:s2] =	ssyncset.done $0x0  }
0x2b8: {  	[sflag:s2] =	ssyncadd.s32 $0xFFFFFC00  }
0x2b9: {  	_ =	swait.ge [sflag:s2], $0x400  }
0x2ba: {  	[sflag:s2] =	ssyncset.done $0x0  }
0x2bb: {  	[sflag:s2] =	ssyncadd.s32 $0xFFFFFC00  }
0x2bc: {  	_ =	swait.ge [sflag:s24], $0x400  }
0x2bd: {  	[sflag:s24] =	ssyncset.done $0x0  }
0x2be: {  	[sflag:s24] =	ssyncadd.s32 $0xFFFFFC00  }
0x2bf: {  	_ =	swait.ge [sflag:s24], $0x400  }
0x2c0: {  	p0 =	seq.s32 s26, $0x61;
	s13 =	rddreg [dreg:$0xb]  }
0x2c1: {  	s13 =	sadd.s32 @!p0 s5, s13  }
0x2c2: {  	[sflag:s24] =	ssyncset.done $0x0;
	s13 =	sshrl.u32 @!p0 s13, $0x3  }
0x2c3: {  	s15 =	simm.s32 @!p0 $0x0;
	[sflag:s24] =	ssyncadd.s32 $0xFFFFFC00;
	s14 =	sadd.s32 @!p0 s6, s13  }
0x2c4: {  	[tilespmem:s15], [sflag:$0x1] =	stream.linear.gather @!p0 [hbm4b:s14+s15], $0x80, $0x38;
	[tilespmem:$0xE7C0] =	vst v63  }
0x2c5: {  	s13 =	sadd.s32 @!p0 s1, s13;
	s14 =	simm.s32 @!p0 $0x200  }
0x2c6: {  	[tilespmem:s14], [sflag:$0x1] =	stream.linear.gather @!p0 [hbm4b:s13+s15], $0x80, $0x38;
	[tilespmem:$0xE7C0] =	vst v63  }
0x2c7: {  	_ =	swait.ge [sflag:s30], $0x80  }
0x2c8: {  	[sflag:s30] =	ssyncset.done $0x0  }
0x2c9: {  	[sflag:s30] =	ssyncadd.s32 $0xFFFFFF80  }
0x2ca: {  	_ =	swait.ge [sflag:s30], $0x80  }
0x2cb: {  	[sflag:s30] =	ssyncset.done $0x0  }
0x2cc: {  	[sflag:s30] =	ssyncadd.s32 $0xFFFFFF80  }
0x2cd: {  	[tilespmem:s11], [sflag:$0x6] =	stream.indirect.gather [hbm4b:s7+s28], $0x8, s18, s28, $0xb8;
	[tilespmem:$0xE7C0] =	vst v63  }
0x2ce: {  	_ = 	snop  }
0x2cf: {  	[tilespmem:s12], [sflag:$0x6] =	stream.indirect.gather [hbm4b:s7+s28], $0x8, s19, s28, $0xb8;
	[tilespmem:$0xE7C0] =	vst v63  }
0x2d0: {  	v43 =	vld [tilespmem:$0x2400]  }
0x2d1: {  	v44 =	vld [tilespmem:$0x2410]  }
0x2d2: {  	v42 =	vld [tilespmem:$0x2420]  }
0x2d3: {  	s13 =	simm.s32 $0x0;
	s14 =	simm.s32 $0x110;
	s15 =	simm.s32 $0x310;
	v45 =	vld [tilespmem:$0x2430]  }
.LBB2_7:
0x2d4: {  	v2 =	vmov s13  }
0x2d5: {  	v2 =	vshll.u32 v2, $0x3  }
0x2d6: {  	v49 =	vor.u32 v0, v2;
	_ =	sdelay $0x1  }
0x2d7: {  	v50 =	vor.u32 $0x1, v49;
	_ =	sdelay $0x1  }
0x2d8: {  	v58 =	vor.u32 $0x2, v49  }
0x2d9: {  	v2 =	vld.idx.msk [tilespmem:v49+s31+$0x0], $0xffff  }
0x2da: {  	v3 =	vld.idx.msk [tilespmem:v49+s0+$0x0], $0xffff  }
0x2db: {  	v4 =	vld.idx.msk [tilespmem:v50+s31+$0x0], $0xffff  }
0x2dc: {  	v5 =	vld.idx.msk [tilespmem:v50+s0+$0x0], $0xffff  }
0x2dd: {  	v6 =	vld.idx.msk [tilespmem:v58+s31+$0x0], $0xffff  }
0x2de: {  	v7 =	vld.idx.msk [tilespmem:v58+s0+$0x0], $0xffff;
	_ =	sdelay $0x1  }
0x2df: {  	v2 =	vsub.f32 v3, v2;
	_ =	sdelay $0x1  }
0x2e0: {  	v4 =	vsub.f32 v5, v4;
	v3 =	vshrl.u32 v2, $0x10  }
0x2e1: {  	v56 =	vsub.f32 v7, v6;
	v3 =	vand.u32 $0x1, v3  }
0x2e2: {  	v2 =	vadd.s32 v3, v2;
	v3 =	vshrl.u32 v4, $0x10  }
0x2e3: {  	v57 =	vshrl.u32 v56, $0x10;
	v2 =	vadd.s32 $0x7FFF, v2;
	v3 =	vand.u32 $0x1, v3  }
0x2e4: {  	v2 =	vand.u32 $0xFFFF0000, v2;
	v3 =	vadd.s32 v3, v4;
	v4 =	vand.u32 $0x1, v57  }
0x2e5: {  	v2 =	vmul.f32 $1.250000000e-01, v2;
	v3 =	vadd.s32 $0x7FFF, v3;
	v4 =	vadd.s32 v4, v56  }
0x2e6: {  	v3 =	vand.u32 $0xFFFF0000, v3;
	v4 =	vadd.s32 $0x7FFF, v4  }
0x2e7: {  	vm0 =	vgt.f32 v2, $5.000000000e-01;
	v3 =	vmul.f32 $1.250000000e-01, v3;
	vm12 =	vlt.f32 v2, $-5.000000000e-01  }
0x2e8: {  	v4 =	vand.u32 $0xFFFF0000, v4;
	v59 =	vsel vm0, $0x3F800000, v1;
	v60 =	vsel vm12, $0x3F800000, v1  }
0x2e9: {  	v4 =	vmul.f32 $1.250000000e-01, v4;
	vm13 =	vgt.f32 v3, $5.000000000e-01;
	vm14 =	vlt.f32 v3, $-5.000000000e-01  }
0x2ea: {  	v5 =	vsub.f32 v59, v60;
	v61 =	vsel vm13, $0x3F800000, v1;
	v62 =	vsel vm14, $0x3F800000, v1  }
0x2eb: {  	vm15 =	vgt.f32 v4, $5.000000000e-01;
	vm1 =	vlt.f32 v4, $-5.000000000e-01;
	v6 =	vsub.f32 v61, v62  }
0x2ec: {  	v63 =	vsel vm15, $0x3F800000, v1;
	v8 =	vsel vm1, $0x3F800000, v1;
	v2 =	vsub.f32 v2, v5  }
0x2ed: {  	v7 =	vsub.f32 v63, v8;
	v3 =	vsub.f32 v3, v6  }
0x2ee: {  	v5 =	vshrl.u32 v2, $0x10  }
0x2ef: {  	v4 =	vsub.f32 v4, v7;
	v5 =	vand.u32 $0x1, v5;
	v6 =	vshrl.u32 v3, $0x10  }
0x2f0: {  	v2 =	vadd.s32 v5, v2;
	v6 =	vand.u32 $0x1, v6  }
0x2f1: {  	v7 =	vshrl.u32 v4, $0x10;
	v2 =	vadd.s32 $0x7FFF, v2;
	v3 =	vadd.s32 v6, v3  }
0x2f2: {  	v11 =	vand.u32 $0x1, v7;
	v2 =	vand.u32 $0xFFFF0000, v2;
	v3 =	vadd.s32 $0x7FFF, v3  }
0x2f3: {  	v4 =	vadd.s32 v11, v4;
	v2 =	vmul.f32 $8.000000000e+00, v2;
	v3 =	vand.u32 $0xFFFF0000, v3  }
0x2f4: {  	v4 =	vadd.s32 $0x7FFF, v4;
	v3 =	vmul.f32 $8.000000000e+00, v3  }
0x2f5: {  	v12 =	vor.u32 $0x7, v49;
	v4 =	vand.u32 $0xFFFF0000, v4;
	v13 =	vmul.f32 v2, v2  }
0x2f6: {  	v4 =	vmul.f32 $8.000000000e+00, v4;
	v14 =	vmul.f32 v3, v3;
	_ =	sdelay $0x1  }
0x2f7: {  	v15 =	vmul.f32 v4, v4;
	v6 =	vadd.f32 v14, v13;
	_ =	sdelay $0x1  }
0x2f8: {  	v46 =	vld.idx.msk [tilespmem:v12+s31+$0x0], $0xffff;
	v6 =	vadd.f32 v15, v6  }
0x2f9: {  	v5 =	vld.idx.msk [tilespmem:v12+s0+$0x0], $0xffff  }
0x2fa: {  	v6 =	vadd.f32 $9.999999960e-13, v6;
	_ =	sdelay $0x1  }
0x2fb: {  	v47 =	vshrl.u32 v6, $0x1;
	v9 =	vmul.f32 $5.000000000e-01, v6  }
0x2fc: {  	v7 =	vsub.s32 $0x5F3759DF, v47  }
0x2fd: {  	v5 =	vmul.f32 v5, v46;
	v10 =	vmul.f32 v7, v9;
	_ =	sdelay $0x1  }
0x2fe: {  	v51 =	vshrl.u32 v5, $0x1;
	v5 =	vmul.f32 $5.000000000e-01, v5;
	v48 =	vmul.f32 v7, v10  }
0x2ff: {  	v10 =	vsub.s32 $0x5F3759DF, v51  }
0x300: {  	v11 =	vmul.f32 v10, v5;
	v8 =	vsub.f32 $1.500000000e+00, v48;
	_ =	sdelay $0x1  }
0x301: {  	v52 =	vmul.f32 v10, v11;
	v7 =	vmul.f32 v7, v8;
	_ =	sdelay $0x1  }
0x302: {  	v8 =	vsub.f32 $1.500000000e+00, v52;
	v53 =	vmul.f32 v7, v9;
	_ =	sdelay $0x1  }
0x303: {  	v8 =	vmul.f32 v10, v8;
	v11 =	vmul.f32 v53, v7;
	_ =	sdelay $0x1  }
0x304: {  	v55 =	vmul.f32 v8, v5;
	v54 =	vsub.f32 $1.500000000e+00, v11;
	_ =	sdelay $0x1  }
0x305: {  	v56 =	vmul.f32 v55, v8;
	v7 =	vmul.f32 v54, v7;
	_ =	sdelay $0x1  }
0x306: {  	v10 =	vsub.f32 $1.500000000e+00, v56;
	v9 =	vmul.f32 v7, v9;
	_ =	sdelay $0x1  }
0x307: {  	v8 =	vmul.f32 v10, v8;
	v9 =	vmul.f32 v9, v7;
	_ =	sdelay $0x1  }
0x308: {  	v5 =	vmul.f32 v8, v5;
	v9 =	vsub.f32 $1.500000000e+00, v9;
	_ =	sdelay $0x1  }
0x309: {  	v5 =	vmul.f32 v5, v8;
	v51 =	vmul.f32 v9, v7;
	_ =	sdelay $0x1  }
0x30a: {  	v57 =	vmul.f32 $3.899999860e-01, v6;
	v5 =	vsub.f32 $1.500000000e+00, v5;
	v7 =	vmul.f32 v51, v6;
	_ =	sdelay $0x1  }
0x30b: {  	v5 =	vmul.f32 v5, v8;
	v7 =	vmul.f32 v7, v57;
	_ =	sdelay $0x1  }
0x30c: {  	v5 =	vmul.f32 v7, v5;
	_ =	sdelay $0x1  }
0x30d: {  	v7 =	vsub.f32 $0.0e+00, v5;
	_ =	sdelay $0x1  }
0x30e: {  	v60 =	vor.u32 $0x5, v49;
	v7 =	vmul.f32 $1.442695020e+00, v7  }
0x30f: {  	v59 =	vor.u32 $0x4, v49  }
0x310: {  	v61 =	vor.u32 $0x6, v49;
	(erf) = vpow2.f32 v7  }
0x311: {  	v62 =	vld [tilespmem:s14+$0xFFFFFFF0]  }
0x312: {  	v63 =	vld [tilespmem:s15+$0xFFFFFFF0]  }
0x313: {  	v53 =	vld.idx.msk [tilespmem:v60+s31+$0x0], $0xffff  }
0x314: {  	v54 =	vld.idx.msk [tilespmem:v59+s31+$0x0], $0xffff  }
0x315: {  	v52 =	vld.idx.msk [tilespmem:v61+s31+$0x0], $0xffff  }
0x316: {  	v56 =	vld.idx.msk [tilespmem:v59+s0+$0x0], $0xffff  }
0x317: {  	v12 =	vor.u32 $0x3, v49;
	vm6 =	vne.s32 v62, v63;
	vm4 =	vle.f32 v6, $1.000000000e+00;
	v55 =	vld.idx.msk [tilespmem:v60+s0+$0x0], $0xffff  }
0x318: {  	vm5 =	vgt.f32 v6, $9.999999930e-09;
	v15 =	vmul.f32 v51, v51;
	v5 =	vadd.f32 $1.000000000e+00, v5  }
0x319: {  	vm0 =	vmand vm4, vm5;
	v59 =	vld.idx.msk [tilespmem:v61+s0+$0x0], $0xffff;
	v11 =	vmul.f32 v3, v53;
	v46 =	vmul.f32 v2, v54;
	v48 =	vpop (erf)  }
0x31a: {  	vm0 =	vmand vm6, vm0;
	v47 =	vmul.f32 v15, v51;
	v5 =	vmul.f32 v48, v5  }
0x31b: {  	v13 =	vmul.f32 v4, v52;
	v14 =	vmul.f32 v2, v56;
	v6 =	vadd.f32 v11, v46  }
0x31c: {  	v57 =	vmul.f32 v47, v15;
	v15 =	vmul.f32 v3, v55;
	v5 =	vsub.f32 $1.000000000e+00, v5  }
0x31d: {  	v46 =	vsel vm0, $0x3F800000, v1;
	v60 =	vadd.f32 v13, v6;
	v48 =	vsub.f32 $1.000000000e+00, v48  }
0x31e: {  	v61 =	vld.idx.msk [tilespmem:v12+s31+$0x0], $0xffff;
	v13 =	vadd.f32 v15, v14;
	v14 =	vmul.f32 v4, v59;
	v5 =	vmul.f32 $3.000000000e+00, v5  }
0x31f: {  	v15 =	vmul.f32 $-1.389354550e+02, v46;
	v6 =	vmul.f32 v48, v47  }
0x320: {  	v63 =	vadd.f32 v14, v13;
	v48 =	vmul.f32 v5, v60  }
0x321: {  	v62 =	vld.idx.msk [tilespmem:v12+s0+$0x0], $0xffff;
	v6 =	vmul.f32 v6, v15  }
0x322: {  	v5 =	vmul.f32 v5, v63;
	v13 =	vmul.f32 v48, v57  }
0x323: {  	v14 =	vmul.f32 v6, v61  }
0x324: {  	v5 =	vmul.f32 v5, v57;
	v7 =	vmul.f32 v13, v15  }
0x325: {  	v10 =	vmul.f32 v6, v54;
	v11 =	vmul.f32 v6, v53  }
0x326: {  	v5 =	vmul.f32 v5, v15;
	v15 =	vmul.f32 v6, v62;
	v7 =	vsub.f32 v7, v14  }
0x327: {  	v12 =	vmul.f32 v6, v55;
	v48 =	vmul.f32 v6, v52  }
0x328: {  	v13 =	vmul.f32 v6, v59;
	v5 =	vadd.f32 v5, v15;
	v9 =	vmul.f32 v7, v2  }
0x329: {  	v8 =	vmul.f32 v7, v3;
	v7 =	vmul.f32 v7, v4  }
0x32a: {  	s16 =	sadd.s32 $0x10, s13;
	v15 =	vmul.f32 v6, v56;
	v2 =	vmul.f32 v5, v2;
	v9 =	vsub.f32 v9, v10  }
0x32b: {  	v8 =	vsub.f32 v8, v11;
	v7 =	vsub.f32 v7, v48;
	v48 =	vmov s16  }
0x32c: {  	v3 =	vmul.f32 v5, v3;
	v4 =	vmul.f32 v5, v4;
	[tilespmem:v49+s21+$0x0] =	vst.idx.msk $0xffff, v9;
	v9 =	vshll.u32 v48, $0x3  }
0x32d: {  	v2 =	vsub.f32 v2, v15;
	[tilespmem:v50+s21+$0x0] =	vst.idx.msk $0xffff, v8;
	v48 =	vor.u32 v0, v9  }
0x32e: {  	v3 =	vsub.f32 v3, v12;
	[tilespmem:v58+s21+$0x0] =	vst.idx.msk $0xffff, v7  }
0x32f: {  	[tilespmem:v49+s20+$0x0] =	vst.idx.msk $0xffff, v2;
	v2 =	vsub.f32 v4, v13;
	v49 =	vor.u32 $0x1, v48  }
0x330: {  	[tilespmem:v50+s20+$0x0] =	vst.idx.msk $0xffff, v3  }
0x331: {  	v50 =	vor.u32 $0x2, v48;
	[tilespmem:v58+s20+$0x0] =	vst.idx.msk $0xffff, v2  }
0x332: {  	v2 =	vld.idx.msk [tilespmem:v48+s31+$0x0], $0xffff  }
0x333: {  	v3 =	vld.idx.msk [tilespmem:v48+s0+$0x0], $0xffff  }
0x334: {  	v14 =	vld.idx.msk [tilespmem:v49+s31+$0x0], $0xffff  }
0x335: {  	v15 =	vld.idx.msk [tilespmem:v49+s0+$0x0], $0xffff  }
0x336: {  	v58 =	vld.idx.msk [tilespmem:v50+s31+$0x0], $0xffff  }
0x337: {  	v7 =	vld.idx.msk [tilespmem:v50+s0+$0x0], $0xffff  }
0x338: {  	v2 =	vsub.f32 v3, v2;
	_ =	sdelay $0x1  }
0x339: {  	v3 =	vshrl.u32 v2, $0x10;
	v4 =	vsub.f32 v15, v14  }
0x33a: {  	v3 =	vand.u32 $0x1, v3  }
0x33b: {  	v9 =	vsub.f32 v7, v58;
	v2 =	vadd.s32 v3, v2;
	v3 =	vshrl.u32 v4, $0x10  }
0x33c: {  	v2 =	vadd.s32 $0x7FFF, v2;
	v3 =	vand.u32 $0x1, v3  }
0x33d: {  	v10 =	vshrl.u32 v9, $0x10;
	v2 =	vand.u32 $0xFFFF0000, v2;
	v3 =	vadd.s32 v3, v4  }
0x33e: {  	v4 =	vand.u32 $0x1, v10;
	v2 =	vmul.f32 $1.250000000e-01, v2;
	v3 =	vadd.s32 $0x7FFF, v3  }
0x33f: {  	v4 =	vadd.s32 v4, v9;
	v3 =	vand.u32 $0xFFFF0000, v3  }
0x340: {  	v4 =	vadd.s32 $0x7FFF, v4;
	vm7 =	vgt.f32 v2, $5.000000000e-01;
	v3 =	vmul.f32 $1.250000000e-01, v3  }
0x341: {  	vm8 =	vlt.f32 v2, $-5.000000000e-01;
	v4 =	vand.u32 $0xFFFF0000, v4;
	v11 =	vsel vm7, $0x3F800000, v1  }
0x342: {  	v12 =	vsel vm8, $0x3F800000, v1;
	v4 =	vmul.f32 $1.250000000e-01, v4;
	vm9 =	vgt.f32 v3, $5.000000000e-01  }
0x343: {  	v5 =	vsub.f32 v11, v12;
	vm10 =	vlt.f32 v3, $-5.000000000e-01;
	v13 =	vsel vm9, $0x3F800000, v1  }
0x344: {  	v14 =	vsel vm10, $0x3F800000, v1;
	vm11 =	vgt.f32 v4, $5.000000000e-01;
	vm12 =	vlt.f32 v4, $-5.000000000e-01  }
0x345: {  	v6 =	vsub.f32 v13, v14;
	v15 =	vsel vm11, $0x3F800000, v1;
	v58 =	vsel vm12, $0x3F800000, v1  }
0x346: {  	v7 =	vsub.f32 v15, v58  }
0x347: {  	v2 =	vsub.f32 v2, v5;
	v3 =	vsub.f32 v3, v6  }
0x348: {  	v4 =	vsub.f32 v4, v7  }
0x349: {  	v11 =	vor.u32 $0x7, v48;
	v5 =	vshrl.u32 v2, $0x10;
	v6 =	vshrl.u32 v3, $0x10  }
0x34a: {  	v5 =	vand.u32 $0x1, v5;
	v6 =	vand.u32 $0x1, v6;
	v7 =	vshrl.u32 v4, $0x10  }
0x34b: {  	v2 =	vadd.s32 v5, v2;
	v3 =	vadd.s32 v6, v3;
	v9 =	vand.u32 $0x1, v7  }
0x34c: {  	v2 =	vadd.s32 $0x7FFF, v2;
	v3 =	vadd.s32 $0x7FFF, v3;
	v4 =	vadd.s32 v9, v4  }
0x34d: {  	v2 =	vand.u32 $0xFFFF0000, v2;
	v10 =	vand.u32 $0xFFFF0000, v3;
	v4 =	vadd.s32 $0x7FFF, v4  }
0x34e: {  	v3 =	vmul.f32 $8.000000000e+00, v2;
	v2 =	vmul.f32 $8.000000000e+00, v10;
	v4 =	vand.u32 $0xFFFF0000, v4  }
0x34f: {  	v58 =	vmul.f32 $8.000000000e+00, v4  }
0x350: {  	v12 =	vmul.f32 v3, v3;
	v13 =	vmul.f32 v2, v2;
	_ =	sdelay $0x1  }
0x351: {  	v14 =	vmul.f32 v58, v58;
	v4 =	vadd.f32 v13, v12  }
0x352: {  	v15 =	vld.idx.msk [tilespmem:v11+s31+$0x0], $0xffff  }
0x353: {  	v5 =	vld.idx.msk [tilespmem:v11+s0+$0x0], $0xffff;
	v4 =	vadd.f32 v14, v4;
	_ =	sdelay $0x1  }
0x354: {  	v4 =	vadd.f32 $9.999999960e-13, v4;
	_ =	sdelay $0x1  }
0x355: {  	v12 =	vshrl.u32 v4, $0x1;
	v8 =	vmul.f32 $5.000000000e-01, v4  }
0x356: {  	v5 =	vmul.f32 v5, v15;
	v6 =	vsub.s32 $0x5F3759DF, v12  }
0x357: {  	v13 =	vmul.f32 v6, v8  }
0x358: {  	v15 =	vshrl.u32 v5, $0x1;
	v5 =	vmul.f32 $5.000000000e-01, v5  }
0x359: {  	v9 =	vsub.s32 $0x5F3759DF, v15;
	v14 =	vmul.f32 v6, v13  }
0x35a: {  	v12 =	vmul.f32 v9, v5  }
0x35b: {  	v7 =	vsub.f32 $1.500000000e+00, v14  }
0x35c: {  	v13 =	vmul.f32 v9, v12  }
0x35d: {  	v6 =	vmul.f32 v6, v7  }
0x35e: {  	v7 =	vsub.f32 $1.500000000e+00, v13  }
0x35f: {  	v14 =	vmul.f32 v6, v8  }
0x360: {  	v7 =	vmul.f32 v9, v7  }
0x361: {  	v10 =	vmul.f32 v14, v6  }
0x362: {  	v12 =	vmul.f32 v7, v5  }
0x363: {  	v15 =	vsub.f32 $1.500000000e+00, v10  }
0x364: {  	v13 =	vmul.f32 v12, v7  }
0x365: {  	v6 =	vmul.f32 v15, v6  }
0x366: {  	v9 =	vsub.f32 $1.500000000e+00, v13  }
0x367: {  	v8 =	vmul.f32 v6, v8  }
0x368: {  	v7 =	vmul.f32 v9, v7  }
0x369: {  	v8 =	vmul.f32 v8, v6  }
0x36a: {  	v5 =	vmul.f32 v7, v5  }
0x36b: {  	v8 =	vsub.f32 $1.500000000e+00, v8  }
0x36c: {  	v5 =	vmul.f32 v5, v7  }
0x36d: {  	v6 =	vmul.f32 v8, v6  }
0x36e: {  	v5 =	vsub.f32 $1.500000000e+00, v5  }
0x36f: {  	v14 =	vmul.f32 $3.899999860e-01, v4;
	v8 =	vmul.f32 v6, v4  }
0x370: {  	v5 =	vmul.f32 v5, v7;
	v7 =	vor.u32 $0x4, v48  }
0x371: {  	v15 =	vmul.f32 v8, v14;
	_ =	sdelay $0x1  }
0x372: {  	v8 =	vor.u32 $0x3, v48;
	v5 =	vmul.f32 v15, v5  }
0x373: {  	v16 =	vmul.f32 v63, v61;
	v11 =	vld [tilespmem:s14+$0x0];
	v13 =	vmul.f32 v60, v62  }
0x374: {  	v9 =	vor.u32 $0x5, v48;
	v17 =	vld.idx.msk [tilespmem:v7+s31+$0x0], $0xffff;
	v10 =	vsub.f32 $0.0e+00, v5  }
0x375: {  	v13 =	vsub.f32 v13, v16;
	v7 =	vld.idx.msk [tilespmem:v7+s0+$0x0], $0xffff  }
0x376: {  	v53 =	vmul.f32 v55, v53;
	v12 =	vld [tilespmem:s15+$0x0];
	v15 =	vor.u32 $0x6, v48;
	v10 =	vmul.f32 $1.442695020e+00, v10  }
0x377: {  	vm13 =	vle.f32 v4, $1.000000000e+00;
	v16 =	vmul.f32 v59, v52;
	v13 =	vmul.f32 v47, v13;
	v14 =	vld.idx.msk [tilespmem:v8+s31+$0x0], $0xffff  }
0x378: {  	vm14 =	vgt.f32 v4, $9.999999930e-09;
	v4 =	vld.idx.msk [tilespmem:v8+s0+$0x0], $0xffff;
	v8 =	vmul.f32 v6, v6;
	(erf) = vpow2.f32 v10  }
0x379: {  	v10 =	vmul.f32 v56, v54;
	v54 =	vmul.f32 $3.000000000e+00, v63;
	v56 =	vld.idx.msk [tilespmem:v9+s31+$0x0], $0xffff  }
0x37a: {  	vm0 =	vmand vm13, vm14;
	v63 =	vmul.f32 v62, v61;
	v9 =	vld.idx.msk [tilespmem:v9+s0+$0x0], $0xffff;
	v62 =	vmul.f32 v3, v7  }
0x37b: {  	v55 =	vmul.f32 v7, v17;
	v59 =	vmul.f32 v54, v60;
	v10 =	vadd.f32 v53, v10;
	v53 =	vld.idx.msk [tilespmem:v15+s31+$0x0], $0xffff  }
0x37c: {  	vm15 =	vne.s32 v11, v12;
	v51 =	vmul.f32 v51, v63;
	v15 =	vld.idx.msk [tilespmem:v15+s0+$0x0], $0xffff;
	v60 =	vmul.f32 v3, v17  }
0x37d: {  	vm0 =	vmand vm15, vm0;
	v12 =	vmul.f32 v4, v14;
	v52 =	vmul.f32 v57, v59  }
0x37e: {  	v5 =	vadd.f32 $1.000000000e+00, v5;
	v57 =	vmul.f32 v8, v6;
	v61 =	vmul.f32 v2, v56  }
0x37f: {  	v6 =	vmul.f32 v6, v12;
	v10 =	vadd.f32 v16, v10;
	v63 =	vmul.f32 v2, v9  }
0x380: {  	v13 =	vadd.f32 v13, v51;
	v11 =	vadd.f32 v61, v60;
	v60 =	vmul.f32 v58, v53  }
0x381: {  	v8 =	vmul.f32 v57, v8;
	v54 =	vadd.f32 v63, v62;
	v61 =	vmul.f32 v58, v15  }
0x382: {  	v13 =	vadd.f32 v52, v13;
	v10 =	vmul.f32 v47, v10;
	v59 =	vpop (erf);
	v11 =	vadd.f32 v60, v11  }
0x383: {  	v54 =	vadd.f32 v61, v54;
	v60 =	vsel vm0, $0x3F800000, v1;
	v5 =	vmul.f32 v59, v5  }
0x384: {  	v10 =	vsub.f32 v13, v10;
	v59 =	vsub.f32 $1.000000000e+00, v59;
	v63 =	vmul.f32 $-1.389354550e+02, v60  }
0x385: {  	v12 =	vmul.f32 v11, v4;
	v61 =	vmul.f32 v54, v14;
	v5 =	vsub.f32 $1.000000000e+00, v5  }
0x386: {  	v10 =	vmul.f32 v10, v46;
	v16 =	vmul.f32 v59, v57  }
0x387: {  	v62 =	vmul.f32 $3.000000000e+00, v54;
	v12 =	vsub.f32 v12, v61;
	v5 =	vmul.f32 $3.000000000e+00, v5  }
0x388: {  	v61 =	vmul.f32 v9, v56;
	v16 =	vmul.f32 v16, v63  }
0x389: {  	v12 =	vmul.f32 v57, v12;
	v59 =	vmul.f32 v5, v11  }
0x38a: {  	v11 =	vmul.f32 v62, v11;
	v62 =	vmul.f32 v15, v53  }
0x38b: {  	v14 =	vmul.f32 v16, v14;
	v5 =	vmul.f32 v5, v54  }
0x38c: {  	v55 =	vadd.f32 v61, v55;
	v54 =	vmul.f32 v16, v17;
	v51 =	vmul.f32 v59, v8  }
0x38d: {  	v4 =	vmul.f32 v16, v4;
	v6 =	vadd.f32 v12, v6;
	v11 =	vmul.f32 v8, v11  }
0x38e: {  	v61 =	vadd.f32 v62, v55;
	v5 =	vmul.f32 v5, v8;
	v51 =	vmul.f32 v51, v63  }
0x38f: {  	v56 =	vmul.f32 v16, v56;
	v7 =	vmul.f32 v16, v7;
	v6 =	vadd.f32 v11, v6  }
0x390: {  	v5 =	vmul.f32 v5, v63;
	v62 =	vsub.f32 v51, v14;
	v51 =	vmul.f32 v57, v61  }
0x391: {  	v9 =	vmul.f32 v16, v9;
	v59 =	vmul.f32 v16, v53  }
0x392: {  	v4 =	vadd.f32 v5, v4;
	v52 =	vmul.f32 v62, v3;
	v6 =	vsub.f32 v6, v51  }
0x393: {  	v55 =	vmul.f32 v62, v2;
	v57 =	vmul.f32 v62, v58  }
0x394: {  	v10 =	vsub.f32 v10, v44;
	v3 =	vmul.f32 v4, v3;
	v6 =	vmul.f32 v6, v60  }
0x395: {  	v2 =	vmul.f32 v4, v2;
	v4 =	vmul.f32 v4, v58;
	v8 =	vsub.f32 v52, v54  }
0x396: {  	v62 =	vmul.f32 v16, v15;
	v5 =	vsub.f32 v55, v56;
	v6 =	vsub.f32 v6, v45  }
0x397: {  	p1 =	sne.s32 s13, $0x60;
	v61 =	vmov v42;
	v3 =	vsub.f32 v3, v7;
	[tilespmem:v48+s21+$0x0] =	vst.idx.msk $0xffff, v8;
	v8 =	vsub.f32 v57, v59  }
.Ltmp2:
0x398: {  	v60 =	vmov v43;
	v43 =	vadd.f32 v10, v43;
	[tilespmem:v49+s21+$0x0] =	vst.idx.msk $0xffff, v5;
	v42 =	vadd.f32 v6, v42;
	(pc) =	sbr.rel @p1 .LBB2_7-.Ltmp2, $4  }
0x399: {  	v2 =	vsub.f32 v2, v9;
	v4 =	vsub.f32 v4, v62;
	[tilespmem:v50+s21+$0x0] =	vst.idx.msk $0xffff, v8  }
0x39a: {  	[tilespmem:v48+s20+$0x0] =	vst.idx.msk $0xffff, v3;
	v3 =	vsub.f32 v43, v60;
	v63 =	vsub.f32 v42, v61  }
0x39b: {  	[tilespmem:v49+s20+$0x0] =	vst.idx.msk $0xffff, v2  }
0x39c: {  	s13 =	sadd.s32 $0x20, s13;
	s14 =	sadd.s32 $0x20, s14;
	s15 =	sadd.s32 $0x20, s15;
	[tilespmem:v50+s20+$0x0] =	vst.idx.msk $0xffff, v4;
	v44 =	vsub.f32 v3, v10;
	v45 =	vsub.f32 v63, v6  }
0x39d: {  	[tilespmem:$0x2400] =	vst v43  }
0x39e: {  	[tilespmem:$0x2420] =	vst v42  }
0x39f: {  	[tilespmem:$0x2410] =	vst v44  }
0x3a0: {  	[tilespmem:$0x2430] =	vst v45  }
0x3a1: {  	[spmem:s4] =	stream.indirect.scatter.add.f32 [tilespmem:s21], [sflag:$0x7], $0x8, s9, s28, $0xb8;
	[tilespmem:$0xE7C0] =	vst v63  }
0x3a2: {  	_ = 	snop  }
0x3a3: {  	[spmem:s4] =	stream.indirect.scatter.add.f32 [tilespmem:s20], [sflag:$0x7], $0x8, s3, s28, $0xb8;
	[tilespmem:$0xE7C0] =	vst v63  }
0x3a4: {  	_ =	swait.ge [sflag:s17], $0x400  }
0x3a5: {  	[sflag:s17] =	ssyncset.done $0x0  }
0x3a6: {  	[sflag:s17] =	ssyncadd.s32 $0xFFFFFC00  }
0x3a7: {  	_ =	swait.ge [sflag:s17], $0x400  }
0x3a8: {  	[sflag:s17] =	ssyncset.done $0x0  }
0x3a9: {  	[sflag:s17] =	ssyncadd.s32 $0xFFFFFC00  }
0x3aa: {  	_ =	swait.ge [sflag:s25], $0x400  }
0x3ab: {  	[sflag:s25] =	ssyncset.done $0x0  }
0x3ac: {  	[sflag:s25] =	ssyncadd.s32 $0xFFFFFC00  }
0x3ad: {  	_ =	swait.ge [sflag:s25], $0x400  }
0x3ae: {  	s13 =	rddreg [dreg:$0xc]  }
0x3af: {  	s5 =	sadd.s32 @!p0 s5, s13  }
0x3b0: {  	s14 =	simm.s32 @!p0 $0x0;
	[sflag:s25] =	ssyncset.done $0x0;
	s5 =	sshrl.u32 @!p0 s5, $0x3  }
0x3b1: {  	s15 =	simm.s32 @!p0 $0x80;
	[sflag:s25] =	ssyncadd.s32 $0xFFFFFC00;
	s13 =	sadd.s32 @!p0 s6, s5  }
0x3b2: {  	[tilespmem:s15], [sflag:$0x2] =	stream.linear.gather @!p0 [hbm4b:s13+s14], $0x80, $0x38;
	[tilespmem:$0xE7C0] =	vst v63  }
0x3b3: {  	s5 =	sadd.s32 @!p0 s1, s5;
	s13 =	simm.s32 @!p0 $0x280  }
0x3b4: {  	[tilespmem:s13], [sflag:$0x2] =	stream.linear.gather @!p0 [hbm4b:s5+s14], $0x80, $0x38;
	[tilespmem:$0xE7C0] =	vst v63  }
0x3b5: {  	s5 =	simm.s32 @!p0 $0x1  }
0x3b6: {  	_ =	swait.ge @!p0 [sflag:s5], $0x80  }
0x3b7: {  	[sflag:s5] =	ssyncset.done @!p0 $0x0  }
0x3b8: {  	[sflag:s5] =	ssyncadd.s32 @!p0 $0xFFFFFF80  }
0x3b9: {  	_ =	swait.ge @!p0 [sflag:s5], $0x80  }
0x3ba: {  	[sflag:s5] =	ssyncset.done @!p0 $0x0  }
0x3bb: {  	[sflag:s5] =	ssyncadd.s32 @!p0 $0xFFFFFF80;
	s5 =	simm.s32 @!p0 $0x400  }
0x3bc: {  	[tilespmem:s5], [sflag:$0x5] =	stream.indirect.gather @!p0 [hbm4b:s7+s15], $0x8, s14, s15, $0xb8;
	[tilespmem:$0xE7C0] =	vst v63  }
0x3bd: {  	s13 =	simm.s32 @!p0 $0xC00;
	s5 =	simm.s32 @!p0 $0x200  }
0x3be: {  	[tilespmem:s13], [sflag:$0x5] =	stream.indirect.gather @!p0 [hbm4b:s7+s15], $0x8, s5, s15, $0xb8;
	[tilespmem:$0xE7C0] =	vst v63  }
0x3bf: {  	v43 =	vld [tilespmem:$0x2400]  }
0x3c0: {  	v44 =	vld [tilespmem:$0x2410]  }
0x3c1: {  	v42 =	vld [tilespmem:$0x2420]  }
0x3c2: {  	s14 =	simm.s32 $0x390;
	s5 =	simm.s32 $0x0;
	s13 =	simm.s32 $0x190;
	v45 =	vld [tilespmem:$0x2430]  }
.LBB2_9:
0x3c3: {  	v2 =	vmov s5  }
0x3c4: {  	v2 =	vshll.u32 v2, $0x3  }
0x3c5: {  	v49 =	vor.u32 v0, v2;
	_ =	sdelay $0x1  }
0x3c6: {  	v50 =	vor.u32 $0x1, v49;
	_ =	sdelay $0x1  }
0x3c7: {  	v58 =	vor.u32 $0x2, v49  }
0x3c8: {  	v2 =	vld.idx.msk [tilespmem:v49+s11+$0x0], $0xffff  }
0x3c9: {  	v3 =	vld.idx.msk [tilespmem:v49+s12+$0x0], $0xffff  }
0x3ca: {  	v4 =	vld.idx.msk [tilespmem:v50+s11+$0x0], $0xffff  }
0x3cb: {  	v5 =	vld.idx.msk [tilespmem:v50+s12+$0x0], $0xffff  }
0x3cc: {  	v6 =	vld.idx.msk [tilespmem:v58+s11+$0x0], $0xffff  }
0x3cd: {  	v7 =	vld.idx.msk [tilespmem:v58+s12+$0x0], $0xffff;
	_ =	sdelay $0x1  }
0x3ce: {  	v2 =	vsub.f32 v3, v2;
	_ =	sdelay $0x1  }
0x3cf: {  	v4 =	vsub.f32 v5, v4;
	v3 =	vshrl.u32 v2, $0x10  }
0x3d0: {  	v56 =	vsub.f32 v7, v6;
	v3 =	vand.u32 $0x1, v3  }
0x3d1: {  	v2 =	vadd.s32 v3, v2;
	v3 =	vshrl.u32 v4, $0x10  }
0x3d2: {  	v57 =	vshrl.u32 v56, $0x10;
	v2 =	vadd.s32 $0x7FFF, v2;
	v3 =	vand.u32 $0x1, v3  }
0x3d3: {  	v2 =	vand.u32 $0xFFFF0000, v2;
	v3 =	vadd.s32 v3, v4;
	v4 =	vand.u32 $0x1, v57  }
0x3d4: {  	v2 =	vmul.f32 $1.250000000e-01, v2;
	v3 =	vadd.s32 $0x7FFF, v3;
	v4 =	vadd.s32 v4, v56  }
0x3d5: {  	v3 =	vand.u32 $0xFFFF0000, v3;
	v4 =	vadd.s32 $0x7FFF, v4  }
0x3d6: {  	vm0 =	vgt.f32 v2, $5.000000000e-01;
	v3 =	vmul.f32 $1.250000000e-01, v3;
	vm12 =	vlt.f32 v2, $-5.000000000e-01  }
0x3d7: {  	v4 =	vand.u32 $0xFFFF0000, v4;
	v59 =	vsel vm0, $0x3F800000, v1;
	v60 =	vsel vm12, $0x3F800000, v1  }
0x3d8: {  	v4 =	vmul.f32 $1.250000000e-01, v4;
	vm13 =	vgt.f32 v3, $5.000000000e-01;
	vm14 =	vlt.f32 v3, $-5.000000000e-01  }
0x3d9: {  	v5 =	vsub.f32 v59, v60;
	v61 =	vsel vm13, $0x3F800000, v1;
	v62 =	vsel vm14, $0x3F800000, v1  }
0x3da: {  	vm15 =	vgt.f32 v4, $5.000000000e-01;
	vm1 =	vlt.f32 v4, $-5.000000000e-01;
	v6 =	vsub.f32 v61, v62  }
0x3db: {  	v63 =	vsel vm15, $0x3F800000, v1;
	v8 =	vsel vm1, $0x3F800000, v1;
	v2 =	vsub.f32 v2, v5  }
0x3dc: {  	v7 =	vsub.f32 v63, v8;
	v3 =	vsub.f32 v3, v6  }
0x3dd: {  	v5 =	vshrl.u32 v2, $0x10  }
0x3de: {  	v4 =	vsub.f32 v4, v7;
	v5 =	vand.u32 $0x1, v5;
	v6 =	vshrl.u32 v3, $0x10  }
0x3df: {  	v2 =	vadd.s32 v5, v2;
	v6 =	vand.u32 $0x1, v6  }
0x3e0: {  	v7 =	vshrl.u32 v4, $0x10;
	v2 =	vadd.s32 $0x7FFF, v2;
	v3 =	vadd.s32 v6, v3  }
0x3e1: {  	v11 =	vand.u32 $0x1, v7;
	v2 =	vand.u32 $0xFFFF0000, v2;
	v3 =	vadd.s32 $0x7FFF, v3  }
0x3e2: {  	v4 =	vadd.s32 v11, v4;
	v2 =	vmul.f32 $8.000000000e+00, v2;
	v3 =	vand.u32 $0xFFFF0000, v3  }
0x3e3: {  	v4 =	vadd.s32 $0x7FFF, v4;
	v3 =	vmul.f32 $8.000000000e+00, v3  }
0x3e4: {  	v12 =	vor.u32 $0x7, v49;
	v4 =	vand.u32 $0xFFFF0000, v4;
	v13 =	vmul.f32 v2, v2  }
0x3e5: {  	v4 =	vmul.f32 $8.000000000e+00, v4;
	v14 =	vmul.f32 v3, v3;
	_ =	sdelay $0x1  }
0x3e6: {  	v15 =	vmul.f32 v4, v4;
	v6 =	vadd.f32 v14, v13;
	_ =	sdelay $0x1  }
0x3e7: {  	v46 =	vld.idx.msk [tilespmem:v12+s11+$0x0], $0xffff;
	v6 =	vadd.f32 v15, v6  }
0x3e8: {  	v5 =	vld.idx.msk [tilespmem:v12+s12+$0x0], $0xffff  }
0x3e9: {  	v6 =	vadd.f32 $9.999999960e-13, v6;
	_ =	sdelay $0x1  }
0x3ea: {  	v47 =	vshrl.u32 v6, $0x1;
	v9 =	vmul.f32 $5.000000000e-01, v6  }
0x3eb: {  	v7 =	vsub.s32 $0x5F3759DF, v47  }
0x3ec: {  	v5 =	vmul.f32 v5, v46;
	v10 =	vmul.f32 v7, v9;
	_ =	sdelay $0x1  }
0x3ed: {  	v51 =	vshrl.u32 v5, $0x1;
	v5 =	vmul.f32 $5.000000000e-01, v5;
	v48 =	vmul.f32 v7, v10  }
0x3ee: {  	v10 =	vsub.s32 $0x5F3759DF, v51  }
0x3ef: {  	v11 =	vmul.f32 v10, v5;
	v8 =	vsub.f32 $1.500000000e+00, v48;
	_ =	sdelay $0x1  }
0x3f0: {  	v52 =	vmul.f32 v10, v11;
	v7 =	vmul.f32 v7, v8;
	_ =	sdelay $0x1  }
0x3f1: {  	v8 =	vsub.f32 $1.500000000e+00, v52;
	v53 =	vmul.f32 v7, v9;
	_ =	sdelay $0x1  }
0x3f2: {  	v8 =	vmul.f32 v10, v8;
	v11 =	vmul.f32 v53, v7;
	_ =	sdelay $0x1  }
0x3f3: {  	v55 =	vmul.f32 v8, v5;
	v54 =	vsub.f32 $1.500000000e+00, v11;
	_ =	sdelay $0x1  }
0x3f4: {  	v56 =	vmul.f32 v55, v8;
	v7 =	vmul.f32 v54, v7;
	_ =	sdelay $0x1  }
0x3f5: {  	v10 =	vsub.f32 $1.500000000e+00, v56;
	v9 =	vmul.f32 v7, v9;
	_ =	sdelay $0x1  }
0x3f6: {  	v8 =	vmul.f32 v10, v8;
	v9 =	vmul.f32 v9, v7;
	_ =	sdelay $0x1  }
0x3f7: {  	v5 =	vmul.f32 v8, v5;
	v9 =	vsub.f32 $1.500000000e+00, v9;
	_ =	sdelay $0x1  }
0x3f8: {  	v5 =	vmul.f32 v5, v8;
	v51 =	vmul.f32 v9, v7;
	_ =	sdelay $0x1  }
0x3f9: {  	v57 =	vmul.f32 $3.899999860e-01, v6;
	v5 =	vsub.f32 $1.500000000e+00, v5;
	v7 =	vmul.f32 v51, v6;
	_ =	sdelay $0x1  }
0x3fa: {  	v5 =	vmul.f32 v5, v8;
	v7 =	vmul.f32 v7, v57;
	_ =	sdelay $0x1  }
0x3fb: {  	v5 =	vmul.f32 v7, v5;
	_ =	sdelay $0x1  }
0x3fc: {  	v7 =	vsub.f32 $0.0e+00, v5;
	_ =	sdelay $0x1  }
0x3fd: {  	v60 =	vor.u32 $0x5, v49;
	v7 =	vmul.f32 $1.442695020e+00, v7  }
0x3fe: {  	v59 =	vor.u32 $0x4, v49  }
0x3ff: {  	v61 =	vor.u32 $0x6, v49;
	(erf) = vpow2.f32 v7  }
0x400: {  	v62 =	vld [tilespmem:s13+$0xFFFFFFF0]  }
0x401: {  	v63 =	vld [tilespmem:s14+$0xFFFFFFF0]  }
0x402: {  	v53 =	vld.idx.msk [tilespmem:v60+s11+$0x0], $0xffff  }
0x403: {  	v54 =	vld.idx.msk [tilespmem:v59+s11+$0x0], $0xffff  }
0x404: {  	v52 =	vld.idx.msk [tilespmem:v61+s11+$0x0], $0xffff  }
0x405: {  	v56 =	vld.idx.msk [tilespmem:v59+s12+$0x0], $0xffff  }
0x406: {  	v12 =	vor.u32 $0x3, v49;
	vm6 =	vne.s32 v62, v63;
	vm4 =	vle.f32 v6, $1.000000000e+00;
	v55 =	vld.idx.msk [tilespmem:v60+s12+$0x0], $0xffff  }
0x407: {  	vm5 =	vgt.f32 v6, $9.999999930e-09;
	v15 =	vmul.f32 v51, v51;
	v5 =	vadd.f32 $1.000000000e+00, v5  }
0x408: {  	vm0 =	vmand vm4, vm5;
	v59 =	vld.idx.msk [tilespmem:v61+s12+$0x0], $0xffff;
	v11 =	vmul.f32 v3, v53;
	v46 =	vmul.f32 v2, v54;
	v48 =	vpop (erf)  }
0x409: {  	vm0 =	vmand vm6, vm0;
	v47 =	vmul.f32 v15, v51;
	v5 =	vmul.f32 v48, v5  }
0x40a: {  	v13 =	vmul.f32 v4, v52;
	v14 =	vmul.f32 v2, v56;
	v6 =	vadd.f32 v11, v46  }
0x40b: {  	v57 =	vmul.f32 v47, v15;
	v15 =	vmul.f32 v3, v55;
	v5 =	vsub.f32 $1.000000000e+00, v5  }
0x40c: {  	v46 =	vsel vm0, $0x3F800000, v1;
	v60 =	vadd.f32 v13, v6;
	v48 =	vsub.f32 $1.000000000e+00, v48  }
0x40d: {  	v61 =	vld.idx.msk [tilespmem:v12+s11+$0x0], $0xffff;
	v13 =	vadd.f32 v15, v14;
	v14 =	vmul.f32 v4, v59;
	v5 =	vmul.f32 $3.000000000e+00, v5  }
0x40e: {  	v15 =	vmul.f32 $-1.389354550e+02, v46;
	v6 =	vmul.f32 v48, v47  }
0x40f: {  	v63 =	vadd.f32 v14, v13;
	v48 =	vmul.f32 v5, v60  }
0x410: {  	v62 =	vld.idx.msk [tilespmem:v12+s12+$0x0], $0xffff;
	v6 =	vmul.f32 v6, v15  }
0x411: {  	v5 =	vmul.f32 v5, v63;
	v13 =	vmul.f32 v48, v57  }
0x412: {  	v14 =	vmul.f32 v6, v61  }
0x413: {  	v5 =	vmul.f32 v5, v57;
	v7 =	vmul.f32 v13, v15  }
0x414: {  	v10 =	vmul.f32 v6, v54;
	v11 =	vmul.f32 v6, v53  }
0x415: {  	v5 =	vmul.f32 v5, v15;
	v15 =	vmul.f32 v6, v62;
	v7 =	vsub.f32 v7, v14  }
0x416: {  	v12 =	vmul.f32 v6, v55;
	v48 =	vmul.f32 v6, v52  }
0x417: {  	v13 =	vmul.f32 v6, v59;
	v5 =	vadd.f32 v5, v15;
	v9 =	vmul.f32 v7, v2  }
0x418: {  	v8 =	vmul.f32 v7, v3;
	v7 =	vmul.f32 v7, v4  }
0x419: {  	s15 =	sadd.s32 $0x10, s5;
	v15 =	vmul.f32 v6, v56;
	v2 =	vmul.f32 v5, v2;
	v9 =	vsub.f32 v9, v10  }
0x41a: {  	v8 =	vsub.f32 v8, v11;
	v7 =	vsub.f32 v7, v48;
	v48 =	vmov s15  }
0x41b: {  	v3 =	vmul.f32 v5, v3;
	v4 =	vmul.f32 v5, v4;
	[tilespmem:v49+s23+$0x0] =	vst.idx.msk $0xffff, v9;
	v9 =	vshll.u32 v48, $0x3  }
0x41c: {  	v2 =	vsub.f32 v2, v15;
	[tilespmem:v50+s23+$0x0] =	vst.idx.msk $0xffff, v8;
	v48 =	vor.u32 v0, v9  }
0x41d: {  	v3 =	vsub.f32 v3, v12;
	[tilespmem:v58+s23+$0x0] =	vst.idx.msk $0xffff, v7  }
0x41e: {  	[tilespmem:v49+s22+$0x0] =	vst.idx.msk $0xffff, v2;
	v2 =	vsub.f32 v4, v13;
	v49 =	vor.u32 $0x1, v48  }
0x41f: {  	[tilespmem:v50+s22+$0x0] =	vst.idx.msk $0xffff, v3  }
0x420: {  	v50 =	vor.u32 $0x2, v48;
	[tilespmem:v58+s22+$0x0] =	vst.idx.msk $0xffff, v2  }
0x421: {  	v2 =	vld.idx.msk [tilespmem:v48+s11+$0x0], $0xffff  }
0x422: {  	v3 =	vld.idx.msk [tilespmem:v48+s12+$0x0], $0xffff  }
0x423: {  	v14 =	vld.idx.msk [tilespmem:v49+s11+$0x0], $0xffff  }
0x424: {  	v15 =	vld.idx.msk [tilespmem:v49+s12+$0x0], $0xffff  }
0x425: {  	v58 =	vld.idx.msk [tilespmem:v50+s11+$0x0], $0xffff  }
0x426: {  	v7 =	vld.idx.msk [tilespmem:v50+s12+$0x0], $0xffff  }
0x427: {  	v2 =	vsub.f32 v3, v2;
	_ =	sdelay $0x1  }
0x428: {  	v3 =	vshrl.u32 v2, $0x10;
	v4 =	vsub.f32 v15, v14  }
0x429: {  	v3 =	vand.u32 $0x1, v3  }
0x42a: {  	v9 =	vsub.f32 v7, v58;
	v2 =	vadd.s32 v3, v2;
	v3 =	vshrl.u32 v4, $0x10  }
0x42b: {  	v2 =	vadd.s32 $0x7FFF, v2;
	v3 =	vand.u32 $0x1, v3  }
0x42c: {  	v10 =	vshrl.u32 v9, $0x10;
	v2 =	vand.u32 $0xFFFF0000, v2;
	v3 =	vadd.s32 v3, v4  }
0x42d: {  	v4 =	vand.u32 $0x1, v10;
	v2 =	vmul.f32 $1.250000000e-01, v2;
	v3 =	vadd.s32 $0x7FFF, v3  }
0x42e: {  	v4 =	vadd.s32 v4, v9;
	v3 =	vand.u32 $0xFFFF0000, v3  }
0x42f: {  	v4 =	vadd.s32 $0x7FFF, v4;
	vm7 =	vgt.f32 v2, $5.000000000e-01;
	v3 =	vmul.f32 $1.250000000e-01, v3  }
0x430: {  	vm8 =	vlt.f32 v2, $-5.000000000e-01;
	v4 =	vand.u32 $0xFFFF0000, v4;
	v11 =	vsel vm7, $0x3F800000, v1  }
0x431: {  	v12 =	vsel vm8, $0x3F800000, v1;
	v4 =	vmul.f32 $1.250000000e-01, v4;
	vm9 =	vgt.f32 v3, $5.000000000e-01  }
0x432: {  	v5 =	vsub.f32 v11, v12;
	vm10 =	vlt.f32 v3, $-5.000000000e-01;
	v13 =	vsel vm9, $0x3F800000, v1  }
0x433: {  	v14 =	vsel vm10, $0x3F800000, v1;
	vm11 =	vgt.f32 v4, $5.000000000e-01;
	vm12 =	vlt.f32 v4, $-5.000000000e-01  }
0x434: {  	v6 =	vsub.f32 v13, v14;
	v15 =	vsel vm11, $0x3F800000, v1;
	v58 =	vsel vm12, $0x3F800000, v1  }
0x435: {  	v7 =	vsub.f32 v15, v58  }
0x436: {  	v2 =	vsub.f32 v2, v5;
	v3 =	vsub.f32 v3, v6  }
0x437: {  	v4 =	vsub.f32 v4, v7  }
0x438: {  	v11 =	vor.u32 $0x7, v48;
	v5 =	vshrl.u32 v2, $0x10;
	v6 =	vshrl.u32 v3, $0x10  }
0x439: {  	v5 =	vand.u32 $0x1, v5;
	v6 =	vand.u32 $0x1, v6;
	v7 =	vshrl.u32 v4, $0x10  }
0x43a: {  	v2 =	vadd.s32 v5, v2;
	v3 =	vadd.s32 v6, v3;
	v9 =	vand.u32 $0x1, v7  }
0x43b: {  	v2 =	vadd.s32 $0x7FFF, v2;
	v3 =	vadd.s32 $0x7FFF, v3;
	v4 =	vadd.s32 v9, v4  }
0x43c: {  	v2 =	vand.u32 $0xFFFF0000, v2;
	v10 =	vand.u32 $0xFFFF0000, v3;
	v4 =	vadd.s32 $0x7FFF, v4  }
0x43d: {  	v3 =	vmul.f32 $8.000000000e+00, v2;
	v2 =	vmul.f32 $8.000000000e+00, v10;
	v4 =	vand.u32 $0xFFFF0000, v4  }
0x43e: {  	v58 =	vmul.f32 $8.000000000e+00, v4  }
0x43f: {  	v12 =	vmul.f32 v3, v3;
	v13 =	vmul.f32 v2, v2;
	_ =	sdelay $0x1  }
0x440: {  	v14 =	vmul.f32 v58, v58;
	v4 =	vadd.f32 v13, v12  }
0x441: {  	v15 =	vld.idx.msk [tilespmem:v11+s11+$0x0], $0xffff  }
0x442: {  	v5 =	vld.idx.msk [tilespmem:v11+s12+$0x0], $0xffff;
	v4 =	vadd.f32 v14, v4;
	_ =	sdelay $0x1  }
0x443: {  	v4 =	vadd.f32 $9.999999960e-13, v4;
	_ =	sdelay $0x1  }
0x444: {  	v12 =	vshrl.u32 v4, $0x1;
	v8 =	vmul.f32 $5.000000000e-01, v4  }
0x445: {  	v5 =	vmul.f32 v5, v15;
	v6 =	vsub.s32 $0x5F3759DF, v12  }
0x446: {  	v13 =	vmul.f32 v6, v8  }
0x447: {  	v15 =	vshrl.u32 v5, $0x1;
	v5 =	vmul.f32 $5.000000000e-01, v5  }
0x448: {  	v9 =	vsub.s32 $0x5F3759DF, v15;
	v14 =	vmul.f32 v6, v13  }
0x449: {  	v12 =	vmul.f32 v9, v5  }
0x44a: {  	v7 =	vsub.f32 $1.500000000e+00, v14  }
0x44b: {  	v13 =	vmul.f32 v9, v12  }
0x44c: {  	v6 =	vmul.f32 v6, v7  }
0x44d: {  	v7 =	vsub.f32 $1.500000000e+00, v13  }
0x44e: {  	v14 =	vmul.f32 v6, v8  }
0x44f: {  	v7 =	vmul.f32 v9, v7  }
0x450: {  	v10 =	vmul.f32 v14, v6  }
0x451: {  	v12 =	vmul.f32 v7, v5  }
0x452: {  	v15 =	vsub.f32 $1.500000000e+00, v10  }
0x453: {  	v13 =	vmul.f32 v12, v7  }
0x454: {  	v6 =	vmul.f32 v15, v6  }
0x455: {  	v9 =	vsub.f32 $1.500000000e+00, v13  }
0x456: {  	v8 =	vmul.f32 v6, v8  }
0x457: {  	v7 =	vmul.f32 v9, v7  }
0x458: {  	v8 =	vmul.f32 v8, v6  }
0x459: {  	v5 =	vmul.f32 v7, v5  }
0x45a: {  	v8 =	vsub.f32 $1.500000000e+00, v8  }
0x45b: {  	v5 =	vmul.f32 v5, v7  }
0x45c: {  	v6 =	vmul.f32 v8, v6  }
0x45d: {  	v5 =	vsub.f32 $1.500000000e+00, v5  }
0x45e: {  	v14 =	vmul.f32 $3.899999860e-01, v4;
	v8 =	vmul.f32 v6, v4  }
0x45f: {  	v5 =	vmul.f32 v5, v7;
	v7 =	vor.u32 $0x4, v48  }
0x460: {  	v15 =	vmul.f32 v8, v14;
	_ =	sdelay $0x1  }
0x461: {  	v8 =	vor.u32 $0x3, v48;
	v5 =	vmul.f32 v15, v5  }
0x462: {  	v16 =	vmul.f32 v63, v61;
	v11 =	vld [tilespmem:s13+$0x0];
	v13 =	vmul.f32 v60, v62  }
0x463: {  	v9 =	vor.u32 $0x5, v48;
	v17 =	vld.idx.msk [tilespmem:v7+s11+$0x0], $0xffff;
	v10 =	vsub.f32 $0.0e+00, v5  }
0x464: {  	v13 =	vsub.f32 v13, v16;
	v7 =	vld.idx.msk [tilespmem:v7+s12+$0x0], $0xffff  }
0x465: {  	v53 =	vmul.f32 v55, v53;
	v12 =	vld [tilespmem:s14+$0x0];
	v15 =	vor.u32 $0x6, v48;
	v10 =	vmul.f32 $1.442695020e+00, v10  }
0x466: {  	vm13 =	vle.f32 v4, $1.000000000e+00;
	v16 =	vmul.f32 v59, v52;
	v13 =	vmul.f32 v47, v13;
	v14 =	vld.idx.msk [tilespmem:v8+s11+$0x0], $0xffff  }
0x467: {  	vm14 =	vgt.f32 v4, $9.999999930e-09;
	v4 =	vld.idx.msk [tilespmem:v8+s12+$0x0], $0xffff;
	v8 =	vmul.f32 v6, v6;
	(erf) = vpow2.f32 v10  }
0x468: {  	v10 =	vmul.f32 v56, v54;
	v54 =	vmul.f32 $3.000000000e+00, v63;
	v56 =	vld.idx.msk [tilespmem:v9+s11+$0x0], $0xffff  }
0x469: {  	vm0 =	vmand vm13, vm14;
	v63 =	vmul.f32 v62, v61;
	v9 =	vld.idx.msk [tilespmem:v9+s12+$0x0], $0xffff;
	v62 =	vmul.f32 v3, v7  }
0x46a: {  	v55 =	vmul.f32 v7, v17;
	v59 =	vmul.f32 v54, v60;
	v10 =	vadd.f32 v53, v10;
	v53 =	vld.idx.msk [tilespmem:v15+s11+$0x0], $0xffff  }
0x46b: {  	vm15 =	vne.s32 v11, v12;
	v51 =	vmul.f32 v51, v63;
	v15 =	vld.idx.msk [tilespmem:v15+s12+$0x0], $0xffff;
	v60 =	vmul.f32 v3, v17  }
0x46c: {  	vm0 =	vmand vm15, vm0;
	v12 =	vmul.f32 v4, v14;
	v52 =	vmul.f32 v57, v59  }
0x46d: {  	v5 =	vadd.f32 $1.000000000e+00, v5;
	v57 =	vmul.f32 v8, v6;
	v61 =	vmul.f32 v2, v56  }
0x46e: {  	v6 =	vmul.f32 v6, v12;
	v10 =	vadd.f32 v16, v10;
	v63 =	vmul.f32 v2, v9  }
0x46f: {  	v13 =	vadd.f32 v13, v51;
	v11 =	vadd.f32 v61, v60;
	v60 =	vmul.f32 v58, v53  }
0x470: {  	v8 =	vmul.f32 v57, v8;
	v54 =	vadd.f32 v63, v62;
	v61 =	vmul.f32 v58, v15  }
0x471: {  	v13 =	vadd.f32 v52, v13;
	v10 =	vmul.f32 v47, v10;
	v59 =	vpop (erf);
	v11 =	vadd.f32 v60, v11  }
0x472: {  	v54 =	vadd.f32 v61, v54;
	v60 =	vsel vm0, $0x3F800000, v1;
	v5 =	vmul.f32 v59, v5  }
0x473: {  	v10 =	vsub.f32 v13, v10;
	v59 =	vsub.f32 $1.000000000e+00, v59;
	v63 =	vmul.f32 $-1.389354550e+02, v60  }
0x474: {  	v12 =	vmul.f32 v11, v4;
	v61 =	vmul.f32 v54, v14;
	v5 =	vsub.f32 $1.000000000e+00, v5  }
0x475: {  	v10 =	vmul.f32 v10, v46;
	v16 =	vmul.f32 v59, v57  }
0x476: {  	v62 =	vmul.f32 $3.000000000e+00, v54;
	v12 =	vsub.f32 v12, v61;
	v5 =	vmul.f32 $3.000000000e+00, v5  }
0x477: {  	v61 =	vmul.f32 v9, v56;
	v16 =	vmul.f32 v16, v63  }
0x478: {  	v12 =	vmul.f32 v57, v12;
	v59 =	vmul.f32 v5, v11  }
0x479: {  	v11 =	vmul.f32 v62, v11;
	v62 =	vmul.f32 v15, v53  }
0x47a: {  	v14 =	vmul.f32 v16, v14;
	v5 =	vmul.f32 v5, v54  }
0x47b: {  	v55 =	vadd.f32 v61, v55;
	v54 =	vmul.f32 v16, v17;
	v51 =	vmul.f32 v59, v8  }
0x47c: {  	v4 =	vmul.f32 v16, v4;
	v6 =	vadd.f32 v12, v6;
	v11 =	vmul.f32 v8, v11  }
0x47d: {  	v61 =	vadd.f32 v62, v55;
	v5 =	vmul.f32 v5, v8;
	v51 =	vmul.f32 v51, v63  }
0x47e: {  	v56 =	vmul.f32 v16, v56;
	v7 =	vmul.f32 v16, v7;
	v6 =	vadd.f32 v11, v6  }
0x47f: {  	v5 =	vmul.f32 v5, v63;
	v62 =	vsub.f32 v51, v14;
	v51 =	vmul.f32 v57, v61  }
0x480: {  	v9 =	vmul.f32 v16, v9;
	v59 =	vmul.f32 v16, v53  }
0x481: {  	v4 =	vadd.f32 v5, v4;
	v52 =	vmul.f32 v62, v3;
	v6 =	vsub.f32 v6, v51  }
0x482: {  	v55 =	vmul.f32 v62, v2;
	v57 =	vmul.f32 v62, v58  }
0x483: {  	v10 =	vsub.f32 v10, v44;
	v3 =	vmul.f32 v4, v3;
	v6 =	vmul.f32 v6, v60  }
0x484: {  	v2 =	vmul.f32 v4, v2;
	v4 =	vmul.f32 v4, v58;
	v8 =	vsub.f32 v52, v54  }
0x485: {  	v62 =	vmul.f32 v16, v15;
	v5 =	vsub.f32 v55, v56;
	v6 =	vsub.f32 v6, v45  }
0x486: {  	p0 =	sne.s32 s5, $0x60;
	v61 =	vmov v42;
	v3 =	vsub.f32 v3, v7;
	[tilespmem:v48+s23+$0x0] =	vst.idx.msk $0xffff, v8;
	v8 =	vsub.f32 v57, v59  }
.Ltmp3:
0x487: {  	v60 =	vmov v43;
	v43 =	vadd.f32 v10, v43;
	[tilespmem:v49+s23+$0x0] =	vst.idx.msk $0xffff, v5;
	v42 =	vadd.f32 v6, v42;
	(pc) =	sbr.rel @p0 .LBB2_9-.Ltmp3, $4  }
0x488: {  	v2 =	vsub.f32 v2, v9;
	v4 =	vsub.f32 v4, v62;
	[tilespmem:v50+s23+$0x0] =	vst.idx.msk $0xffff, v8  }
0x489: {  	[tilespmem:v48+s22+$0x0] =	vst.idx.msk $0xffff, v3;
	v3 =	vsub.f32 v43, v60;
	v63 =	vsub.f32 v42, v61  }
0x48a: {  	[tilespmem:v49+s22+$0x0] =	vst.idx.msk $0xffff, v2  }
0x48b: {  	s5 =	sadd.s32 $0x20, s5;
	s13 =	sadd.s32 $0x20, s13;
	s14 =	sadd.s32 $0x20, s14;
	[tilespmem:v50+s22+$0x0] =	vst.idx.msk $0xffff, v4;
	v44 =	vsub.f32 v3, v10;
	v45 =	vsub.f32 v63, v6  }
0x48c: {  	[tilespmem:$0x2400] =	vst v43;
	s26 =	sadd.s32 $0x1, s26  }
0x48d: {  	[tilespmem:$0x2420] =	vst v42;
	p0 =	sne.s32 s26, $0x62  }
.Ltmp4:
0x48e: {  	[tilespmem:$0x2410] =	vst v44;
	(pc) =	sbr.rel @p0 .LBB2_2-.Ltmp4, $4  }
0x48f: {  	[tilespmem:$0x2430] =	vst v45  }
0x490: {  	[spmem:s4] =	stream.indirect.scatter.add.f32 [tilespmem:s23], [sflag:$0x8], $0x8, s19, s28, $0xb8;
	[tilespmem:$0xE7C0] =	vst v63  }
0x491: {  	_ = 	snop  }
0x492: {  	[spmem:s4] =	stream.indirect.scatter.add.f32 [tilespmem:s22], [sflag:$0x8], $0x8, s18, s28, $0xb8;
	[tilespmem:$0xE7C0] =	vst v63  }
0x493: {  	_ =	swait.ge [sflag:s24], $0x400  }
0x494: {  	[sflag:s24] =	ssyncset.done $0x0  }
0x495: {  	[sflag:s24] =	ssyncadd.s32 $0xFFFFFC00  }
0x496: {  	_ =	swait.ge [sflag:s24], $0x400  }
0x497: {  	[sflag:s24] =	ssyncset.done $0x0  }
0x498: {  	[sflag:s24] =	ssyncadd.s32 $0xFFFFFC00  }
0x499: {  	_ =	swait.ge [sflag:s25], $0x400  }
0x49a: {  	[sflag:s25] =	ssyncset.done $0x0  }
0x49b: {  	[sflag:s25] =	ssyncadd.s32 $0xFFFFFC00  }
0x49c: {  	_ =	swait.ge [sflag:s25], $0x400  }
0x49d: {  	[sflag:s25] =	ssyncset.done $0x0  }
0x49e: {  	[sflag:s25] =	ssyncadd.s32 $0xFFFFFC00  }
0x49f: {  	[bflag:$0x0] =	sbarrier.arrive $0xFFFF  }
0x4a0: {  	s15 =	simm.s32 $0x2440;
	s16 =	simm.s32 $0x9;
	s14 =	rddreg [dreg:$0x4]  }
0x4a1: {  	[tilespmem:s15], [sflag:$0x9] =	stream.linear.gather [spmem:s14], $0x61C0, $0x38;
	[tilespmem:$0xE7C0] =	vst v63  }
0x4a2: {  	_ =	swait.ge [sflag:s16], $0x61C0  }
0x4a3: {  	[sflag:s16] =	ssyncset.done $0x0  }
0x4a4: {  	s13 =	simm.s32 $0x0;
	s5 =	rddreg [dreg:$0xd];
	[sflag:s16] =	ssyncadd.s32 $0xFFFF9E40  }
0x4a5: {  	[hbm4b:s5+s13] =	stream.linear.scatter [tilespmem:s15], [sflag:$0x9], $0x61C0, $0x38;
	[tilespmem:$0xE7C0] =	vst v63  }
0x4a6: {  	_ =	swait.ge [sflag:s16], $0x61C0  }
0x4a7: {  	[sflag:s16] =	ssyncset.done $0x0  }
0x4a8: {  	[sflag:s16] =	ssyncadd.s32 $0xFFFF9E40  }
0x4a9: {  	v2 =	vld [tilespmem:$0x2400]  }
0x4aa: {  	v3 =	vld [tilespmem:$0x2420];
	_ =	sdelay $0x4  }
0x4ab: {  	v2 =	vadd.f32 v3, v2;
	_ =	sdelay $0x1  }
0x4ac: {  	v2 =	vmul.f32 $1.389354550e+02, v2;
	_ =	sdelay $0x1  }
0x4ad: {  	s26 =	simm.s32 $0x2410;
	s5 =	rddreg [dreg:$0xe];
	[tilespmem:$0x2410] =	vst v2  }
0x4ae: {  	[hbm4b:s5+s13] =	stream.linear.scatter [tilespmem:s26], [sflag:$0x9], $0x10, $0x38;
	[tilespmem:$0xE7C0] =	vst v63  }
0x4af: {  	_ =	swait.ge [sflag:s16], $0x10  }
0x4b0: {  	s5 =	rddreg [dreg:$0x10]  }
0x4b1: {  	s26 =	sadd.s32 $0x1, s5;
	s5 =	rddreg [dreg:$0xf]  }
0x4b2: {  	p0 =	sne.s32 s26, s5  }
.Ltmp5:
0x4b3: {  	_ = 	snop;
	(pc) =	sbr.rel @p0 .LBB2_1-.Ltmp5, $3  }
0x4b4: {  	_ =	sdelay $0x1  }
0x4b5: {  	[sflag:s16] =	ssyncset.done $0x0  }
0x4b6: {  	[sflag:s16] =	ssyncadd.s32 $0xFFFFFFF0  }
0x4b7: {  	_ =	sfence.sel $0x180000  }
0x4b8: {  	[bflag:$0x0] =	sbarrier.arrive $0xFFFF  }
0x4b9: {  	_ =	strace $0x90000047  }
0x4ba: {  	s0 =	stileid.u32;
	[bflag:$0x2] =	sbarrier.arrive $0xFFFF  }
0x4bb: {  	p0 =	sne.s32 s0, $0x0;
	s0 =	rddreg [dreg:$0x3]  }
0x4bc: {  	s0 =	sadd.s32 @!p0 $0x100000, s0  }
0x4bd: {  	[sflag:s0] =	ssyncadd.tile.s32 @!p0 $0x1;
	_ =	shalt  }
.Lfunc_end2:
_tile_overlayer_lowered:
.L_overlay_start_2:
0x4be: {  	(tag) =	ssettag $0x2  }
0x4bf: {  	s0 =	rddreg [dreg:$0x0];
	s2 =	stileid.u32  }
0x4c0: {  	s1 =	rddreg [dreg:$0x1];
	p0 =	sne.s32 s2, $0x0  }
0x4c1: {  	s3 =	rddreg [dreg:$0x2];
	[bflag:$0x3] =	sbarrier.arrive $0xFFFF;
	s2 =	simm.s32 @!p0 $0x1C09  }
0x4c2: {  	[timem:s3], [sflag:s2] =	dma.local @!p0 [hbm:s0], s1  }
0x4c3: {  	s0 =	simm.s32 @!p0 $0x9  }
0x4c4: {  	_ =	swait.ge @!p0 [sflag:s0], s1  }
0x4c5: {  	s1 =	ssub.s32 @!p0 $0x0, s1;
	[sflag:s0] =	ssyncset.done @!p0 $0x0  }
0x4c6: {  	[sflag:s0] =	ssyncadd.s32 @!p0 s1  }
0x4c7: {  	[bflag:$0x3] =	sbarrier.arrive $0xFFFF  }
0x4c8: {  	_ =	shalt  }

</sc_bundles>
